<compile_context>
chip_gen: v7x
topology: tpu7x:2x2x1
jax: 0.10.2.dev20260603
libtpu: 0.0.44.dev20260713+nightly
codegen_flags: <defaults>
</compile_context>

<pallas_src>
import functools

import jax
import jax.numpy as jnp
from jax import lax
from jax.experimental import pallas as pl
from jax.experimental.pallas import tpu as pltpu
from jax.experimental.pallas import tpu_sc as plsc


def _make_gather(V, D, B):
    info = plsc.get_sparse_core_info()
    NC, NS = info.num_cores, info.num_subcores
    NW = NC * NS
    assert B % (8 * NW) == 0
    b_per_w = B // NW
    K = 64
    mesh = plsc.VectorSubcoreMesh(core_axis_name="c", subcore_axis_name="s")

    @functools.partial(
        pl.kernel,
        mesh=mesh,
        out_type=jax.ShapeDtypeStruct((B, D), jnp.float32),
        scratch_types=[
            pltpu.VMEM((b_per_w,), jnp.int32),
            pltpu.VMEM((b_per_w, D), jnp.float32),
            pltpu.SemaphoreType.DMA,
            pltpu.SemaphoreType.DMA,
        ],
        compiler_params=pltpu.CompilerParams(needs_layout_passes=False),
    )
    def k(table_hbm, idx_hbm, out_hbm, idx_v, rows_v, sem, out_sem):
        wid = lax.axis_index("s") * NC + lax.axis_index("c")
        base = wid * b_per_w
        pltpu.sync_copy(idx_hbm.at[pl.ds(base, b_per_w)], idx_v)

        def chunk_body(ch, _):
            off = ch * K
            descs = []
            for q in range(K // 16):
                v = idx_v[pl.ds(off + q * 16, 16)]
                for j in range(16):
                    r = off + q * 16 + j
                    descs.append(
                        pltpu.async_copy(
                            table_hbm.at[v[j]],
                            rows_v.at[off + r],
                            sem,
                        )
                    )
            for d in descs:
                d.wait()
            pltpu.async_copy(
                rows_v.at[pl.ds(off, K)],
                out_hbm.at[pl.ds(base + off, K)],
                out_sem,
            )
            return ()

        lax.fori_loop(0, b_per_w // K, chunk_body, ())
        for _ in range(b_per_w // K):
            pltpu.make_async_copy(
                rows_v.at[pl.ds(0, K)],
                out_hbm.at[pl.ds(base, K)],
                out_sem,
            ).wait()

    return k


def kernel(target, table):
    B = target.shape[0]
    V, D = table.shape
    k = _make_gather(V, D, B)
    return k(table, target.astype(jnp.int32))

# --- scband reference (transcript-rebuilt; emitter-appended) ---
"""Pipeline reference for scband-attribute-embedding-16466904613401 (READ-ONLY COPY).

The authoritative reference and input builder live on the scoring server;
editing this copy changes nothing except your own understanding.
"""

import jax, jax.numpy as jnp
import numpy as np
import math

NUM_EMBEDDINGS = 1000000
EMBED_SIZE = 64
BATCH = 16384


def setup_inputs(seed: int = 0) -> dict:
    key = jax.random.key(seed)
    k1, k2 = jax.random.split(key)
    target = jax.random.randint(k1, (BATCH,), 0, NUM_EMBEDDINGS, dtype=jnp.int64 if jax.config.jax_enable_x64 else jnp.int32)
    # Embedding table initialized like the torch module: randn * sqrt(2/(fanIn+fanOut))
    factor = math.sqrt(2.0 / (NUM_EMBEDDINGS + EMBED_SIZE))
    table = jax.random.normal(k2, (NUM_EMBEDDINGS, EMBED_SIZE), dtype=jnp.float32) * factor
    return {"target": target, "table": table}


def reference(target, table):
    # one-hot path: simple embedding lookup (gather along axis 0)
    out = jnp.take(table, target, axis=0)
    return out

if __name__ == "__main__":
    import jax
    _d = setup_inputs()
    print(jax.jit(kernel)(*tuple(_d.values())))

</pallas_src>

<mosaic_0001>
#map = affine_map<(d0, d1) -> (0, 0)>
#map1 = affine_map<(d0, d1) -> (0)>
module attributes {stable_mosaic.version = 14 : i64} {
  func.func @k(%arg0: i32, %arg1: i32, %arg2: memref<1000000x64xf32, #tpu.memory_space<hbm>>, %arg3: memref<16384xi32, #tpu.memory_space<hbm>>, %arg4: memref<16384x64xf32, #tpu.memory_space<hbm>>, %arg5: memref<512xi32, #tpu.memory_space<vmem>>, %arg6: memref<512x64xf32, #tpu.memory_space<vmem>>, %arg7: memref<!tpu.dma_semaphore, #tpu.memory_space<semaphore_mem>>, %arg8: memref<!tpu.dma_semaphore, #tpu.memory_space<semaphore_mem>>) attributes {dimension_semantics = [#tpu.dimension_semantics<core_parallel>, #tpu.dimension_semantics<subcore_parallel>], iteration_bounds = array<i64: 2, 16>, scalar_prefetch = 0 : i64, scratch_operands = 4 : i64, tpu.core_type = #tpu.core_type<sc_vector_subcore>, window_params = [{transform_indices = #map}, {transform_indices = #map1}, {transform_indices = #map}]} {
    %mul3A = arith.constant 2 : i32
    %mul3A_0 = arith.muli %arg1, %mul3A : i32
    %add3A = arith.addi %mul3A_0, %arg0 : i32
    %mul3A_1 = arith.constant 512 : i32
    %mul3A_2 = arith.muli %add3A, %mul3A_1 : i32
    "tpu.region"() ({
      %run_scoped3A = tpu.sem_alloc : memref<!tpu.dma_semaphore, #tpu.memory_space<semaphore_mem>>
      %dma_start3A = tpu.memref_slice %arg3[%mul3A_2] : memref<16384xi32, #tpu.memory_space<hbm>> -> memref<512xi32, #tpu.memory_space<hbm>>
      %dma_start3A_86 = tpu.memref_slice %arg3[%mul3A_2] : memref<16384xi32, #tpu.memory_space<hbm>> -> memref<512xi32, #tpu.memory_space<hbm>>
      tpu.enqueue_dma source(%dma_start3A_86 : memref<512xi32, #tpu.memory_space<hbm>>) target(%arg5 : memref<512xi32, #tpu.memory_space<vmem>>) target_semaphore(%run_scoped3A : memref<!tpu.dma_semaphore, #tpu.memory_space<semaphore_mem>>)
      %dma_wait3A_87 = tpu.memref_slice %arg3[%mul3A_2] : memref<16384xi32, #tpu.memory_space<hbm>> -> memref<512xi32, #tpu.memory_space<hbm>>
      %dma_wait3A_88 = tpu.memref_slice %arg3[%mul3A_2] : memref<16384xi32, #tpu.memory_space<hbm>> -> memref<512xi32, #tpu.memory_space<hbm>>
      tpu.wait_dma2 semaphore(%run_scoped3A : memref<!tpu.dma_semaphore, #tpu.memory_space<semaphore_mem>>) src(%dma_wait3A_88 : memref<512xi32, #tpu.memory_space<hbm>>) dst(%arg5 : memref<512xi32, #tpu.memory_space<vmem>>)
      tpu.yield
    }) : () -> ()
    %scan3A = arith.constant 0 : i32
    %scan3A_3 = arith.constant 8 : i32
    %scan3A_4 = arith.addi %scan3A, %scan3A_3 : i32
    %scan3A_5 = arith.constant 1 : i32
    scf.for %scan3A_86 = %scan3A to %scan3A_4 step %scan3A_5  : i32 {
      %mul3A_87 = arith.constant 64 : i32
      %mul3A_88 = arith.muli %scan3A_86, %mul3A_87 : i32
      %add3A_89 = arith.constant 0 : i32
      %add3A_90 = arith.addi %mul3A_88, %add3A_89 : i32
      %get3A = arith.index_cast %add3A_90 : i32 to index
      %get3A_91 = tpu.vector_load %arg5[%get3A] {strides = array<i32>} : memref<512xi32, #tpu.memory_space<vmem>>, vector<16xi32>,
      %add3A_92 = arith.constant 0 : i32
      %add3A_93 = arith.addi %mul3A_88, %add3A_92 : i32
      %add3A_94 = arith.constant 0 : i32
      %add3A_95 = arith.addi %add3A_93, %add3A_94 : i32
      %slice3A = vector.extract_strided_slice %get3A_91 {offsets = [0], sizes = [1], strides = [1]} : vector<16xi32> to vector<1xi32>
      %squeeze3A = vector.extract %slice3A[0] : i32 from vector<1xi32>
      %add3A_96 = arith.addi %mul3A_88, %add3A_95 : i32
      %dma_start3A = arith.constant 0 : i32
      %dma_start3A_97 = tpu.memref_slice %arg6[%add3A_96, %dma_start3A] : memref<512x64xf32, #tpu.memory_space<vmem>> -> memref<1x64xf32, #tpu.memory_space<vmem>>
      %dma_start3A_98 = tpu.memref_squeeze %dma_start3A_97 : memref<1x64xf32, #tpu.memory_space<vmem>> -> memref<64xf32, #tpu.memory_space<vmem>>
      %dma_start3A_99 = arith.constant 0 : i32
      %dma_start3A_100 = tpu.memref_slice %arg2[%squeeze3A, %dma_start3A_99] : memref<1000000x64xf32, #tpu.memory_space<hbm>> -> memref<1x64xf32, #tpu.memory_space<hbm>>
      %dma_start3A_101 = tpu.memref_squeeze %dma_start3A_100 : memref<1x64xf32, #tpu.memory_space<hbm>> -> memref<64xf32, #tpu.memory_space<hbm>>
      %dma_start3A_102 = arith.constant 0 : i32
      %dma_start3A_103 = tpu.memref_slice %arg6[%add3A_96, %dma_start3A_102] : memref<512x64xf32, #tpu.memory_space<vmem>> -> memref<1x64xf32, #tpu.memory_space<vmem>>
      %dma_start3A_104 = tpu.memref_squeeze %dma_start3A_103 : memref<1x64xf32, #tpu.memory_space<vmem>> -> memref<64xf32, #tpu.memory_space<vmem>>
      %dma_start3A_105 = arith.constant 0 : i32
      %dma_start3A_106 = tpu.memref_slice %arg2[%squeeze3A, %dma_start3A_105] : memref<1000000x64xf32, #tpu.memory_space<hbm>> -> memref<1x64xf32, #tpu.memory_space<hbm>>
      %dma_start3A_107 = tpu.memref_squeeze %dma_start3A_106 : memref<1x64xf32, #tpu.memory_space<hbm>> -> memref<64xf32, #tpu.memory_space<hbm>>
      tpu.enqueue_dma source(%dma_start3A_107 : memref<64xf32, #tpu.memory_space<hbm>>) target(%dma_start3A_104 : memref<64xf32, #tpu.memory_space<vmem>>) target_semaphore(%arg7 : memref<!tpu.dma_semaphore, #tpu.memory_space<semaphore_mem>>)
      %add3A_108 = arith.constant 0 : i32
      %add3A_109 = arith.addi %mul3A_88, %add3A_108 : i32
      %add3A_110 = arith.constant 1 : i32
      %add3A_111 = arith.addi %add3A_109, %add3A_110 : i32
      %slice3A_112 = vector.extract_strided_slice %get3A_91 {offsets = [1], sizes = [1], strides = [1]} : vector<16xi32> to vector<1xi32>
      %squeeze3A_113 = vector.extract %slice3A_112[0] : i32 from vector<1xi32>
      %add3A_114 = arith.addi %mul3A_88, %add3A_111 : i32
      %dma_start3A_115 = arith.constant 0 : i32
      %dma_start3A_116 = tpu.memref_slice %arg6[%add3A_114, %dma_start3A_115] : memref<512x64xf32, #tpu.memory_space<vmem>> -> memref<1x64xf32, #tpu.memory_space<vmem>>
      %dma_start3A_117 = tpu.memref_squeeze %dma_start3A_116 : memref<1x64xf32, #tpu.memory_space<vmem>> -> memref<64xf32, #tpu.memory_space<vmem>>
      %dma_start3A_118 = arith.constant 0 : i32
      %dma_start3A_119 = tpu.memref_slice %arg2[%squeeze3A_113, %dma_start3A_118] : memref<1000000x64xf32, #tpu.memory_space<hbm>> -> memref<1x64xf32, #tpu.memory_space<hbm>>
      %dma_start3A_120 = tpu.memref_squeeze %dma_start3A_119 : memref<1x64xf32, #tpu.memory_space<hbm>> -> memref<64xf32, #tpu.memory_space<hbm>>
      %dma_start3A_121 = arith.constant 0 : i32
      %dma_start3A_122 = tpu.memref_slice %arg6[%add3A_114, %dma_start3A_121] : memref<512x64xf32, #tpu.memory_space<vmem>> -> memref<1x64xf32, #tpu.memory_space<vmem>>
      %dma_start3A_123 = tpu.memref_squeeze %dma_start3A_122 : memref<1x64xf32, #tpu.memory_space<vmem>> -> memref<64xf32, #tpu.memory_space<vmem>>
      %dma_start3A_124 = arith.constant 0 : i32
      %dma_start3A_125 = tpu.memref_slice %arg2[%squeeze3A_113, %dma_start3A_124] : memref<1000000x64xf32, #tpu.memory_space<hbm>> -> memref<1x64xf32, #tpu.memory_space<hbm>>
      %dma_start3A_126 = tpu.memref_squeeze %dma_start3A_125 : memref<1x64xf32, #tpu.memory_space<hbm>> -> memref<64xf32, #tpu.memory_space<hbm>>
      tpu.enqueue_dma source(%dma_start3A_126 : memref<64xf32, #tpu.memory_space<hbm>>) target(%dma_start3A_123 : memref<64xf32, #tpu.memory_space<vmem>>) target_semaphore(%arg7 : memref<!tpu.dma_semaphore, #tpu.memory_space<semaphore_mem>>)
      %add3A_127 = arith.constant 0 : i32
      %add3A_128 = arith.addi %mul3A_88, %add3A_127 : i32
      %add3A_129 = arith.constant 2 : i32
      %add3A_130 = arith.addi %add3A_128, %add3A_129 : i32
      %slice3A_131 = vector.extract_strided_slice %get3A_91 {offsets = [2], sizes = [1], strides = [1]} : vector<16xi32> to vector<1xi32>
      %squeeze3A_132 = vector.extract %slice3A_131[0] : i32 from vector<1xi32>
      %add3A_133 = arith.addi %mul3A_88, %add3A_130 : i32
      %dma_start3A_134 = arith.constant 0 : i32
      %dma_start3A_135 = tpu.memref_slice %arg6[%add3A_133, %dma_start3A_134] : memref<512x64xf32, #tpu.memory_space<vmem>> -> memref<1x64xf32, #tpu.memory_space<vmem>>
      %dma_start3A_136 = tpu.memref_squeeze %dma_start3A_135 : memref<1x64xf32, #tpu.memory_space<vmem>> -> memref<64xf32, #tpu.memory_space<vmem>>
      %dma_start3A_137 = arith.constant 0 : i32
      %dma_start3A_138 = tpu.memref_slice %arg2[%squeeze3A_132, %dma_start3A_137] : memref<1000000x64xf32, #tpu.memory_space<hbm>> -> memref<1x64xf32, #tpu.memory_space<hbm>>
      %dma_start3A_139 = tpu.memref_squeeze %dma_start3A_138 : memref<1x64xf32, #tpu.memory_space<hbm>> -> memref<64xf32, #tpu.memory_space<hbm>>
      %dma_start3A_140 = arith.constant 0 : i32
      %dma_start3A_141 = tpu.memref_slice %arg6[%add3A_133, %dma_start3A_140] : memref<512x64xf32, #tpu.memory_space<vmem>> -> memref<1x64xf32, #tpu.memory_space<vmem>>
      %dma_start3A_142 = tpu.memref_squeeze %dma_start3A_141 : memref<1x64xf32, #tpu.memory_space<vmem>> -> memref<64xf32, #tpu.memory_space<vmem>>
      %dma_start3A_143 = arith.constant 0 : i32
      %dma_start3A_144 = tpu.memref_slice %arg2[%squeeze3A_132, %dma_start3A_143] : memref<1000000x64xf32, #tpu.memory_space<hbm>> -> memref<1x64xf32, #tpu.memory_space<hbm>>
      %dma_start3A_145 = tpu.memref_squeeze %dma_start3A_144 : memref<1x64xf32, #tpu.memory_space<hbm>> -> memref<64xf32, #tpu.memory_space<hbm>>
      tpu.enqueue_dma source(%dma_start3A_145 : memref<64xf32, #tpu.memory_space<hbm>>) target(%dma_start3A_142 : memref<64xf32, #tpu.memory_space<vmem>>) target_semaphore(%arg7 : memref<!tpu.dma_semaphore, #tpu.memory_space<semaphore_mem>>)
      %add3A_146 = arith.constant 0 : i32
      %add3A_147 = arith.addi %mul3A_88, %add3A_146 : i32
      %add3A_148 = arith.constant 3 : i32
      %add3A_149 = arith.addi %add3A_147, %add3A_148 : i32
      %slice3A_150 = vector.extract_strided_slice %get3A_91 {offsets = [3], sizes = [1], strides = [1]} : vector<16xi32> to vector<1xi32>
      %squeeze3A_151 = vector.extract %slice3A_150[0] : i32 from vector<1xi32>
      %add3A_152 = arith.addi %mul3A_88, %add3A_149 : i32
      %dma_start3A_153 = arith.constant 0 : i32
      %dma_start3A_154 = tpu.memref_slice %arg6[%add3A_152, %dma_start3A_153] : memref<512x64xf32, #tpu.memory_space<vmem>> -> memref<1x64xf32, #tpu.memory_space<vmem>>
      %dma_start3A_155 = tpu.memref_squeeze %dma_start3A_154 : memref<1x64xf32, #tpu.memory_space<vmem>> -> memref<64xf32, #tpu.memory_space<vmem>>
      %dma_start3A_156 = arith.constant 0 : i32
      %dma_start3A_157 = tpu.memref_slice %arg2[%squeeze3A_151, %dma_start3A_156] : memref<1000000x64xf32, #tpu.memory_space<hbm>> -> memref<1x64xf32, #tpu.memory_space<hbm>>
      %dma_start3A_158 = tpu.memref_squeeze %dma_start3A_157 : memref<1x64xf32, #tpu.memory_space<hbm>> -> memref<64xf32, #tpu.memory_space<hbm>>
      %dma_start3A_159 = arith.constant 0 : i32
      %dma_start3A_160 = tpu.memref_slice %arg6[%add3A_152, %dma_start3A_159] : memref<512x64xf32, #tpu.memory_space<vmem>> -> memref<1x64xf32, #tpu.memory_space<vmem>>
      %dma_start3A_161 = tpu.memref_squeeze %dma_start3A_160 : memref<1x64xf32, #tpu.memory_space<vmem>> -> memref<64xf32, #tpu.memory_space<vmem>>
      %dma_start3A_162 = arith.constant 0 : i32
      %dma_start3A_163 = tpu.memref_slice %arg2[%squeeze3A_151, %dma_start3A_162] : memref<1000000x64xf32, #tpu.memory_space<hbm>> -> memref<1x64xf32, #tpu.memory_space<hbm>>
      %dma_start3A_164 = tpu.memref_squeeze %dma_start3A_163 : memref<1x64xf32, #tpu.memory_space<hbm>> -> memref<64xf32, #tpu.memory_space<hbm>>
      tpu.enqueue_dma source(%dma_start3A_164 : memref<64xf32, #tpu.memory_space<hbm>>) target(%dma_start3A_161 : memref<64xf32, #tpu.memory_space<vmem>>) target_semaphore(%arg7 : memref<!tpu.dma_semaphore, #tpu.memory_space<semaphore_mem>>)
      %add3A_165 = arith.constant 0 : i32
      %add3A_166 = arith.addi %mul3A_88, %add3A_165 : i32
      %add3A_167 = arith.constant 4 : i32
      %add3A_168 = arith.addi %add3A_166, %add3A_167 : i32
      %slice3A_169 = vector.extract_strided_slice %get3A_91 {offsets = [4], sizes = [1], strides = [1]} : vector<16xi32> to vector<1xi32>
      %squeeze3A_170 = vector.extract %slice3A_169[0] : i32 from vector<1xi32>
      %add3A_171 = arith.addi %mul3A_88, %add3A_168 : i32
      %dma_start3A_172 = arith.constant 0 : i32
      %dma_start3A_173 = tpu.memref_slice %arg6[%add3A_171, %dma_start3A_172] : memref<512x64xf32, #tpu.memory_space<vmem>> -> memref<1x64xf32, #tpu.memory_space<vmem>>
      %dma_start3A_174 = tpu.memref_squeeze %dma_start3A_173 : memref<1x64xf32, #tpu.memory_space<vmem>> -> memref<64xf32, #tpu.memory_space<vmem>>
      %dma_start3A_175 = arith.constant 0 : i32
      %dma_start3A_176 = tpu.memref_slice %arg2[%squeeze3A_170, %dma_start3A_175] : memref<1000000x64xf32, #tpu.memory_space<hbm>> -> memref<1x64xf32, #tpu.memory_space<hbm>>
      %dma_start3A_177 = tpu.memref_squeeze %dma_start3A_176 : memref<1x64xf32, #tpu.memory_space<hbm>> -> memref<64xf32, #tpu.memory_space<hbm>>
      %dma_start3A_178 = arith.constant 0 : i32
      %dma_start3A_179 = tpu.memref_slice %arg6[%add3A_171, %dma_start3A_178] : memref<512x64xf32, #tpu.memory_space<vmem>> -> memref<1x64xf32, #tpu.memory_space<vmem>>
      %dma_start3A_180 = tpu.memref_squeeze %dma_start3A_179 : memref<1x64xf32, #tpu.memory_space<vmem>> -> memref<64xf32, #tpu.memory_space<vmem>>
      %dma_start3A_181 = arith.constant 0 : i32
      %dma_start3A_182 = tpu.memref_slice %arg2[%squeeze3A_170, %dma_start3A_181] : memref<1000000x64xf32, #tpu.memory_space<hbm>> -> memref<1x64xf32, #tpu.memory_space<hbm>>
      %dma_start3A_183 = tpu.memref_squeeze %dma_start3A_182 : memref<1x64xf32, #tpu.memory_space<hbm>> -> memref<64xf32, #tpu.memory_space<hbm>>
      tpu.enqueue_dma source(%dma_start3A_183 : memref<64xf32, #tpu.memory_space<hbm>>) target(%dma_start3A_180 : memref<64xf32, #tpu.memory_space<vmem>>) target_semaphore(%arg7 : memref<!tpu.dma_semaphore, #tpu.memory_space<semaphore_mem>>)
      %add3A_184 = arith.constant 0 : i32
      %add3A_185 = arith.addi %mul3A_88, %add3A_184 : i32
      %add3A_186 = arith.constant 5 : i32
      %add3A_187 = arith.addi %add3A_185, %add3A_186 : i32
      %slice3A_188 = vector.extract_strided_slice %get3A_91 {offsets = [5], sizes = [1], strides = [1]} : vector<16xi32> to vector<1xi32>
      %squeeze3A_189 = vector.extract %slice3A_188[0] : i32 from vector<1xi32>
      %add3A_190 = arith.addi %mul3A_88, %add3A_187 : i32
      %dma_start3A_191 = arith.constant 0 : i32
      %dma_start3A_192 = tpu.memref_slice %arg6[%add3A_190, %dma_start3A_191] : memref<512x64xf32, #tpu.memory_space<vmem>> -> memref<1x64xf32, #tpu.memory_space<vmem>>
      %dma_start3A_193 = tpu.memref_squeeze %dma_start3A_192 : memref<1x64xf32, #tpu.memory_space<vmem>> -> memref<64xf32, #tpu.memory_space<vmem>>
      %dma_start3A_194 = arith.constant 0 : i32
      %dma_start3A_195 = tpu.memref_slice %arg2[%squeeze3A_189, %dma_start3A_194] : memref<1000000x64xf32, #tpu.memory_space<hbm>> -> memref<1x64xf32, #tpu.memory_space<hbm>>
      %dma_start3A_196 = tpu.memref_squeeze %dma_start3A_195 : memref<1x64xf32, #tpu.memory_space<hbm>> -> memref<64xf32, #tpu.memory_space<hbm>>
      %dma_start3A_197 = arith.constant 0 : i32
      %dma_start3A_198 = tpu.memref_slice %arg6[%add3A_190, %dma_start3A_197] : memref<512x64xf32, #tpu.memory_space<vmem>> -> memref<1x64xf32, #tpu.memory_space<vmem>>
      %dma_start3A_199 = tpu.memref_squeeze %dma_start3A_198 : memref<1x64xf32, #tpu.memory_space<vmem>> -> memref<64xf32, #tpu.memory_space<vmem>>
      %dma_start3A_200 = arith.constant 0 : i32
      %dma_start3A_201 = tpu.memref_slice %arg2[%squeeze3A_189, %dma_start3A_200] : memref<1000000x64xf32, #tpu.memory_space<hbm>> -> memref<1x64xf32, #tpu.memory_space<hbm>>
      %dma_start3A_202 = tpu.memref_squeeze %dma_start3A_201 : memref<1x64xf32, #tpu.memory_space<hbm>> -> memref<64xf32, #tpu.memory_space<hbm>>
      tpu.enqueue_dma source(%dma_start3A_202 : memref<64xf32, #tpu.memory_space<hbm>>) target(%dma_start3A_199 : memref<64xf32, #tpu.memory_space<vmem>>) target_semaphore(%arg7 : memref<!tpu.dma_semaphore, #tpu.memory_space<semaphore_mem>>)
      %add3A_203 = arith.constant 0 : i32
      %add3A_204 = arith.addi %mul3A_88, %add3A_203 : i32
      %add3A_205 = arith.constant 6 : i32
      %add3A_206 = arith.addi %add3A_204, %add3A_205 : i32
      %slice3A_207 = vector.extract_strided_slice %get3A_91 {offsets = [6], sizes = [1], strides = [1]} : vector<16xi32> to vector<1xi32>
      %squeeze3A_208 = vector.extract %slice3A_207[0] : i32 from vector<1xi32>
      %add3A_209 = arith.addi %mul3A_88, %add3A_206 : i32
      %dma_start3A_210 = arith.constant 0 : i32
      %dma_start3A_211 = tpu.memref_slice %arg6[%add3A_209, %dma_start3A_210] : memref<512x64xf32, #tpu.memory_space<vmem>> -> memref<1x64xf32, #tpu.memory_space<vmem>>
      %dma_start3A_212 = tpu.memref_squeeze %dma_start3A_211 : memref<1x64xf32, #tpu.memory_space<vmem>> -> memref<64xf32, #tpu.memory_space<vmem>>
      %dma_start3A_213 = arith.constant 0 : i32
      %dma_start3A_214 = tpu.memref_slice %arg2[%squeeze3A_208, %dma_start3A_213] : memref<1000000x64xf32, #tpu.memory_space<hbm>> -> memref<1x64xf32, #tpu.memory_space<hbm>>
      %dma_start3A_215 = tpu.memref_squeeze %dma_start3A_214 : memref<1x64xf32, #tpu.memory_space<hbm>> -> memref<64xf32, #tpu.memory_space<hbm>>
      %dma_start3A_216 = arith.constant 0 : i32
      %dma_start3A_217 = tpu.memref_slice %arg6[%add3A_209, %dma_start3A_216] : memref<512x64xf32, #tpu.memory_space<vmem>> -> memref<1x64xf32, #tpu.memory_space<vmem>>
      %dma_start3A_218 = tpu.memref_squeeze %dma_start3A_217 : memref<1x64xf32, #tpu.memory_space<vmem>> -> memref<64xf32, #tpu.memory_space<vmem>>
      %dma_start3A_219 = arith.constant 0 : i32
      %dma_start3A_220 = tpu.memref_slice %arg2[%squeeze3A_208, %dma_start3A_219] : memref<1000000x64xf32, #tpu.memory_space<hbm>> -> memref<1x64xf32, #tpu.memory_space<hbm>>
      %dma_start3A_221 = tpu.memref_squeeze %dma_start3A_220 : memref<1x64xf32, #tpu.memory_space<hbm>> -> memref<64xf32, #tpu.memory_space<hbm>>
      tpu.enqueue_dma source(%dma_start3A_221 : memref<64xf32, #tpu.memory_space<hbm>>) target(%dma_start3A_218 : memref<64xf32, #tpu.memory_space<vmem>>) target_semaphore(%arg7 : memref<!tpu.dma_semaphore, #tpu.memory_space<semaphore_mem>>)
      %add3A_222 = arith.constant 0 : i32
      %add3A_223 = arith.addi %mul3A_88, %add3A_222 : i32
      %add3A_224 = arith.constant 7 : i32
      %add3A_225 = arith.addi %add3A_223, %add3A_224 : i32
      %slice3A_226 = vector.extract_strided_slice %get3A_91 {offsets = [7], sizes = [1], strides = [1]} : vector<16xi32> to vector<1xi32>
      %squeeze3A_227 = vector.extract %slice3A_226[0] : i32 from vector<1xi32>
      %add3A_228 = arith.addi %mul3A_88, %add3A_225 : i32
      %dma_start3A_229 = arith.constant 0 : i32
      %dma_start3A_230 = tpu.memref_slice %arg6[%add3A_228, %dma_start3A_229] : memref<512x64xf32, #tpu.memory_space<vmem>> -> memref<1x64xf32, #tpu.memory_space<vmem>>
      %dma_start3A_231 = tpu.memref_squeeze %dma_start3A_230 : memref<1x64xf32, #tpu.memory_space<vmem>> -> memref<64xf32, #tpu.memory_space<vmem>>
      %dma_start3A_232 = arith.constant 0 : i32
      %dma_start3A_233 = tpu.memref_slice %arg2[%squeeze3A_227, %dma_start3A_232] : memref<1000000x64xf32, #tpu.memory_space<hbm>> -> memref<1x64xf32, #tpu.memory_space<hbm>>
      %dma_start3A_234 = tpu.memref_squeeze %dma_start3A_233 : memref<1x64xf32, #tpu.memory_space<hbm>> -> memref<64xf32, #tpu.memory_space<hbm>>
      %dma_start3A_235 = arith.constant 0 : i32
      %dma_start3A_236 = tpu.memref_slice %arg6[%add3A_228, %dma_start3A_235] : memref<512x64xf32, #tpu.memory_space<vmem>> -> memref<1x64xf32, #tpu.memory_space<vmem>>
      %dma_start3A_237 = tpu.memref_squeeze %dma_start3A_236 : memref<1x64xf32, #tpu.memory_space<vmem>> -> memref<64xf32, #tpu.memory_space<vmem>>
      %dma_start3A_238 = arith.constant 0 : i32
      %dma_start3A_239 = tpu.memref_slice %arg2[%squeeze3A_227, %dma_start3A_238] : memref<1000000x64xf32, #tpu.memory_space<hbm>> -> memref<1x64xf32, #tpu.memory_space<hbm>>
      %dma_start3A_240 = tpu.memref_squeeze %dma_start3A_239 : memref<1x64xf32, #tpu.memory_space<hbm>> -> memref<64xf32, #tpu.memory_space<hbm>>
      tpu.enqueue_dma source(%dma_start3A_240 : memref<64xf32, #tpu.memory_space<hbm>>) target(%dma_start3A_237 : memref<64xf32, #tpu.memory_space<vmem>>) target_semaphore(%arg7 : memref<!tpu.dma_semaphore, #tpu.memory_space<semaphore_mem>>)
      %add3A_241 = arith.constant 0 : i32
      %add3A_242 = arith.addi %mul3A_88, %add3A_241 : i32
      %add3A_243 = arith.constant 8 : i32
      %add3A_244 = arith.addi %add3A_242, %add3A_243 : i32
      %slice3A_245 = vector.extract_strided_slice %get3A_91 {offsets = [8], sizes = [1], strides = [1]} : vector<16xi32> to vector<1xi32>
      %squeeze3A_246 = vector.extract %slice3A_245[0] : i32 from vector<1xi32>
      %add3A_247 = arith.addi %mul3A_88, %add3A_244 : i32
      %dma_start3A_248 = arith.constant 0 : i32
      %dma_start3A_249 = tpu.memref_slice %arg6[%add3A_247, %dma_start3A_248] : memref<512x64xf32, #tpu.memory_space<vmem>> -> memref<1x64xf32, #tpu.memory_space<vmem>>
      %dma_start3A_250 = tpu.memref_squeeze %dma_start3A_249 : memref<1x64xf32, #tpu.memory_space<vmem>> -> memref<64xf32, #tpu.memory_space<vmem>>
      %dma_start3A_251 = arith.constant 0 : i32
      %dma_start3A_252 = tpu.memref_slice %arg2[%squeeze3A_246, %dma_start3A_251] : memref<1000000x64xf32, #tpu.memory_space<hbm>> -> memref<1x64xf32, #tpu.memory_space<hbm>>
      %dma_start3A_253 = tpu.memref_squeeze %dma_start3A_252 : memref<1x64xf32, #tpu.memory_space<hbm>> -> memref<64xf32, #tpu.memory_space<hbm>>
      %dma_start3A_254 = arith.constant 0 : i32
      %dma_start3A_255 = tpu.memref_slice %arg6[%add3A_247, %dma_start3A_254] : memref<512x64xf32, #tpu.memory_space<vmem>> -> memref<1x64xf32, #tpu.memory_space<vmem>>
      %dma_start3A_256 = tpu.memref_squeeze %dma_start3A_255 : memref<1x64xf32, #tpu.memory_space<vmem>> -> memref<64xf32, #tpu.memory_space<vmem>>
      %dma_start3A_257 = arith.constant 0 : i32
      %dma_start3A_258 = tpu.memref_slice %arg2[%squeeze3A_246, %dma_start3A_257] : memref<1000000x64xf32, #tpu.memory_space<hbm>> -> memref<1x64xf32, #tpu.memory_space<hbm>>
      %dma_start3A_259 = tpu.memref_squeeze %dma_start3A_258 : memref<1x64xf32, #tpu.memory_space<hbm>> -> memref<64xf32, #tpu.memory_space<hbm>>
      tpu.enqueue_dma source(%dma_start3A_259 : memref<64xf32, #tpu.memory_space<hbm>>) target(%dma_start3A_256 : memref<64xf32, #tpu.memory_space<vmem>>) target_semaphore(%arg7 : memref<!tpu.dma_semaphore, #tpu.memory_space<semaphore_mem>>)
      %add3A_260 = arith.constant 0 : i32
      %add3A_261 = arith.addi %mul3A_88, %add3A_260 : i32
      %add3A_262 = arith.constant 9 : i32
      %add3A_263 = arith.addi %add3A_261, %add3A_262 : i32
      %slice3A_264 = vector.extract_strided_slice %get3A_91 {offsets = [9], sizes = [1], strides = [1]} : vector<16xi32> to vector<1xi32>
      %squeeze3A_265 = vector.extract %slice3A_264[0] : i32 from vector<1xi32>
      %add3A_266 = arith.addi %mul3A_88, %add3A_263 : i32
      %dma_start3A_267 = arith.constant 0 : i32
      %dma_start3A_268 = tpu.memref_slice %arg6[%add3A_266, %dma_start3A_267] : memref<512x64xf32, #tpu.memory_space<vmem>> -> memref<1x64xf32, #tpu.memory_space<vmem>>
      %dma_start3A_269 = tpu.memref_squeeze %dma_start3A_268 : memref<1x64xf32, #tpu.memory_space<vmem>> -> memref<64xf32, #tpu.memory_space<vmem>>
      %dma_start3A_270 = arith.constant 0 : i32
      %dma_start3A_271 = tpu.memref_slice %arg2[%squeeze3A_265, %dma_start3A_270] : memref<1000000x64xf32, #tpu.memory_space<hbm>> -> memref<1x64xf32, #tpu.memory_space<hbm>>
      %dma_start3A_272 = tpu.memref_squeeze %dma_start3A_271 : memref<1x64xf32, #tpu.memory_space<hbm>> -> memref<64xf32, #tpu.memory_space<hbm>>
      %dma_start3A_273 = arith.constant 0 : i32
      %dma_start3A_274 = tpu.memref_slice %arg6[%add3A_266, %dma_start3A_273] : memref<512x64xf32, #tpu.memory_space<vmem>> -> memref<1x64xf32, #tpu.memory_space<vmem>>
      %dma_start3A_275 = tpu.memref_squeeze %dma_start3A_274 : memref<1x64xf32, #tpu.memory_space<vmem>> -> memref<64xf32, #tpu.memory_space<vmem>>
      %dma_start3A_276 = arith.constant 0 : i32
      %dma_start3A_277 = tpu.memref_slice %arg2[%squeeze3A_265, %dma_start3A_276] : memref<1000000x64xf32, #tpu.memory_space<hbm>> -> memref<1x64xf32, #tpu.memory_space<hbm>>
      %dma_start3A_278 = tpu.memref_squeeze %dma_start3A_277 : memref<1x64xf32, #tpu.memory_space<hbm>> -> memref<64xf32, #tpu.memory_space<hbm>>
      tpu.enqueue_dma source(%dma_start3A_278 : memref<64xf32, #tpu.memory_space<hbm>>) target(%dma_start3A_275 : memref<64xf32, #tpu.memory_space<vmem>>) target_semaphore(%arg7 : memref<!tpu.dma_semaphore, #tpu.memory_space<semaphore_mem>>)
      %add3A_279 = arith.constant 0 : i32
      %add3A_280 = arith.addi %mul3A_88, %add3A_279 : i32
      %add3A_281 = arith.constant 10 : i32
      %add3A_282 = arith.addi %add3A_280, %add3A_281 : i32
      %slice3A_283 = vector.extract_strided_slice %get3A_91 {offsets = [10], sizes = [1], strides = [1]} : vector<16xi32> to vector<1xi32>
      %squeeze3A_284 = vector.extract %slice3A_283[0] : i32 from vector<1xi32>
      %add3A_285 = arith.addi %mul3A_88, %add3A_282 : i32
      %dma_start3A_286 = arith.constant 0 : i32
      %dma_start3A_287 = tpu.memref_slice %arg6[%add3A_285, %dma_start3A_286] : memref<512x64xf32, #tpu.memory_space<vmem>> -> memref<1x64xf32, #tpu.memory_space<vmem>>
      %dma_start3A_288 = tpu.memref_squeeze %dma_start3A_287 : memref<1x64xf32, #tpu.memory_space<vmem>> -> memref<64xf32, #tpu.memory_space<vmem>>
      %dma_start3A_289 = arith.constant 0 : i32
      %dma_start3A_290 = tpu.memref_slice %arg2[%squeeze3A_284, %dma_start3A_289] : memref<1000000x64xf32, #tpu.memory_space<hbm>> -> memref<1x64xf32, #tpu.memory_space<hbm>>
      %dma_start3A_291 = tpu.memref_squeeze %dma_start3A_290 : memref<1x64xf32, #tpu.memory_space<hbm>> -> memref<64xf32, #tpu.memory_space<hbm>>
      %dma_start3A_292 = arith.constant 0 : i32
      %dma_start3A_293 = tpu.memref_slice %arg6[%add3A_285, %dma_start3A_292] : memref<512x64xf32, #tpu.memory_space<vmem>> -> memref<1x64xf32, #tpu.memory_space<vmem>>
      %dma_start3A_294 = tpu.memref_squeeze %dma_start3A_293 : memref<1x64xf32, #tpu.memory_space<vmem>> -> memref<64xf32, #tpu.memory_space<vmem>>
      %dma_start3A_295 = arith.constant 0 : i32
      %dma_start3A_296 = tpu.memref_slice %arg2[%squeeze3A_284, %dma_start3A_295] : memref<1000000x64xf32, #tpu.memory_space<hbm>> -> memref<1x64xf32, #tpu.memory_space<hbm>>
      %dma_start3A_297 = tpu.memref_squeeze %dma_start3A_296 : memref<1x64xf32, #tpu.memory_space<hbm>> -> memref<64xf32, #tpu.memory_space<hbm>>
      tpu.enqueue_dma source(%dma_start3A_297 : memref<64xf32, #tpu.memory_space<hbm>>) target(%dma_start3A_294 : memref<64xf32, #tpu.memory_space<vmem>>) target_semaphore(%arg7 : memref<!tpu.dma_semaphore, #tpu.memory_space<semaphore_mem>>)
      %add3A_298 = arith.constant 0 : i32
      %add3A_299 = arith.addi %mul3A_88, %add3A_298 : i32
      %add3A_300 = arith.constant 11 : i32
      %add3A_301 = arith.addi %add3A_299, %add3A_300 : i32
      %slice3A_302 = vector.extract_strided_slice %get3A_91 {offsets = [11], sizes = [1], strides = [1]} : vector<16xi32> to vector<1xi32>
      %squeeze3A_303 = vector.extract %slice3A_302[0] : i32 from vector<1xi32>
      %add3A_304 = arith.addi %mul3A_88, %add3A_301 : i32
      %dma_start3A_305 = arith.constant 0 : i32
      %dma_start3A_306 = tpu.memref_slice %arg6[%add3A_304, %dma_start3A_305] : memref<512x64xf32, #tpu.memory_space<vmem>> -> memref<1x64xf32, #tpu.memory_space<vmem>>
      %dma_start3A_307 = tpu.memref_squeeze %dma_start3A_306 : memref<1x64xf32, #tpu.memory_space<vmem>> -> memref<64xf32, #tpu.memory_space<vmem>>
      %dma_start3A_308 = arith.constant 0 : i32
      %dma_start3A_309 = tpu.memref_slice %arg2[%squeeze3A_303, %dma_start3A_308] : memref<1000000x64xf32, #tpu.memory_space<hbm>> -> memref<1x64xf32, #tpu.memory_space<hbm>>
      %dma_start3A_310 = tpu.memref_squeeze %dma_start3A_309 : memref<1x64xf32, #tpu.memory_space<hbm>> -> memref<64xf32, #tpu.memory_space<hbm>>
      %dma_start3A_311 = arith.constant 0 : i32
      %dma_start3A_312 = tpu.memref_slice %arg6[%add3A_304, %dma_start3A_311] : memref<512x64xf32, #tpu.memory_space<vmem>> -> memref<1x64xf32, #tpu.memory_space<vmem>>
      %dma_start3A_313 = tpu.memref_squeeze %dma_start3A_312 : memref<1x64xf32, #tpu.memory_space<vmem>> -> memref<64xf32, #tpu.memory_space<vmem>>
      %dma_start3A_314 = arith.constant 0 : i32
      %dma_start3A_315 = tpu.memref_slice %arg2[%squeeze3A_303, %dma_start3A_314] : memref<1000000x64xf32, #tpu.memory_space<hbm>> -> memref<1x64xf32, #tpu.memory_space<hbm>>
      %dma_start3A_316 = tpu.memref_squeeze %dma_start3A_315 : memref<1x64xf32, #tpu.memory_space<hbm>> -> memref<64xf32, #tpu.memory_space<hbm>>
      tpu.enqueue_dma source(%dma_start3A_316 : memref<64xf32, #tpu.memory_space<hbm>>) target(%dma_start3A_313 : memref<64xf32, #tpu.memory_space<vmem>>) target_semaphore(%arg7 : memref<!tpu.dma_semaphore, #tpu.memory_space<semaphore_mem>>)
      %add3A_317 = arith.constant 0 : i32
      %add3A_318 = arith.addi %mul3A_88, %add3A_317 : i32
      %add3A_319 = arith.constant 12 : i32
      %add3A_320 = arith.addi %add3A_318, %add3A_319 : i32
      %slice3A_321 = vector.extract_strided_slice %get3A_91 {offsets = [12], sizes = [1], strides = [1]} : vector<16xi32> to vector<1xi32>
      %squeeze3A_322 = vector.extract %slice3A_321[0] : i32 from vector<1xi32>
      %add3A_323 = arith.addi %mul3A_88, %add3A_320 : i32
      %dma_start3A_324 = arith.constant 0 : i32
      %dma_start3A_325 = tpu.memref_slice %arg6[%add3A_323, %dma_start3A_324] : memref<512x64xf32, #tpu.memory_space<vmem>> -> memref<1x64xf32, #tpu.memory_space<vmem>>
      %dma_start3A_326 = tpu.memref_squeeze %dma_start3A_325 : memref<1x64xf32, #tpu.memory_space<vmem>> -> memref<64xf32, #tpu.memory_space<vmem>>
      %dma_start3A_327 = arith.constant 0 : i32
      %dma_start3A_328 = tpu.memref_slice %arg2[%squeeze3A_322, %dma_start3A_327] : memref<1000000x64xf32, #tpu.memory_space<hbm>> -> memref<1x64xf32, #tpu.memory_space<hbm>>
      %dma_start3A_329 = tpu.memref_squeeze %dma_start3A_328 : memref<1x64xf32, #tpu.memory_space<hbm>> -> memref<64xf32, #tpu.memory_space<hbm>>
      %dma_start3A_330 = arith.constant 0 : i32
      %dma_start3A_331 = tpu.memref_slice %arg6[%add3A_323, %dma_start3A_330] : memref<512x64xf32, #tpu.memory_space<vmem>> -> memref<1x64xf32, #tpu.memory_space<vmem>>
      %dma_start3A_332 = tpu.memref_squeeze %dma_start3A_331 : memref<1x64xf32, #tpu.memory_space<vmem>> -> memref<64xf32, #tpu.memory_space<vmem>>
      %dma_start3A_333 = arith.constant 0 : i32
      %dma_start3A_334 = tpu.memref_slice %arg2[%squeeze3A_322, %dma_start3A_333] : memref<1000000x64xf32, #tpu.memory_space<hbm>> -> memref<1x64xf32, #tpu.memory_space<hbm>>
      %dma_start3A_335 = tpu.memref_squeeze %dma_start3A_334 : memref<1x64xf32, #tpu.memory_space<hbm>> -> memref<64xf32, #tpu.memory_space<hbm>>
      tpu.enqueue_dma source(%dma_start3A_335 : memref<64xf32, #tpu.memory_space<hbm>>) target(%dma_start3A_332 : memref<64xf32, #tpu.memory_space<vmem>>) target_semaphore(%arg7 : memref<!tpu.dma_semaphore, #tpu.memory_space<semaphore_mem>>)
      %add3A_336 = arith.constant 0 : i32
      %add3A_337 = arith.addi %mul3A_88, %add3A_336 : i32
      %add3A_338 = arith.constant 13 : i32
      %add3A_339 = arith.addi %add3A_337, %add3A_338 : i32
      %slice3A_340 = vector.extract_strided_slice %get3A_91 {offsets = [13], sizes = [1], strides = [1]} : vector<16xi32> to vector<1xi32>
      %squeeze3A_341 = vector.extract %slice3A_340[0] : i32 from vector<1xi32>
      %add3A_342 = arith.addi %mul3A_88, %add3A_339 : i32
      %dma_start3A_343 = arith.constant 0 : i32
      %dma_start3A_344 = tpu.memref_slice %arg6[%add3A_342, %dma_start3A_343] : memref<512x64xf32, #tpu.memory_space<vmem>> -> memref<1x64xf32, #tpu.memory_space<vmem>>
      %dma_start3A_345 = tpu.memref_squeeze %dma_start3A_344 : memref<1x64xf32, #tpu.memory_space<vmem>> -> memref<64xf32, #tpu.memory_space<vmem>>
      %dma_start3A_346 = arith.constant 0 : i32
      %dma_start3A_347 = tpu.memref_slice %arg2[%squeeze3A_341, %dma_start3A_346] : memref<1000000x64xf32, #tpu.memory_space<hbm>> -> memref<1x64xf32, #tpu.memory_space<hbm>>
      %dma_start3A_348 = tpu.memref_squeeze %dma_start3A_347 : memref<1x64xf32, #tpu.memory_space<hbm>> -> memref<64xf32, #tpu.memory_space<hbm>>
      %dma_start3A_349 = arith.constant 0 : i32
      %dma_start3A_350 = tpu.memref_slice %arg6[%add3A_342, %dma_start3A_349] : memref<512x64xf32, #tpu.memory_space<vmem>> -> memref<1x64xf32, #tpu.memory_space<vmem>>
      %dma_start3A_351 = tpu.memref_squeeze %dma_start3A_350 : memref<1x64xf32, #tpu.memory_space<vmem>> -> memref<64xf32, #tpu.memory_space<vmem>>
      %dma_start3A_352 = arith.constant 0 : i32
      %dma_start3A_353 = tpu.memref_slice %arg2[%squeeze3A_341, %dma_start3A_352] : memref<1000000x64xf32, #tpu.memory_space<hbm>> -> memref<1x64xf32, #tpu.memory_space<hbm>>
      %dma_start3A_354 = tpu.memref_squeeze %dma_start3A_353 : memref<1x64xf32, #tpu.memory_space<hbm>> -> memref<64xf32, #tpu.memory_space<hbm>>
      tpu.enqueue_dma source(%dma_start3A_354 : memref<64xf32, #tpu.memory_space<hbm>>) target(%dma_start3A_351 : memref<64xf32, #tpu.memory_space<vmem>>) target_semaphore(%arg7 : memref<!tpu.dma_semaphore, #tpu.memory_space<semaphore_mem>>)
      %add3A_355 = arith.constant 0 : i32
      %add3A_356 = arith.addi %mul3A_88, %add3A_355 : i32
      %add3A_357 = arith.constant 14 : i32
      %add3A_358 = arith.addi %add3A_356, %add3A_357 : i32
      %slice3A_359 = vector.extract_strided_slice %get3A_91 {offsets = [14], sizes = [1], strides = [1]} : vector<16xi32> to vector<1xi32>
      %squeeze3A_360 = vector.extract %slice3A_359[0] : i32 from vector<1xi32>
      %add3A_361 = arith.addi %mul3A_88, %add3A_358 : i32
      %dma_start3A_362 = arith.constant 0 : i32
      %dma_start3A_363 = tpu.memref_slice %arg6[%add3A_361, %dma_start3A_362] : memref<512x64xf32, #tpu.memory_space<vmem>> -> memref<1x64xf32, #tpu.memory_space<vmem>>
      %dma_start3A_364 = tpu.memref_squeeze %dma_start3A_363 : memref<1x64xf32, #tpu.memory_space<vmem>> -> memref<64xf32, #tpu.memory_space<vmem>>
      %dma_start3A_365 = arith.constant 0 : i32
      %dma_start3A_366 = tpu.memref_slice %arg2[%squeeze3A_360, %dma_start3A_365] : memref<1000000x64xf32, #tpu.memory_space<hbm>> -> memref<1x64xf32, #tpu.memory_space<hbm>>
      %dma_start3A_367 = tpu.memref_squeeze %dma_start3A_366 : memref<1x64xf32, #tpu.memory_space<hbm>> -> memref<64xf32, #tpu.memory_space<hbm>>
      %dma_start3A_368 = arith.constant 0 : i32
      %dma_start3A_369 = tpu.memref_slice %arg6[%add3A_361, %dma_start3A_368] : memref<512x64xf32, #tpu.memory_space<vmem>> -> memref<1x64xf32, #tpu.memory_space<vmem>>
      %dma_start3A_370 = tpu.memref_squeeze %dma_start3A_369 : memref<1x64xf32, #tpu.memory_space<vmem>> -> memref<64xf32, #tpu.memory_space<vmem>>
      %dma_start3A_371 = arith.constant 0 : i32
      %dma_start3A_372 = tpu.memref_slice %arg2[%squeeze3A_360, %dma_start3A_371] : memref<1000000x64xf32, #tpu.memory_space<hbm>> -> memref<1x64xf32, #tpu.memory_space<hbm>>
      %dma_start3A_373 = tpu.memref_squeeze %dma_start3A_372 : memref<1x64xf32, #tpu.memory_space<hbm>> -> memref<64xf32, #tpu.memory_space<hbm>>
      tpu.enqueue_dma source(%dma_start3A_373 : memref<64xf32, #tpu.memory_space<hbm>>) target(%dma_start3A_370 : memref<64xf32, #tpu.memory_space<vmem>>) target_semaphore(%arg7 : memref<!tpu.dma_semaphore, #tpu.memory_space<semaphore_mem>>)
      %add3A_374 = arith.constant 0 : i32
      %add3A_375 = arith.addi %mul3A_88, %add3A_374 : i32
      %add3A_376 = arith.constant 15 : i32
      %add3A_377 = arith.addi %add3A_375, %add3A_376 : i32
      %slice3A_378 = vector.extract_strided_slice %get3A_91 {offsets = [15], sizes = [1], strides = [1]} : vector<16xi32> to vector<1xi32>
      %squeeze3A_379 = vector.extract %slice3A_378[0] : i32 from vector<1xi32>
      %add3A_380 = arith.addi %mul3A_88, %add3A_377 : i32
      %dma_start3A_381 = arith.constant 0 : i32
      %dma_start3A_382 = tpu.memref_slice %arg6[%add3A_380, %dma_start3A_381] : memref<512x64xf32, #tpu.memory_space<vmem>> -> memref<1x64xf32, #tpu.memory_space<vmem>>
      %dma_start3A_383 = tpu.memref_squeeze %dma_start3A_382 : memref<1x64xf32, #tpu.memory_space<vmem>> -> memref<64xf32, #tpu.memory_space<vmem>>
      %dma_start3A_384 = arith.constant 0 : i32
      %dma_start3A_385 = tpu.memref_slice %arg2[%squeeze3A_379, %dma_start3A_384] : memref<1000000x64xf32, #tpu.memory_space<hbm>> -> memref<1x64xf32, #tpu.memory_space<hbm>>
      %dma_start3A_386 = tpu.memref_squeeze %dma_start3A_385 : memref<1x64xf32, #tpu.memory_space<hbm>> -> memref<64xf32, #tpu.memory_space<hbm>>
      %dma_start3A_387 = arith.constant 0 : i32
      %dma_start3A_388 = tpu.memref_slice %arg6[%add3A_380, %dma_start3A_387] : memref<512x64xf32, #tpu.memory_space<vmem>> -> memref<1x64xf32, #tpu.memory_space<vmem>>
      %dma_start3A_389 = tpu.memref_squeeze %dma_start3A_388 : memref<1x64xf32, #tpu.memory_space<vmem>> -> memref<64xf32, #tpu.memory_space<vmem>>
      %dma_start3A_390 = arith.constant 0 : i32
      %dma_start3A_391 = tpu.memref_slice %arg2[%squeeze3A_379, %dma_start3A_390] : memref<1000000x64xf32, #tpu.memory_space<hbm>> -> memref<1x64xf32, #tpu.memory_space<hbm>>
      %dma_start3A_392 = tpu.memref_squeeze %dma_start3A_391 : memref<1x64xf32, #tpu.memory_space<hbm>> -> memref<64xf32, #tpu.memory_space<hbm>>
      tpu.enqueue_dma source(%dma_start3A_392 : memref<64xf32, #tpu.memory_space<hbm>>) target(%dma_start3A_389 : memref<64xf32, #tpu.memory_space<vmem>>) target_semaphore(%arg7 : memref<!tpu.dma_semaphore, #tpu.memory_space<semaphore_mem>>)
      %add3A_393 = arith.constant 16 : i32
      %add3A_394 = arith.addi %mul3A_88, %add3A_393 : i32
      %get3A_395 = arith.index_cast %add3A_394 : i32 to index
      %get3A_396 = tpu.vector_load %arg5[%get3A_395] {strides = array<i32>} : memref<512xi32, #tpu.memory_space<vmem>>, vector<16xi32>,
      %add3A_397 = arith.constant 16 : i32
      %add3A_398 = arith.addi %mul3A_88, %add3A_397 : i32
      %add3A_399 = arith.constant 0 : i32
      %add3A_400 = arith.addi %add3A_398, %add3A_399 : i32
      %slice3A_401 = vector.extract_strided_slice %get3A_396 {offsets = [0], sizes = [1], strides = [1]} : vector<16xi32> to vector<1xi32>
      %squeeze3A_402 = vector.extract %slice3A_401[0] : i32 from vector<1xi32>
      %add3A_403 = arith.addi %mul3A_88, %add3A_400 : i32
      %dma_start3A_404 = arith.constant 0 : i32
      %dma_start3A_405 = tpu.memref_slice %arg6[%add3A_403, %dma_start3A_404] : memref<512x64xf32, #tpu.memory_space<vmem>> -> memref<1x64xf32, #tpu.memory_space<vmem>>
      %dma_start3A_406 = tpu.memref_squeeze %dma_start3A_405 : memref<1x64xf32, #tpu.memory_space<vmem>> -> memref<64xf32, #tpu.memory_space<vmem>>
      %dma_start3A_407 = arith.constant 0 : i32
      %dma_start3A_408 = tpu.memref_slice %arg2[%squeeze3A_402, %dma_start3A_407] : memref<1000000x64xf32, #tpu.memory_space<hbm>> -> memref<1x64xf32, #tpu.memory_space<hbm>>
      %dma_start3A_409 = tpu.memref_squeeze %dma_start3A_408 : memref<1x64xf32, #tpu.memory_space<hbm>> -> memref<64xf32, #tpu.memory_space<hbm>>
      %dma_start3A_410 = arith.constant 0 : i32
      %dma_start3A_411 = tpu.memref_slice %arg6[%add3A_403, %dma_start3A_410] : memref<512x64xf32, #tpu.memory_space<vmem>> -> memref<1x64xf32, #tpu.memory_space<vmem>>
      %dma_start3A_412 = tpu.memref_squeeze %dma_start3A_411 : memref<1x64xf32, #tpu.memory_space<vmem>> -> memref<64xf32, #tpu.memory_space<vmem>>
      %dma_start3A_413 = arith.constant 0 : i32
      %dma_start3A_414 = tpu.memref_slice %arg2[%squeeze3A_402, %dma_start3A_413] : memref<1000000x64xf32, #tpu.memory_space<hbm>> -> memref<1x64xf32, #tpu.memory_space<hbm>>
      %dma_start3A_415 = tpu.memref_squeeze %dma_start3A_414 : memref<1x64xf32, #tpu.memory_space<hbm>> -> memref<64xf32, #tpu.memory_space<hbm>>
      tpu.enqueue_dma source(%dma_start3A_415 : memref<64xf32, #tpu.memory_space<hbm>>) target(%dma_start3A_412 : memref<64xf32, #tpu.memory_space<vmem>>) target_semaphore(%arg7 : memref<!tpu.dma_semaphore, #tpu.memory_space<semaphore_mem>>)
      %add3A_416 = arith.constant 16 : i32
      %add3A_417 = arith.addi %mul3A_88, %add3A_416 : i32
      %add3A_418 = arith.constant 1 : i32
      %add3A_419 = arith.addi %add3A_417, %add3A_418 : i32
      %slice3A_420 = vector.extract_strided_slice %get3A_396 {offsets = [1], sizes = [1], strides = [1]} : vector<16xi32> to vector<1xi32>
      %squeeze3A_421 = vector.extract %slice3A_420[0] : i32 from vector<1xi32>
      %add3A_422 = arith.addi %mul3A_88, %add3A_419 : i32
      %dma_start3A_423 = arith.constant 0 : i32
      %dma_start3A_424 = tpu.memref_slice %arg6[%add3A_422, %dma_start3A_423] : memref<512x64xf32, #tpu.memory_space<vmem>> -> memref<1x64xf32, #tpu.memory_space<vmem>>
      %dma_start3A_425 = tpu.memref_squeeze %dma_start3A_424 : memref<1x64xf32, #tpu.memory_space<vmem>> -> memref<64xf32, #tpu.memory_space<vmem>>
      %dma_start3A_426 = arith.constant 0 : i32
      %dma_start3A_427 = tpu.memref_slice %arg2[%squeeze3A_421, %dma_start3A_426] : memref<1000000x64xf32, #tpu.memory_space<hbm>> -> memref<1x64xf32, #tpu.memory_space<hbm>>
      %dma_start3A_428 = tpu.memref_squeeze %dma_start3A_427 : memref<1x64xf32, #tpu.memory_space<hbm>> -> memref<64xf32, #tpu.memory_space<hbm>>
      %dma_start3A_429 = arith.constant 0 : i32
      %dma_start3A_430 = tpu.memref_slice %arg6[%add3A_422, %dma_start3A_429] : memref<512x64xf32, #tpu.memory_space<vmem>> -> memref<1x64xf32, #tpu.memory_space<vmem>>
      %dma_start3A_431 = tpu.memref_squeeze %dma_start3A_430 : memref<1x64xf32, #tpu.memory_space<vmem>> -> memref<64xf32, #tpu.memory_space<vmem>>
      %dma_start3A_432 = arith.constant 0 : i32
      %dma_start3A_433 = tpu.memref_slice %arg2[%squeeze3A_421, %dma_start3A_432] : memref<1000000x64xf32, #tpu.memory_space<hbm>> -> memref<1x64xf32, #tpu.memory_space<hbm>>
      %dma_start3A_434 = tpu.memref_squeeze %dma_start3A_433 : memref<1x64xf32, #tpu.memory_space<hbm>> -> memref<64xf32, #tpu.memory_space<hbm>>
      tpu.enqueue_dma source(%dma_start3A_434 : memref<64xf32, #tpu.memory_space<hbm>>) target(%dma_start3A_431 : memref<64xf32, #tpu.memory_space<vmem>>) target_semaphore(%arg7 : memref<!tpu.dma_semaphore, #tpu.memory_space<semaphore_mem>>)
      %add3A_435 = arith.constant 16 : i32
      %add3A_436 = arith.addi %mul3A_88, %add3A_435 : i32
      %add3A_437 = arith.constant 2 : i32
      %add3A_438 = arith.addi %add3A_436, %add3A_437 : i32
      %slice3A_439 = vector.extract_strided_slice %get3A_396 {offsets = [2], sizes = [1], strides = [1]} : vector<16xi32> to vector<1xi32>
      %squeeze3A_440 = vector.extract %slice3A_439[0] : i32 from vector<1xi32>
      %add3A_441 = arith.addi %mul3A_88, %add3A_438 : i32
      %dma_start3A_442 = arith.constant 0 : i32
      %dma_start3A_443 = tpu.memref_slice %arg6[%add3A_441, %dma_start3A_442] : memref<512x64xf32, #tpu.memory_space<vmem>> -> memref<1x64xf32, #tpu.memory_space<vmem>>
      %dma_start3A_444 = tpu.memref_squeeze %dma_start3A_443 : memref<1x64xf32, #tpu.memory_space<vmem>> -> memref<64xf32, #tpu.memory_space<vmem>>
      %dma_start3A_445 = arith.constant 0 : i32
      %dma_start3A_446 = tpu.memref_slice %arg2[%squeeze3A_440, %dma_start3A_445] : memref<1000000x64xf32, #tpu.memory_space<hbm>> -> memref<1x64xf32, #tpu.memory_space<hbm>>
      %dma_start3A_447 = tpu.memref_squeeze %dma_start3A_446 : memref<1x64xf32, #tpu.memory_space<hbm>> -> memref<64xf32, #tpu.memory_space<hbm>>
      %dma_start3A_448 = arith.constant 0 : i32
      %dma_start3A_449 = tpu.memref_slice %arg6[%add3A_441, %dma_start3A_448] : memref<512x64xf32, #tpu.memory_space<vmem>> -> memref<1x64xf32, #tpu.memory_space<vmem>>
      %dma_start3A_450 = tpu.memref_squeeze %dma_start3A_449 : memref<1x64xf32, #tpu.memory_space<vmem>> -> memref<64xf32, #tpu.memory_space<vmem>>
      %dma_start3A_451 = arith.constant 0 : i32
      %dma_start3A_452 = tpu.memref_slice %arg2[%squeeze3A_440, %dma_start3A_451] : memref<1000000x64xf32, #tpu.memory_space<hbm>> -> memref<1x64xf32, #tpu.memory_space<hbm>>
      %dma_start3A_453 = tpu.memref_squeeze %dma_start3A_452 : memref<1x64xf32, #tpu.memory_space<hbm>> -> memref<64xf32, #tpu.memory_space<hbm>>
      tpu.enqueue_dma source(%dma_start3A_453 : memref<64xf32, #tpu.memory_space<hbm>>) target(%dma_start3A_450 : memref<64xf32, #tpu.memory_space<vmem>>) target_semaphore(%arg7 : memref<!tpu.dma_semaphore, #tpu.memory_space<semaphore_mem>>)
      %add3A_454 = arith.constant 16 : i32
      %add3A_455 = arith.addi %mul3A_88, %add3A_454 : i32
      %add3A_456 = arith.constant 3 : i32
      %add3A_457 = arith.addi %add3A_455, %add3A_456 : i32
      %slice3A_458 = vector.extract_strided_slice %get3A_396 {offsets = [3], sizes = [1], strides = [1]} : vector<16xi32> to vector<1xi32>
      %squeeze3A_459 = vector.extract %slice3A_458[0] : i32 from vector<1xi32>
      %add3A_460 = arith.addi %mul3A_88, %add3A_457 : i32
      %dma_start3A_461 = arith.constant 0 : i32
      %dma_start3A_462 = tpu.memref_slice %arg6[%add3A_460, %dma_start3A_461] : memref<512x64xf32, #tpu.memory_space<vmem>> -> memref<1x64xf32, #tpu.memory_space<vmem>>
      %dma_start3A_463 = tpu.memref_squeeze %dma_start3A_462 : memref<1x64xf32, #tpu.memory_space<vmem>> -> memref<64xf32, #tpu.memory_space<vmem>>
      %dma_start3A_464 = arith.constant 0 : i32
      %dma_start3A_465 = tpu.memref_slice %arg2[%squeeze3A_459, %dma_start3A_464] : memref<1000000x64xf32, #tpu.memory_space<hbm>> -> memref<1x64xf32, #tpu.memory_space<hbm>>
      %dma_start3A_466 = tpu.memref_squeeze %dma_start3A_465 : memref<1x64xf32, #tpu.memory_space<hbm>> -> memref<64xf32, #tpu.memory_space<hbm>>
      %dma_start3A_467 = arith.constant 0 : i32
      %dma_start3A_468 = tpu.memref_slice %arg6[%add3A_460, %dma_start3A_467] : memref<512x64xf32, #tpu.memory_space<vmem>> -> memref<1x64xf32, #tpu.memory_space<vmem>>
      %dma_start3A_469 = tpu.memref_squeeze %dma_start3A_468 : memref<1x64xf32, #tpu.memory_space<vmem>> -> memref<64xf32, #tpu.memory_space<vmem>>
      %dma_start3A_470 = arith.constant 0 : i32
      %dma_start3A_471 = tpu.memref_slice %arg2[%squeeze3A_459, %dma_start3A_470] : memref<1000000x64xf32, #tpu.memory_space<hbm>> -> memref<1x64xf32, #tpu.memory_space<hbm>>
      %dma_start3A_472 = tpu.memref_squeeze %dma_start3A_471 : memref<1x64xf32, #tpu.memory_space<hbm>> -> memref<64xf32, #tpu.memory_space<hbm>>
      tpu.enqueue_dma source(%dma_start3A_472 : memref<64xf32, #tpu.memory_space<hbm>>) target(%dma_start3A_469 : memref<64xf32, #tpu.memory_space<vmem>>) target_semaphore(%arg7 : memref<!tpu.dma_semaphore, #tpu.memory_space<semaphore_mem>>)
      %add3A_473 = arith.constant 16 : i32
      %add3A_474 = arith.addi %mul3A_88, %add3A_473 : i32
      %add3A_475 = arith.constant 4 : i32
      %add3A_476 = arith.addi %add3A_474, %add3A_475 : i32
      %slice3A_477 = vector.extract_strided_slice %get3A_396 {offsets = [4], sizes = [1], strides = [1]} : vector<16xi32> to vector<1xi32>
      %squeeze3A_478 = vector.extract %slice3A_477[0] : i32 from vector<1xi32>
      %add3A_479 = arith.addi %mul3A_88, %add3A_476 : i32
      %dma_start3A_480 = arith.constant 0 : i32
      %dma_start3A_481 = tpu.memref_slice %arg6[%add3A_479, %dma_start3A_480] : memref<512x64xf32, #tpu.memory_space<vmem>> -> memref<1x64xf32, #tpu.memory_space<vmem>>
      %dma_start3A_482 = tpu.memref_squeeze %dma_start3A_481 : memref<1x64xf32, #tpu.memory_space<vmem>> -> memref<64xf32, #tpu.memory_space<vmem>>
      %dma_start3A_483 = arith.constant 0 : i32
      %dma_start3A_484 = tpu.memref_slice %arg2[%squeeze3A_478, %dma_start3A_483] : memref<1000000x64xf32, #tpu.memory_space<hbm>> -> memref<1x64xf32, #tpu.memory_space<hbm>>
      %dma_start3A_485 = tpu.memref_squeeze %dma_start3A_484 : memref<1x64xf32, #tpu.memory_space<hbm>> -> memref<64xf32, #tpu.memory_space<hbm>>
      %dma_start3A_486 = arith.constant 0 : i32
      %dma_start3A_487 = tpu.memref_slice %arg6[%add3A_479, %dma_start3A_486] : memref<512x64xf32, #tpu.memory_space<vmem>> -> memref<1x64xf32, #tpu.memory_space<vmem>>
      %dma_start3A_488 = tpu.memref_squeeze %dma_start3A_487 : memref<1x64xf32, #tpu.memory_space<vmem>> -> memref<64xf32, #tpu.memory_space<vmem>>
      %dma_start3A_489 = arith.constant 0 : i32
      %dma_start3A_490 = tpu.memref_slice %arg2[%squeeze3A_478, %dma_start3A_489] : memref<1000000x64xf32, #tpu.memory_space<hbm>> -> memref<1x64xf32, #tpu.memory_space<hbm>>
      %dma_start3A_491 = tpu.memref_squeeze %dma_start3A_490 : memref<1x64xf32, #tpu.memory_space<hbm>> -> memref<64xf32, #tpu.memory_space<hbm>>
      tpu.enqueue_dma source(%dma_start3A_491 : memref<64xf32, #tpu.memory_space<hbm>>) target(%dma_start3A_488 : memref<64xf32, #tpu.memory_space<vmem>>) target_semaphore(%arg7 : memref<!tpu.dma_semaphore, #tpu.memory_space<semaphore_mem>>)
      %add3A_492 = arith.constant 16 : i32
      %add3A_493 = arith.addi %mul3A_88, %add3A_492 : i32
      %add3A_494 = arith.constant 5 : i32
      %add3A_495 = arith.addi %add3A_493, %add3A_494 : i32
      %slice3A_496 = vector.extract_strided_slice %get3A_396 {offsets = [5], sizes = [1], strides = [1]} : vector<16xi32> to vector<1xi32>
      %squeeze3A_497 = vector.extract %slice3A_496[0] : i32 from vector<1xi32>
      %add3A_498 = arith.addi %mul3A_88, %add3A_495 : i32
      %dma_start3A_499 = arith.constant 0 : i32
      %dma_start3A_500 = tpu.memref_slice %arg6[%add3A_498, %dma_start3A_499] : memref<512x64xf32, #tpu.memory_space<vmem>> -> memref<1x64xf32, #tpu.memory_space<vmem>>
      %dma_start3A_501 = tpu.memref_squeeze %dma_start3A_500 : memref<1x64xf32, #tpu.memory_space<vmem>> -> memref<64xf32, #tpu.memory_space<vmem>>
      %dma_start3A_502 = arith.constant 0 : i32
      %dma_start3A_503 = tpu.memref_slice %arg2[%squeeze3A_497, %dma_start3A_502] : memref<1000000x64xf32, #tpu.memory_space<hbm>> -> memref<1x64xf32, #tpu.memory_space<hbm>>
      %dma_start3A_504 = tpu.memref_squeeze %dma_start3A_503 : memref<1x64xf32, #tpu.memory_space<hbm>> -> memref<64xf32, #tpu.memory_space<hbm>>
      %dma_start3A_505 = arith.constant 0 : i32
      %dma_start3A_506 = tpu.memref_slice %arg6[%add3A_498, %dma_start3A_505] : memref<512x64xf32, #tpu.memory_space<vmem>> -> memref<1x64xf32, #tpu.memory_space<vmem>>
      %dma_start3A_507 = tpu.memref_squeeze %dma_start3A_506 : memref<1x64xf32, #tpu.memory_space<vmem>> -> memref<64xf32, #tpu.memory_space<vmem>>
      %dma_start3A_508 = arith.constant 0 : i32
      %dma_start3A_509 = tpu.memref_slice %arg2[%squeeze3A_497, %dma_start3A_508] : memref<1000000x64xf32, #tpu.memory_space<hbm>> -> memref<1x64xf32, #tpu.memory_space<hbm>>
      %dma_start3A_510 = tpu.memref_squeeze %dma_start3A_509 : memref<1x64xf32, #tpu.memory_space<hbm>> -> memref<64xf32, #tpu.memory_space<hbm>>
      tpu.enqueue_dma source(%dma_start3A_510 : memref<64xf32, #tpu.memory_space<hbm>>) target(%dma_start3A_507 : memref<64xf32, #tpu.memory_space<vmem>>) target_semaphore(%arg7 : memref<!tpu.dma_semaphore, #tpu.memory_space<semaphore_mem>>)
      %add3A_511 = arith.constant 16 : i32
      %add3A_512 = arith.addi %mul3A_88, %add3A_511 : i32
      %add3A_513 = arith.constant 6 : i32
      %add3A_514 = arith.addi %add3A_512, %add3A_513 : i32
      %slice3A_515 = vector.extract_strided_slice %get3A_396 {offsets = [6], sizes = [1], strides = [1]} : vector<16xi32> to vector<1xi32>
      %squeeze3A_516 = vector.extract %slice3A_515[0] : i32 from vector<1xi32>
      %add3A_517 = arith.addi %mul3A_88, %add3A_514 : i32
      %dma_start3A_518 = arith.constant 0 : i32
      %dma_start3A_519 = tpu.memref_slice %arg6[%add3A_517, %dma_start3A_518] : memref<512x64xf32, #tpu.memory_space<vmem>> -> memref<1x64xf32, #tpu.memory_space<vmem>>
      %dma_start3A_520 = tpu.memref_squeeze %dma_start3A_519 : memref<1x64xf32, #tpu.memory_space<vmem>> -> memref<64xf32, #tpu.memory_space<vmem>>
      %dma_start3A_521 = arith.constant 0 : i32
      %dma_start3A_522 = tpu.memref_slice %arg2[%squeeze3A_516, %dma_start3A_521] : memref<1000000x64xf32, #tpu.memory_space<hbm>> -> memref<1x64xf32, #tpu.memory_space<hbm>>
      %dma_start3A_523 = tpu.memref_squeeze %dma_start3A_522 : memref<1x64xf32, #tpu.memory_space<hbm>> -> memref<64xf32, #tpu.memory_space<hbm>>
      %dma_start3A_524 = arith.constant 0 : i32
      %dma_start3A_525 = tpu.memref_slice %arg6[%add3A_517, %dma_start3A_524] : memref<512x64xf32, #tpu.memory_space<vmem>> -> memref<1x64xf32, #tpu.memory_space<vmem>>
      %dma_start3A_526 = tpu.memref_squeeze %dma_start3A_525 : memref<1x64xf32, #tpu.memory_space<vmem>> -> memref<64xf32, #tpu.memory_space<vmem>>
      %dma_start3A_527 = arith.constant 0 : i32
      %dma_start3A_528 = tpu.memref_slice %arg2[%squeeze3A_516, %dma_start3A_527] : memref<1000000x64xf32, #tpu.memory_space<hbm>> -> memref<1x64xf32, #tpu.memory_space<hbm>>
      %dma_start3A_529 = tpu.memref_squeeze %dma_start3A_528 : memref<1x64xf32, #tpu.memory_space<hbm>> -> memref<64xf32, #tpu.memory_space<hbm>>
      tpu.enqueue_dma source(%dma_start3A_529 : memref<64xf32, #tpu.memory_space<hbm>>) target(%dma_start3A_526 : memref<64xf32, #tpu.memory_space<vmem>>) target_semaphore(%arg7 : memref<!tpu.dma_semaphore, #tpu.memory_space<semaphore_mem>>)
      %add3A_530 = arith.constant 16 : i32
      %add3A_531 = arith.addi %mul3A_88, %add3A_530 : i32
      %add3A_532 = arith.constant 7 : i32
      %add3A_533 = arith.addi %add3A_531, %add3A_532 : i32
      %slice3A_534 = vector.extract_strided_slice %get3A_396 {offsets = [7], sizes = [1], strides = [1]} : vector<16xi32> to vector<1xi32>
      %squeeze3A_535 = vector.extract %slice3A_534[0] : i32 from vector<1xi32>
      %add3A_536 = arith.addi %mul3A_88, %add3A_533 : i32
      %dma_start3A_537 = arith.constant 0 : i32
      %dma_start3A_538 = tpu.memref_slice %arg6[%add3A_536, %dma_start3A_537] : memref<512x64xf32, #tpu.memory_space<vmem>> -> memref<1x64xf32, #tpu.memory_space<vmem>>
      %dma_start3A_539 = tpu.memref_squeeze %dma_start3A_538 : memref<1x64xf32, #tpu.memory_space<vmem>> -> memref<64xf32, #tpu.memory_space<vmem>>
      %dma_start3A_540 = arith.constant 0 : i32
      %dma_start3A_541 = tpu.memref_slice %arg2[%squeeze3A_535, %dma_start3A_540] : memref<1000000x64xf32, #tpu.memory_space<hbm>> -> memref<1x64xf32, #tpu.memory_space<hbm>>
      %dma_start3A_542 = tpu.memref_squeeze %dma_start3A_541 : memref<1x64xf32, #tpu.memory_space<hbm>> -> memref<64xf32, #tpu.memory_space<hbm>>
      %dma_start3A_543 = arith.constant 0 : i32
      %dma_start3A_544 = tpu.memref_slice %arg6[%add3A_536, %dma_start3A_543] : memref<512x64xf32, #tpu.memory_space<vmem>> -> memref<1x64xf32, #tpu.memory_space<vmem>>
      %dma_start3A_545 = tpu.memref_squeeze %dma_start3A_544 : memref<1x64xf32, #tpu.memory_space<vmem>> -> memref<64xf32, #tpu.memory_space<vmem>>
      %dma_start3A_546 = arith.constant 0 : i32
      %dma_start3A_547 = tpu.memref_slice %arg2[%squeeze3A_535, %dma_start3A_546] : memref<1000000x64xf32, #tpu.memory_space<hbm>> -> memref<1x64xf32, #tpu.memory_space<hbm>>
      %dma_start3A_548 = tpu.memref_squeeze %dma_start3A_547 : memref<1x64xf32, #tpu.memory_space<hbm>> -> memref<64xf32, #tpu.memory_space<hbm>>
      tpu.enqueue_dma source(%dma_start3A_548 : memref<64xf32, #tpu.memory_space<hbm>>) target(%dma_start3A_545 : memref<64xf32, #tpu.memory_space<vmem>>) target_semaphore(%arg7 : memref<!tpu.dma_semaphore, #tpu.memory_space<semaphore_mem>>)
      %add3A_549 = arith.constant 16 : i32
      %add3A_550 = arith.addi %mul3A_88, %add3A_549 : i32
      %add3A_551 = arith.constant 8 : i32
      %add3A_552 = arith.addi %add3A_550, %add3A_551 : i32
      %slice3A_553 = vector.extract_strided_slice %get3A_396 {offsets = [8], sizes = [1], strides = [1]} : vector<16xi32> to vector<1xi32>
      %squeeze3A_554 = vector.extract %slice3A_553[0] : i32 from vector<1xi32>
      %add3A_555 = arith.addi %mul3A_88, %add3A_552 : i32
      %dma_start3A_556 = arith.constant 0 : i32
      %dma_start3A_557 = tpu.memref_slice %arg6[%add3A_555, %dma_start3A_556] : memref<512x64xf32, #tpu.memory_space<vmem>> -> memref<1x64xf32, #tpu.memory_space<vmem>>
      %dma_start3A_558 = tpu.memref_squeeze %dma_start3A_557 : memref<1x64xf32, #tpu.memory_space<vmem>> -> memref<64xf32, #tpu.memory_space<vmem>>
      %dma_start3A_559 = arith.constant 0 : i32
      %dma_start3A_560 = tpu.memref_slice %arg2[%squeeze3A_554, %dma_start3A_559] : memref<1000000x64xf32, #tpu.memory_space<hbm>> -> memref<1x64xf32, #tpu.memory_space<hbm>>
      %dma_start3A_561 = tpu.memref_squeeze %dma_start3A_560 : memref<1x64xf32, #tpu.memory_space<hbm>> -> memref<64xf32, #tpu.memory_space<hbm>>
      %dma_start3A_562 = arith.constant 0 : i32
      %dma_start3A_563 = tpu.memref_slice %arg6[%add3A_555, %dma_start3A_562] : memref<512x64xf32, #tpu.memory_space<vmem>> -> memref<1x64xf32, #tpu.memory_space<vmem>>
      %dma_start3A_564 = tpu.memref_squeeze %dma_start3A_563 : memref<1x64xf32, #tpu.memory_space<vmem>> -> memref<64xf32, #tpu.memory_space<vmem>>
      %dma_start3A_565 = arith.constant 0 : i32
      %dma_start3A_566 = tpu.memref_slice %arg2[%squeeze3A_554, %dma_start3A_565] : memref<1000000x64xf32, #tpu.memory_space<hbm>> -> memref<1x64xf32, #tpu.memory_space<hbm>>
      %dma_start3A_567 = tpu.memref_squeeze %dma_start3A_566 : memref<1x64xf32, #tpu.memory_space<hbm>> -> memref<64xf32, #tpu.memory_space<hbm>>
      tpu.enqueue_dma source(%dma_start3A_567 : memref<64xf32, #tpu.memory_space<hbm>>) target(%dma_start3A_564 : memref<64xf32, #tpu.memory_space<vmem>>) target_semaphore(%arg7 : memref<!tpu.dma_semaphore, #tpu.memory_space<semaphore_mem>>)
      %add3A_568 = arith.constant 16 : i32
      %add3A_569 = arith.addi %mul3A_88, %add3A_568 : i32
      %add3A_570 = arith.constant 9 : i32
      %add3A_571 = arith.addi %add3A_569, %add3A_570 : i32
      %slice3A_572 = vector.extract_strided_slice %get3A_396 {offsets = [9], sizes = [1], strides = [1]} : vector<16xi32> to vector<1xi32>
      %squeeze3A_573 = vector.extract %slice3A_572[0] : i32 from vector<1xi32>
      %add3A_574 = arith.addi %mul3A_88, %add3A_571 : i32
      %dma_start3A_575 = arith.constant 0 : i32
      %dma_start3A_576 = tpu.memref_slice %arg6[%add3A_574, %dma_start3A_575] : memref<512x64xf32, #tpu.memory_space<vmem>> -> memref<1x64xf32, #tpu.memory_space<vmem>>
      %dma_start3A_577 = tpu.memref_squeeze %dma_start3A_576 : memref<1x64xf32, #tpu.memory_space<vmem>> -> memref<64xf32, #tpu.memory_space<vmem>>
      %dma_start3A_578 = arith.constant 0 : i32
      %dma_start3A_579 = tpu.memref_slice %arg2[%squeeze3A_573, %dma_start3A_578] : memref<1000000x64xf32, #tpu.memory_space<hbm>> -> memref<1x64xf32, #tpu.memory_space<hbm>>
      %dma_start3A_580 = tpu.memref_squeeze %dma_start3A_579 : memref<1x64xf32, #tpu.memory_space<hbm>> -> memref<64xf32, #tpu.memory_space<hbm>>
      %dma_start3A_581 = arith.constant 0 : i32
      %dma_start3A_582 = tpu.memref_slice %arg6[%add3A_574, %dma_start3A_581] : memref<512x64xf32, #tpu.memory_space<vmem>> -> memref<1x64xf32, #tpu.memory_space<vmem>>
      %dma_start3A_583 = tpu.memref_squeeze %dma_start3A_582 : memref<1x64xf32, #tpu.memory_space<vmem>> -> memref<64xf32, #tpu.memory_space<vmem>>
      %dma_start3A_584 = arith.constant 0 : i32
      %dma_start3A_585 = tpu.memref_slice %arg2[%squeeze3A_573, %dma_start3A_584] : memref<1000000x64xf32, #tpu.memory_space<hbm>> -> memref<1x64xf32, #tpu.memory_space<hbm>>
      %dma_start3A_586 = tpu.memref_squeeze %dma_start3A_585 : memref<1x64xf32, #tpu.memory_space<hbm>> -> memref<64xf32, #tpu.memory_space<hbm>>
      tpu.enqueue_dma source(%dma_start3A_586 : memref<64xf32, #tpu.memory_space<hbm>>) target(%dma_start3A_583 : memref<64xf32, #tpu.memory_space<vmem>>) target_semaphore(%arg7 : memref<!tpu.dma_semaphore, #tpu.memory_space<semaphore_mem>>)
      %add3A_587 = arith.constant 16 : i32
      %add3A_588 = arith.addi %mul3A_88, %add3A_587 : i32
      %add3A_589 = arith.constant 10 : i32
      %add3A_590 = arith.addi %add3A_588, %add3A_589 : i32
      %slice3A_591 = vector.extract_strided_slice %get3A_396 {offsets = [10], sizes = [1], strides = [1]} : vector<16xi32> to vector<1xi32>
      %squeeze3A_592 = vector.extract %slice3A_591[0] : i32 from vector<1xi32>
      %add3A_593 = arith.addi %mul3A_88, %add3A_590 : i32
      %dma_start3A_594 = arith.constant 0 : i32
      %dma_start3A_595 = tpu.memref_slice %arg6[%add3A_593, %dma_start3A_594] : memref<512x64xf32, #tpu.memory_space<vmem>> -> memref<1x64xf32, #tpu.memory_space<vmem>>
      %dma_start3A_596 = tpu.memref_squeeze %dma_start3A_595 : memref<1x64xf32, #tpu.memory_space<vmem>> -> memref<64xf32, #tpu.memory_space<vmem>>
      %dma_start3A_597 = arith.constant 0 : i32
      %dma_start3A_598 = tpu.memref_slice %arg2[%squeeze3A_592, %dma_start3A_597] : memref<1000000x64xf32, #tpu.memory_space<hbm>> -> memref<1x64xf32, #tpu.memory_space<hbm>>
      %dma_start3A_599 = tpu.memref_squeeze %dma_start3A_598 : memref<1x64xf32, #tpu.memory_space<hbm>> -> memref<64xf32, #tpu.memory_space<hbm>>
      %dma_start3A_600 = arith.constant 0 : i32
      %dma_start3A_601 = tpu.memref_slice %arg6[%add3A_593, %dma_start3A_600] : memref<512x64xf32, #tpu.memory_space<vmem>> -> memref<1x64xf32, #tpu.memory_space<vmem>>
      %dma_start3A_602 = tpu.memref_squeeze %dma_start3A_601 : memref<1x64xf32, #tpu.memory_space<vmem>> -> memref<64xf32, #tpu.memory_space<vmem>>
      %dma_start3A_603 = arith.constant 0 : i32
      %dma_start3A_604 = tpu.memref_slice %arg2[%squeeze3A_592, %dma_start3A_603] : memref<1000000x64xf32, #tpu.memory_space<hbm>> -> memref<1x64xf32, #tpu.memory_space<hbm>>
      %dma_start3A_605 = tpu.memref_squeeze %dma_start3A_604 : memref<1x64xf32, #tpu.memory_space<hbm>> -> memref<64xf32, #tpu.memory_space<hbm>>
      tpu.enqueue_dma source(%dma_start3A_605 : memref<64xf32, #tpu.memory_space<hbm>>) target(%dma_start3A_602 : memref<64xf32, #tpu.memory_space<vmem>>) target_semaphore(%arg7 : memref<!tpu.dma_semaphore, #tpu.memory_space<semaphore_mem>>)
      %add3A_606 = arith.constant 16 : i32
      %add3A_607 = arith.addi %mul3A_88, %add3A_606 : i32
      %add3A_608 = arith.constant 11 : i32
      %add3A_609 = arith.addi %add3A_607, %add3A_608 : i32
      %slice3A_610 = vector.extract_strided_slice %get3A_396 {offsets = [11], sizes = [1], strides = [1]} : vector<16xi32> to vector<1xi32>
      %squeeze3A_611 = vector.extract %slice3A_610[0] : i32 from vector<1xi32>
      %add3A_612 = arith.addi %mul3A_88, %add3A_609 : i32
      %dma_start3A_613 = arith.constant 0 : i32
      %dma_start3A_614 = tpu.memref_slice %arg6[%add3A_612, %dma_start3A_613] : memref<512x64xf32, #tpu.memory_space<vmem>> -> memref<1x64xf32, #tpu.memory_space<vmem>>
      %dma_start3A_615 = tpu.memref_squeeze %dma_start3A_614 : memref<1x64xf32, #tpu.memory_space<vmem>> -> memref<64xf32, #tpu.memory_space<vmem>>
      %dma_start3A_616 = arith.constant 0 : i32
      %dma_start3A_617 = tpu.memref_slice %arg2[%squeeze3A_611, %dma_start3A_616] : memref<1000000x64xf32, #tpu.memory_space<hbm>> -> memref<1x64xf32, #tpu.memory_space<hbm>>
      %dma_start3A_618 = tpu.memref_squeeze %dma_start3A_617 : memref<1x64xf32, #tpu.memory_space<hbm>> -> memref<64xf32, #tpu.memory_space<hbm>>
      %dma_start3A_619 = arith.constant 0 : i32
      %dma_start3A_620 = tpu.memref_slice %arg6[%add3A_612, %dma_start3A_619] : memref<512x64xf32, #tpu.memory_space<vmem>> -> memref<1x64xf32, #tpu.memory_space<vmem>>
      %dma_start3A_621 = tpu.memref_squeeze %dma_start3A_620 : memref<1x64xf32, #tpu.memory_space<vmem>> -> memref<64xf32, #tpu.memory_space<vmem>>
      %dma_start3A_622 = arith.constant 0 : i32
      %dma_start3A_623 = tpu.memref_slice %arg2[%squeeze3A_611, %dma_start3A_622] : memref<1000000x64xf32, #tpu.memory_space<hbm>> -> memref<1x64xf32, #tpu.memory_space<hbm>>
      %dma_start3A_624 = tpu.memref_squeeze %dma_start3A_623 : memref<1x64xf32, #tpu.memory_space<hbm>> -> memref<64xf32, #tpu.memory_space<hbm>>
      tpu.enqueue_dma source(%dma_start3A_624 : memref<64xf32, #tpu.memory_space<hbm>>) target(%dma_start3A_621 : memref<64xf32, #tpu.memory_space<vmem>>) target_semaphore(%arg7 : memref<!tpu.dma_semaphore, #tpu.memory_space<semaphore_mem>>)
      %add3A_625 = arith.constant 16 : i32
      %add3A_626 = arith.addi %mul3A_88, %add3A_625 : i32
      %add3A_627 = arith.constant 12 : i32
      %add3A_628 = arith.addi %add3A_626, %add3A_627 : i32
      %slice3A_629 = vector.extract_strided_slice %get3A_396 {offsets = [12], sizes = [1], strides = [1]} : vector<16xi32> to vector<1xi32>
      %squeeze3A_630 = vector.extract %slice3A_629[0] : i32 from vector<1xi32>
      %add3A_631 = arith.addi %mul3A_88, %add3A_628 : i32
      %dma_start3A_632 = arith.constant 0 : i32
      %dma_start3A_633 = tpu.memref_slice %arg6[%add3A_631, %dma_start3A_632] : memref<512x64xf32, #tpu.memory_space<vmem>> -> memref<1x64xf32, #tpu.memory_space<vmem>>
      %dma_start3A_634 = tpu.memref_squeeze %dma_start3A_633 : memref<1x64xf32, #tpu.memory_space<vmem>> -> memref<64xf32, #tpu.memory_space<vmem>>
      %dma_start3A_635 = arith.constant 0 : i32
      %dma_start3A_636 = tpu.memref_slice %arg2[%squeeze3A_630, %dma_start3A_635] : memref<1000000x64xf32, #tpu.memory_space<hbm>> -> memref<1x64xf32, #tpu.memory_space<hbm>>
      %dma_start3A_637 = tpu.memref_squeeze %dma_start3A_636 : memref<1x64xf32, #tpu.memory_space<hbm>> -> memref<64xf32, #tpu.memory_space<hbm>>
      %dma_start3A_638 = arith.constant 0 : i32
      %dma_start3A_639 = tpu.memref_slice %arg6[%add3A_631, %dma_start3A_638] : memref<512x64xf32, #tpu.memory_space<vmem>> -> memref<1x64xf32, #tpu.memory_space<vmem>>
      %dma_start3A_640 = tpu.memref_squeeze %dma_start3A_639 : memref<1x64xf32, #tpu.memory_space<vmem>> -> memref<64xf32, #tpu.memory_space<vmem>>
      %dma_start3A_641 = arith.constant 0 : i32
      %dma_start3A_642 = tpu.memref_slice %arg2[%squeeze3A_630, %dma_start3A_641] : memref<1000000x64xf32, #tpu.memory_space<hbm>> -> memref<1x64xf32, #tpu.memory_space<hbm>>
      %dma_start3A_643 = tpu.memref_squeeze %dma_start3A_642 : memref<1x64xf32, #tpu.memory_space<hbm>> -> memref<64xf32, #tpu.memory_space<hbm>>
      tpu.enqueue_dma source(%dma_start3A_643 : memref<64xf32, #tpu.memory_space<hbm>>) target(%dma_start3A_640 : memref<64xf32, #tpu.memory_space<vmem>>) target_semaphore(%arg7 : memref<!tpu.dma_semaphore, #tpu.memory_space<semaphore_mem>>)
      %add3A_644 = arith.constant 16 : i32
      %add3A_645 = arith.addi %mul3A_88, %add3A_644 : i32
      %add3A_646 = arith.constant 13 : i32
      %add3A_647 = arith.addi %add3A_645, %add3A_646 : i32
      %slice3A_648 = vector.extract_strided_slice %get3A_396 {offsets = [13], sizes = [1], strides = [1]} : vector<16xi32> to vector<1xi32>
      %squeeze3A_649 = vector.extract %slice3A_648[0] : i32 from vector<1xi32>
      %add3A_650 = arith.addi %mul3A_88, %add3A_647 : i32
      %dma_start3A_651 = arith.constant 0 : i32
      %dma_start3A_652 = tpu.memref_slice %arg6[%add3A_650, %dma_start3A_651] : memref<512x64xf32, #tpu.memory_space<vmem>> -> memref<1x64xf32, #tpu.memory_space<vmem>>
      %dma_start3A_653 = tpu.memref_squeeze %dma_start3A_652 : memref<1x64xf32, #tpu.memory_space<vmem>> -> memref<64xf32, #tpu.memory_space<vmem>>
      %dma_start3A_654 = arith.constant 0 : i32
      %dma_start3A_655 = tpu.memref_slice %arg2[%squeeze3A_649, %dma_start3A_654] : memref<1000000x64xf32, #tpu.memory_space<hbm>> -> memref<1x64xf32, #tpu.memory_space<hbm>>
      %dma_start3A_656 = tpu.memref_squeeze %dma_start3A_655 : memref<1x64xf32, #tpu.memory_space<hbm>> -> memref<64xf32, #tpu.memory_space<hbm>>
      %dma_start3A_657 = arith.constant 0 : i32
      %dma_start3A_658 = tpu.memref_slice %arg6[%add3A_650, %dma_start3A_657] : memref<512x64xf32, #tpu.memory_space<vmem>> -> memref<1x64xf32, #tpu.memory_space<vmem>>
      %dma_start3A_659 = tpu.memref_squeeze %dma_start3A_658 : memref<1x64xf32, #tpu.memory_space<vmem>> -> memref<64xf32, #tpu.memory_space<vmem>>
      %dma_start3A_660 = arith.constant 0 : i32
      %dma_start3A_661 = tpu.memref_slice %arg2[%squeeze3A_649, %dma_start3A_660] : memref<1000000x64xf32, #tpu.memory_space<hbm>> -> memref<1x64xf32, #tpu.memory_space<hbm>>
      %dma_start3A_662 = tpu.memref_squeeze %dma_start3A_661 : memref<1x64xf32, #tpu.memory_space<hbm>> -> memref<64xf32, #tpu.memory_space<hbm>>
      tpu.enqueue_dma source(%dma_start3A_662 : memref<64xf32, #tpu.memory_space<hbm>>) target(%dma_start3A_659 : memref<64xf32, #tpu.memory_space<vmem>>) target_semaphore(%arg7 : memref<!tpu.dma_semaphore, #tpu.memory_space<semaphore_mem>>)
      %add3A_663 = arith.constant 16 : i32
      %add3A_664 = arith.addi %mul3A_88, %add3A_663 : i32
      %add3A_665 = arith.constant 14 : i32
      %add3A_666 = arith.addi %add3A_664, %add3A_665 : i32
      %slice3A_667 = vector.extract_strided_slice %get3A_396 {offsets = [14], sizes = [1], strides = [1]} : vector<16xi32> to vector<1xi32>
      %squeeze3A_668 = vector.extract %slice3A_667[0] : i32 from vector<1xi32>
      %add3A_669 = arith.addi %mul3A_88, %add3A_666 : i32
      %dma_start3A_670 = arith.constant 0 : i32
      %dma_start3A_671 = tpu.memref_slice %arg6[%add3A_669, %dma_start3A_670] : memref<512x64xf32, #tpu.memory_space<vmem>> -> memref<1x64xf32, #tpu.memory_space<vmem>>
      %dma_start3A_672 = tpu.memref_squeeze %dma_start3A_671 : memref<1x64xf32, #tpu.memory_space<vmem>> -> memref<64xf32, #tpu.memory_space<vmem>>
      %dma_start3A_673 = arith.constant 0 : i32
      %dma_start3A_674 = tpu.memref_slice %arg2[%squeeze3A_668, %dma_start3A_673] : memref<1000000x64xf32, #tpu.memory_space<hbm>> -> memref<1x64xf32, #tpu.memory_space<hbm>>
      %dma_start3A_675 = tpu.memref_squeeze %dma_start3A_674 : memref<1x64xf32, #tpu.memory_space<hbm>> -> memref<64xf32, #tpu.memory_space<hbm>>
      %dma_start3A_676 = arith.constant 0 : i32
      %dma_start3A_677 = tpu.memref_slice %arg6[%add3A_669, %dma_start3A_676] : memref<512x64xf32, #tpu.memory_space<vmem>> -> memref<1x64xf32, #tpu.memory_space<vmem>>
      %dma_start3A_678 = tpu.memref_squeeze %dma_start3A_677 : memref<1x64xf32, #tpu.memory_space<vmem>> -> memref<64xf32, #tpu.memory_space<vmem>>
      %dma_start3A_679 = arith.constant 0 : i32
      %dma_start3A_680 = tpu.memref_slice %arg2[%squeeze3A_668, %dma_start3A_679] : memref<1000000x64xf32, #tpu.memory_space<hbm>> -> memref<1x64xf32, #tpu.memory_space<hbm>>
      %dma_start3A_681 = tpu.memref_squeeze %dma_start3A_680 : memref<1x64xf32, #tpu.memory_space<hbm>> -> memref<64xf32, #tpu.memory_space<hbm>>
      tpu.enqueue_dma source(%dma_start3A_681 : memref<64xf32, #tpu.memory_space<hbm>>) target(%dma_start3A_678 : memref<64xf32, #tpu.memory_space<vmem>>) target_semaphore(%arg7 : memref<!tpu.dma_semaphore, #tpu.memory_space<semaphore_mem>>)
      %add3A_682 = arith.constant 16 : i32
      %add3A_683 = arith.addi %mul3A_88, %add3A_682 : i32
      %add3A_684 = arith.constant 15 : i32
      %add3A_685 = arith.addi %add3A_683, %add3A_684 : i32
      %slice3A_686 = vector.extract_strided_slice %get3A_396 {offsets = [15], sizes = [1], strides = [1]} : vector<16xi32> to vector<1xi32>
      %squeeze3A_687 = vector.extract %slice3A_686[0] : i32 from vector<1xi32>
      %add3A_688 = arith.addi %mul3A_88, %add3A_685 : i32
      %dma_start3A_689 = arith.constant 0 : i32
      %dma_start3A_690 = tpu.memref_slice %arg6[%add3A_688, %dma_start3A_689] : memref<512x64xf32, #tpu.memory_space<vmem>> -> memref<1x64xf32, #tpu.memory_space<vmem>>
      %dma_start3A_691 = tpu.memref_squeeze %dma_start3A_690 : memref<1x64xf32, #tpu.memory_space<vmem>> -> memref<64xf32, #tpu.memory_space<vmem>>
      %dma_start3A_692 = arith.constant 0 : i32
      %dma_start3A_693 = tpu.memref_slice %arg2[%squeeze3A_687, %dma_start3A_692] : memref<1000000x64xf32, #tpu.memory_space<hbm>> -> memref<1x64xf32, #tpu.memory_space<hbm>>
      %dma_start3A_694 = tpu.memref_squeeze %dma_start3A_693 : memref<1x64xf32, #tpu.memory_space<hbm>> -> memref<64xf32, #tpu.memory_space<hbm>>
      %dma_start3A_695 = arith.constant 0 : i32
      %dma_start3A_696 = tpu.memref_slice %arg6[%add3A_688, %dma_start3A_695] : memref<512x64xf32, #tpu.memory_space<vmem>> -> memref<1x64xf32, #tpu.memory_space<vmem>>
      %dma_start3A_697 = tpu.memref_squeeze %dma_start3A_696 : memref<1x64xf32, #tpu.memory_space<vmem>> -> memref<64xf32, #tpu.memory_space<vmem>>
      %dma_start3A_698 = arith.constant 0 : i32
      %dma_start3A_699 = tpu.memref_slice %arg2[%squeeze3A_687, %dma_start3A_698] : memref<1000000x64xf32, #tpu.memory_space<hbm>> -> memref<1x64xf32, #tpu.memory_space<hbm>>
      %dma_start3A_700 = tpu.memref_squeeze %dma_start3A_699 : memref<1x64xf32, #tpu.memory_space<hbm>> -> memref<64xf32, #tpu.memory_space<hbm>>
      tpu.enqueue_dma source(%dma_start3A_700 : memref<64xf32, #tpu.memory_space<hbm>>) target(%dma_start3A_697 : memref<64xf32, #tpu.memory_space<vmem>>) target_semaphore(%arg7 : memref<!tpu.dma_semaphore, #tpu.memory_space<semaphore_mem>>)
      %add3A_701 = arith.constant 32 : i32
      %add3A_702 = arith.addi %mul3A_88, %add3A_701 : i32
      %get3A_703 = arith.index_cast %add3A_702 : i32 to index
      %get3A_704 = tpu.vector_load %arg5[%get3A_703] {strides = array<i32>} : memref<512xi32, #tpu.memory_space<vmem>>, vector<16xi32>,
      %add3A_705 = arith.constant 32 : i32
      %add3A_706 = arith.addi %mul3A_88, %add3A_705 : i32
      %add3A_707 = arith.constant 0 : i32
      %add3A_708 = arith.addi %add3A_706, %add3A_707 : i32
      %slice3A_709 = vector.extract_strided_slice %get3A_704 {offsets = [0], sizes = [1], strides = [1]} : vector<16xi32> to vector<1xi32>
      %squeeze3A_710 = vector.extract %slice3A_709[0] : i32 from vector<1xi32>
      %add3A_711 = arith.addi %mul3A_88, %add3A_708 : i32
      %dma_start3A_712 = arith.constant 0 : i32
      %dma_start3A_713 = tpu.memref_slice %arg6[%add3A_711, %dma_start3A_712] : memref<512x64xf32, #tpu.memory_space<vmem>> -> memref<1x64xf32, #tpu.memory_space<vmem>>
      %dma_start3A_714 = tpu.memref_squeeze %dma_start3A_713 : memref<1x64xf32, #tpu.memory_space<vmem>> -> memref<64xf32, #tpu.memory_space<vmem>>
      %dma_start3A_715 = arith.constant 0 : i32
      %dma_start3A_716 = tpu.memref_slice %arg2[%squeeze3A_710, %dma_start3A_715] : memref<1000000x64xf32, #tpu.memory_space<hbm>> -> memref<1x64xf32, #tpu.memory_space<hbm>>
      %dma_start3A_717 = tpu.memref_squeeze %dma_start3A_716 : memref<1x64xf32, #tpu.memory_space<hbm>> -> memref<64xf32, #tpu.memory_space<hbm>>
      %dma_start3A_718 = arith.constant 0 : i32
      %dma_start3A_719 = tpu.memref_slice %arg6[%add3A_711, %dma_start3A_718] : memref<512x64xf32, #tpu.memory_space<vmem>> -> memref<1x64xf32, #tpu.memory_space<vmem>>
      %dma_start3A_720 = tpu.memref_squeeze %dma_start3A_719 : memref<1x64xf32, #tpu.memory_space<vmem>> -> memref<64xf32, #tpu.memory_space<vmem>>
      %dma_start3A_721 = arith.constant 0 : i32
      %dma_start3A_722 = tpu.memref_slice %arg2[%squeeze3A_710, %dma_start3A_721] : memref<1000000x64xf32, #tpu.memory_space<hbm>> -> memref<1x64xf32, #tpu.memory_space<hbm>>
      %dma_start3A_723 = tpu.memref_squeeze %dma_start3A_722 : memref<1x64xf32, #tpu.memory_space<hbm>> -> memref<64xf32, #tpu.memory_space<hbm>>
      tpu.enqueue_dma source(%dma_start3A_723 : memref<64xf32, #tpu.memory_space<hbm>>) target(%dma_start3A_720 : memref<64xf32, #tpu.memory_space<vmem>>) target_semaphore(%arg7 : memref<!tpu.dma_semaphore, #tpu.memory_space<semaphore_mem>>)
      %add3A_724 = arith.constant 32 : i32
      %add3A_725 = arith.addi %mul3A_88, %add3A_724 : i32
      %add3A_726 = arith.constant 1 : i32
      %add3A_727 = arith.addi %add3A_725, %add3A_726 : i32
      %slice3A_728 = vector.extract_strided_slice %get3A_704 {offsets = [1], sizes = [1], strides = [1]} : vector<16xi32> to vector<1xi32>
      %squeeze3A_729 = vector.extract %slice3A_728[0] : i32 from vector<1xi32>
      %add3A_730 = arith.addi %mul3A_88, %add3A_727 : i32
      %dma_start3A_731 = arith.constant 0 : i32
      %dma_start3A_732 = tpu.memref_slice %arg6[%add3A_730, %dma_start3A_731] : memref<512x64xf32, #tpu.memory_space<vmem>> -> memref<1x64xf32, #tpu.memory_space<vmem>>
      %dma_start3A_733 = tpu.memref_squeeze %dma_start3A_732 : memref<1x64xf32, #tpu.memory_space<vmem>> -> memref<64xf32, #tpu.memory_space<vmem>>
      %dma_start3A_734 = arith.constant 0 : i32
      %dma_start3A_735 = tpu.memref_slice %arg2[%squeeze3A_729, %dma_start3A_734] : memref<1000000x64xf32, #tpu.memory_space<hbm>> -> memref<1x64xf32, #tpu.memory_space<hbm>>
      %dma_start3A_736 = tpu.memref_squeeze %dma_start3A_735 : memref<1x64xf32, #tpu.memory_space<hbm>> -> memref<64xf32, #tpu.memory_space<hbm>>
      %dma_start3A_737 = arith.constant 0 : i32
      %dma_start3A_738 = tpu.memref_slice %arg6[%add3A_730, %dma_start3A_737] : memref<512x64xf32, #tpu.memory_space<vmem>> -> memref<1x64xf32, #tpu.memory_space<vmem>>
      %dma_start3A_739 = tpu.memref_squeeze %dma_start3A_738 : memref<1x64xf32, #tpu.memory_space<vmem>> -> memref<64xf32, #tpu.memory_space<vmem>>
      %dma_start3A_740 = arith.constant 0 : i32
      %dma_start3A_741 = tpu.memref_slice %arg2[%squeeze3A_729, %dma_start3A_740] : memref<1000000x64xf32, #tpu.memory_space<hbm>> -> memref<1x64xf32, #tpu.memory_space<hbm>>
      %dma_start3A_742 = tpu.memref_squeeze %dma_start3A_741 : memref<1x64xf32, #tpu.memory_space<hbm>> -> memref<64xf32, #tpu.memory_space<hbm>>
      tpu.enqueue_dma source(%dma_start3A_742 : memref<64xf32, #tpu.memory_space<hbm>>) target(%dma_start3A_739 : memref<64xf32, #tpu.memory_space<vmem>>) target_semaphore(%arg7 : memref<!tpu.dma_semaphore, #tpu.memory_space<semaphore_mem>>)
      %add3A_743 = arith.constant 32 : i32
      %add3A_744 = arith.addi %mul3A_88, %add3A_743 : i32
      %add3A_745 = arith.constant 2 : i32
      %add3A_746 = arith.addi %add3A_744, %add3A_745 : i32
      %slice3A_747 = vector.extract_strided_slice %get3A_704 {offsets = [2], sizes = [1], strides = [1]} : vector<16xi32> to vector<1xi32>
      %squeeze3A_748 = vector.extract %slice3A_747[0] : i32 from vector<1xi32>
      %add3A_749 = arith.addi %mul3A_88, %add3A_746 : i32
      %dma_start3A_750 = arith.constant 0 : i32
      %dma_start3A_751 = tpu.memref_slice %arg6[%add3A_749, %dma_start3A_750] : memref<512x64xf32, #tpu.memory_space<vmem>> -> memref<1x64xf32, #tpu.memory_space<vmem>>
      %dma_start3A_752 = tpu.memref_squeeze %dma_start3A_751 : memref<1x64xf32, #tpu.memory_space<vmem>> -> memref<64xf32, #tpu.memory_space<vmem>>
      %dma_start3A_753 = arith.constant 0 : i32
      %dma_start3A_754 = tpu.memref_slice %arg2[%squeeze3A_748, %dma_start3A_753] : memref<1000000x64xf32, #tpu.memory_space<hbm>> -> memref<1x64xf32, #tpu.memory_space<hbm>>
      %dma_start3A_755 = tpu.memref_squeeze %dma_start3A_754 : memref<1x64xf32, #tpu.memory_space<hbm>> -> memref<64xf32, #tpu.memory_space<hbm>>
      %dma_start3A_756 = arith.constant 0 : i32
      %dma_start3A_757 = tpu.memref_slice %arg6[%add3A_749, %dma_start3A_756] : memref<512x64xf32, #tpu.memory_space<vmem>> -> memref<1x64xf32, #tpu.memory_space<vmem>>
      %dma_start3A_758 = tpu.memref_squeeze %dma_start3A_757 : memref<1x64xf32, #tpu.memory_space<vmem>> -> memref<64xf32, #tpu.memory_space<vmem>>
      %dma_start3A_759 = arith.constant 0 : i32
      %dma_start3A_760 = tpu.memref_slice %arg2[%squeeze3A_748, %dma_start3A_759] : memref<1000000x64xf32, #tpu.memory_space<hbm>> -> memref<1x64xf32, #tpu.memory_space<hbm>>
      %dma_start3A_761 = tpu.memref_squeeze %dma_start3A_760 : memref<1x64xf32, #tpu.memory_space<hbm>> -> memref<64xf32, #tpu.memory_space<hbm>>
      tpu.enqueue_dma source(%dma_start3A_761 : memref<64xf32, #tpu.memory_space<hbm>>) target(%dma_start3A_758 : memref<64xf32, #tpu.memory_space<vmem>>) target_semaphore(%arg7 : memref<!tpu.dma_semaphore, #tpu.memory_space<semaphore_mem>>)
      %add3A_762 = arith.constant 32 : i32
      %add3A_763 = arith.addi %mul3A_88, %add3A_762 : i32
      %add3A_764 = arith.constant 3 : i32
      %add3A_765 = arith.addi %add3A_763, %add3A_764 : i32
      %slice3A_766 = vector.extract_strided_slice %get3A_704 {offsets = [3], sizes = [1], strides = [1]} : vector<16xi32> to vector<1xi32>
      %squeeze3A_767 = vector.extract %slice3A_766[0] : i32 from vector<1xi32>
      %add3A_768 = arith.addi %mul3A_88, %add3A_765 : i32
      %dma_start3A_769 = arith.constant 0 : i32
      %dma_start3A_770 = tpu.memref_slice %arg6[%add3A_768, %dma_start3A_769] : memref<512x64xf32, #tpu.memory_space<vmem>> -> memref<1x64xf32, #tpu.memory_space<vmem>>
      %dma_start3A_771 = tpu.memref_squeeze %dma_start3A_770 : memref<1x64xf32, #tpu.memory_space<vmem>> -> memref<64xf32, #tpu.memory_space<vmem>>
      %dma_start3A_772 = arith.constant 0 : i32
      %dma_start3A_773 = tpu.memref_slice %arg2[%squeeze3A_767, %dma_start3A_772] : memref<1000000x64xf32, #tpu.memory_space<hbm>> -> memref<1x64xf32, #tpu.memory_space<hbm>>
      %dma_start3A_774 = tpu.memref_squeeze %dma_start3A_773 : memref<1x64xf32, #tpu.memory_space<hbm>> -> memref<64xf32, #tpu.memory_space<hbm>>
      %dma_start3A_775 = arith.constant 0 : i32
      %dma_start3A_776 = tpu.memref_slice %arg6[%add3A_768, %dma_start3A_775] : memref<512x64xf32, #tpu.memory_space<vmem>> -> memref<1x64xf32, #tpu.memory_space<vmem>>
      %dma_start3A_777 = tpu.memref_squeeze %dma_start3A_776 : memref<1x64xf32, #tpu.memory_space<vmem>> -> memref<64xf32, #tpu.memory_space<vmem>>
      %dma_start3A_778 = arith.constant 0 : i32
      %dma_start3A_779 = tpu.memref_slice %arg2[%squeeze3A_767, %dma_start3A_778] : memref<1000000x64xf32, #tpu.memory_space<hbm>> -> memref<1x64xf32, #tpu.memory_space<hbm>>
      %dma_start3A_780 = tpu.memref_squeeze %dma_start3A_779 : memref<1x64xf32, #tpu.memory_space<hbm>> -> memref<64xf32, #tpu.memory_space<hbm>>
      tpu.enqueue_dma source(%dma_start3A_780 : memref<64xf32, #tpu.memory_space<hbm>>) target(%dma_start3A_777 : memref<64xf32, #tpu.memory_space<vmem>>) target_semaphore(%arg7 : memref<!tpu.dma_semaphore, #tpu.memory_space<semaphore_mem>>)
      %add3A_781 = arith.constant 32 : i32
      %add3A_782 = arith.addi %mul3A_88, %add3A_781 : i32
      %add3A_783 = arith.constant 4 : i32
      %add3A_784 = arith.addi %add3A_782, %add3A_783 : i32
      %slice3A_785 = vector.extract_strided_slice %get3A_704 {offsets = [4], sizes = [1], strides = [1]} : vector<16xi32> to vector<1xi32>
      %squeeze3A_786 = vector.extract %slice3A_785[0] : i32 from vector<1xi32>
      %add3A_787 = arith.addi %mul3A_88, %add3A_784 : i32
      %dma_start3A_788 = arith.constant 0 : i32
      %dma_start3A_789 = tpu.memref_slice %arg6[%add3A_787, %dma_start3A_788] : memref<512x64xf32, #tpu.memory_space<vmem>> -> memref<1x64xf32, #tpu.memory_space<vmem>>
      %dma_start3A_790 = tpu.memref_squeeze %dma_start3A_789 : memref<1x64xf32, #tpu.memory_space<vmem>> -> memref<64xf32, #tpu.memory_space<vmem>>
      %dma_start3A_791 = arith.constant 0 : i32
      %dma_start3A_792 = tpu.memref_slice %arg2[%squeeze3A_786, %dma_start3A_791] : memref<1000000x64xf32, #tpu.memory_space<hbm>> -> memref<1x64xf32, #tpu.memory_space<hbm>>
      %dma_start3A_793 = tpu.memref_squeeze %dma_start3A_792 : memref<1x64xf32, #tpu.memory_space<hbm>> -> memref<64xf32, #tpu.memory_space<hbm>>
      %dma_start3A_794 = arith.constant 0 : i32
      %dma_start3A_795 = tpu.memref_slice %arg6[%add3A_787, %dma_start3A_794] : memref<512x64xf32, #tpu.memory_space<vmem>> -> memref<1x64xf32, #tpu.memory_space<vmem>>
      %dma_start3A_796 = tpu.memref_squeeze %dma_start3A_795 : memref<1x64xf32, #tpu.memory_space<vmem>> -> memref<64xf32, #tpu.memory_space<vmem>>
      %dma_start3A_797 = arith.constant 0 : i32
      %dma_start3A_798 = tpu.memref_slice %arg2[%squeeze3A_786, %dma_start3A_797] : memref<1000000x64xf32, #tpu.memory_space<hbm>> -> memref<1x64xf32, #tpu.memory_space<hbm>>
      %dma_start3A_799 = tpu.memref_squeeze %dma_start3A_798 : memref<1x64xf32, #tpu.memory_space<hbm>> -> memref<64xf32, #tpu.memory_space<hbm>>
      tpu.enqueue_dma source(%dma_start3A_799 : memref<64xf32, #tpu.memory_space<hbm>>) target(%dma_start3A_796 : memref<64xf32, #tpu.memory_space<vmem>>) target_semaphore(%arg7 : memref<!tpu.dma_semaphore, #tpu.memory_space<semaphore_mem>>)
      %add3A_800 = arith.constant 32 : i32
      %add3A_801 = arith.addi %mul3A_88, %add3A_800 : i32
      %add3A_802 = arith.constant 5 : i32
      %add3A_803 = arith.addi %add3A_801, %add3A_802 : i32
      %slice3A_804 = vector.extract_strided_slice %get3A_704 {offsets = [5], sizes = [1], strides = [1]} : vector<16xi32> to vector<1xi32>
      %squeeze3A_805 = vector.extract %slice3A_804[0] : i32 from vector<1xi32>
      %add3A_806 = arith.addi %mul3A_88, %add3A_803 : i32
      %dma_start3A_807 = arith.constant 0 : i32
      %dma_start3A_808 = tpu.memref_slice %arg6[%add3A_806, %dma_start3A_807] : memref<512x64xf32, #tpu.memory_space<vmem>> -> memref<1x64xf32, #tpu.memory_space<vmem>>
      %dma_start3A_809 = tpu.memref_squeeze %dma_start3A_808 : memref<1x64xf32, #tpu.memory_space<vmem>> -> memref<64xf32, #tpu.memory_space<vmem>>
      %dma_start3A_810 = arith.constant 0 : i32
      %dma_start3A_811 = tpu.memref_slice %arg2[%squeeze3A_805, %dma_start3A_810] : memref<1000000x64xf32, #tpu.memory_space<hbm>> -> memref<1x64xf32, #tpu.memory_space<hbm>>
      %dma_start3A_812 = tpu.memref_squeeze %dma_start3A_811 : memref<1x64xf32, #tpu.memory_space<hbm>> -> memref<64xf32, #tpu.memory_space<hbm>>
      %dma_start3A_813 = arith.constant 0 : i32
      %dma_start3A_814 = tpu.memref_slice %arg6[%add3A_806, %dma_start3A_813] : memref<512x64xf32, #tpu.memory_space<vmem>> -> memref<1x64xf32, #tpu.memory_space<vmem>>
      %dma_start3A_815 = tpu.memref_squeeze %dma_start3A_814 : memref<1x64xf32, #tpu.memory_space<vmem>> -> memref<64xf32, #tpu.memory_space<vmem>>
      %dma_start3A_816 = arith.constant 0 : i32
      %dma_start3A_817 = tpu.memref_slice %arg2[%squeeze3A_805, %dma_start3A_816] : memref<1000000x64xf32, #tpu.memory_space<hbm>> -> memref<1x64xf32, #tpu.memory_space<hbm>>
      %dma_start3A_818 = tpu.memref_squeeze %dma_start3A_817 : memref<1x64xf32, #tpu.memory_space<hbm>> -> memref<64xf32, #tpu.memory_space<hbm>>
      tpu.enqueue_dma source(%dma_start3A_818 : memref<64xf32, #tpu.memory_space<hbm>>) target(%dma_start3A_815 : memref<64xf32, #tpu.memory_space<vmem>>) target_semaphore(%arg7 : memref<!tpu.dma_semaphore, #tpu.memory_space<semaphore_mem>>)
      %add3A_819 = arith.constant 32 : i32
      %add3A_820 = arith.addi %mul3A_88, %add3A_819 : i32
      %add3A_821 = arith.constant 6 : i32
      %add3A_822 = arith.addi %add3A_820, %add3A_821 : i32
      %slice3A_823 = vector.extract_strided_slice %get3A_704 {offsets = [6], sizes = [1], strides = [1]} : vector<16xi32> to vector<1xi32>
      %squeeze3A_824 = vector.extract %slice3A_823[0] : i32 from vector<1xi32>
      %add3A_825 = arith.addi %mul3A_88, %add3A_822 : i32
      %dma_start3A_826 = arith.constant 0 : i32
      %dma_start3A_827 = tpu.memref_slice %arg6[%add3A_825, %dma_start3A_826] : memref<512x64xf32, #tpu.memory_space<vmem>> -> memref<1x64xf32, #tpu.memory_space<vmem>>
      %dma_start3A_828 = tpu.memref_squeeze %dma_start3A_827 : memref<1x64xf32, #tpu.memory_space<vmem>> -> memref<64xf32, #tpu.memory_space<vmem>>
      %dma_start3A_829 = arith.constant 0 : i32
      %dma_start3A_830 = tpu.memref_slice %arg2[%squeeze3A_824, %dma_start3A_829] : memref<1000000x64xf32, #tpu.memory_space<hbm>> -> memref<1x64xf32, #tpu.memory_space<hbm>>
      %dma_start3A_831 = tpu.memref_squeeze %dma_start3A_830 : memref<1x64xf32, #tpu.memory_space<hbm>> -> memref<64xf32, #tpu.memory_space<hbm>>
      %dma_start3A_832 = arith.constant 0 : i32
      %dma_start3A_833 = tpu.memref_slice %arg6[%add3A_825, %dma_start3A_832] : memref<512x64xf32, #tpu.memory_space<vmem>> -> memref<1x64xf32, #tpu.memory_space<vmem>>
      %dma_start3A_834 = tpu.memref_squeeze %dma_start3A_833 : memref<1x64xf32, #tpu.memory_space<vmem>> -> memref<64xf32, #tpu.memory_space<vmem>>
      %dma_start3A_835 = arith.constant 0 : i32
      %dma_start3A_836 = tpu.memref_slice %arg2[%squeeze3A_824, %dma_start3A_835] : memref<1000000x64xf32, #tpu.memory_space<hbm>> -> memref<1x64xf32, #tpu.memory_space<hbm>>
      %dma_start3A_837 = tpu.memref_squeeze %dma_start3A_836 : memref<1x64xf32, #tpu.memory_space<hbm>> -> memref<64xf32, #tpu.memory_space<hbm>>
      tpu.enqueue_dma source(%dma_start3A_837 : memref<64xf32, #tpu.memory_space<hbm>>) target(%dma_start3A_834 : memref<64xf32, #tpu.memory_space<vmem>>) target_semaphore(%arg7 : memref<!tpu.dma_semaphore, #tpu.memory_space<semaphore_mem>>)
      %add3A_838 = arith.constant 32 : i32
      %add3A_839 = arith.addi %mul3A_88, %add3A_838 : i32
      %add3A_840 = arith.constant 7 : i32
      %add3A_841 = arith.addi %add3A_839, %add3A_840 : i32
      %slice3A_842 = vector.extract_strided_slice %get3A_704 {offsets = [7], sizes = [1], strides = [1]} : vector<16xi32> to vector<1xi32>
      %squeeze3A_843 = vector.extract %slice3A_842[0] : i32 from vector<1xi32>
      %add3A_844 = arith.addi %mul3A_88, %add3A_841 : i32
      %dma_start3A_845 = arith.constant 0 : i32
      %dma_start3A_846 = tpu.memref_slice %arg6[%add3A_844, %dma_start3A_845] : memref<512x64xf32, #tpu.memory_space<vmem>> -> memref<1x64xf32, #tpu.memory_space<vmem>>
      %dma_start3A_847 = tpu.memref_squeeze %dma_start3A_846 : memref<1x64xf32, #tpu.memory_space<vmem>> -> memref<64xf32, #tpu.memory_space<vmem>>
      %dma_start3A_848 = arith.constant 0 : i32
      %dma_start3A_849 = tpu.memref_slice %arg2[%squeeze3A_843, %dma_start3A_848] : memref<1000000x64xf32, #tpu.memory_space<hbm>> -> memref<1x64xf32, #tpu.memory_space<hbm>>
      %dma_start3A_850 = tpu.memref_squeeze %dma_start3A_849 : memref<1x64xf32, #tpu.memory_space<hbm>> -> memref<64xf32, #tpu.memory_space<hbm>>
      %dma_start3A_851 = arith.constant 0 : i32
      %dma_start3A_852 = tpu.memref_slice %arg6[%add3A_844, %dma_start3A_851] : memref<512x64xf32, #tpu.memory_space<vmem>> -> memref<1x64xf32, #tpu.memory_space<vmem>>
      %dma_start3A_853 = tpu.memref_squeeze %dma_start3A_852 : memref<1x64xf32, #tpu.memory_space<vmem>> -> memref<64xf32, #tpu.memory_space<vmem>>
      %dma_start3A_854 = arith.constant 0 : i32
      %dma_start3A_855 = tpu.memref_slice %arg2[%squeeze3A_843, %dma_start3A_854] : memref<1000000x64xf32, #tpu.memory_space<hbm>> -> memref<1x64xf32, #tpu.memory_space<hbm>>
      %dma_start3A_856 = tpu.memref_squeeze %dma_start3A_855 : memref<1x64xf32, #tpu.memory_space<hbm>> -> memref<64xf32, #tpu.memory_space<hbm>>
      tpu.enqueue_dma source(%dma_start3A_856 : memref<64xf32, #tpu.memory_space<hbm>>) target(%dma_start3A_853 : memref<64xf32, #tpu.memory_space<vmem>>) target_semaphore(%arg7 : memref<!tpu.dma_semaphore, #tpu.memory_space<semaphore_mem>>)
      %add3A_857 = arith.constant 32 : i32
      %add3A_858 = arith.addi %mul3A_88, %add3A_857 : i32
      %add3A_859 = arith.constant 8 : i32
      %add3A_860 = arith.addi %add3A_858, %add3A_859 : i32
      %slice3A_861 = vector.extract_strided_slice %get3A_704 {offsets = [8], sizes = [1], strides = [1]} : vector<16xi32> to vector<1xi32>
      %squeeze3A_862 = vector.extract %slice3A_861[0] : i32 from vector<1xi32>
      %add3A_863 = arith.addi %mul3A_88, %add3A_860 : i32
      %dma_start3A_864 = arith.constant 0 : i32
      %dma_start3A_865 = tpu.memref_slice %arg6[%add3A_863, %dma_start3A_864] : memref<512x64xf32, #tpu.memory_space<vmem>> -> memref<1x64xf32, #tpu.memory_space<vmem>>
      %dma_start3A_866 = tpu.memref_squeeze %dma_start3A_865 : memref<1x64xf32, #tpu.memory_space<vmem>> -> memref<64xf32, #tpu.memory_space<vmem>>
      %dma_start3A_867 = arith.constant 0 : i32
      %dma_start3A_868 = tpu.memref_slice %arg2[%squeeze3A_862, %dma_start3A_867] : memref<1000000x64xf32, #tpu.memory_space<hbm>> -> memref<1x64xf32, #tpu.memory_space<hbm>>
      %dma_start3A_869 = tpu.memref_squeeze %dma_start3A_868 : memref<1x64xf32, #tpu.memory_space<hbm>> -> memref<64xf32, #tpu.memory_space<hbm>>
      %dma_start3A_870 = arith.constant 0 : i32
      %dma_start3A_871 = tpu.memref_slice %arg6[%add3A_863, %dma_start3A_870] : memref<512x64xf32, #tpu.memory_space<vmem>> -> memref<1x64xf32, #tpu.memory_space<vmem>>
      %dma_start3A_872 = tpu.memref_squeeze %dma_start3A_871 : memref<1x64xf32, #tpu.memory_space<vmem>> -> memref<64xf32, #tpu.memory_space<vmem>>
      %dma_start3A_873 = arith.constant 0 : i32
      %dma_start3A_874 = tpu.memref_slice %arg2[%squeeze3A_862, %dma_start3A_873] : memref<1000000x64xf32, #tpu.memory_space<hbm>> -> memref<1x64xf32, #tpu.memory_space<hbm>>
      %dma_start3A_875 = tpu.memref_squeeze %dma_start3A_874 : memref<1x64xf32, #tpu.memory_space<hbm>> -> memref<64xf32, #tpu.memory_space<hbm>>
      tpu.enqueue_dma source(%dma_start3A_875 : memref<64xf32, #tpu.memory_space<hbm>>) target(%dma_start3A_872 : memref<64xf32, #tpu.memory_space<vmem>>) target_semaphore(%arg7 : memref<!tpu.dma_semaphore, #tpu.memory_space<semaphore_mem>>)
      %add3A_876 = arith.constant 32 : i32
      %add3A_877 = arith.addi %mul3A_88, %add3A_876 : i32
      %add3A_878 = arith.constant 9 : i32
      %add3A_879 = arith.addi %add3A_877, %add3A_878 : i32
      %slice3A_880 = vector.extract_strided_slice %get3A_704 {offsets = [9], sizes = [1], strides = [1]} : vector<16xi32> to vector<1xi32>
      %squeeze3A_881 = vector.extract %slice3A_880[0] : i32 from vector<1xi32>
      %add3A_882 = arith.addi %mul3A_88, %add3A_879 : i32
      %dma_start3A_883 = arith.constant 0 : i32
      %dma_start3A_884 = tpu.memref_slice %arg6[%add3A_882, %dma_start3A_883] : memref<512x64xf32, #tpu.memory_space<vmem>> -> memref<1x64xf32, #tpu.memory_space<vmem>>
      %dma_start3A_885 = tpu.memref_squeeze %dma_start3A_884 : memref<1x64xf32, #tpu.memory_space<vmem>> -> memref<64xf32, #tpu.memory_space<vmem>>
      %dma_start3A_886 = arith.constant 0 : i32
      %dma_start3A_887 = tpu.memref_slice %arg2[%squeeze3A_881, %dma_start3A_886] : memref<1000000x64xf32, #tpu.memory_space<hbm>> -> memref<1x64xf32, #tpu.memory_space<hbm>>
      %dma_start3A_888 = tpu.memref_squeeze %dma_start3A_887 : memref<1x64xf32, #tpu.memory_space<hbm>> -> memref<64xf32, #tpu.memory_space<hbm>>
      %dma_start3A_889 = arith.constant 0 : i32
      %dma_start3A_890 = tpu.memref_slice %arg6[%add3A_882, %dma_start3A_889] : memref<512x64xf32, #tpu.memory_space<vmem>> -> memref<1x64xf32, #tpu.memory_space<vmem>>
      %dma_start3A_891 = tpu.memref_squeeze %dma_start3A_890 : memref<1x64xf32, #tpu.memory_space<vmem>> -> memref<64xf32, #tpu.memory_space<vmem>>
      %dma_start3A_892 = arith.constant 0 : i32
      %dma_start3A_893 = tpu.memref_slice %arg2[%squeeze3A_881, %dma_start3A_892] : memref<1000000x64xf32, #tpu.memory_space<hbm>> -> memref<1x64xf32, #tpu.memory_space<hbm>>
      %dma_start3A_894 = tpu.memref_squeeze %dma_start3A_893 : memref<1x64xf32, #tpu.memory_space<hbm>> -> memref<64xf32, #tpu.memory_space<hbm>>
      tpu.enqueue_dma source(%dma_start3A_894 : memref<64xf32, #tpu.memory_space<hbm>>) target(%dma_start3A_891 : memref<64xf32, #tpu.memory_space<vmem>>) target_semaphore(%arg7 : memref<!tpu.dma_semaphore, #tpu.memory_space<semaphore_mem>>)
      %add3A_895 = arith.constant 32 : i32
      %add3A_896 = arith.addi %mul3A_88, %add3A_895 : i32
      %add3A_897 = arith.constant 10 : i32
      %add3A_898 = arith.addi %add3A_896, %add3A_897 : i32
      %slice3A_899 = vector.extract_strided_slice %get3A_704 {offsets = [10], sizes = [1], strides = [1]} : vector<16xi32> to vector<1xi32>
      %squeeze3A_900 = vector.extract %slice3A_899[0] : i32 from vector<1xi32>
      %add3A_901 = arith.addi %mul3A_88, %add3A_898 : i32
      %dma_start3A_902 = arith.constant 0 : i32
      %dma_start3A_903 = tpu.memref_slice %arg6[%add3A_901, %dma_start3A_902] : memref<512x64xf32, #tpu.memory_space<vmem>> -> memref<1x64xf32, #tpu.memory_space<vmem>>
      %dma_start3A_904 = tpu.memref_squeeze %dma_start3A_903 : memref<1x64xf32, #tpu.memory_space<vmem>> -> memref<64xf32, #tpu.memory_space<vmem>>
      %dma_start3A_905 = arith.constant 0 : i32
      %dma_start3A_906 = tpu.memref_slice %arg2[%squeeze3A_900, %dma_start3A_905] : memref<1000000x64xf32, #tpu.memory_space<hbm>> -> memref<1x64xf32, #tpu.memory_space<hbm>>
      %dma_start3A_907 = tpu.memref_squeeze %dma_start3A_906 : memref<1x64xf32, #tpu.memory_space<hbm>> -> memref<64xf32, #tpu.memory_space<hbm>>
      %dma_start3A_908 = arith.constant 0 : i32
      %dma_start3A_909 = tpu.memref_slice %arg6[%add3A_901, %dma_start3A_908] : memref<512x64xf32, #tpu.memory_space<vmem>> -> memref<1x64xf32, #tpu.memory_space<vmem>>
      %dma_start3A_910 = tpu.memref_squeeze %dma_start3A_909 : memref<1x64xf32, #tpu.memory_space<vmem>> -> memref<64xf32, #tpu.memory_space<vmem>>
      %dma_start3A_911 = arith.constant 0 : i32
      %dma_start3A_912 = tpu.memref_slice %arg2[%squeeze3A_900, %dma_start3A_911] : memref<1000000x64xf32, #tpu.memory_space<hbm>> -> memref<1x64xf32, #tpu.memory_space<hbm>>
      %dma_start3A_913 = tpu.memref_squeeze %dma_start3A_912 : memref<1x64xf32, #tpu.memory_space<hbm>> -> memref<64xf32, #tpu.memory_space<hbm>>
      tpu.enqueue_dma source(%dma_start3A_913 : memref<64xf32, #tpu.memory_space<hbm>>) target(%dma_start3A_910 : memref<64xf32, #tpu.memory_space<vmem>>) target_semaphore(%arg7 : memref<!tpu.dma_semaphore, #tpu.memory_space<semaphore_mem>>)
      %add3A_914 = arith.constant 32 : i32
      %add3A_915 = arith.addi %mul3A_88, %add3A_914 : i32
      %add3A_916 = arith.constant 11 : i32
      %add3A_917 = arith.addi %add3A_915, %add3A_916 : i32
      %slice3A_918 = vector.extract_strided_slice %get3A_704 {offsets = [11], sizes = [1], strides = [1]} : vector<16xi32> to vector<1xi32>
      %squeeze3A_919 = vector.extract %slice3A_918[0] : i32 from vector<1xi32>
      %add3A_920 = arith.addi %mul3A_88, %add3A_917 : i32
      %dma_start3A_921 = arith.constant 0 : i32
      %dma_start3A_922 = tpu.memref_slice %arg6[%add3A_920, %dma_start3A_921] : memref<512x64xf32, #tpu.memory_space<vmem>> -> memref<1x64xf32, #tpu.memory_space<vmem>>
      %dma_start3A_923 = tpu.memref_squeeze %dma_start3A_922 : memref<1x64xf32, #tpu.memory_space<vmem>> -> memref<64xf32, #tpu.memory_space<vmem>>
      %dma_start3A_924 = arith.constant 0 : i32
      %dma_start3A_925 = tpu.memref_slice %arg2[%squeeze3A_919, %dma_start3A_924] : memref<1000000x64xf32, #tpu.memory_space<hbm>> -> memref<1x64xf32, #tpu.memory_space<hbm>>
      %dma_start3A_926 = tpu.memref_squeeze %dma_start3A_925 : memref<1x64xf32, #tpu.memory_space<hbm>> -> memref<64xf32, #tpu.memory_space<hbm>>
      %dma_start3A_927 = arith.constant 0 : i32
      %dma_start3A_928 = tpu.memref_slice %arg6[%add3A_920, %dma_start3A_927] : memref<512x64xf32, #tpu.memory_space<vmem>> -> memref<1x64xf32, #tpu.memory_space<vmem>>
      %dma_start3A_929 = tpu.memref_squeeze %dma_start3A_928 : memref<1x64xf32, #tpu.memory_space<vmem>> -> memref<64xf32, #tpu.memory_space<vmem>>
      %dma_start3A_930 = arith.constant 0 : i32
      %dma_start3A_931 = tpu.memref_slice %arg2[%squeeze3A_919, %dma_start3A_930] : memref<1000000x64xf32, #tpu.memory_space<hbm>> -> memref<1x64xf32, #tpu.memory_space<hbm>>
      %dma_start3A_932 = tpu.memref_squeeze %dma_start3A_931 : memref<1x64xf32, #tpu.memory_space<hbm>> -> memref<64xf32, #tpu.memory_space<hbm>>
      tpu.enqueue_dma source(%dma_start3A_932 : memref<64xf32, #tpu.memory_space<hbm>>) target(%dma_start3A_929 : memref<64xf32, #tpu.memory_space<vmem>>) target_semaphore(%arg7 : memref<!tpu.dma_semaphore, #tpu.memory_space<semaphore_mem>>)
      %add3A_933 = arith.constant 32 : i32
      %add3A_934 = arith.addi %mul3A_88, %add3A_933 : i32
      %add3A_935 = arith.constant 12 : i32
      %add3A_936 = arith.addi %add3A_934, %add3A_935 : i32
      %slice3A_937 = vector.extract_strided_slice %get3A_704 {offsets = [12], sizes = [1], strides = [1]} : vector<16xi32> to vector<1xi32>
      %squeeze3A_938 = vector.extract %slice3A_937[0] : i32 from vector<1xi32>
      %add3A_939 = arith.addi %mul3A_88, %add3A_936 : i32
      %dma_start3A_940 = arith.constant 0 : i32
      %dma_start3A_941 = tpu.memref_slice %arg6[%add3A_939, %dma_start3A_940] : memref<512x64xf32, #tpu.memory_space<vmem>> -> memref<1x64xf32, #tpu.memory_space<vmem>>
      %dma_start3A_942 = tpu.memref_squeeze %dma_start3A_941 : memref<1x64xf32, #tpu.memory_space<vmem>> -> memref<64xf32, #tpu.memory_space<vmem>>
      %dma_start3A_943 = arith.constant 0 : i32
      %dma_start3A_944 = tpu.memref_slice %arg2[%squeeze3A_938, %dma_start3A_943] : memref<1000000x64xf32, #tpu.memory_space<hbm>> -> memref<1x64xf32, #tpu.memory_space<hbm>>
      %dma_start3A_945 = tpu.memref_squeeze %dma_start3A_944 : memref<1x64xf32, #tpu.memory_space<hbm>> -> memref<64xf32, #tpu.memory_space<hbm>>
      %dma_start3A_946 = arith.constant 0 : i32
      %dma_start3A_947 = tpu.memref_slice %arg6[%add3A_939, %dma_start3A_946] : memref<512x64xf32, #tpu.memory_space<vmem>> -> memref<1x64xf32, #tpu.memory_space<vmem>>
      %dma_start3A_948 = tpu.memref_squeeze %dma_start3A_947 : memref<1x64xf32, #tpu.memory_space<vmem>> -> memref<64xf32, #tpu.memory_space<vmem>>
      %dma_start3A_949 = arith.constant 0 : i32
      %dma_start3A_950 = tpu.memref_slice %arg2[%squeeze3A_938, %dma_start3A_949] : memref<1000000x64xf32, #tpu.memory_space<hbm>> -> memref<1x64xf32, #tpu.memory_space<hbm>>
      %dma_start3A_951 = tpu.memref_squeeze %dma_start3A_950 : memref<1x64xf32, #tpu.memory_space<hbm>> -> memref<64xf32, #tpu.memory_space<hbm>>
      tpu.enqueue_dma source(%dma_start3A_951 : memref<64xf32, #tpu.memory_space<hbm>>) target(%dma_start3A_948 : memref<64xf32, #tpu.memory_space<vmem>>) target_semaphore(%arg7 : memref<!tpu.dma_semaphore, #tpu.memory_space<semaphore_mem>>)
      %add3A_952 = arith.constant 32 : i32
      %add3A_953 = arith.addi %mul3A_88, %add3A_952 : i32
      %add3A_954 = arith.constant 13 : i32
      %add3A_955 = arith.addi %add3A_953, %add3A_954 : i32
      %slice3A_956 = vector.extract_strided_slice %get3A_704 {offsets = [13], sizes = [1], strides = [1]} : vector<16xi32> to vector<1xi32>
      %squeeze3A_957 = vector.extract %slice3A_956[0] : i32 from vector<1xi32>
      %add3A_958 = arith.addi %mul3A_88, %add3A_955 : i32
      %dma_start3A_959 = arith.constant 0 : i32
      %dma_start3A_960 = tpu.memref_slice %arg6[%add3A_958, %dma_start3A_959] : memref<512x64xf32, #tpu.memory_space<vmem>> -> memref<1x64xf32, #tpu.memory_space<vmem>>
      %dma_start3A_961 = tpu.memref_squeeze %dma_start3A_960 : memref<1x64xf32, #tpu.memory_space<vmem>> -> memref<64xf32, #tpu.memory_space<vmem>>
      %dma_start3A_962 = arith.constant 0 : i32
      %dma_start3A_963 = tpu.memref_slice %arg2[%squeeze3A_957, %dma_start3A_962] : memref<1000000x64xf32, #tpu.memory_space<hbm>> -> memref<1x64xf32, #tpu.memory_space<hbm>>
      %dma_start3A_964 = tpu.memref_squeeze %dma_start3A_963 : memref<1x64xf32, #tpu.memory_space<hbm>> -> memref<64xf32, #tpu.memory_space<hbm>>
      %dma_start3A_965 = arith.constant 0 : i32
      %dma_start3A_966 = tpu.memref_slice %arg6[%add3A_958, %dma_start3A_965] : memref<512x64xf32, #tpu.memory_space<vmem>> -> memref<1x64xf32, #tpu.memory_space<vmem>>
      %dma_start3A_967 = tpu.memref_squeeze %dma_start3A_966 : memref<1x64xf32, #tpu.memory_space<vmem>> -> memref<64xf32, #tpu.memory_space<vmem>>
      %dma_start3A_968 = arith.constant 0 : i32
      %dma_start3A_969 = tpu.memref_slice %arg2[%squeeze3A_957, %dma_start3A_968] : memref<1000000x64xf32, #tpu.memory_space<hbm>> -> memref<1x64xf32, #tpu.memory_space<hbm>>
      %dma_start3A_970 = tpu.memref_squeeze %dma_start3A_969 : memref<1x64xf32, #tpu.memory_space<hbm>> -> memref<64xf32, #tpu.memory_space<hbm>>
      tpu.enqueue_dma source(%dma_start3A_970 : memref<64xf32, #tpu.memory_space<hbm>>) target(%dma_start3A_967 : memref<64xf32, #tpu.memory_space<vmem>>) target_semaphore(%arg7 : memref<!tpu.dma_semaphore, #tpu.memory_space<semaphore_mem>>)
      %add3A_971 = arith.constant 32 : i32
      %add3A_972 = arith.addi %mul3A_88, %add3A_971 : i32
      %add3A_973 = arith.constant 14 : i32
      %add3A_974 = arith.addi %add3A_972, %add3A_973 : i32
      %slice3A_975 = vector.extract_strided_slice %get3A_704 {offsets = [14], sizes = [1], strides = [1]} : vector<16xi32> to vector<1xi32>
      %squeeze3A_976 = vector.extract %slice3A_975[0] : i32 from vector<1xi32>
      %add3A_977 = arith.addi %mul3A_88, %add3A_974 : i32
      %dma_start3A_978 = arith.constant 0 : i32
      %dma_start3A_979 = tpu.memref_slice %arg6[%add3A_977, %dma_start3A_978] : memref<512x64xf32, #tpu.memory_space<vmem>> -> memref<1x64xf32, #tpu.memory_space<vmem>>
      %dma_start3A_980 = tpu.memref_squeeze %dma_start3A_979 : memref<1x64xf32, #tpu.memory_space<vmem>> -> memref<64xf32, #tpu.memory_space<vmem>>
      %dma_start3A_981 = arith.constant 0 : i32
      %dma_start3A_982 = tpu.memref_slice %arg2[%squeeze3A_976, %dma_start3A_981] : memref<1000000x64xf32, #tpu.memory_space<hbm>> -> memref<1x64xf32, #tpu.memory_space<hbm>>
      %dma_start3A_983 = tpu.memref_squeeze %dma_start3A_982 : memref<1x64xf32, #tpu.memory_space<hbm>> -> memref<64xf32, #tpu.memory_space<hbm>>
      %dma_start3A_984 = arith.constant 0 : i32
      %dma_start3A_985 = tpu.memref_slice %arg6[%add3A_977, %dma_start3A_984] : memref<512x64xf32, #tpu.memory_space<vmem>> -> memref<1x64xf32, #tpu.memory_space<vmem>>
      %dma_start3A_986 = tpu.memref_squeeze %dma_start3A_985 : memref<1x64xf32, #tpu.memory_space<vmem>> -> memref<64xf32, #tpu.memory_space<vmem>>
      %dma_start3A_987 = arith.constant 0 : i32
      %dma_start3A_988 = tpu.memref_slice %arg2[%squeeze3A_976, %dma_start3A_987] : memref<1000000x64xf32, #tpu.memory_space<hbm>> -> memref<1x64xf32, #tpu.memory_space<hbm>>
      %dma_start3A_989 = tpu.memref_squeeze %dma_start3A_988 : memref<1x64xf32, #tpu.memory_space<hbm>> -> memref<64xf32, #tpu.memory_space<hbm>>
      tpu.enqueue_dma source(%dma_start3A_989 : memref<64xf32, #tpu.memory_space<hbm>>) target(%dma_start3A_986 : memref<64xf32, #tpu.memory_space<vmem>>) target_semaphore(%arg7 : memref<!tpu.dma_semaphore, #tpu.memory_space<semaphore_mem>>)
      %add3A_990 = arith.constant 32 : i32
      %add3A_991 = arith.addi %mul3A_88, %add3A_990 : i32
      %add3A_992 = arith.constant 15 : i32
      %add3A_993 = arith.addi %add3A_991, %add3A_992 : i32
      %slice3A_994 = vector.extract_strided_slice %get3A_704 {offsets = [15], sizes = [1], strides = [1]} : vector<16xi32> to vector<1xi32>
      %squeeze3A_995 = vector.extract %slice3A_994[0] : i32 from vector<1xi32>
      %add3A_996 = arith.addi %mul3A_88, %add3A_993 : i32
      %dma_start3A_997 = arith.constant 0 : i32
      %dma_start3A_998 = tpu.memref_slice %arg6[%add3A_996, %dma_start3A_997] : memref<512x64xf32, #tpu.memory_space<vmem>> -> memref<1x64xf32, #tpu.memory_space<vmem>>
      %dma_start3A_999 = tpu.memref_squeeze %dma_start3A_998 : memref<1x64xf32, #tpu.memory_space<vmem>> -> memref<64xf32, #tpu.memory_space<vmem>>
      %dma_start3A_1000 = arith.constant 0 : i32
      %dma_start3A_1001 = tpu.memref_slice %arg2[%squeeze3A_995, %dma_start3A_1000] : memref<1000000x64xf32, #tpu.memory_space<hbm>> -> memref<1x64xf32, #tpu.memory_space<hbm>>
      %dma_start3A_1002 = tpu.memref_squeeze %dma_start3A_1001 : memref<1x64xf32, #tpu.memory_space<hbm>> -> memref<64xf32, #tpu.memory_space<hbm>>
      %dma_start3A_1003 = arith.constant 0 : i32
      %dma_start3A_1004 = tpu.memref_slice %arg6[%add3A_996, %dma_start3A_1003] : memref<512x64xf32, #tpu.memory_space<vmem>> -> memref<1x64xf32, #tpu.memory_space<vmem>>
      %dma_start3A_1005 = tpu.memref_squeeze %dma_start3A_1004 : memref<1x64xf32, #tpu.memory_space<vmem>> -> memref<64xf32, #tpu.memory_space<vmem>>
      %dma_start3A_1006 = arith.constant 0 : i32
      %dma_start3A_1007 = tpu.memref_slice %arg2[%squeeze3A_995, %dma_start3A_1006] : memref<1000000x64xf32, #tpu.memory_space<hbm>> -> memref<1x64xf32, #tpu.memory_space<hbm>>
      %dma_start3A_1008 = tpu.memref_squeeze %dma_start3A_1007 : memref<1x64xf32, #tpu.memory_space<hbm>> -> memref<64xf32, #tpu.memory_space<hbm>>
      tpu.enqueue_dma source(%dma_start3A_1008 : memref<64xf32, #tpu.memory_space<hbm>>) target(%dma_start3A_1005 : memref<64xf32, #tpu.memory_space<vmem>>) target_semaphore(%arg7 : memref<!tpu.dma_semaphore, #tpu.memory_space<semaphore_mem>>)
      %add3A_1009 = arith.constant 48 : i32
      %add3A_1010 = arith.addi %mul3A_88, %add3A_1009 : i32
      %get3A_1011 = arith.index_cast %add3A_1010 : i32 to index
      %get3A_1012 = tpu.vector_load %arg5[%get3A_1011] {strides = array<i32>} : memref<512xi32, #tpu.memory_space<vmem>>, vector<16xi32>,
      %add3A_1013 = arith.constant 48 : i32
      %add3A_1014 = arith.addi %mul3A_88, %add3A_1013 : i32
      %add3A_1015 = arith.constant 0 : i32
      %add3A_1016 = arith.addi %add3A_1014, %add3A_1015 : i32
      %slice3A_1017 = vector.extract_strided_slice %get3A_1012 {offsets = [0], sizes = [1], strides = [1]} : vector<16xi32> to vector<1xi32>
      %squeeze3A_1018 = vector.extract %slice3A_1017[0] : i32 from vector<1xi32>
      %add3A_1019 = arith.addi %mul3A_88, %add3A_1016 : i32
      %dma_start3A_1020 = arith.constant 0 : i32
      %dma_start3A_1021 = tpu.memref_slice %arg6[%add3A_1019, %dma_start3A_1020] : memref<512x64xf32, #tpu.memory_space<vmem>> -> memref<1x64xf32, #tpu.memory_space<vmem>>
      %dma_start3A_1022 = tpu.memref_squeeze %dma_start3A_1021 : memref<1x64xf32, #tpu.memory_space<vmem>> -> memref<64xf32, #tpu.memory_space<vmem>>
      %dma_start3A_1023 = arith.constant 0 : i32
      %dma_start3A_1024 = tpu.memref_slice %arg2[%squeeze3A_1018, %dma_start3A_1023] : memref<1000000x64xf32, #tpu.memory_space<hbm>> -> memref<1x64xf32, #tpu.memory_space<hbm>>
      %dma_start3A_1025 = tpu.memref_squeeze %dma_start3A_1024 : memref<1x64xf32, #tpu.memory_space<hbm>> -> memref<64xf32, #tpu.memory_space<hbm>>
      %dma_start3A_1026 = arith.constant 0 : i32
      %dma_start3A_1027 = tpu.memref_slice %arg6[%add3A_1019, %dma_start3A_1026] : memref<512x64xf32, #tpu.memory_space<vmem>> -> memref<1x64xf32, #tpu.memory_space<vmem>>
      %dma_start3A_1028 = tpu.memref_squeeze %dma_start3A_1027 : memref<1x64xf32, #tpu.memory_space<vmem>> -> memref<64xf32, #tpu.memory_space<vmem>>
      %dma_start3A_1029 = arith.constant 0 : i32
      %dma_start3A_1030 = tpu.memref_slice %arg2[%squeeze3A_1018, %dma_start3A_1029] : memref<1000000x64xf32, #tpu.memory_space<hbm>> -> memref<1x64xf32, #tpu.memory_space<hbm>>
      %dma_start3A_1031 = tpu.memref_squeeze %dma_start3A_1030 : memref<1x64xf32, #tpu.memory_space<hbm>> -> memref<64xf32, #tpu.memory_space<hbm>>
      tpu.enqueue_dma source(%dma_start3A_1031 : memref<64xf32, #tpu.memory_space<hbm>>) target(%dma_start3A_1028 : memref<64xf32, #tpu.memory_space<vmem>>) target_semaphore(%arg7 : memref<!tpu.dma_semaphore, #tpu.memory_space<semaphore_mem>>)
      %add3A_1032 = arith.constant 48 : i32
      %add3A_1033 = arith.addi %mul3A_88, %add3A_1032 : i32
      %add3A_1034 = arith.constant 1 : i32
      %add3A_1035 = arith.addi %add3A_1033, %add3A_1034 : i32
      %slice3A_1036 = vector.extract_strided_slice %get3A_1012 {offsets = [1], sizes = [1], strides = [1]} : vector<16xi32> to vector<1xi32>
      %squeeze3A_1037 = vector.extract %slice3A_1036[0] : i32 from vector<1xi32>
      %add3A_1038 = arith.addi %mul3A_88, %add3A_1035 : i32
      %dma_start3A_1039 = arith.constant 0 : i32
      %dma_start3A_1040 = tpu.memref_slice %arg6[%add3A_1038, %dma_start3A_1039] : memref<512x64xf32, #tpu.memory_space<vmem>> -> memref<1x64xf32, #tpu.memory_space<vmem>>
      %dma_start3A_1041 = tpu.memref_squeeze %dma_start3A_1040 : memref<1x64xf32, #tpu.memory_space<vmem>> -> memref<64xf32, #tpu.memory_space<vmem>>
      %dma_start3A_1042 = arith.constant 0 : i32
      %dma_start3A_1043 = tpu.memref_slice %arg2[%squeeze3A_1037, %dma_start3A_1042] : memref<1000000x64xf32, #tpu.memory_space<hbm>> -> memref<1x64xf32, #tpu.memory_space<hbm>>
      %dma_start3A_1044 = tpu.memref_squeeze %dma_start3A_1043 : memref<1x64xf32, #tpu.memory_space<hbm>> -> memref<64xf32, #tpu.memory_space<hbm>>
      %dma_start3A_1045 = arith.constant 0 : i32
      %dma_start3A_1046 = tpu.memref_slice %arg6[%add3A_1038, %dma_start3A_1045] : memref<512x64xf32, #tpu.memory_space<vmem>> -> memref<1x64xf32, #tpu.memory_space<vmem>>
      %dma_start3A_1047 = tpu.memref_squeeze %dma_start3A_1046 : memref<1x64xf32, #tpu.memory_space<vmem>> -> memref<64xf32, #tpu.memory_space<vmem>>
      %dma_start3A_1048 = arith.constant 0 : i32
      %dma_start3A_1049 = tpu.memref_slice %arg2[%squeeze3A_1037, %dma_start3A_1048] : memref<1000000x64xf32, #tpu.memory_space<hbm>> -> memref<1x64xf32, #tpu.memory_space<hbm>>
      %dma_start3A_1050 = tpu.memref_squeeze %dma_start3A_1049 : memref<1x64xf32, #tpu.memory_space<hbm>> -> memref<64xf32, #tpu.memory_space<hbm>>
      tpu.enqueue_dma source(%dma_start3A_1050 : memref<64xf32, #tpu.memory_space<hbm>>) target(%dma_start3A_1047 : memref<64xf32, #tpu.memory_space<vmem>>) target_semaphore(%arg7 : memref<!tpu.dma_semaphore, #tpu.memory_space<semaphore_mem>>)
      %add3A_1051 = arith.constant 48 : i32
      %add3A_1052 = arith.addi %mul3A_88, %add3A_1051 : i32
      %add3A_1053 = arith.constant 2 : i32
      %add3A_1054 = arith.addi %add3A_1052, %add3A_1053 : i32
      %slice3A_1055 = vector.extract_strided_slice %get3A_1012 {offsets = [2], sizes = [1], strides = [1]} : vector<16xi32> to vector<1xi32>
      %squeeze3A_1056 = vector.extract %slice3A_1055[0] : i32 from vector<1xi32>
      %add3A_1057 = arith.addi %mul3A_88, %add3A_1054 : i32
      %dma_start3A_1058 = arith.constant 0 : i32
      %dma_start3A_1059 = tpu.memref_slice %arg6[%add3A_1057, %dma_start3A_1058] : memref<512x64xf32, #tpu.memory_space<vmem>> -> memref<1x64xf32, #tpu.memory_space<vmem>>
      %dma_start3A_1060 = tpu.memref_squeeze %dma_start3A_1059 : memref<1x64xf32, #tpu.memory_space<vmem>> -> memref<64xf32, #tpu.memory_space<vmem>>
      %dma_start3A_1061 = arith.constant 0 : i32
      %dma_start3A_1062 = tpu.memref_slice %arg2[%squeeze3A_1056, %dma_start3A_1061] : memref<1000000x64xf32, #tpu.memory_space<hbm>> -> memref<1x64xf32, #tpu.memory_space<hbm>>
      %dma_start3A_1063 = tpu.memref_squeeze %dma_start3A_1062 : memref<1x64xf32, #tpu.memory_space<hbm>> -> memref<64xf32, #tpu.memory_space<hbm>>
      %dma_start3A_1064 = arith.constant 0 : i32
      %dma_start3A_1065 = tpu.memref_slice %arg6[%add3A_1057, %dma_start3A_1064] : memref<512x64xf32, #tpu.memory_space<vmem>> -> memref<1x64xf32, #tpu.memory_space<vmem>>
      %dma_start3A_1066 = tpu.memref_squeeze %dma_start3A_1065 : memref<1x64xf32, #tpu.memory_space<vmem>> -> memref<64xf32, #tpu.memory_space<vmem>>
      %dma_start3A_1067 = arith.constant 0 : i32
      %dma_start3A_1068 = tpu.memref_slice %arg2[%squeeze3A_1056, %dma_start3A_1067] : memref<1000000x64xf32, #tpu.memory_space<hbm>> -> memref<1x64xf32, #tpu.memory_space<hbm>>
      %dma_start3A_1069 = tpu.memref_squeeze %dma_start3A_1068 : memref<1x64xf32, #tpu.memory_space<hbm>> -> memref<64xf32, #tpu.memory_space<hbm>>
      tpu.enqueue_dma source(%dma_start3A_1069 : memref<64xf32, #tpu.memory_space<hbm>>) target(%dma_start3A_1066 : memref<64xf32, #tpu.memory_space<vmem>>) target_semaphore(%arg7 : memref<!tpu.dma_semaphore, #tpu.memory_space<semaphore_mem>>)
      %add3A_1070 = arith.constant 48 : i32
      %add3A_1071 = arith.addi %mul3A_88, %add3A_1070 : i32
      %add3A_1072 = arith.constant 3 : i32
      %add3A_1073 = arith.addi %add3A_1071, %add3A_1072 : i32
      %slice3A_1074 = vector.extract_strided_slice %get3A_1012 {offsets = [3], sizes = [1], strides = [1]} : vector<16xi32> to vector<1xi32>
      %squeeze3A_1075 = vector.extract %slice3A_1074[0] : i32 from vector<1xi32>
      %add3A_1076 = arith.addi %mul3A_88, %add3A_1073 : i32
      %dma_start3A_1077 = arith.constant 0 : i32
      %dma_start3A_1078 = tpu.memref_slice %arg6[%add3A_1076, %dma_start3A_1077] : memref<512x64xf32, #tpu.memory_space<vmem>> -> memref<1x64xf32, #tpu.memory_space<vmem>>
      %dma_start3A_1079 = tpu.memref_squeeze %dma_start3A_1078 : memref<1x64xf32, #tpu.memory_space<vmem>> -> memref<64xf32, #tpu.memory_space<vmem>>
      %dma_start3A_1080 = arith.constant 0 : i32
      %dma_start3A_1081 = tpu.memref_slice %arg2[%squeeze3A_1075, %dma_start3A_1080] : memref<1000000x64xf32, #tpu.memory_space<hbm>> -> memref<1x64xf32, #tpu.memory_space<hbm>>
      %dma_start3A_1082 = tpu.memref_squeeze %dma_start3A_1081 : memref<1x64xf32, #tpu.memory_space<hbm>> -> memref<64xf32, #tpu.memory_space<hbm>>
      %dma_start3A_1083 = arith.constant 0 : i32
      %dma_start3A_1084 = tpu.memref_slice %arg6[%add3A_1076, %dma_start3A_1083] : memref<512x64xf32, #tpu.memory_space<vmem>> -> memref<1x64xf32, #tpu.memory_space<vmem>>
      %dma_start3A_1085 = tpu.memref_squeeze %dma_start3A_1084 : memref<1x64xf32, #tpu.memory_space<vmem>> -> memref<64xf32, #tpu.memory_space<vmem>>
      %dma_start3A_1086 = arith.constant 0 : i32
      %dma_start3A_1087 = tpu.memref_slice %arg2[%squeeze3A_1075, %dma_start3A_1086] : memref<1000000x64xf32, #tpu.memory_space<hbm>> -> memref<1x64xf32, #tpu.memory_space<hbm>>
      %dma_start3A_1088 = tpu.memref_squeeze %dma_start3A_1087 : memref<1x64xf32, #tpu.memory_space<hbm>> -> memref<64xf32, #tpu.memory_space<hbm>>
      tpu.enqueue_dma source(%dma_start3A_1088 : memref<64xf32, #tpu.memory_space<hbm>>) target(%dma_start3A_1085 : memref<64xf32, #tpu.memory_space<vmem>>) target_semaphore(%arg7 : memref<!tpu.dma_semaphore, #tpu.memory_space<semaphore_mem>>)
      %add3A_1089 = arith.constant 48 : i32
      %add3A_1090 = arith.addi %mul3A_88, %add3A_1089 : i32
      %add3A_1091 = arith.constant 4 : i32
      %add3A_1092 = arith.addi %add3A_1090, %add3A_1091 : i32
      %slice3A_1093 = vector.extract_strided_slice %get3A_1012 {offsets = [4], sizes = [1], strides = [1]} : vector<16xi32> to vector<1xi32>
      %squeeze3A_1094 = vector.extract %slice3A_1093[0] : i32 from vector<1xi32>
      %add3A_1095 = arith.addi %mul3A_88, %add3A_1092 : i32
      %dma_start3A_1096 = arith.constant 0 : i32
      %dma_start3A_1097 = tpu.memref_slice %arg6[%add3A_1095, %dma_start3A_1096] : memref<512x64xf32, #tpu.memory_space<vmem>> -> memref<1x64xf32, #tpu.memory_space<vmem>>
      %dma_start3A_1098 = tpu.memref_squeeze %dma_start3A_1097 : memref<1x64xf32, #tpu.memory_space<vmem>> -> memref<64xf32, #tpu.memory_space<vmem>>
      %dma_start3A_1099 = arith.constant 0 : i32
      %dma_start3A_1100 = tpu.memref_slice %arg2[%squeeze3A_1094, %dma_start3A_1099] : memref<1000000x64xf32, #tpu.memory_space<hbm>> -> memref<1x64xf32, #tpu.memory_space<hbm>>
      %dma_start3A_1101 = tpu.memref_squeeze %dma_start3A_1100 : memref<1x64xf32, #tpu.memory_space<hbm>> -> memref<64xf32, #tpu.memory_space<hbm>>
      %dma_start3A_1102 = arith.constant 0 : i32
      %dma_start3A_1103 = tpu.memref_slice %arg6[%add3A_1095, %dma_start3A_1102] : memref<512x64xf32, #tpu.memory_space<vmem>> -> memref<1x64xf32, #tpu.memory_space<vmem>>
      %dma_start3A_1104 = tpu.memref_squeeze %dma_start3A_1103 : memref<1x64xf32, #tpu.memory_space<vmem>> -> memref<64xf32, #tpu.memory_space<vmem>>
      %dma_start3A_1105 = arith.constant 0 : i32
      %dma_start3A_1106 = tpu.memref_slice %arg2[%squeeze3A_1094, %dma_start3A_1105] : memref<1000000x64xf32, #tpu.memory_space<hbm>> -> memref<1x64xf32, #tpu.memory_space<hbm>>
      %dma_start3A_1107 = tpu.memref_squeeze %dma_start3A_1106 : memref<1x64xf32, #tpu.memory_space<hbm>> -> memref<64xf32, #tpu.memory_space<hbm>>
      tpu.enqueue_dma source(%dma_start3A_1107 : memref<64xf32, #tpu.memory_space<hbm>>) target(%dma_start3A_1104 : memref<64xf32, #tpu.memory_space<vmem>>) target_semaphore(%arg7 : memref<!tpu.dma_semaphore, #tpu.memory_space<semaphore_mem>>)
      %add3A_1108 = arith.constant 48 : i32
      %add3A_1109 = arith.addi %mul3A_88, %add3A_1108 : i32
      %add3A_1110 = arith.constant 5 : i32
      %add3A_1111 = arith.addi %add3A_1109, %add3A_1110 : i32
      %slice3A_1112 = vector.extract_strided_slice %get3A_1012 {offsets = [5], sizes = [1], strides = [1]} : vector<16xi32> to vector<1xi32>
      %squeeze3A_1113 = vector.extract %slice3A_1112[0] : i32 from vector<1xi32>
      %add3A_1114 = arith.addi %mul3A_88, %add3A_1111 : i32
      %dma_start3A_1115 = arith.constant 0 : i32
      %dma_start3A_1116 = tpu.memref_slice %arg6[%add3A_1114, %dma_start3A_1115] : memref<512x64xf32, #tpu.memory_space<vmem>> -> memref<1x64xf32, #tpu.memory_space<vmem>>
      %dma_start3A_1117 = tpu.memref_squeeze %dma_start3A_1116 : memref<1x64xf32, #tpu.memory_space<vmem>> -> memref<64xf32, #tpu.memory_space<vmem>>
      %dma_start3A_1118 = arith.constant 0 : i32
      %dma_start3A_1119 = tpu.memref_slice %arg2[%squeeze3A_1113, %dma_start3A_1118] : memref<1000000x64xf32, #tpu.memory_space<hbm>> -> memref<1x64xf32, #tpu.memory_space<hbm>>
      %dma_start3A_1120 = tpu.memref_squeeze %dma_start3A_1119 : memref<1x64xf32, #tpu.memory_space<hbm>> -> memref<64xf32, #tpu.memory_space<hbm>>
      %dma_start3A_1121 = arith.constant 0 : i32
      %dma_start3A_1122 = tpu.memref_slice %arg6[%add3A_1114, %dma_start3A_1121] : memref<512x64xf32, #tpu.memory_space<vmem>> -> memref<1x64xf32, #tpu.memory_space<vmem>>
      %dma_start3A_1123 = tpu.memref_squeeze %dma_start3A_1122 : memref<1x64xf32, #tpu.memory_space<vmem>> -> memref<64xf32, #tpu.memory_space<vmem>>
      %dma_start3A_1124 = arith.constant 0 : i32
      %dma_start3A_1125 = tpu.memref_slice %arg2[%squeeze3A_1113, %dma_start3A_1124] : memref<1000000x64xf32, #tpu.memory_space<hbm>> -> memref<1x64xf32, #tpu.memory_space<hbm>>
      %dma_start3A_1126 = tpu.memref_squeeze %dma_start3A_1125 : memref<1x64xf32, #tpu.memory_space<hbm>> -> memref<64xf32, #tpu.memory_space<hbm>>
      tpu.enqueue_dma source(%dma_start3A_1126 : memref<64xf32, #tpu.memory_space<hbm>>) target(%dma_start3A_1123 : memref<64xf32, #tpu.memory_space<vmem>>) target_semaphore(%arg7 : memref<!tpu.dma_semaphore, #tpu.memory_space<semaphore_mem>>)
      %add3A_1127 = arith.constant 48 : i32
      %add3A_1128 = arith.addi %mul3A_88, %add3A_1127 : i32
      %add3A_1129 = arith.constant 6 : i32
      %add3A_1130 = arith.addi %add3A_1128, %add3A_1129 : i32
      %slice3A_1131 = vector.extract_strided_slice %get3A_1012 {offsets = [6], sizes = [1], strides = [1]} : vector<16xi32> to vector<1xi32>
      %squeeze3A_1132 = vector.extract %slice3A_1131[0] : i32 from vector<1xi32>
      %add3A_1133 = arith.addi %mul3A_88, %add3A_1130 : i32
      %dma_start3A_1134 = arith.constant 0 : i32
      %dma_start3A_1135 = tpu.memref_slice %arg6[%add3A_1133, %dma_start3A_1134] : memref<512x64xf32, #tpu.memory_space<vmem>> -> memref<1x64xf32, #tpu.memory_space<vmem>>
      %dma_start3A_1136 = tpu.memref_squeeze %dma_start3A_1135 : memref<1x64xf32, #tpu.memory_space<vmem>> -> memref<64xf32, #tpu.memory_space<vmem>>
      %dma_start3A_1137 = arith.constant 0 : i32
      %dma_start3A_1138 = tpu.memref_slice %arg2[%squeeze3A_1132, %dma_start3A_1137] : memref<1000000x64xf32, #tpu.memory_space<hbm>> -> memref<1x64xf32, #tpu.memory_space<hbm>>
      %dma_start3A_1139 = tpu.memref_squeeze %dma_start3A_1138 : memref<1x64xf32, #tpu.memory_space<hbm>> -> memref<64xf32, #tpu.memory_space<hbm>>
      %dma_start3A_1140 = arith.constant 0 : i32
      %dma_start3A_1141 = tpu.memref_slice %arg6[%add3A_1133, %dma_start3A_1140] : memref<512x64xf32, #tpu.memory_space<vmem>> -> memref<1x64xf32, #tpu.memory_space<vmem>>
      %dma_start3A_1142 = tpu.memref_squeeze %dma_start3A_1141 : memref<1x64xf32, #tpu.memory_space<vmem>> -> memref<64xf32, #tpu.memory_space<vmem>>
      %dma_start3A_1143 = arith.constant 0 : i32
      %dma_start3A_1144 = tpu.memref_slice %arg2[%squeeze3A_1132, %dma_start3A_1143] : memref<1000000x64xf32, #tpu.memory_space<hbm>> -> memref<1x64xf32, #tpu.memory_space<hbm>>
      %dma_start3A_1145 = tpu.memref_squeeze %dma_start3A_1144 : memref<1x64xf32, #tpu.memory_space<hbm>> -> memref<64xf32, #tpu.memory_space<hbm>>
      tpu.enqueue_dma source(%dma_start3A_1145 : memref<64xf32, #tpu.memory_space<hbm>>) target(%dma_start3A_1142 : memref<64xf32, #tpu.memory_space<vmem>>) target_semaphore(%arg7 : memref<!tpu.dma_semaphore, #tpu.memory_space<semaphore_mem>>)
      %add3A_1146 = arith.constant 48 : i32
      %add3A_1147 = arith.addi %mul3A_88, %add3A_1146 : i32
      %add3A_1148 = arith.constant 7 : i32
      %add3A_1149 = arith.addi %add3A_1147, %add3A_1148 : i32
      %slice3A_1150 = vector.extract_strided_slice %get3A_1012 {offsets = [7], sizes = [1], strides = [1]} : vector<16xi32> to vector<1xi32>
      %squeeze3A_1151 = vector.extract %slice3A_1150[0] : i32 from vector<1xi32>
      %add3A_1152 = arith.addi %mul3A_88, %add3A_1149 : i32
      %dma_start3A_1153 = arith.constant 0 : i32
      %dma_start3A_1154 = tpu.memref_slice %arg6[%add3A_1152, %dma_start3A_1153] : memref<512x64xf32, #tpu.memory_space<vmem>> -> memref<1x64xf32, #tpu.memory_space<vmem>>
      %dma_start3A_1155 = tpu.memref_squeeze %dma_start3A_1154 : memref<1x64xf32, #tpu.memory_space<vmem>> -> memref<64xf32, #tpu.memory_space<vmem>>
      %dma_start3A_1156 = arith.constant 0 : i32
      %dma_start3A_1157 = tpu.memref_slice %arg2[%squeeze3A_1151, %dma_start3A_1156] : memref<1000000x64xf32, #tpu.memory_space<hbm>> -> memref<1x64xf32, #tpu.memory_space<hbm>>
      %dma_start3A_1158 = tpu.memref_squeeze %dma_start3A_1157 : memref<1x64xf32, #tpu.memory_space<hbm>> -> memref<64xf32, #tpu.memory_space<hbm>>
      %dma_start3A_1159 = arith.constant 0 : i32
      %dma_start3A_1160 = tpu.memref_slice %arg6[%add3A_1152, %dma_start3A_1159] : memref<512x64xf32, #tpu.memory_space<vmem>> -> memref<1x64xf32, #tpu.memory_space<vmem>>
      %dma_start3A_1161 = tpu.memref_squeeze %dma_start3A_1160 : memref<1x64xf32, #tpu.memory_space<vmem>> -> memref<64xf32, #tpu.memory_space<vmem>>
      %dma_start3A_1162 = arith.constant 0 : i32
      %dma_start3A_1163 = tpu.memref_slice %arg2[%squeeze3A_1151, %dma_start3A_1162] : memref<1000000x64xf32, #tpu.memory_space<hbm>> -> memref<1x64xf32, #tpu.memory_space<hbm>>
      %dma_start3A_1164 = tpu.memref_squeeze %dma_start3A_1163 : memref<1x64xf32, #tpu.memory_space<hbm>> -> memref<64xf32, #tpu.memory_space<hbm>>
      tpu.enqueue_dma source(%dma_start3A_1164 : memref<64xf32, #tpu.memory_space<hbm>>) target(%dma_start3A_1161 : memref<64xf32, #tpu.memory_space<vmem>>) target_semaphore(%arg7 : memref<!tpu.dma_semaphore, #tpu.memory_space<semaphore_mem>>)
      %add3A_1165 = arith.constant 48 : i32
      %add3A_1166 = arith.addi %mul3A_88, %add3A_1165 : i32
      %add3A_1167 = arith.constant 8 : i32
      %add3A_1168 = arith.addi %add3A_1166, %add3A_1167 : i32
      %slice3A_1169 = vector.extract_strided_slice %get3A_1012 {offsets = [8], sizes = [1], strides = [1]} : vector<16xi32> to vector<1xi32>
      %squeeze3A_1170 = vector.extract %slice3A_1169[0] : i32 from vector<1xi32>
      %add3A_1171 = arith.addi %mul3A_88, %add3A_1168 : i32
      %dma_start3A_1172 = arith.constant 0 : i32
      %dma_start3A_1173 = tpu.memref_slice %arg6[%add3A_1171, %dma_start3A_1172] : memref<512x64xf32, #tpu.memory_space<vmem>> -> memref<1x64xf32, #tpu.memory_space<vmem>>
      %dma_start3A_1174 = tpu.memref_squeeze %dma_start3A_1173 : memref<1x64xf32, #tpu.memory_space<vmem>> -> memref<64xf32, #tpu.memory_space<vmem>>
      %dma_start3A_1175 = arith.constant 0 : i32
      %dma_start3A_1176 = tpu.memref_slice %arg2[%squeeze3A_1170, %dma_start3A_1175] : memref<1000000x64xf32, #tpu.memory_space<hbm>> -> memref<1x64xf32, #tpu.memory_space<hbm>>
      %dma_start3A_1177 = tpu.memref_squeeze %dma_start3A_1176 : memref<1x64xf32, #tpu.memory_space<hbm>> -> memref<64xf32, #tpu.memory_space<hbm>>
      %dma_start3A_1178 = arith.constant 0 : i32
      %dma_start3A_1179 = tpu.memref_slice %arg6[%add3A_1171, %dma_start3A_1178] : memref<512x64xf32, #tpu.memory_space<vmem>> -> memref<1x64xf32, #tpu.memory_space<vmem>>
      %dma_start3A_1180 = tpu.memref_squeeze %dma_start3A_1179 : memref<1x64xf32, #tpu.memory_space<vmem>> -> memref<64xf32, #tpu.memory_space<vmem>>
      %dma_start3A_1181 = arith.constant 0 : i32
      %dma_start3A_1182 = tpu.memref_slice %arg2[%squeeze3A_1170, %dma_start3A_1181] : memref<1000000x64xf32, #tpu.memory_space<hbm>> -> memref<1x64xf32, #tpu.memory_space<hbm>>
      %dma_start3A_1183 = tpu.memref_squeeze %dma_start3A_1182 : memref<1x64xf32, #tpu.memory_space<hbm>> -> memref<64xf32, #tpu.memory_space<hbm>>
      tpu.enqueue_dma source(%dma_start3A_1183 : memref<64xf32, #tpu.memory_space<hbm>>) target(%dma_start3A_1180 : memref<64xf32, #tpu.memory_space<vmem>>) target_semaphore(%arg7 : memref<!tpu.dma_semaphore, #tpu.memory_space<semaphore_mem>>)
      %add3A_1184 = arith.constant 48 : i32
      %add3A_1185 = arith.addi %mul3A_88, %add3A_1184 : i32
      %add3A_1186 = arith.constant 9 : i32
      %add3A_1187 = arith.addi %add3A_1185, %add3A_1186 : i32
      %slice3A_1188 = vector.extract_strided_slice %get3A_1012 {offsets = [9], sizes = [1], strides = [1]} : vector<16xi32> to vector<1xi32>
      %squeeze3A_1189 = vector.extract %slice3A_1188[0] : i32 from vector<1xi32>
      %add3A_1190 = arith.addi %mul3A_88, %add3A_1187 : i32
      %dma_start3A_1191 = arith.constant 0 : i32
      %dma_start3A_1192 = tpu.memref_slice %arg6[%add3A_1190, %dma_start3A_1191] : memref<512x64xf32, #tpu.memory_space<vmem>> -> memref<1x64xf32, #tpu.memory_space<vmem>>
      %dma_start3A_1193 = tpu.memref_squeeze %dma_start3A_1192 : memref<1x64xf32, #tpu.memory_space<vmem>> -> memref<64xf32, #tpu.memory_space<vmem>>
      %dma_start3A_1194 = arith.constant 0 : i32
      %dma_start3A_1195 = tpu.memref_slice %arg2[%squeeze3A_1189, %dma_start3A_1194] : memref<1000000x64xf32, #tpu.memory_space<hbm>> -> memref<1x64xf32, #tpu.memory_space<hbm>>
      %dma_start3A_1196 = tpu.memref_squeeze %dma_start3A_1195 : memref<1x64xf32, #tpu.memory_space<hbm>> -> memref<64xf32, #tpu.memory_space<hbm>>
      %dma_start3A_1197 = arith.constant 0 : i32
      %dma_start3A_1198 = tpu.memref_slice %arg6[%add3A_1190, %dma_start3A_1197] : memref<512x64xf32, #tpu.memory_space<vmem>> -> memref<1x64xf32, #tpu.memory_space<vmem>>
      %dma_start3A_1199 = tpu.memref_squeeze %dma_start3A_1198 : memref<1x64xf32, #tpu.memory_space<vmem>> -> memref<64xf32, #tpu.memory_space<vmem>>
      %dma_start3A_1200 = arith.constant 0 : i32
      %dma_start3A_1201 = tpu.memref_slice %arg2[%squeeze3A_1189, %dma_start3A_1200] : memref<1000000x64xf32, #tpu.memory_space<hbm>> -> memref<1x64xf32, #tpu.memory_space<hbm>>
      %dma_start3A_1202 = tpu.memref_squeeze %dma_start3A_1201 : memref<1x64xf32, #tpu.memory_space<hbm>> -> memref<64xf32, #tpu.memory_space<hbm>>
      tpu.enqueue_dma source(%dma_start3A_1202 : memref<64xf32, #tpu.memory_space<hbm>>) target(%dma_start3A_1199 : memref<64xf32, #tpu.memory_space<vmem>>) target_semaphore(%arg7 : memref<!tpu.dma_semaphore, #tpu.memory_space<semaphore_mem>>)
      %add3A_1203 = arith.constant 48 : i32
      %add3A_1204 = arith.addi %mul3A_88, %add3A_1203 : i32
      %add3A_1205 = arith.constant 10 : i32
      %add3A_1206 = arith.addi %add3A_1204, %add3A_1205 : i32
      %slice3A_1207 = vector.extract_strided_slice %get3A_1012 {offsets = [10], sizes = [1], strides = [1]} : vector<16xi32> to vector<1xi32>
      %squeeze3A_1208 = vector.extract %slice3A_1207[0] : i32 from vector<1xi32>
      %add3A_1209 = arith.addi %mul3A_88, %add3A_1206 : i32
      %dma_start3A_1210 = arith.constant 0 : i32
      %dma_start3A_1211 = tpu.memref_slice %arg6[%add3A_1209, %dma_start3A_1210] : memref<512x64xf32, #tpu.memory_space<vmem>> -> memref<1x64xf32, #tpu.memory_space<vmem>>
      %dma_start3A_1212 = tpu.memref_squeeze %dma_start3A_1211 : memref<1x64xf32, #tpu.memory_space<vmem>> -> memref<64xf32, #tpu.memory_space<vmem>>
      %dma_start3A_1213 = arith.constant 0 : i32
      %dma_start3A_1214 = tpu.memref_slice %arg2[%squeeze3A_1208, %dma_start3A_1213] : memref<1000000x64xf32, #tpu.memory_space<hbm>> -> memref<1x64xf32, #tpu.memory_space<hbm>>
      %dma_start3A_1215 = tpu.memref_squeeze %dma_start3A_1214 : memref<1x64xf32, #tpu.memory_space<hbm>> -> memref<64xf32, #tpu.memory_space<hbm>>
      %dma_start3A_1216 = arith.constant 0 : i32
      %dma_start3A_1217 = tpu.memref_slice %arg6[%add3A_1209, %dma_start3A_1216] : memref<512x64xf32, #tpu.memory_space<vmem>> -> memref<1x64xf32, #tpu.memory_space<vmem>>
      %dma_start3A_1218 = tpu.memref_squeeze %dma_start3A_1217 : memref<1x64xf32, #tpu.memory_space<vmem>> -> memref<64xf32, #tpu.memory_space<vmem>>
      %dma_start3A_1219 = arith.constant 0 : i32
      %dma_start3A_1220 = tpu.memref_slice %arg2[%squeeze3A_1208, %dma_start3A_1219] : memref<1000000x64xf32, #tpu.memory_space<hbm>> -> memref<1x64xf32, #tpu.memory_space<hbm>>
      %dma_start3A_1221 = tpu.memref_squeeze %dma_start3A_1220 : memref<1x64xf32, #tpu.memory_space<hbm>> -> memref<64xf32, #tpu.memory_space<hbm>>
      tpu.enqueue_dma source(%dma_start3A_1221 : memref<64xf32, #tpu.memory_space<hbm>>) target(%dma_start3A_1218 : memref<64xf32, #tpu.memory_space<vmem>>) target_semaphore(%arg7 : memref<!tpu.dma_semaphore, #tpu.memory_space<semaphore_mem>>)
      %add3A_1222 = arith.constant 48 : i32
      %add3A_1223 = arith.addi %mul3A_88, %add3A_1222 : i32
      %add3A_1224 = arith.constant 11 : i32
      %add3A_1225 = arith.addi %add3A_1223, %add3A_1224 : i32
      %slice3A_1226 = vector.extract_strided_slice %get3A_1012 {offsets = [11], sizes = [1], strides = [1]} : vector<16xi32> to vector<1xi32>
      %squeeze3A_1227 = vector.extract %slice3A_1226[0] : i32 from vector<1xi32>
      %add3A_1228 = arith.addi %mul3A_88, %add3A_1225 : i32
      %dma_start3A_1229 = arith.constant 0 : i32
      %dma_start3A_1230 = tpu.memref_slice %arg6[%add3A_1228, %dma_start3A_1229] : memref<512x64xf32, #tpu.memory_space<vmem>> -> memref<1x64xf32, #tpu.memory_space<vmem>>
      %dma_start3A_1231 = tpu.memref_squeeze %dma_start3A_1230 : memref<1x64xf32, #tpu.memory_space<vmem>> -> memref<64xf32, #tpu.memory_space<vmem>>
      %dma_start3A_1232 = arith.constant 0 : i32
      %dma_start3A_1233 = tpu.memref_slice %arg2[%squeeze3A_1227, %dma_start3A_1232] : memref<1000000x64xf32, #tpu.memory_space<hbm>> -> memref<1x64xf32, #tpu.memory_space<hbm>>
      %dma_start3A_1234 = tpu.memref_squeeze %dma_start3A_1233 : memref<1x64xf32, #tpu.memory_space<hbm>> -> memref<64xf32, #tpu.memory_space<hbm>>
      %dma_start3A_1235 = arith.constant 0 : i32
      %dma_start3A_1236 = tpu.memref_slice %arg6[%add3A_1228, %dma_start3A_1235] : memref<512x64xf32, #tpu.memory_space<vmem>> -> memref<1x64xf32, #tpu.memory_space<vmem>>
      %dma_start3A_1237 = tpu.memref_squeeze %dma_start3A_1236 : memref<1x64xf32, #tpu.memory_space<vmem>> -> memref<64xf32, #tpu.memory_space<vmem>>
      %dma_start3A_1238 = arith.constant 0 : i32
      %dma_start3A_1239 = tpu.memref_slice %arg2[%squeeze3A_1227, %dma_start3A_1238] : memref<1000000x64xf32, #tpu.memory_space<hbm>> -> memref<1x64xf32, #tpu.memory_space<hbm>>
      %dma_start3A_1240 = tpu.memref_squeeze %dma_start3A_1239 : memref<1x64xf32, #tpu.memory_space<hbm>> -> memref<64xf32, #tpu.memory_space<hbm>>
      tpu.enqueue_dma source(%dma_start3A_1240 : memref<64xf32, #tpu.memory_space<hbm>>) target(%dma_start3A_1237 : memref<64xf32, #tpu.memory_space<vmem>>) target_semaphore(%arg7 : memref<!tpu.dma_semaphore, #tpu.memory_space<semaphore_mem>>)
      %add3A_1241 = arith.constant 48 : i32
      %add3A_1242 = arith.addi %mul3A_88, %add3A_1241 : i32
      %add3A_1243 = arith.constant 12 : i32
      %add3A_1244 = arith.addi %add3A_1242, %add3A_1243 : i32
      %slice3A_1245 = vector.extract_strided_slice %get3A_1012 {offsets = [12], sizes = [1], strides = [1]} : vector<16xi32> to vector<1xi32>
      %squeeze3A_1246 = vector.extract %slice3A_1245[0] : i32 from vector<1xi32>
      %add3A_1247 = arith.addi %mul3A_88, %add3A_1244 : i32
      %dma_start3A_1248 = arith.constant 0 : i32
      %dma_start3A_1249 = tpu.memref_slice %arg6[%add3A_1247, %dma_start3A_1248] : memref<512x64xf32, #tpu.memory_space<vmem>> -> memref<1x64xf32, #tpu.memory_space<vmem>>
      %dma_start3A_1250 = tpu.memref_squeeze %dma_start3A_1249 : memref<1x64xf32, #tpu.memory_space<vmem>> -> memref<64xf32, #tpu.memory_space<vmem>>
      %dma_start3A_1251 = arith.constant 0 : i32
      %dma_start3A_1252 = tpu.memref_slice %arg2[%squeeze3A_1246, %dma_start3A_1251] : memref<1000000x64xf32, #tpu.memory_space<hbm>> -> memref<1x64xf32, #tpu.memory_space<hbm>>
      %dma_start3A_1253 = tpu.memref_squeeze %dma_start3A_1252 : memref<1x64xf32, #tpu.memory_space<hbm>> -> memref<64xf32, #tpu.memory_space<hbm>>
      %dma_start3A_1254 = arith.constant 0 : i32
      %dma_start3A_1255 = tpu.memref_slice %arg6[%add3A_1247, %dma_start3A_1254] : memref<512x64xf32, #tpu.memory_space<vmem>> -> memref<1x64xf32, #tpu.memory_space<vmem>>
      %dma_start3A_1256 = tpu.memref_squeeze %dma_start3A_1255 : memref<1x64xf32, #tpu.memory_space<vmem>> -> memref<64xf32, #tpu.memory_space<vmem>>
      %dma_start3A_1257 = arith.constant 0 : i32
      %dma_start3A_1258 = tpu.memref_slice %arg2[%squeeze3A_1246, %dma_start3A_1257] : memref<1000000x64xf32, #tpu.memory_space<hbm>> -> memref<1x64xf32, #tpu.memory_space<hbm>>
      %dma_start3A_1259 = tpu.memref_squeeze %dma_start3A_1258 : memref<1x64xf32, #tpu.memory_space<hbm>> -> memref<64xf32, #tpu.memory_space<hbm>>
      tpu.enqueue_dma source(%dma_start3A_1259 : memref<64xf32, #tpu.memory_space<hbm>>) target(%dma_start3A_1256 : memref<64xf32, #tpu.memory_space<vmem>>) target_semaphore(%arg7 : memref<!tpu.dma_semaphore, #tpu.memory_space<semaphore_mem>>)
      %add3A_1260 = arith.constant 48 : i32
      %add3A_1261 = arith.addi %mul3A_88, %add3A_1260 : i32
      %add3A_1262 = arith.constant 13 : i32
      %add3A_1263 = arith.addi %add3A_1261, %add3A_1262 : i32
      %slice3A_1264 = vector.extract_strided_slice %get3A_1012 {offsets = [13], sizes = [1], strides = [1]} : vector<16xi32> to vector<1xi32>
      %squeeze3A_1265 = vector.extract %slice3A_1264[0] : i32 from vector<1xi32>
      %add3A_1266 = arith.addi %mul3A_88, %add3A_1263 : i32
      %dma_start3A_1267 = arith.constant 0 : i32
      %dma_start3A_1268 = tpu.memref_slice %arg6[%add3A_1266, %dma_start3A_1267] : memref<512x64xf32, #tpu.memory_space<vmem>> -> memref<1x64xf32, #tpu.memory_space<vmem>>
      %dma_start3A_1269 = tpu.memref_squeeze %dma_start3A_1268 : memref<1x64xf32, #tpu.memory_space<vmem>> -> memref<64xf32, #tpu.memory_space<vmem>>
      %dma_start3A_1270 = arith.constant 0 : i32
      %dma_start3A_1271 = tpu.memref_slice %arg2[%squeeze3A_1265, %dma_start3A_1270] : memref<1000000x64xf32, #tpu.memory_space<hbm>> -> memref<1x64xf32, #tpu.memory_space<hbm>>
      %dma_start3A_1272 = tpu.memref_squeeze %dma_start3A_1271 : memref<1x64xf32, #tpu.memory_space<hbm>> -> memref<64xf32, #tpu.memory_space<hbm>>
      %dma_start3A_1273 = arith.constant 0 : i32
      %dma_start3A_1274 = tpu.memref_slice %arg6[%add3A_1266, %dma_start3A_1273] : memref<512x64xf32, #tpu.memory_space<vmem>> -> memref<1x64xf32, #tpu.memory_space<vmem>>
      %dma_start3A_1275 = tpu.memref_squeeze %dma_start3A_1274 : memref<1x64xf32, #tpu.memory_space<vmem>> -> memref<64xf32, #tpu.memory_space<vmem>>
      %dma_start3A_1276 = arith.constant 0 : i32
      %dma_start3A_1277 = tpu.memref_slice %arg2[%squeeze3A_1265, %dma_start3A_1276] : memref<1000000x64xf32, #tpu.memory_space<hbm>> -> memref<1x64xf32, #tpu.memory_space<hbm>>
      %dma_start3A_1278 = tpu.memref_squeeze %dma_start3A_1277 : memref<1x64xf32, #tpu.memory_space<hbm>> -> memref<64xf32, #tpu.memory_space<hbm>>
      tpu.enqueue_dma source(%dma_start3A_1278 : memref<64xf32, #tpu.memory_space<hbm>>) target(%dma_start3A_1275 : memref<64xf32, #tpu.memory_space<vmem>>) target_semaphore(%arg7 : memref<!tpu.dma_semaphore, #tpu.memory_space<semaphore_mem>>)
      %add3A_1279 = arith.constant 48 : i32
      %add3A_1280 = arith.addi %mul3A_88, %add3A_1279 : i32
      %add3A_1281 = arith.constant 14 : i32
      %add3A_1282 = arith.addi %add3A_1280, %add3A_1281 : i32
      %slice3A_1283 = vector.extract_strided_slice %get3A_1012 {offsets = [14], sizes = [1], strides = [1]} : vector<16xi32> to vector<1xi32>
      %squeeze3A_1284 = vector.extract %slice3A_1283[0] : i32 from vector<1xi32>
      %add3A_1285 = arith.addi %mul3A_88, %add3A_1282 : i32
      %dma_start3A_1286 = arith.constant 0 : i32
      %dma_start3A_1287 = tpu.memref_slice %arg6[%add3A_1285, %dma_start3A_1286] : memref<512x64xf32, #tpu.memory_space<vmem>> -> memref<1x64xf32, #tpu.memory_space<vmem>>
      %dma_start3A_1288 = tpu.memref_squeeze %dma_start3A_1287 : memref<1x64xf32, #tpu.memory_space<vmem>> -> memref<64xf32, #tpu.memory_space<vmem>>
      %dma_start3A_1289 = arith.constant 0 : i32
      %dma_start3A_1290 = tpu.memref_slice %arg2[%squeeze3A_1284, %dma_start3A_1289] : memref<1000000x64xf32, #tpu.memory_space<hbm>> -> memref<1x64xf32, #tpu.memory_space<hbm>>
      %dma_start3A_1291 = tpu.memref_squeeze %dma_start3A_1290 : memref<1x64xf32, #tpu.memory_space<hbm>> -> memref<64xf32, #tpu.memory_space<hbm>>
      %dma_start3A_1292 = arith.constant 0 : i32
      %dma_start3A_1293 = tpu.memref_slice %arg6[%add3A_1285, %dma_start3A_1292] : memref<512x64xf32, #tpu.memory_space<vmem>> -> memref<1x64xf32, #tpu.memory_space<vmem>>
      %dma_start3A_1294 = tpu.memref_squeeze %dma_start3A_1293 : memref<1x64xf32, #tpu.memory_space<vmem>> -> memref<64xf32, #tpu.memory_space<vmem>>
      %dma_start3A_1295 = arith.constant 0 : i32
      %dma_start3A_1296 = tpu.memref_slice %arg2[%squeeze3A_1284, %dma_start3A_1295] : memref<1000000x64xf32, #tpu.memory_space<hbm>> -> memref<1x64xf32, #tpu.memory_space<hbm>>
      %dma_start3A_1297 = tpu.memref_squeeze %dma_start3A_1296 : memref<1x64xf32, #tpu.memory_space<hbm>> -> memref<64xf32, #tpu.memory_space<hbm>>
      tpu.enqueue_dma source(%dma_start3A_1297 : memref<64xf32, #tpu.memory_space<hbm>>) target(%dma_start3A_1294 : memref<64xf32, #tpu.memory_space<vmem>>) target_semaphore(%arg7 : memref<!tpu.dma_semaphore, #tpu.memory_space<semaphore_mem>>)
      %add3A_1298 = arith.constant 48 : i32
      %add3A_1299 = arith.addi %mul3A_88, %add3A_1298 : i32
      %add3A_1300 = arith.constant 15 : i32
      %add3A_1301 = arith.addi %add3A_1299, %add3A_1300 : i32
      %slice3A_1302 = vector.extract_strided_slice %get3A_1012 {offsets = [15], sizes = [1], strides = [1]} : vector<16xi32> to vector<1xi32>
      %squeeze3A_1303 = vector.extract %slice3A_1302[0] : i32 from vector<1xi32>
      %add3A_1304 = arith.addi %mul3A_88, %add3A_1301 : i32
      %dma_start3A_1305 = arith.constant 0 : i32
      %dma_start3A_1306 = tpu.memref_slice %arg6[%add3A_1304, %dma_start3A_1305] : memref<512x64xf32, #tpu.memory_space<vmem>> -> memref<1x64xf32, #tpu.memory_space<vmem>>
      %dma_start3A_1307 = tpu.memref_squeeze %dma_start3A_1306 : memref<1x64xf32, #tpu.memory_space<vmem>> -> memref<64xf32, #tpu.memory_space<vmem>>
      %dma_start3A_1308 = arith.constant 0 : i32
      %dma_start3A_1309 = tpu.memref_slice %arg2[%squeeze3A_1303, %dma_start3A_1308] : memref<1000000x64xf32, #tpu.memory_space<hbm>> -> memref<1x64xf32, #tpu.memory_space<hbm>>
      %dma_start3A_1310 = tpu.memref_squeeze %dma_start3A_1309 : memref<1x64xf32, #tpu.memory_space<hbm>> -> memref<64xf32, #tpu.memory_space<hbm>>
      %dma_start3A_1311 = arith.constant 0 : i32
      %dma_start3A_1312 = tpu.memref_slice %arg6[%add3A_1304, %dma_start3A_1311] : memref<512x64xf32, #tpu.memory_space<vmem>> -> memref<1x64xf32, #tpu.memory_space<vmem>>
      %dma_start3A_1313 = tpu.memref_squeeze %dma_start3A_1312 : memref<1x64xf32, #tpu.memory_space<vmem>> -> memref<64xf32, #tpu.memory_space<vmem>>
      %dma_start3A_1314 = arith.constant 0 : i32
      %dma_start3A_1315 = tpu.memref_slice %arg2[%squeeze3A_1303, %dma_start3A_1314] : memref<1000000x64xf32, #tpu.memory_space<hbm>> -> memref<1x64xf32, #tpu.memory_space<hbm>>
      %dma_start3A_1316 = tpu.memref_squeeze %dma_start3A_1315 : memref<1x64xf32, #tpu.memory_space<hbm>> -> memref<64xf32, #tpu.memory_space<hbm>>
      tpu.enqueue_dma source(%dma_start3A_1316 : memref<64xf32, #tpu.memory_space<hbm>>) target(%dma_start3A_1313 : memref<64xf32, #tpu.memory_space<vmem>>) target_semaphore(%arg7 : memref<!tpu.dma_semaphore, #tpu.memory_space<semaphore_mem>>)
      %dma_wait3A_1317 = arith.constant 0 : i32
      %dma_wait3A_1318 = tpu.memref_slice %arg6[%add3A_96, %dma_wait3A_1317] : memref<512x64xf32, #tpu.memory_space<vmem>> -> memref<1x64xf32, #tpu.memory_space<vmem>>
      %dma_wait3A_1319 = tpu.memref_squeeze %dma_wait3A_1318 : memref<1x64xf32, #tpu.memory_space<vmem>> -> memref<64xf32, #tpu.memory_space<vmem>>
      %dma_wait3A_1320 = arith.constant 0 : i32
      %dma_wait3A_1321 = tpu.memref_slice %arg2[%squeeze3A, %dma_wait3A_1320] : memref<1000000x64xf32, #tpu.memory_space<hbm>> -> memref<1x64xf32, #tpu.memory_space<hbm>>
      %dma_wait3A_1322 = tpu.memref_squeeze %dma_wait3A_1321 : memref<1x64xf32, #tpu.memory_space<hbm>> -> memref<64xf32, #tpu.memory_space<hbm>>
      %dma_wait3A_1323 = arith.constant 0 : i32
      %dma_wait3A_1324 = tpu.memref_slice %arg6[%add3A_96, %dma_wait3A_1323] : memref<512x64xf32, #tpu.memory_space<vmem>> -> memref<1x64xf32, #tpu.memory_space<vmem>>
      %dma_wait3A_1325 = tpu.memref_squeeze %dma_wait3A_1324 : memref<1x64xf32, #tpu.memory_space<vmem>> -> memref<64xf32, #tpu.memory_space<vmem>>
      %dma_wait3A_1326 = arith.constant 0 : i32
      %dma_wait3A_1327 = tpu.memref_slice %arg2[%squeeze3A, %dma_wait3A_1326] : memref<1000000x64xf32, #tpu.memory_space<hbm>> -> memref<1x64xf32, #tpu.memory_space<hbm>>
      %dma_wait3A_1328 = tpu.memref_squeeze %dma_wait3A_1327 : memref<1x64xf32, #tpu.memory_space<hbm>> -> memref<64xf32, #tpu.memory_space<hbm>>
      tpu.wait_dma2 semaphore(%arg7 : memref<!tpu.dma_semaphore, #tpu.memory_space<semaphore_mem>>) src(%dma_wait3A_1328 : memref<64xf32, #tpu.memory_space<hbm>>) dst(%dma_wait3A_1325 : memref<64xf32, #tpu.memory_space<vmem>>)
      %dma_wait3A_1329 = arith.constant 0 : i32
      %dma_wait3A_1330 = tpu.memref_slice %arg6[%add3A_114, %dma_wait3A_1329] : memref<512x64xf32, #tpu.memory_space<vmem>> -> memref<1x64xf32, #tpu.memory_space<vmem>>
      %dma_wait3A_1331 = tpu.memref_squeeze %dma_wait3A_1330 : memref<1x64xf32, #tpu.memory_space<vmem>> -> memref<64xf32, #tpu.memory_space<vmem>>
      %dma_wait3A_1332 = arith.constant 0 : i32
      %dma_wait3A_1333 = tpu.memref_slice %arg2[%squeeze3A_113, %dma_wait3A_1332] : memref<1000000x64xf32, #tpu.memory_space<hbm>> -> memref<1x64xf32, #tpu.memory_space<hbm>>
      %dma_wait3A_1334 = tpu.memref_squeeze %dma_wait3A_1333 : memref<1x64xf32, #tpu.memory_space<hbm>> -> memref<64xf32, #tpu.memory_space<hbm>>
      %dma_wait3A_1335 = arith.constant 0 : i32
      %dma_wait3A_1336 = tpu.memref_slice %arg6[%add3A_114, %dma_wait3A_1335] : memref<512x64xf32, #tpu.memory_space<vmem>> -> memref<1x64xf32, #tpu.memory_space<vmem>>
      %dma_wait3A_1337 = tpu.memref_squeeze %dma_wait3A_1336 : memref<1x64xf32, #tpu.memory_space<vmem>> -> memref<64xf32, #tpu.memory_space<vmem>>
      %dma_wait3A_1338 = arith.constant 0 : i32
      %dma_wait3A_1339 = tpu.memref_slice %arg2[%squeeze3A_113, %dma_wait3A_1338] : memref<1000000x64xf32, #tpu.memory_space<hbm>> -> memref<1x64xf32, #tpu.memory_space<hbm>>
      %dma_wait3A_1340 = tpu.memref_squeeze %dma_wait3A_1339 : memref<1x64xf32, #tpu.memory_space<hbm>> -> memref<64xf32, #tpu.memory_space<hbm>>
      tpu.wait_dma2 semaphore(%arg7 : memref<!tpu.dma_semaphore, #tpu.memory_space<semaphore_mem>>) src(%dma_wait3A_1340 : memref<64xf32, #tpu.memory_space<hbm>>) dst(%dma_wait3A_1337 : memref<64xf32, #tpu.memory_space<vmem>>)
      %dma_wait3A_1341 = arith.constant 0 : i32
      %dma_wait3A_1342 = tpu.memref_slice %arg6[%add3A_133, %dma_wait3A_1341] : memref<512x64xf32, #tpu.memory_space<vmem>> -> memref<1x64xf32, #tpu.memory_space<vmem>>
      %dma_wait3A_1343 = tpu.memref_squeeze %dma_wait3A_1342 : memref<1x64xf32, #tpu.memory_space<vmem>> -> memref<64xf32, #tpu.memory_space<vmem>>
      %dma_wait3A_1344 = arith.constant 0 : i32
      %dma_wait3A_1345 = tpu.memref_slice %arg2[%squeeze3A_132, %dma_wait3A_1344] : memref<1000000x64xf32, #tpu.memory_space<hbm>> -> memref<1x64xf32, #tpu.memory_space<hbm>>
      %dma_wait3A_1346 = tpu.memref_squeeze %dma_wait3A_1345 : memref<1x64xf32, #tpu.memory_space<hbm>> -> memref<64xf32, #tpu.memory_space<hbm>>
      %dma_wait3A_1347 = arith.constant 0 : i32
      %dma_wait3A_1348 = tpu.memref_slice %arg6[%add3A_133, %dma_wait3A_1347] : memref<512x64xf32, #tpu.memory_space<vmem>> -> memref<1x64xf32, #tpu.memory_space<vmem>>
      %dma_wait3A_1349 = tpu.memref_squeeze %dma_wait3A_1348 : memref<1x64xf32, #tpu.memory_space<vmem>> -> memref<64xf32, #tpu.memory_space<vmem>>
      %dma_wait3A_1350 = arith.constant 0 : i32
      %dma_wait3A_1351 = tpu.memref_slice %arg2[%squeeze3A_132, %dma_wait3A_1350] : memref<1000000x64xf32, #tpu.memory_space<hbm>> -> memref<1x64xf32, #tpu.memory_space<hbm>>
      %dma_wait3A_1352 = tpu.memref_squeeze %dma_wait3A_1351 : memref<1x64xf32, #tpu.memory_space<hbm>> -> memref<64xf32, #tpu.memory_space<hbm>>
      tpu.wait_dma2 semaphore(%arg7 : memref<!tpu.dma_semaphore, #tpu.memory_space<semaphore_mem>>) src(%dma_wait3A_1352 : memref<64xf32, #tpu.memory_space<hbm>>) dst(%dma_wait3A_1349 : memref<64xf32, #tpu.memory_space<vmem>>)
      %dma_wait3A_1353 = arith.constant 0 : i32
      %dma_wait3A_1354 = tpu.memref_slice %arg6[%add3A_152, %dma_wait3A_1353] : memref<512x64xf32, #tpu.memory_space<vmem>> -> memref<1x64xf32, #tpu.memory_space<vmem>>
      %dma_wait3A_1355 = tpu.memref_squeeze %dma_wait3A_1354 : memref<1x64xf32, #tpu.memory_space<vmem>> -> memref<64xf32, #tpu.memory_space<vmem>>
      %dma_wait3A_1356 = arith.constant 0 : i32
      %dma_wait3A_1357 = tpu.memref_slice %arg2[%squeeze3A_151, %dma_wait3A_1356] : memref<1000000x64xf32, #tpu.memory_space<hbm>> -> memref<1x64xf32, #tpu.memory_space<hbm>>
      %dma_wait3A_1358 = tpu.memref_squeeze %dma_wait3A_1357 : memref<1x64xf32, #tpu.memory_space<hbm>> -> memref<64xf32, #tpu.memory_space<hbm>>
      %dma_wait3A_1359 = arith.constant 0 : i32
      %dma_wait3A_1360 = tpu.memref_slice %arg6[%add3A_152, %dma_wait3A_1359] : memref<512x64xf32, #tpu.memory_space<vmem>> -> memref<1x64xf32, #tpu.memory_space<vmem>>
      %dma_wait3A_1361 = tpu.memref_squeeze %dma_wait3A_1360 : memref<1x64xf32, #tpu.memory_space<vmem>> -> memref<64xf32, #tpu.memory_space<vmem>>
      %dma_wait3A_1362 = arith.constant 0 : i32
      %dma_wait3A_1363 = tpu.memref_slice %arg2[%squeeze3A_151, %dma_wait3A_1362] : memref<1000000x64xf32, #tpu.memory_space<hbm>> -> memref<1x64xf32, #tpu.memory_space<hbm>>
      %dma_wait3A_1364 = tpu.memref_squeeze %dma_wait3A_1363 : memref<1x64xf32, #tpu.memory_space<hbm>> -> memref<64xf32, #tpu.memory_space<hbm>>
      tpu.wait_dma2 semaphore(%arg7 : memref<!tpu.dma_semaphore, #tpu.memory_space<semaphore_mem>>) src(%dma_wait3A_1364 : memref<64xf32, #tpu.memory_space<hbm>>) dst(%dma_wait3A_1361 : memref<64xf32, #tpu.memory_space<vmem>>)
      %dma_wait3A_1365 = arith.constant 0 : i32
      %dma_wait3A_1366 = tpu.memref_slice %arg6[%add3A_171, %dma_wait3A_1365] : memref<512x64xf32, #tpu.memory_space<vmem>> -> memref<1x64xf32, #tpu.memory_space<vmem>>
      %dma_wait3A_1367 = tpu.memref_squeeze %dma_wait3A_1366 : memref<1x64xf32, #tpu.memory_space<vmem>> -> memref<64xf32, #tpu.memory_space<vmem>>
      %dma_wait3A_1368 = arith.constant 0 : i32
      %dma_wait3A_1369 = tpu.memref_slice %arg2[%squeeze3A_170, %dma_wait3A_1368] : memref<1000000x64xf32, #tpu.memory_space<hbm>> -> memref<1x64xf32, #tpu.memory_space<hbm>>
      %dma_wait3A_1370 = tpu.memref_squeeze %dma_wait3A_1369 : memref<1x64xf32, #tpu.memory_space<hbm>> -> memref<64xf32, #tpu.memory_space<hbm>>
      %dma_wait3A_1371 = arith.constant 0 : i32
      %dma_wait3A_1372 = tpu.memref_slice %arg6[%add3A_171, %dma_wait3A_1371] : memref<512x64xf32, #tpu.memory_space<vmem>> -> memref<1x64xf32, #tpu.memory_space<vmem>>
      %dma_wait3A_1373 = tpu.memref_squeeze %dma_wait3A_1372 : memref<1x64xf32, #tpu.memory_space<vmem>> -> memref<64xf32, #tpu.memory_space<vmem>>
      %dma_wait3A_1374 = arith.constant 0 : i32
      %dma_wait3A_1375 = tpu.memref_slice %arg2[%squeeze3A_170, %dma_wait3A_1374] : memref<1000000x64xf32, #tpu.memory_space<hbm>> -> memref<1x64xf32, #tpu.memory_space<hbm>>
      %dma_wait3A_1376 = tpu.memref_squeeze %dma_wait3A_1375 : memref<1x64xf32, #tpu.memory_space<hbm>> -> memref<64xf32, #tpu.memory_space<hbm>>
      tpu.wait_dma2 semaphore(%arg7 : memref<!tpu.dma_semaphore, #tpu.memory_space<semaphore_mem>>) src(%dma_wait3A_1376 : memref<64xf32, #tpu.memory_space<hbm>>) dst(%dma_wait3A_1373 : memref<64xf32, #tpu.memory_space<vmem>>)
      %dma_wait3A_1377 = arith.constant 0 : i32
      %dma_wait3A_1378 = tpu.memref_slice %arg6[%add3A_190, %dma_wait3A_1377] : memref<512x64xf32, #tpu.memory_space<vmem>> -> memref<1x64xf32, #tpu.memory_space<vmem>>
      %dma_wait3A_1379 = tpu.memref_squeeze %dma_wait3A_1378 : memref<1x64xf32, #tpu.memory_space<vmem>> -> memref<64xf32, #tpu.memory_space<vmem>>
      %dma_wait3A_1380 = arith.constant 0 : i32
      %dma_wait3A_1381 = tpu.memref_slice %arg2[%squeeze3A_189, %dma_wait3A_1380] : memref<1000000x64xf32, #tpu.memory_space<hbm>> -> memref<1x64xf32, #tpu.memory_space<hbm>>
      %dma_wait3A_1382 = tpu.memref_squeeze %dma_wait3A_1381 : memref<1x64xf32, #tpu.memory_space<hbm>> -> memref<64xf32, #tpu.memory_space<hbm>>
      %dma_wait3A_1383 = arith.constant 0 : i32
      %dma_wait3A_1384 = tpu.memref_slice %arg6[%add3A_190, %dma_wait3A_1383] : memref<512x64xf32, #tpu.memory_space<vmem>> -> memref<1x64xf32, #tpu.memory_space<vmem>>
      %dma_wait3A_1385 = tpu.memref_squeeze %dma_wait3A_1384 : memref<1x64xf32, #tpu.memory_space<vmem>> -> memref<64xf32, #tpu.memory_space<vmem>>
      %dma_wait3A_1386 = arith.constant 0 : i32
      %dma_wait3A_1387 = tpu.memref_slice %arg2[%squeeze3A_189, %dma_wait3A_1386] : memref<1000000x64xf32, #tpu.memory_space<hbm>> -> memref<1x64xf32, #tpu.memory_space<hbm>>
      %dma_wait3A_1388 = tpu.memref_squeeze %dma_wait3A_1387 : memref<1x64xf32, #tpu.memory_space<hbm>> -> memref<64xf32, #tpu.memory_space<hbm>>
      tpu.wait_dma2 semaphore(%arg7 : memref<!tpu.dma_semaphore, #tpu.memory_space<semaphore_mem>>) src(%dma_wait3A_1388 : memref<64xf32, #tpu.memory_space<hbm>>) dst(%dma_wait3A_1385 : memref<64xf32, #tpu.memory_space<vmem>>)
      %dma_wait3A_1389 = arith.constant 0 : i32
      %dma_wait3A_1390 = tpu.memref_slice %arg6[%add3A_209, %dma_wait3A_1389] : memref<512x64xf32, #tpu.memory_space<vmem>> -> memref<1x64xf32, #tpu.memory_space<vmem>>
      %dma_wait3A_1391 = tpu.memref_squeeze %dma_wait3A_1390 : memref<1x64xf32, #tpu.memory_space<vmem>> -> memref<64xf32, #tpu.memory_space<vmem>>
      %dma_wait3A_1392 = arith.constant 0 : i32
      %dma_wait3A_1393 = tpu.memref_slice %arg2[%squeeze3A_208, %dma_wait3A_1392] : memref<1000000x64xf32, #tpu.memory_space<hbm>> -> memref<1x64xf32, #tpu.memory_space<hbm>>
      %dma_wait3A_1394 = tpu.memref_squeeze %dma_wait3A_1393 : memref<1x64xf32, #tpu.memory_space<hbm>> -> memref<64xf32, #tpu.memory_space<hbm>>
      %dma_wait3A_1395 = arith.constant 0 : i32
      %dma_wait3A_1396 = tpu.memref_slice %arg6[%add3A_209, %dma_wait3A_1395] : memref<512x64xf32, #tpu.memory_space<vmem>> -> memref<1x64xf32, #tpu.memory_space<vmem>>
      %dma_wait3A_1397 = tpu.memref_squeeze %dma_wait3A_1396 : memref<1x64xf32, #tpu.memory_space<vmem>> -> memref<64xf32, #tpu.memory_space<vmem>>
      %dma_wait3A_1398 = arith.constant 0 : i32
      %dma_wait3A_1399 = tpu.memref_slice %arg2[%squeeze3A_208, %dma_wait3A_1398] : memref<1000000x64xf32, #tpu.memory_space<hbm>> -> memref<1x64xf32, #tpu.memory_space<hbm>>
      %dma_wait3A_1400 = tpu.memref_squeeze %dma_wait3A_1399 : memref<1x64xf32, #tpu.memory_space<hbm>> -> memref<64xf32, #tpu.memory_space<hbm>>
      tpu.wait_dma2 semaphore(%arg7 : memref<!tpu.dma_semaphore, #tpu.memory_space<semaphore_mem>>) src(%dma_wait3A_1400 : memref<64xf32, #tpu.memory_space<hbm>>) dst(%dma_wait3A_1397 : memref<64xf32, #tpu.memory_space<vmem>>)
      %dma_wait3A_1401 = arith.constant 0 : i32
      %dma_wait3A_1402 = tpu.memref_slice %arg6[%add3A_228, %dma_wait3A_1401] : memref<512x64xf32, #tpu.memory_space<vmem>> -> memref<1x64xf32, #tpu.memory_space<vmem>>
      %dma_wait3A_1403 = tpu.memref_squeeze %dma_wait3A_1402 : memref<1x64xf32, #tpu.memory_space<vmem>> -> memref<64xf32, #tpu.memory_space<vmem>>
      %dma_wait3A_1404 = arith.constant 0 : i32
      %dma_wait3A_1405 = tpu.memref_slice %arg2[%squeeze3A_227, %dma_wait3A_1404] : memref<1000000x64xf32, #tpu.memory_space<hbm>> -> memref<1x64xf32, #tpu.memory_space<hbm>>
      %dma_wait3A_1406 = tpu.memref_squeeze %dma_wait3A_1405 : memref<1x64xf32, #tpu.memory_space<hbm>> -> memref<64xf32, #tpu.memory_space<hbm>>
      %dma_wait3A_1407 = arith.constant 0 : i32
      %dma_wait3A_1408 = tpu.memref_slice %arg6[%add3A_228, %dma_wait3A_1407] : memref<512x64xf32, #tpu.memory_space<vmem>> -> memref<1x64xf32, #tpu.memory_space<vmem>>
      %dma_wait3A_1409 = tpu.memref_squeeze %dma_wait3A_1408 : memref<1x64xf32, #tpu.memory_space<vmem>> -> memref<64xf32, #tpu.memory_space<vmem>>
      %dma_wait3A_1410 = arith.constant 0 : i32
      %dma_wait3A_1411 = tpu.memref_slice %arg2[%squeeze3A_227, %dma_wait3A_1410] : memref<1000000x64xf32, #tpu.memory_space<hbm>> -> memref<1x64xf32, #tpu.memory_space<hbm>>
      %dma_wait3A_1412 = tpu.memref_squeeze %dma_wait3A_1411 : memref<1x64xf32, #tpu.memory_space<hbm>> -> memref<64xf32, #tpu.memory_space<hbm>>
      tpu.wait_dma2 semaphore(%arg7 : memref<!tpu.dma_semaphore, #tpu.memory_space<semaphore_mem>>) src(%dma_wait3A_1412 : memref<64xf32, #tpu.memory_space<hbm>>) dst(%dma_wait3A_1409 : memref<64xf32, #tpu.memory_space<vmem>>)
      %dma_wait3A_1413 = arith.constant 0 : i32
      %dma_wait3A_1414 = tpu.memref_slice %arg6[%add3A_247, %dma_wait3A_1413] : memref<512x64xf32, #tpu.memory_space<vmem>> -> memref<1x64xf32, #tpu.memory_space<vmem>>
      %dma_wait3A_1415 = tpu.memref_squeeze %dma_wait3A_1414 : memref<1x64xf32, #tpu.memory_space<vmem>> -> memref<64xf32, #tpu.memory_space<vmem>>
      %dma_wait3A_1416 = arith.constant 0 : i32
      %dma_wait3A_1417 = tpu.memref_slice %arg2[%squeeze3A_246, %dma_wait3A_1416] : memref<1000000x64xf32, #tpu.memory_space<hbm>> -> memref<1x64xf32, #tpu.memory_space<hbm>>
      %dma_wait3A_1418 = tpu.memref_squeeze %dma_wait3A_1417 : memref<1x64xf32, #tpu.memory_space<hbm>> -> memref<64xf32, #tpu.memory_space<hbm>>
      %dma_wait3A_1419 = arith.constant 0 : i32
      %dma_wait3A_1420 = tpu.memref_slice %arg6[%add3A_247, %dma_wait3A_1419] : memref<512x64xf32, #tpu.memory_space<vmem>> -> memref<1x64xf32, #tpu.memory_space<vmem>>
      %dma_wait3A_1421 = tpu.memref_squeeze %dma_wait3A_1420 : memref<1x64xf32, #tpu.memory_space<vmem>> -> memref<64xf32, #tpu.memory_space<vmem>>
      %dma_wait3A_1422 = arith.constant 0 : i32
      %dma_wait3A_1423 = tpu.memref_slice %arg2[%squeeze3A_246, %dma_wait3A_1422] : memref<1000000x64xf32, #tpu.memory_space<hbm>> -> memref<1x64xf32, #tpu.memory_space<hbm>>
      %dma_wait3A_1424 = tpu.memref_squeeze %dma_wait3A_1423 : memref<1x64xf32, #tpu.memory_space<hbm>> -> memref<64xf32, #tpu.memory_space<hbm>>
      tpu.wait_dma2 semaphore(%arg7 : memref<!tpu.dma_semaphore, #tpu.memory_space<semaphore_mem>>) src(%dma_wait3A_1424 : memref<64xf32, #tpu.memory_space<hbm>>) dst(%dma_wait3A_1421 : memref<64xf32, #tpu.memory_space<vmem>>)
      %dma_wait3A_1425 = arith.constant 0 : i32
      %dma_wait3A_1426 = tpu.memref_slice %arg6[%add3A_266, %dma_wait3A_1425] : memref<512x64xf32, #tpu.memory_space<vmem>> -> memref<1x64xf32, #tpu.memory_space<vmem>>
      %dma_wait3A_1427 = tpu.memref_squeeze %dma_wait3A_1426 : memref<1x64xf32, #tpu.memory_space<vmem>> -> memref<64xf32, #tpu.memory_space<vmem>>
      %dma_wait3A_1428 = arith.constant 0 : i32
      %dma_wait3A_1429 = tpu.memref_slice %arg2[%squeeze3A_265, %dma_wait3A_1428] : memref<1000000x64xf32, #tpu.memory_space<hbm>> -> memref<1x64xf32, #tpu.memory_space<hbm>>
      %dma_wait3A_1430 = tpu.memref_squeeze %dma_wait3A_1429 : memref<1x64xf32, #tpu.memory_space<hbm>> -> memref<64xf32, #tpu.memory_space<hbm>>
      %dma_wait3A_1431 = arith.constant 0 : i32
      %dma_wait3A_1432 = tpu.memref_slice %arg6[%add3A_266, %dma_wait3A_1431] : memref<512x64xf32, #tpu.memory_space<vmem>> -> memref<1x64xf32, #tpu.memory_space<vmem>>
      %dma_wait3A_1433 = tpu.memref_squeeze %dma_wait3A_1432 : memref<1x64xf32, #tpu.memory_space<vmem>> -> memref<64xf32, #tpu.memory_space<vmem>>
      %dma_wait3A_1434 = arith.constant 0 : i32
      %dma_wait3A_1435 = tpu.memref_slice %arg2[%squeeze3A_265, %dma_wait3A_1434] : memref<1000000x64xf32, #tpu.memory_space<hbm>> -> memref<1x64xf32, #tpu.memory_space<hbm>>
      %dma_wait3A_1436 = tpu.memref_squeeze %dma_wait3A_1435 : memref<1x64xf32, #tpu.memory_space<hbm>> -> memref<64xf32, #tpu.memory_space<hbm>>
      tpu.wait_dma2 semaphore(%arg7 : memref<!tpu.dma_semaphore, #tpu.memory_space<semaphore_mem>>) src(%dma_wait3A_1436 : memref<64xf32, #tpu.memory_space<hbm>>) dst(%dma_wait3A_1433 : memref<64xf32, #tpu.memory_space<vmem>>)
      %dma_wait3A_1437 = arith.constant 0 : i32
      %dma_wait3A_1438 = tpu.memref_slice %arg6[%add3A_285, %dma_wait3A_1437] : memref<512x64xf32, #tpu.memory_space<vmem>> -> memref<1x64xf32, #tpu.memory_space<vmem>>
      %dma_wait3A_1439 = tpu.memref_squeeze %dma_wait3A_1438 : memref<1x64xf32, #tpu.memory_space<vmem>> -> memref<64xf32, #tpu.memory_space<vmem>>
      %dma_wait3A_1440 = arith.constant 0 : i32
      %dma_wait3A_1441 = tpu.memref_slice %arg2[%squeeze3A_284, %dma_wait3A_1440] : memref<1000000x64xf32, #tpu.memory_space<hbm>> -> memref<1x64xf32, #tpu.memory_space<hbm>>
      %dma_wait3A_1442 = tpu.memref_squeeze %dma_wait3A_1441 : memref<1x64xf32, #tpu.memory_space<hbm>> -> memref<64xf32, #tpu.memory_space<hbm>>
      %dma_wait3A_1443 = arith.constant 0 : i32
      %dma_wait3A_1444 = tpu.memref_slice %arg6[%add3A_285, %dma_wait3A_1443] : memref<512x64xf32, #tpu.memory_space<vmem>> -> memref<1x64xf32, #tpu.memory_space<vmem>>
      %dma_wait3A_1445 = tpu.memref_squeeze %dma_wait3A_1444 : memref<1x64xf32, #tpu.memory_space<vmem>> -> memref<64xf32, #tpu.memory_space<vmem>>
      %dma_wait3A_1446 = arith.constant 0 : i32
      %dma_wait3A_1447 = tpu.memref_slice %arg2[%squeeze3A_284, %dma_wait3A_1446] : memref<1000000x64xf32, #tpu.memory_space<hbm>> -> memref<1x64xf32, #tpu.memory_space<hbm>>
      %dma_wait3A_1448 = tpu.memref_squeeze %dma_wait3A_1447 : memref<1x64xf32, #tpu.memory_space<hbm>> -> memref<64xf32, #tpu.memory_space<hbm>>
      tpu.wait_dma2 semaphore(%arg7 : memref<!tpu.dma_semaphore, #tpu.memory_space<semaphore_mem>>) src(%dma_wait3A_1448 : memref<64xf32, #tpu.memory_space<hbm>>) dst(%dma_wait3A_1445 : memref<64xf32, #tpu.memory_space<vmem>>)
      %dma_wait3A_1449 = arith.constant 0 : i32
      %dma_wait3A_1450 = tpu.memref_slice %arg6[%add3A_304, %dma_wait3A_1449] : memref<512x64xf32, #tpu.memory_space<vmem>> -> memref<1x64xf32, #tpu.memory_space<vmem>>
      %dma_wait3A_1451 = tpu.memref_squeeze %dma_wait3A_1450 : memref<1x64xf32, #tpu.memory_space<vmem>> -> memref<64xf32, #tpu.memory_space<vmem>>
      %dma_wait3A_1452 = arith.constant 0 : i32
      %dma_wait3A_1453 = tpu.memref_slice %arg2[%squeeze3A_303, %dma_wait3A_1452] : memref<1000000x64xf32, #tpu.memory_space<hbm>> -> memref<1x64xf32, #tpu.memory_space<hbm>>
      %dma_wait3A_1454 = tpu.memref_squeeze %dma_wait3A_1453 : memref<1x64xf32, #tpu.memory_space<hbm>> -> memref<64xf32, #tpu.memory_space<hbm>>
      %dma_wait3A_1455 = arith.constant 0 : i32
      %dma_wait3A_1456 = tpu.memref_slice %arg6[%add3A_304, %dma_wait3A_1455] : memref<512x64xf32, #tpu.memory_space<vmem>> -> memref<1x64xf32, #tpu.memory_space<vmem>>
      %dma_wait3A_1457 = tpu.memref_squeeze %dma_wait3A_1456 : memref<1x64xf32, #tpu.memory_space<vmem>> -> memref<64xf32, #tpu.memory_space<vmem>>
      %dma_wait3A_1458 = arith.constant 0 : i32
      %dma_wait3A_1459 = tpu.memref_slice %arg2[%squeeze3A_303, %dma_wait3A_1458] : memref<1000000x64xf32, #tpu.memory_space<hbm>> -> memref<1x64xf32, #tpu.memory_space<hbm>>
      %dma_wait3A_1460 = tpu.memref_squeeze %dma_wait3A_1459 : memref<1x64xf32, #tpu.memory_space<hbm>> -> memref<64xf32, #tpu.memory_space<hbm>>
      tpu.wait_dma2 semaphore(%arg7 : memref<!tpu.dma_semaphore, #tpu.memory_space<semaphore_mem>>) src(%dma_wait3A_1460 : memref<64xf32, #tpu.memory_space<hbm>>) dst(%dma_wait3A_1457 : memref<64xf32, #tpu.memory_space<vmem>>)
      %dma_wait3A_1461 = arith.constant 0 : i32
      %dma_wait3A_1462 = tpu.memref_slice %arg6[%add3A_323, %dma_wait3A_1461] : memref<512x64xf32, #tpu.memory_space<vmem>> -> memref<1x64xf32, #tpu.memory_space<vmem>>
      %dma_wait3A_1463 = tpu.memref_squeeze %dma_wait3A_1462 : memref<1x64xf32, #tpu.memory_space<vmem>> -> memref<64xf32, #tpu.memory_space<vmem>>
      %dma_wait3A_1464 = arith.constant 0 : i32
      %dma_wait3A_1465 = tpu.memref_slice %arg2[%squeeze3A_322, %dma_wait3A_1464] : memref<1000000x64xf32, #tpu.memory_space<hbm>> -> memref<1x64xf32, #tpu.memory_space<hbm>>
      %dma_wait3A_1466 = tpu.memref_squeeze %dma_wait3A_1465 : memref<1x64xf32, #tpu.memory_space<hbm>> -> memref<64xf32, #tpu.memory_space<hbm>>
      %dma_wait3A_1467 = arith.constant 0 : i32
      %dma_wait3A_1468 = tpu.memref_slice %arg6[%add3A_323, %dma_wait3A_1467] : memref<512x64xf32, #tpu.memory_space<vmem>> -> memref<1x64xf32, #tpu.memory_space<vmem>>
      %dma_wait3A_1469 = tpu.memref_squeeze %dma_wait3A_1468 : memref<1x64xf32, #tpu.memory_space<vmem>> -> memref<64xf32, #tpu.memory_space<vmem>>
      %dma_wait3A_1470 = arith.constant 0 : i32
      %dma_wait3A_1471 = tpu.memref_slice %arg2[%squeeze3A_322, %dma_wait3A_1470] : memref<1000000x64xf32, #tpu.memory_space<hbm>> -> memref<1x64xf32, #tpu.memory_space<hbm>>
      %dma_wait3A_1472 = tpu.memref_squeeze %dma_wait3A_1471 : memref<1x64xf32, #tpu.memory_space<hbm>> -> memref<64xf32, #tpu.memory_space<hbm>>
      tpu.wait_dma2 semaphore(%arg7 : memref<!tpu.dma_semaphore, #tpu.memory_space<semaphore_mem>>) src(%dma_wait3A_1472 : memref<64xf32, #tpu.memory_space<hbm>>) dst(%dma_wait3A_1469 : memref<64xf32, #tpu.memory_space<vmem>>)
      %dma_wait3A_1473 = arith.constant 0 : i32
      %dma_wait3A_1474 = tpu.memref_slice %arg6[%add3A_342, %dma_wait3A_1473] : memref<512x64xf32, #tpu.memory_space<vmem>> -> memref<1x64xf32, #tpu.memory_space<vmem>>
      %dma_wait3A_1475 = tpu.memref_squeeze %dma_wait3A_1474 : memref<1x64xf32, #tpu.memory_space<vmem>> -> memref<64xf32, #tpu.memory_space<vmem>>
      %dma_wait3A_1476 = arith.constant 0 : i32
      %dma_wait3A_1477 = tpu.memref_slice %arg2[%squeeze3A_341, %dma_wait3A_1476] : memref<1000000x64xf32, #tpu.memory_space<hbm>> -> memref<1x64xf32, #tpu.memory_space<hbm>>
      %dma_wait3A_1478 = tpu.memref_squeeze %dma_wait3A_1477 : memref<1x64xf32, #tpu.memory_space<hbm>> -> memref<64xf32, #tpu.memory_space<hbm>>
      %dma_wait3A_1479 = arith.constant 0 : i32
      %dma_wait3A_1480 = tpu.memref_slice %arg6[%add3A_342, %dma_wait3A_1479] : memref<512x64xf32, #tpu.memory_space<vmem>> -> memref<1x64xf32, #tpu.memory_space<vmem>>
      %dma_wait3A_1481 = tpu.memref_squeeze %dma_wait3A_1480 : memref<1x64xf32, #tpu.memory_space<vmem>> -> memref<64xf32, #tpu.memory_space<vmem>>
      %dma_wait3A_1482 = arith.constant 0 : i32
      %dma_wait3A_1483 = tpu.memref_slice %arg2[%squeeze3A_341, %dma_wait3A_1482] : memref<1000000x64xf32, #tpu.memory_space<hbm>> -> memref<1x64xf32, #tpu.memory_space<hbm>>
      %dma_wait3A_1484 = tpu.memref_squeeze %dma_wait3A_1483 : memref<1x64xf32, #tpu.memory_space<hbm>> -> memref<64xf32, #tpu.memory_space<hbm>>
      tpu.wait_dma2 semaphore(%arg7 : memref<!tpu.dma_semaphore, #tpu.memory_space<semaphore_mem>>) src(%dma_wait3A_1484 : memref<64xf32, #tpu.memory_space<hbm>>) dst(%dma_wait3A_1481 : memref<64xf32, #tpu.memory_space<vmem>>)
      %dma_wait3A_1485 = arith.constant 0 : i32
      %dma_wait3A_1486 = tpu.memref_slice %arg6[%add3A_361, %dma_wait3A_1485] : memref<512x64xf32, #tpu.memory_space<vmem>> -> memref<1x64xf32, #tpu.memory_space<vmem>>
      %dma_wait3A_1487 = tpu.memref_squeeze %dma_wait3A_1486 : memref<1x64xf32, #tpu.memory_space<vmem>> -> memref<64xf32, #tpu.memory_space<vmem>>
      %dma_wait3A_1488 = arith.constant 0 : i32
      %dma_wait3A_1489 = tpu.memref_slice %arg2[%squeeze3A_360, %dma_wait3A_1488] : memref<1000000x64xf32, #tpu.memory_space<hbm>> -> memref<1x64xf32, #tpu.memory_space<hbm>>
      %dma_wait3A_1490 = tpu.memref_squeeze %dma_wait3A_1489 : memref<1x64xf32, #tpu.memory_space<hbm>> -> memref<64xf32, #tpu.memory_space<hbm>>
      %dma_wait3A_1491 = arith.constant 0 : i32
      %dma_wait3A_1492 = tpu.memref_slice %arg6[%add3A_361, %dma_wait3A_1491] : memref<512x64xf32, #tpu.memory_space<vmem>> -> memref<1x64xf32, #tpu.memory_space<vmem>>
      %dma_wait3A_1493 = tpu.memref_squeeze %dma_wait3A_1492 : memref<1x64xf32, #tpu.memory_space<vmem>> -> memref<64xf32, #tpu.memory_space<vmem>>
      %dma_wait3A_1494 = arith.constant 0 : i32
      %dma_wait3A_1495 = tpu.memref_slice %arg2[%squeeze3A_360, %dma_wait3A_1494] : memref<1000000x64xf32, #tpu.memory_space<hbm>> -> memref<1x64xf32, #tpu.memory_space<hbm>>
      %dma_wait3A_1496 = tpu.memref_squeeze %dma_wait3A_1495 : memref<1x64xf32, #tpu.memory_space<hbm>> -> memref<64xf32, #tpu.memory_space<hbm>>
      tpu.wait_dma2 semaphore(%arg7 : memref<!tpu.dma_semaphore, #tpu.memory_space<semaphore_mem>>) src(%dma_wait3A_1496 : memref<64xf32, #tpu.memory_space<hbm>>) dst(%dma_wait3A_1493 : memref<64xf32, #tpu.memory_space<vmem>>)
      %dma_wait3A_1497 = arith.constant 0 : i32
      %dma_wait3A_1498 = tpu.memref_slice %arg6[%add3A_380, %dma_wait3A_1497] : memref<512x64xf32, #tpu.memory_space<vmem>> -> memref<1x64xf32, #tpu.memory_space<vmem>>
      %dma_wait3A_1499 = tpu.memref_squeeze %dma_wait3A_1498 : memref<1x64xf32, #tpu.memory_space<vmem>> -> memref<64xf32, #tpu.memory_space<vmem>>
      %dma_wait3A_1500 = arith.constant 0 : i32
      %dma_wait3A_1501 = tpu.memref_slice %arg2[%squeeze3A_379, %dma_wait3A_1500] : memref<1000000x64xf32, #tpu.memory_space<hbm>> -> memref<1x64xf32, #tpu.memory_space<hbm>>
      %dma_wait3A_1502 = tpu.memref_squeeze %dma_wait3A_1501 : memref<1x64xf32, #tpu.memory_space<hbm>> -> memref<64xf32, #tpu.memory_space<hbm>>
      %dma_wait3A_1503 = arith.constant 0 : i32
      %dma_wait3A_1504 = tpu.memref_slice %arg6[%add3A_380, %dma_wait3A_1503] : memref<512x64xf32, #tpu.memory_space<vmem>> -> memref<1x64xf32, #tpu.memory_space<vmem>>
      %dma_wait3A_1505 = tpu.memref_squeeze %dma_wait3A_1504 : memref<1x64xf32, #tpu.memory_space<vmem>> -> memref<64xf32, #tpu.memory_space<vmem>>
      %dma_wait3A_1506 = arith.constant 0 : i32
      %dma_wait3A_1507 = tpu.memref_slice %arg2[%squeeze3A_379, %dma_wait3A_1506] : memref<1000000x64xf32, #tpu.memory_space<hbm>> -> memref<1x64xf32, #tpu.memory_space<hbm>>
      %dma_wait3A_1508 = tpu.memref_squeeze %dma_wait3A_1507 : memref<1x64xf32, #tpu.memory_space<hbm>> -> memref<64xf32, #tpu.memory_space<hbm>>
      tpu.wait_dma2 semaphore(%arg7 : memref<!tpu.dma_semaphore, #tpu.memory_space<semaphore_mem>>) src(%dma_wait3A_1508 : memref<64xf32, #tpu.memory_space<hbm>>) dst(%dma_wait3A_1505 : memref<64xf32, #tpu.memory_space<vmem>>)
      %dma_wait3A_1509 = arith.constant 0 : i32
      %dma_wait3A_1510 = tpu.memref_slice %arg6[%add3A_403, %dma_wait3A_1509] : memref<512x64xf32, #tpu.memory_space<vmem>> -> memref<1x64xf32, #tpu.memory_space<vmem>>
      %dma_wait3A_1511 = tpu.memref_squeeze %dma_wait3A_1510 : memref<1x64xf32, #tpu.memory_space<vmem>> -> memref<64xf32, #tpu.memory_space<vmem>>
      %dma_wait3A_1512 = arith.constant 0 : i32
      %dma_wait3A_1513 = tpu.memref_slice %arg2[%squeeze3A_402, %dma_wait3A_1512] : memref<1000000x64xf32, #tpu.memory_space<hbm>> -> memref<1x64xf32, #tpu.memory_space<hbm>>
      %dma_wait3A_1514 = tpu.memref_squeeze %dma_wait3A_1513 : memref<1x64xf32, #tpu.memory_space<hbm>> -> memref<64xf32, #tpu.memory_space<hbm>>
      %dma_wait3A_1515 = arith.constant 0 : i32
      %dma_wait3A_1516 = tpu.memref_slice %arg6[%add3A_403, %dma_wait3A_1515] : memref<512x64xf32, #tpu.memory_space<vmem>> -> memref<1x64xf32, #tpu.memory_space<vmem>>
      %dma_wait3A_1517 = tpu.memref_squeeze %dma_wait3A_1516 : memref<1x64xf32, #tpu.memory_space<vmem>> -> memref<64xf32, #tpu.memory_space<vmem>>
      %dma_wait3A_1518 = arith.constant 0 : i32
      %dma_wait3A_1519 = tpu.memref_slice %arg2[%squeeze3A_402, %dma_wait3A_1518] : memref<1000000x64xf32, #tpu.memory_space<hbm>> -> memref<1x64xf32, #tpu.memory_space<hbm>>
      %dma_wait3A_1520 = tpu.memref_squeeze %dma_wait3A_1519 : memref<1x64xf32, #tpu.memory_space<hbm>> -> memref<64xf32, #tpu.memory_space<hbm>>
      tpu.wait_dma2 semaphore(%arg7 : memref<!tpu.dma_semaphore, #tpu.memory_space<semaphore_mem>>) src(%dma_wait3A_1520 : memref<64xf32, #tpu.memory_space<hbm>>) dst(%dma_wait3A_1517 : memref<64xf32, #tpu.memory_space<vmem>>)
      %dma_wait3A_1521 = arith.constant 0 : i32
      %dma_wait3A_1522 = tpu.memref_slice %arg6[%add3A_422, %dma_wait3A_1521] : memref<512x64xf32, #tpu.memory_space<vmem>> -> memref<1x64xf32, #tpu.memory_space<vmem>>
      %dma_wait3A_1523 = tpu.memref_squeeze %dma_wait3A_1522 : memref<1x64xf32, #tpu.memory_space<vmem>> -> memref<64xf32, #tpu.memory_space<vmem>>
      %dma_wait3A_1524 = arith.constant 0 : i32
      %dma_wait3A_1525 = tpu.memref_slice %arg2[%squeeze3A_421, %dma_wait3A_1524] : memref<1000000x64xf32, #tpu.memory_space<hbm>> -> memref<1x64xf32, #tpu.memory_space<hbm>>
      %dma_wait3A_1526 = tpu.memref_squeeze %dma_wait3A_1525 : memref<1x64xf32, #tpu.memory_space<hbm>> -> memref<64xf32, #tpu.memory_space<hbm>>
      %dma_wait3A_1527 = arith.constant 0 : i32
      %dma_wait3A_1528 = tpu.memref_slice %arg6[%add3A_422, %dma_wait3A_1527] : memref<512x64xf32, #tpu.memory_space<vmem>> -> memref<1x64xf32, #tpu.memory_space<vmem>>
      %dma_wait3A_1529 = tpu.memref_squeeze %dma_wait3A_1528 : memref<1x64xf32, #tpu.memory_space<vmem>> -> memref<64xf32, #tpu.memory_space<vmem>>
      %dma_wait3A_1530 = arith.constant 0 : i32
      %dma_wait3A_1531 = tpu.memref_slice %arg2[%squeeze3A_421, %dma_wait3A_1530] : memref<1000000x64xf32, #tpu.memory_space<hbm>> -> memref<1x64xf32, #tpu.memory_space<hbm>>
      %dma_wait3A_1532 = tpu.memref_squeeze %dma_wait3A_1531 : memref<1x64xf32, #tpu.memory_space<hbm>> -> memref<64xf32, #tpu.memory_space<hbm>>
      tpu.wait_dma2 semaphore(%arg7 : memref<!tpu.dma_semaphore, #tpu.memory_space<semaphore_mem>>) src(%dma_wait3A_1532 : memref<64xf32, #tpu.memory_space<hbm>>) dst(%dma_wait3A_1529 : memref<64xf32, #tpu.memory_space<vmem>>)
      %dma_wait3A_1533 = arith.constant 0 : i32
      %dma_wait3A_1534 = tpu.memref_slice %arg6[%add3A_441, %dma_wait3A_1533] : memref<512x64xf32, #tpu.memory_space<vmem>> -> memref<1x64xf32, #tpu.memory_space<vmem>>
      %dma_wait3A_1535 = tpu.memref_squeeze %dma_wait3A_1534 : memref<1x64xf32, #tpu.memory_space<vmem>> -> memref<64xf32, #tpu.memory_space<vmem>>
      %dma_wait3A_1536 = arith.constant 0 : i32
      %dma_wait3A_1537 = tpu.memref_slice %arg2[%squeeze3A_440, %dma_wait3A_1536] : memref<1000000x64xf32, #tpu.memory_space<hbm>> -> memref<1x64xf32, #tpu.memory_space<hbm>>
      %dma_wait3A_1538 = tpu.memref_squeeze %dma_wait3A_1537 : memref<1x64xf32, #tpu.memory_space<hbm>> -> memref<64xf32, #tpu.memory_space<hbm>>
      %dma_wait3A_1539 = arith.constant 0 : i32
      %dma_wait3A_1540 = tpu.memref_slice %arg6[%add3A_441, %dma_wait3A_1539] : memref<512x64xf32, #tpu.memory_space<vmem>> -> memref<1x64xf32, #tpu.memory_space<vmem>>
      %dma_wait3A_1541 = tpu.memref_squeeze %dma_wait3A_1540 : memref<1x64xf32, #tpu.memory_space<vmem>> -> memref<64xf32, #tpu.memory_space<vmem>>
      %dma_wait3A_1542 = arith.constant 0 : i32
      %dma_wait3A_1543 = tpu.memref_slice %arg2[%squeeze3A_440, %dma_wait3A_1542] : memref<1000000x64xf32, #tpu.memory_space<hbm>> -> memref<1x64xf32, #tpu.memory_space<hbm>>
      %dma_wait3A_1544 = tpu.memref_squeeze %dma_wait3A_1543 : memref<1x64xf32, #tpu.memory_space<hbm>> -> memref<64xf32, #tpu.memory_space<hbm>>
      tpu.wait_dma2 semaphore(%arg7 : memref<!tpu.dma_semaphore, #tpu.memory_space<semaphore_mem>>) src(%dma_wait3A_1544 : memref<64xf32, #tpu.memory_space<hbm>>) dst(%dma_wait3A_1541 : memref<64xf32, #tpu.memory_space<vmem>>)
      %dma_wait3A_1545 = arith.constant 0 : i32
      %dma_wait3A_1546 = tpu.memref_slice %arg6[%add3A_460, %dma_wait3A_1545] : memref<512x64xf32, #tpu.memory_space<vmem>> -> memref<1x64xf32, #tpu.memory_space<vmem>>
      %dma_wait3A_1547 = tpu.memref_squeeze %dma_wait3A_1546 : memref<1x64xf32, #tpu.memory_space<vmem>> -> memref<64xf32, #tpu.memory_space<vmem>>
      %dma_wait3A_1548 = arith.constant 0 : i32
      %dma_wait3A_1549 = tpu.memref_slice %arg2[%squeeze3A_459, %dma_wait3A_1548] : memref<1000000x64xf32, #tpu.memory_space<hbm>> -> memref<1x64xf32, #tpu.memory_space<hbm>>
      %dma_wait3A_1550 = tpu.memref_squeeze %dma_wait3A_1549 : memref<1x64xf32, #tpu.memory_space<hbm>> -> memref<64xf32, #tpu.memory_space<hbm>>
      %dma_wait3A_1551 = arith.constant 0 : i32
      %dma_wait3A_1552 = tpu.memref_slice %arg6[%add3A_460, %dma_wait3A_1551] : memref<512x64xf32, #tpu.memory_space<vmem>> -> memref<1x64xf32, #tpu.memory_space<vmem>>
      %dma_wait3A_1553 = tpu.memref_squeeze %dma_wait3A_1552 : memref<1x64xf32, #tpu.memory_space<vmem>> -> memref<64xf32, #tpu.memory_space<vmem>>
      %dma_wait3A_1554 = arith.constant 0 : i32
      %dma_wait3A_1555 = tpu.memref_slice %arg2[%squeeze3A_459, %dma_wait3A_1554] : memref<1000000x64xf32, #tpu.memory_space<hbm>> -> memref<1x64xf32, #tpu.memory_space<hbm>>
      %dma_wait3A_1556 = tpu.memref_squeeze %dma_wait3A_1555 : memref<1x64xf32, #tpu.memory_space<hbm>> -> memref<64xf32, #tpu.memory_space<hbm>>
      tpu.wait_dma2 semaphore(%arg7 : memref<!tpu.dma_semaphore, #tpu.memory_space<semaphore_mem>>) src(%dma_wait3A_1556 : memref<64xf32, #tpu.memory_space<hbm>>) dst(%dma_wait3A_1553 : memref<64xf32, #tpu.memory_space<vmem>>)
      %dma_wait3A_1557 = arith.constant 0 : i32
      %dma_wait3A_1558 = tpu.memref_slice %arg6[%add3A_479, %dma_wait3A_1557] : memref<512x64xf32, #tpu.memory_space<vmem>> -> memref<1x64xf32, #tpu.memory_space<vmem>>
      %dma_wait3A_1559 = tpu.memref_squeeze %dma_wait3A_1558 : memref<1x64xf32, #tpu.memory_space<vmem>> -> memref<64xf32, #tpu.memory_space<vmem>>
      %dma_wait3A_1560 = arith.constant 0 : i32
      %dma_wait3A_1561 = tpu.memref_slice %arg2[%squeeze3A_478, %dma_wait3A_1560] : memref<1000000x64xf32, #tpu.memory_space<hbm>> -> memref<1x64xf32, #tpu.memory_space<hbm>>
      %dma_wait3A_1562 = tpu.memref_squeeze %dma_wait3A_1561 : memref<1x64xf32, #tpu.memory_space<hbm>> -> memref<64xf32, #tpu.memory_space<hbm>>
      %dma_wait3A_1563 = arith.constant 0 : i32
      %dma_wait3A_1564 = tpu.memref_slice %arg6[%add3A_479, %dma_wait3A_1563] : memref<512x64xf32, #tpu.memory_space<vmem>> -> memref<1x64xf32, #tpu.memory_space<vmem>>
      %dma_wait3A_1565 = tpu.memref_squeeze %dma_wait3A_1564 : memref<1x64xf32, #tpu.memory_space<vmem>> -> memref<64xf32, #tpu.memory_space<vmem>>
      %dma_wait3A_1566 = arith.constant 0 : i32
      %dma_wait3A_1567 = tpu.memref_slice %arg2[%squeeze3A_478, %dma_wait3A_1566] : memref<1000000x64xf32, #tpu.memory_space<hbm>> -> memref<1x64xf32, #tpu.memory_space<hbm>>
      %dma_wait3A_1568 = tpu.memref_squeeze %dma_wait3A_1567 : memref<1x64xf32, #tpu.memory_space<hbm>> -> memref<64xf32, #tpu.memory_space<hbm>>
      tpu.wait_dma2 semaphore(%arg7 : memref<!tpu.dma_semaphore, #tpu.memory_space<semaphore_mem>>) src(%dma_wait3A_1568 : memref<64xf32, #tpu.memory_space<hbm>>) dst(%dma_wait3A_1565 : memref<64xf32, #tpu.memory_space<vmem>>)
      %dma_wait3A_1569 = arith.constant 0 : i32
      %dma_wait3A_1570 = tpu.memref_slice %arg6[%add3A_498, %dma_wait3A_1569] : memref<512x64xf32, #tpu.memory_space<vmem>> -> memref<1x64xf32, #tpu.memory_space<vmem>>
      %dma_wait3A_1571 = tpu.memref_squeeze %dma_wait3A_1570 : memref<1x64xf32, #tpu.memory_space<vmem>> -> memref<64xf32, #tpu.memory_space<vmem>>
      %dma_wait3A_1572 = arith.constant 0 : i32
      %dma_wait3A_1573 = tpu.memref_slice %arg2[%squeeze3A_497, %dma_wait3A_1572] : memref<1000000x64xf32, #tpu.memory_space<hbm>> -> memref<1x64xf32, #tpu.memory_space<hbm>>
      %dma_wait3A_1574 = tpu.memref_squeeze %dma_wait3A_1573 : memref<1x64xf32, #tpu.memory_space<hbm>> -> memref<64xf32, #tpu.memory_space<hbm>>
      %dma_wait3A_1575 = arith.constant 0 : i32
      %dma_wait3A_1576 = tpu.memref_slice %arg6[%add3A_498, %dma_wait3A_1575] : memref<512x64xf32, #tpu.memory_space<vmem>> -> memref<1x64xf32, #tpu.memory_space<vmem>>
      %dma_wait3A_1577 = tpu.memref_squeeze %dma_wait3A_1576 : memref<1x64xf32, #tpu.memory_space<vmem>> -> memref<64xf32, #tpu.memory_space<vmem>>
      %dma_wait3A_1578 = arith.constant 0 : i32
      %dma_wait3A_1579 = tpu.memref_slice %arg2[%squeeze3A_497, %dma_wait3A_1578] : memref<1000000x64xf32, #tpu.memory_space<hbm>> -> memref<1x64xf32, #tpu.memory_space<hbm>>
      %dma_wait3A_1580 = tpu.memref_squeeze %dma_wait3A_1579 : memref<1x64xf32, #tpu.memory_space<hbm>> -> memref<64xf32, #tpu.memory_space<hbm>>
      tpu.wait_dma2 semaphore(%arg7 : memref<!tpu.dma_semaphore, #tpu.memory_space<semaphore_mem>>) src(%dma_wait3A_1580 : memref<64xf32, #tpu.memory_space<hbm>>) dst(%dma_wait3A_1577 : memref<64xf32, #tpu.memory_space<vmem>>)
      %dma_wait3A_1581 = arith.constant 0 : i32
      %dma_wait3A_1582 = tpu.memref_slice %arg6[%add3A_517, %dma_wait3A_1581] : memref<512x64xf32, #tpu.memory_space<vmem>> -> memref<1x64xf32, #tpu.memory_space<vmem>>
      %dma_wait3A_1583 = tpu.memref_squeeze %dma_wait3A_1582 : memref<1x64xf32, #tpu.memory_space<vmem>> -> memref<64xf32, #tpu.memory_space<vmem>>
      %dma_wait3A_1584 = arith.constant 0 : i32
      %dma_wait3A_1585 = tpu.memref_slice %arg2[%squeeze3A_516, %dma_wait3A_1584] : memref<1000000x64xf32, #tpu.memory_space<hbm>> -> memref<1x64xf32, #tpu.memory_space<hbm>>
      %dma_wait3A_1586 = tpu.memref_squeeze %dma_wait3A_1585 : memref<1x64xf32, #tpu.memory_space<hbm>> -> memref<64xf32, #tpu.memory_space<hbm>>
      %dma_wait3A_1587 = arith.constant 0 : i32
      %dma_wait3A_1588 = tpu.memref_slice %arg6[%add3A_517, %dma_wait3A_1587] : memref<512x64xf32, #tpu.memory_space<vmem>> -> memref<1x64xf32, #tpu.memory_space<vmem>>
      %dma_wait3A_1589 = tpu.memref_squeeze %dma_wait3A_1588 : memref<1x64xf32, #tpu.memory_space<vmem>> -> memref<64xf32, #tpu.memory_space<vmem>>
      %dma_wait3A_1590 = arith.constant 0 : i32
      %dma_wait3A_1591 = tpu.memref_slice %arg2[%squeeze3A_516, %dma_wait3A_1590] : memref<1000000x64xf32, #tpu.memory_space<hbm>> -> memref<1x64xf32, #tpu.memory_space<hbm>>
      %dma_wait3A_1592 = tpu.memref_squeeze %dma_wait3A_1591 : memref<1x64xf32, #tpu.memory_space<hbm>> -> memref<64xf32, #tpu.memory_space<hbm>>
      tpu.wait_dma2 semaphore(%arg7 : memref<!tpu.dma_semaphore, #tpu.memory_space<semaphore_mem>>) src(%dma_wait3A_1592 : memref<64xf32, #tpu.memory_space<hbm>>) dst(%dma_wait3A_1589 : memref<64xf32, #tpu.memory_space<vmem>>)
      %dma_wait3A_1593 = arith.constant 0 : i32
      %dma_wait3A_1594 = tpu.memref_slice %arg6[%add3A_536, %dma_wait3A_1593] : memref<512x64xf32, #tpu.memory_space<vmem>> -> memref<1x64xf32, #tpu.memory_space<vmem>>
      %dma_wait3A_1595 = tpu.memref_squeeze %dma_wait3A_1594 : memref<1x64xf32, #tpu.memory_space<vmem>> -> memref<64xf32, #tpu.memory_space<vmem>>
      %dma_wait3A_1596 = arith.constant 0 : i32
      %dma_wait3A_1597 = tpu.memref_slice %arg2[%squeeze3A_535, %dma_wait3A_1596] : memref<1000000x64xf32, #tpu.memory_space<hbm>> -> memref<1x64xf32, #tpu.memory_space<hbm>>
      %dma_wait3A_1598 = tpu.memref_squeeze %dma_wait3A_1597 : memref<1x64xf32, #tpu.memory_space<hbm>> -> memref<64xf32, #tpu.memory_space<hbm>>
      %dma_wait3A_1599 = arith.constant 0 : i32
      %dma_wait3A_1600 = tpu.memref_slice %arg6[%add3A_536, %dma_wait3A_1599] : memref<512x64xf32, #tpu.memory_space<vmem>> -> memref<1x64xf32, #tpu.memory_space<vmem>>
      %dma_wait3A_1601 = tpu.memref_squeeze %dma_wait3A_1600 : memref<1x64xf32, #tpu.memory_space<vmem>> -> memref<64xf32, #tpu.memory_space<vmem>>
      %dma_wait3A_1602 = arith.constant 0 : i32
      %dma_wait3A_1603 = tpu.memref_slice %arg2[%squeeze3A_535, %dma_wait3A_1602] : memref<1000000x64xf32, #tpu.memory_space<hbm>> -> memref<1x64xf32, #tpu.memory_space<hbm>>
      %dma_wait3A_1604 = tpu.memref_squeeze %dma_wait3A_1603 : memref<1x64xf32, #tpu.memory_space<hbm>> -> memref<64xf32, #tpu.memory_space<hbm>>
      tpu.wait_dma2 semaphore(%arg7 : memref<!tpu.dma_semaphore, #tpu.memory_space<semaphore_mem>>) src(%dma_wait3A_1604 : memref<64xf32, #tpu.memory_space<hbm>>) dst(%dma_wait3A_1601 : memref<64xf32, #tpu.memory_space<vmem>>)
      %dma_wait3A_1605 = arith.constant 0 : i32
      %dma_wait3A_1606 = tpu.memref_slice %arg6[%add3A_555, %dma_wait3A_1605] : memref<512x64xf32, #tpu.memory_space<vmem>> -> memref<1x64xf32, #tpu.memory_space<vmem>>
      %dma_wait3A_1607 = tpu.memref_squeeze %dma_wait3A_1606 : memref<1x64xf32, #tpu.memory_space<vmem>> -> memref<64xf32, #tpu.memory_space<vmem>>
      %dma_wait3A_1608 = arith.constant 0 : i32
      %dma_wait3A_1609 = tpu.memref_slice %arg2[%squeeze3A_554, %dma_wait3A_1608] : memref<1000000x64xf32, #tpu.memory_space<hbm>> -> memref<1x64xf32, #tpu.memory_space<hbm>>
      %dma_wait3A_1610 = tpu.memref_squeeze %dma_wait3A_1609 : memref<1x64xf32, #tpu.memory_space<hbm>> -> memref<64xf32, #tpu.memory_space<hbm>>
      %dma_wait3A_1611 = arith.constant 0 : i32
      %dma_wait3A_1612 = tpu.memref_slice %arg6[%add3A_555, %dma_wait3A_1611] : memref<512x64xf32, #tpu.memory_space<vmem>> -> memref<1x64xf32, #tpu.memory_space<vmem>>
      %dma_wait3A_1613 = tpu.memref_squeeze %dma_wait3A_1612 : memref<1x64xf32, #tpu.memory_space<vmem>> -> memref<64xf32, #tpu.memory_space<vmem>>
      %dma_wait3A_1614 = arith.constant 0 : i32
      %dma_wait3A_1615 = tpu.memref_slice %arg2[%squeeze3A_554, %dma_wait3A_1614] : memref<1000000x64xf32, #tpu.memory_space<hbm>> -> memref<1x64xf32, #tpu.memory_space<hbm>>
      %dma_wait3A_1616 = tpu.memref_squeeze %dma_wait3A_1615 : memref<1x64xf32, #tpu.memory_space<hbm>> -> memref<64xf32, #tpu.memory_space<hbm>>
      tpu.wait_dma2 semaphore(%arg7 : memref<!tpu.dma_semaphore, #tpu.memory_space<semaphore_mem>>) src(%dma_wait3A_1616 : memref<64xf32, #tpu.memory_space<hbm>>) dst(%dma_wait3A_1613 : memref<64xf32, #tpu.memory_space<vmem>>)
      %dma_wait3A_1617 = arith.constant 0 : i32
      %dma_wait3A_1618 = tpu.memref_slice %arg6[%add3A_574, %dma_wait3A_1617] : memref<512x64xf32, #tpu.memory_space<vmem>> -> memref<1x64xf32, #tpu.memory_space<vmem>>
      %dma_wait3A_1619 = tpu.memref_squeeze %dma_wait3A_1618 : memref<1x64xf32, #tpu.memory_space<vmem>> -> memref<64xf32, #tpu.memory_space<vmem>>
      %dma_wait3A_1620 = arith.constant 0 : i32
      %dma_wait3A_1621 = tpu.memref_slice %arg2[%squeeze3A_573, %dma_wait3A_1620] : memref<1000000x64xf32, #tpu.memory_space<hbm>> -> memref<1x64xf32, #tpu.memory_space<hbm>>
      %dma_wait3A_1622 = tpu.memref_squeeze %dma_wait3A_1621 : memref<1x64xf32, #tpu.memory_space<hbm>> -> memref<64xf32, #tpu.memory_space<hbm>>
      %dma_wait3A_1623 = arith.constant 0 : i32
      %dma_wait3A_1624 = tpu.memref_slice %arg6[%add3A_574, %dma_wait3A_1623] : memref<512x64xf32, #tpu.memory_space<vmem>> -> memref<1x64xf32, #tpu.memory_space<vmem>>
      %dma_wait3A_1625 = tpu.memref_squeeze %dma_wait3A_1624 : memref<1x64xf32, #tpu.memory_space<vmem>> -> memref<64xf32, #tpu.memory_space<vmem>>
      %dma_wait3A_1626 = arith.constant 0 : i32
      %dma_wait3A_1627 = tpu.memref_slice %arg2[%squeeze3A_573, %dma_wait3A_1626] : memref<1000000x64xf32, #tpu.memory_space<hbm>> -> memref<1x64xf32, #tpu.memory_space<hbm>>
      %dma_wait3A_1628 = tpu.memref_squeeze %dma_wait3A_1627 : memref<1x64xf32, #tpu.memory_space<hbm>> -> memref<64xf32, #tpu.memory_space<hbm>>
      tpu.wait_dma2 semaphore(%arg7 : memref<!tpu.dma_semaphore, #tpu.memory_space<semaphore_mem>>) src(%dma_wait3A_1628 : memref<64xf32, #tpu.memory_space<hbm>>) dst(%dma_wait3A_1625 : memref<64xf32, #tpu.memory_space<vmem>>)
      %dma_wait3A_1629 = arith.constant 0 : i32
      %dma_wait3A_1630 = tpu.memref_slice %arg6[%add3A_593, %dma_wait3A_1629] : memref<512x64xf32, #tpu.memory_space<vmem>> -> memref<1x64xf32, #tpu.memory_space<vmem>>
      %dma_wait3A_1631 = tpu.memref_squeeze %dma_wait3A_1630 : memref<1x64xf32, #tpu.memory_space<vmem>> -> memref<64xf32, #tpu.memory_space<vmem>>
      %dma_wait3A_1632 = arith.constant 0 : i32
      %dma_wait3A_1633 = tpu.memref_slice %arg2[%squeeze3A_592, %dma_wait3A_1632] : memref<1000000x64xf32, #tpu.memory_space<hbm>> -> memref<1x64xf32, #tpu.memory_space<hbm>>
      %dma_wait3A_1634 = tpu.memref_squeeze %dma_wait3A_1633 : memref<1x64xf32, #tpu.memory_space<hbm>> -> memref<64xf32, #tpu.memory_space<hbm>>
      %dma_wait3A_1635 = arith.constant 0 : i32
      %dma_wait3A_1636 = tpu.memref_slice %arg6[%add3A_593, %dma_wait3A_1635] : memref<512x64xf32, #tpu.memory_space<vmem>> -> memref<1x64xf32, #tpu.memory_space<vmem>>
      %dma_wait3A_1637 = tpu.memref_squeeze %dma_wait3A_1636 : memref<1x64xf32, #tpu.memory_space<vmem>> -> memref<64xf32, #tpu.memory_space<vmem>>
      %dma_wait3A_1638 = arith.constant 0 : i32
      %dma_wait3A_1639 = tpu.memref_slice %arg2[%squeeze3A_592, %dma_wait3A_1638] : memref<1000000x64xf32, #tpu.memory_space<hbm>> -> memref<1x64xf32, #tpu.memory_space<hbm>>
      %dma_wait3A_1640 = tpu.memref_squeeze %dma_wait3A_1639 : memref<1x64xf32, #tpu.memory_space<hbm>> -> memref<64xf32, #tpu.memory_space<hbm>>
      tpu.wait_dma2 semaphore(%arg7 : memref<!tpu.dma_semaphore, #tpu.memory_space<semaphore_mem>>) src(%dma_wait3A_1640 : memref<64xf32, #tpu.memory_space<hbm>>) dst(%dma_wait3A_1637 : memref<64xf32, #tpu.memory_space<vmem>>)
      %dma_wait3A_1641 = arith.constant 0 : i32
      %dma_wait3A_1642 = tpu.memref_slice %arg6[%add3A_612, %dma_wait3A_1641] : memref<512x64xf32, #tpu.memory_space<vmem>> -> memref<1x64xf32, #tpu.memory_space<vmem>>
      %dma_wait3A_1643 = tpu.memref_squeeze %dma_wait3A_1642 : memref<1x64xf32, #tpu.memory_space<vmem>> -> memref<64xf32, #tpu.memory_space<vmem>>
      %dma_wait3A_1644 = arith.constant 0 : i32
      %dma_wait3A_1645 = tpu.memref_slice %arg2[%squeeze3A_611, %dma_wait3A_1644] : memref<1000000x64xf32, #tpu.memory_space<hbm>> -> memref<1x64xf32, #tpu.memory_space<hbm>>
      %dma_wait3A_1646 = tpu.memref_squeeze %dma_wait3A_1645 : memref<1x64xf32, #tpu.memory_space<hbm>> -> memref<64xf32, #tpu.memory_space<hbm>>
      %dma_wait3A_1647 = arith.constant 0 : i32
      %dma_wait3A_1648 = tpu.memref_slice %arg6[%add3A_612, %dma_wait3A_1647] : memref<512x64xf32, #tpu.memory_space<vmem>> -> memref<1x64xf32, #tpu.memory_space<vmem>>
      %dma_wait3A_1649 = tpu.memref_squeeze %dma_wait3A_1648 : memref<1x64xf32, #tpu.memory_space<vmem>> -> memref<64xf32, #tpu.memory_space<vmem>>
      %dma_wait3A_1650 = arith.constant 0 : i32
      %dma_wait3A_1651 = tpu.memref_slice %arg2[%squeeze3A_611, %dma_wait3A_1650] : memref<1000000x64xf32, #tpu.memory_space<hbm>> -> memref<1x64xf32, #tpu.memory_space<hbm>>
      %dma_wait3A_1652 = tpu.memref_squeeze %dma_wait3A_1651 : memref<1x64xf32, #tpu.memory_space<hbm>> -> memref<64xf32, #tpu.memory_space<hbm>>
      tpu.wait_dma2 semaphore(%arg7 : memref<!tpu.dma_semaphore, #tpu.memory_space<semaphore_mem>>) src(%dma_wait3A_1652 : memref<64xf32, #tpu.memory_space<hbm>>) dst(%dma_wait3A_1649 : memref<64xf32, #tpu.memory_space<vmem>>)
      %dma_wait3A_1653 = arith.constant 0 : i32
      %dma_wait3A_1654 = tpu.memref_slice %arg6[%add3A_631, %dma_wait3A_1653] : memref<512x64xf32, #tpu.memory_space<vmem>> -> memref<1x64xf32, #tpu.memory_space<vmem>>
      %dma_wait3A_1655 = tpu.memref_squeeze %dma_wait3A_1654 : memref<1x64xf32, #tpu.memory_space<vmem>> -> memref<64xf32, #tpu.memory_space<vmem>>
      %dma_wait3A_1656 = arith.constant 0 : i32
      %dma_wait3A_1657 = tpu.memref_slice %arg2[%squeeze3A_630, %dma_wait3A_1656] : memref<1000000x64xf32, #tpu.memory_space<hbm>> -> memref<1x64xf32, #tpu.memory_space<hbm>>
      %dma_wait3A_1658 = tpu.memref_squeeze %dma_wait3A_1657 : memref<1x64xf32, #tpu.memory_space<hbm>> -> memref<64xf32, #tpu.memory_space<hbm>>
      %dma_wait3A_1659 = arith.constant 0 : i32
      %dma_wait3A_1660 = tpu.memref_slice %arg6[%add3A_631, %dma_wait3A_1659] : memref<512x64xf32, #tpu.memory_space<vmem>> -> memref<1x64xf32, #tpu.memory_space<vmem>>
      %dma_wait3A_1661 = tpu.memref_squeeze %dma_wait3A_1660 : memref<1x64xf32, #tpu.memory_space<vmem>> -> memref<64xf32, #tpu.memory_space<vmem>>
      %dma_wait3A_1662 = arith.constant 0 : i32
      %dma_wait3A_1663 = tpu.memref_slice %arg2[%squeeze3A_630, %dma_wait3A_1662] : memref<1000000x64xf32, #tpu.memory_space<hbm>> -> memref<1x64xf32, #tpu.memory_space<hbm>>
      %dma_wait3A_1664 = tpu.memref_squeeze %dma_wait3A_1663 : memref<1x64xf32, #tpu.memory_space<hbm>> -> memref<64xf32, #tpu.memory_space<hbm>>
      tpu.wait_dma2 semaphore(%arg7 : memref<!tpu.dma_semaphore, #tpu.memory_space<semaphore_mem>>) src(%dma_wait3A_1664 : memref<64xf32, #tpu.memory_space<hbm>>) dst(%dma_wait3A_1661 : memref<64xf32, #tpu.memory_space<vmem>>)
      %dma_wait3A_1665 = arith.constant 0 : i32
      %dma_wait3A_1666 = tpu.memref_slice %arg6[%add3A_650, %dma_wait3A_1665] : memref<512x64xf32, #tpu.memory_space<vmem>> -> memref<1x64xf32, #tpu.memory_space<vmem>>
      %dma_wait3A_1667 = tpu.memref_squeeze %dma_wait3A_1666 : memref<1x64xf32, #tpu.memory_space<vmem>> -> memref<64xf32, #tpu.memory_space<vmem>>
      %dma_wait3A_1668 = arith.constant 0 : i32
      %dma_wait3A_1669 = tpu.memref_slice %arg2[%squeeze3A_649, %dma_wait3A_1668] : memref<1000000x64xf32, #tpu.memory_space<hbm>> -> memref<1x64xf32, #tpu.memory_space<hbm>>
      %dma_wait3A_1670 = tpu.memref_squeeze %dma_wait3A_1669 : memref<1x64xf32, #tpu.memory_space<hbm>> -> memref<64xf32, #tpu.memory_space<hbm>>
      %dma_wait3A_1671 = arith.constant 0 : i32
      %dma_wait3A_1672 = tpu.memref_slice %arg6[%add3A_650, %dma_wait3A_1671] : memref<512x64xf32, #tpu.memory_space<vmem>> -> memref<1x64xf32, #tpu.memory_space<vmem>>
      %dma_wait3A_1673 = tpu.memref_squeeze %dma_wait3A_1672 : memref<1x64xf32, #tpu.memory_space<vmem>> -> memref<64xf32, #tpu.memory_space<vmem>>
      %dma_wait3A_1674 = arith.constant 0 : i32
      %dma_wait3A_1675 = tpu.memref_slice %arg2[%squeeze3A_649, %dma_wait3A_1674] : memref<1000000x64xf32, #tpu.memory_space<hbm>> -> memref<1x64xf32, #tpu.memory_space<hbm>>
      %dma_wait3A_1676 = tpu.memref_squeeze %dma_wait3A_1675 : memref<1x64xf32, #tpu.memory_space<hbm>> -> memref<64xf32, #tpu.memory_space<hbm>>
      tpu.wait_dma2 semaphore(%arg7 : memref<!tpu.dma_semaphore, #tpu.memory_space<semaphore_mem>>) src(%dma_wait3A_1676 : memref<64xf32, #tpu.memory_space<hbm>>) dst(%dma_wait3A_1673 : memref<64xf32, #tpu.memory_space<vmem>>)
      %dma_wait3A_1677 = arith.constant 0 : i32
      %dma_wait3A_1678 = tpu.memref_slice %arg6[%add3A_669, %dma_wait3A_1677] : memref<512x64xf32, #tpu.memory_space<vmem>> -> memref<1x64xf32, #tpu.memory_space<vmem>>
      %dma_wait3A_1679 = tpu.memref_squeeze %dma_wait3A_1678 : memref<1x64xf32, #tpu.memory_space<vmem>> -> memref<64xf32, #tpu.memory_space<vmem>>
      %dma_wait3A_1680 = arith.constant 0 : i32
      %dma_wait3A_1681 = tpu.memref_slice %arg2[%squeeze3A_668, %dma_wait3A_1680] : memref<1000000x64xf32, #tpu.memory_space<hbm>> -> memref<1x64xf32, #tpu.memory_space<hbm>>
      %dma_wait3A_1682 = tpu.memref_squeeze %dma_wait3A_1681 : memref<1x64xf32, #tpu.memory_space<hbm>> -> memref<64xf32, #tpu.memory_space<hbm>>
      %dma_wait3A_1683 = arith.constant 0 : i32
      %dma_wait3A_1684 = tpu.memref_slice %arg6[%add3A_669, %dma_wait3A_1683] : memref<512x64xf32, #tpu.memory_space<vmem>> -> memref<1x64xf32, #tpu.memory_space<vmem>>
      %dma_wait3A_1685 = tpu.memref_squeeze %dma_wait3A_1684 : memref<1x64xf32, #tpu.memory_space<vmem>> -> memref<64xf32, #tpu.memory_space<vmem>>
      %dma_wait3A_1686 = arith.constant 0 : i32
      %dma_wait3A_1687 = tpu.memref_slice %arg2[%squeeze3A_668, %dma_wait3A_1686] : memref<1000000x64xf32, #tpu.memory_space<hbm>> -> memref<1x64xf32, #tpu.memory_space<hbm>>
      %dma_wait3A_1688 = tpu.memref_squeeze %dma_wait3A_1687 : memref<1x64xf32, #tpu.memory_space<hbm>> -> memref<64xf32, #tpu.memory_space<hbm>>
      tpu.wait_dma2 semaphore(%arg7 : memref<!tpu.dma_semaphore, #tpu.memory_space<semaphore_mem>>) src(%dma_wait3A_1688 : memref<64xf32, #tpu.memory_space<hbm>>) dst(%dma_wait3A_1685 : memref<64xf32, #tpu.memory_space<vmem>>)
      %dma_wait3A_1689 = arith.constant 0 : i32
      %dma_wait3A_1690 = tpu.memref_slice %arg6[%add3A_688, %dma_wait3A_1689] : memref<512x64xf32, #tpu.memory_space<vmem>> -> memref<1x64xf32, #tpu.memory_space<vmem>>
      %dma_wait3A_1691 = tpu.memref_squeeze %dma_wait3A_1690 : memref<1x64xf32, #tpu.memory_space<vmem>> -> memref<64xf32, #tpu.memory_space<vmem>>
      %dma_wait3A_1692 = arith.constant 0 : i32
      %dma_wait3A_1693 = tpu.memref_slice %arg2[%squeeze3A_687, %dma_wait3A_1692] : memref<1000000x64xf32, #tpu.memory_space<hbm>> -> memref<1x64xf32, #tpu.memory_space<hbm>>
      %dma_wait3A_1694 = tpu.memref_squeeze %dma_wait3A_1693 : memref<1x64xf32, #tpu.memory_space<hbm>> -> memref<64xf32, #tpu.memory_space<hbm>>
      %dma_wait3A_1695 = arith.constant 0 : i32
      %dma_wait3A_1696 = tpu.memref_slice %arg6[%add3A_688, %dma_wait3A_1695] : memref<512x64xf32, #tpu.memory_space<vmem>> -> memref<1x64xf32, #tpu.memory_space<vmem>>
      %dma_wait3A_1697 = tpu.memref_squeeze %dma_wait3A_1696 : memref<1x64xf32, #tpu.memory_space<vmem>> -> memref<64xf32, #tpu.memory_space<vmem>>
      %dma_wait3A_1698 = arith.constant 0 : i32
      %dma_wait3A_1699 = tpu.memref_slice %arg2[%squeeze3A_687, %dma_wait3A_1698] : memref<1000000x64xf32, #tpu.memory_space<hbm>> -> memref<1x64xf32, #tpu.memory_space<hbm>>
      %dma_wait3A_1700 = tpu.memref_squeeze %dma_wait3A_1699 : memref<1x64xf32, #tpu.memory_space<hbm>> -> memref<64xf32, #tpu.memory_space<hbm>>
      tpu.wait_dma2 semaphore(%arg7 : memref<!tpu.dma_semaphore, #tpu.memory_space<semaphore_mem>>) src(%dma_wait3A_1700 : memref<64xf32, #tpu.memory_space<hbm>>) dst(%dma_wait3A_1697 : memref<64xf32, #tpu.memory_space<vmem>>)
      %dma_wait3A_1701 = arith.constant 0 : i32
      %dma_wait3A_1702 = tpu.memref_slice %arg6[%add3A_711, %dma_wait3A_1701] : memref<512x64xf32, #tpu.memory_space<vmem>> -> memref<1x64xf32, #tpu.memory_space<vmem>>
      %dma_wait3A_1703 = tpu.memref_squeeze %dma_wait3A_1702 : memref<1x64xf32, #tpu.memory_space<vmem>> -> memref<64xf32, #tpu.memory_space<vmem>>
      %dma_wait3A_1704 = arith.constant 0 : i32
      %dma_wait3A_1705 = tpu.memref_slice %arg2[%squeeze3A_710, %dma_wait3A_1704] : memref<1000000x64xf32, #tpu.memory_space<hbm>> -> memref<1x64xf32, #tpu.memory_space<hbm>>
      %dma_wait3A_1706 = tpu.memref_squeeze %dma_wait3A_1705 : memref<1x64xf32, #tpu.memory_space<hbm>> -> memref<64xf32, #tpu.memory_space<hbm>>
      %dma_wait3A_1707 = arith.constant 0 : i32
      %dma_wait3A_1708 = tpu.memref_slice %arg6[%add3A_711, %dma_wait3A_1707] : memref<512x64xf32, #tpu.memory_space<vmem>> -> memref<1x64xf32, #tpu.memory_space<vmem>>
      %dma_wait3A_1709 = tpu.memref_squeeze %dma_wait3A_1708 : memref<1x64xf32, #tpu.memory_space<vmem>> -> memref<64xf32, #tpu.memory_space<vmem>>
      %dma_wait3A_1710 = arith.constant 0 : i32
      %dma_wait3A_1711 = tpu.memref_slice %arg2[%squeeze3A_710, %dma_wait3A_1710] : memref<1000000x64xf32, #tpu.memory_space<hbm>> -> memref<1x64xf32, #tpu.memory_space<hbm>>
      %dma_wait3A_1712 = tpu.memref_squeeze %dma_wait3A_1711 : memref<1x64xf32, #tpu.memory_space<hbm>> -> memref<64xf32, #tpu.memory_space<hbm>>
      tpu.wait_dma2 semaphore(%arg7 : memref<!tpu.dma_semaphore, #tpu.memory_space<semaphore_mem>>) src(%dma_wait3A_1712 : memref<64xf32, #tpu.memory_space<hbm>>) dst(%dma_wait3A_1709 : memref<64xf32, #tpu.memory_space<vmem>>)
      %dma_wait3A_1713 = arith.constant 0 : i32
      %dma_wait3A_1714 = tpu.memref_slice %arg6[%add3A_730, %dma_wait3A_1713] : memref<512x64xf32, #tpu.memory_space<vmem>> -> memref<1x64xf32, #tpu.memory_space<vmem>>
      %dma_wait3A_1715 = tpu.memref_squeeze %dma_wait3A_1714 : memref<1x64xf32, #tpu.memory_space<vmem>> -> memref<64xf32, #tpu.memory_space<vmem>>
      %dma_wait3A_1716 = arith.constant 0 : i32
      %dma_wait3A_1717 = tpu.memref_slice %arg2[%squeeze3A_729, %dma_wait3A_1716] : memref<1000000x64xf32, #tpu.memory_space<hbm>> -> memref<1x64xf32, #tpu.memory_space<hbm>>
      %dma_wait3A_1718 = tpu.memref_squeeze %dma_wait3A_1717 : memref<1x64xf32, #tpu.memory_space<hbm>> -> memref<64xf32, #tpu.memory_space<hbm>>
      %dma_wait3A_1719 = arith.constant 0 : i32
      %dma_wait3A_1720 = tpu.memref_slice %arg6[%add3A_730, %dma_wait3A_1719] : memref<512x64xf32, #tpu.memory_space<vmem>> -> memref<1x64xf32, #tpu.memory_space<vmem>>
      %dma_wait3A_1721 = tpu.memref_squeeze %dma_wait3A_1720 : memref<1x64xf32, #tpu.memory_space<vmem>> -> memref<64xf32, #tpu.memory_space<vmem>>
      %dma_wait3A_1722 = arith.constant 0 : i32
      %dma_wait3A_1723 = tpu.memref_slice %arg2[%squeeze3A_729, %dma_wait3A_1722] : memref<1000000x64xf32, #tpu.memory_space<hbm>> -> memref<1x64xf32, #tpu.memory_space<hbm>>
      %dma_wait3A_1724 = tpu.memref_squeeze %dma_wait3A_1723 : memref<1x64xf32, #tpu.memory_space<hbm>> -> memref<64xf32, #tpu.memory_space<hbm>>
      tpu.wait_dma2 semaphore(%arg7 : memref<!tpu.dma_semaphore, #tpu.memory_space<semaphore_mem>>) src(%dma_wait3A_1724 : memref<64xf32, #tpu.memory_space<hbm>>) dst(%dma_wait3A_1721 : memref<64xf32, #tpu.memory_space<vmem>>)
      %dma_wait3A_1725 = arith.constant 0 : i32
      %dma_wait3A_1726 = tpu.memref_slice %arg6[%add3A_749, %dma_wait3A_1725] : memref<512x64xf32, #tpu.memory_space<vmem>> -> memref<1x64xf32, #tpu.memory_space<vmem>>
      %dma_wait3A_1727 = tpu.memref_squeeze %dma_wait3A_1726 : memref<1x64xf32, #tpu.memory_space<vmem>> -> memref<64xf32, #tpu.memory_space<vmem>>
      %dma_wait3A_1728 = arith.constant 0 : i32
      %dma_wait3A_1729 = tpu.memref_slice %arg2[%squeeze3A_748, %dma_wait3A_1728] : memref<1000000x64xf32, #tpu.memory_space<hbm>> -> memref<1x64xf32, #tpu.memory_space<hbm>>
      %dma_wait3A_1730 = tpu.memref_squeeze %dma_wait3A_1729 : memref<1x64xf32, #tpu.memory_space<hbm>> -> memref<64xf32, #tpu.memory_space<hbm>>
      %dma_wait3A_1731 = arith.constant 0 : i32
      %dma_wait3A_1732 = tpu.memref_slice %arg6[%add3A_749, %dma_wait3A_1731] : memref<512x64xf32, #tpu.memory_space<vmem>> -> memref<1x64xf32, #tpu.memory_space<vmem>>
      %dma_wait3A_1733 = tpu.memref_squeeze %dma_wait3A_1732 : memref<1x64xf32, #tpu.memory_space<vmem>> -> memref<64xf32, #tpu.memory_space<vmem>>
      %dma_wait3A_1734 = arith.constant 0 : i32
      %dma_wait3A_1735 = tpu.memref_slice %arg2[%squeeze3A_748, %dma_wait3A_1734] : memref<1000000x64xf32, #tpu.memory_space<hbm>> -> memref<1x64xf32, #tpu.memory_space<hbm>>
      %dma_wait3A_1736 = tpu.memref_squeeze %dma_wait3A_1735 : memref<1x64xf32, #tpu.memory_space<hbm>> -> memref<64xf32, #tpu.memory_space<hbm>>
      tpu.wait_dma2 semaphore(%arg7 : memref<!tpu.dma_semaphore, #tpu.memory_space<semaphore_mem>>) src(%dma_wait3A_1736 : memref<64xf32, #tpu.memory_space<hbm>>) dst(%dma_wait3A_1733 : memref<64xf32, #tpu.memory_space<vmem>>)
      %dma_wait3A_1737 = arith.constant 0 : i32
      %dma_wait3A_1738 = tpu.memref_slice %arg6[%add3A_768, %dma_wait3A_1737] : memref<512x64xf32, #tpu.memory_space<vmem>> -> memref<1x64xf32, #tpu.memory_space<vmem>>
      %dma_wait3A_1739 = tpu.memref_squeeze %dma_wait3A_1738 : memref<1x64xf32, #tpu.memory_space<vmem>> -> memref<64xf32, #tpu.memory_space<vmem>>
      %dma_wait3A_1740 = arith.constant 0 : i32
      %dma_wait3A_1741 = tpu.memref_slice %arg2[%squeeze3A_767, %dma_wait3A_1740] : memref<1000000x64xf32, #tpu.memory_space<hbm>> -> memref<1x64xf32, #tpu.memory_space<hbm>>
      %dma_wait3A_1742 = tpu.memref_squeeze %dma_wait3A_1741 : memref<1x64xf32, #tpu.memory_space<hbm>> -> memref<64xf32, #tpu.memory_space<hbm>>
      %dma_wait3A_1743 = arith.constant 0 : i32
      %dma_wait3A_1744 = tpu.memref_slice %arg6[%add3A_768, %dma_wait3A_1743] : memref<512x64xf32, #tpu.memory_space<vmem>> -> memref<1x64xf32, #tpu.memory_space<vmem>>
      %dma_wait3A_1745 = tpu.memref_squeeze %dma_wait3A_1744 : memref<1x64xf32, #tpu.memory_space<vmem>> -> memref<64xf32, #tpu.memory_space<vmem>>
      %dma_wait3A_1746 = arith.constant 0 : i32
      %dma_wait3A_1747 = tpu.memref_slice %arg2[%squeeze3A_767, %dma_wait3A_1746] : memref<1000000x64xf32, #tpu.memory_space<hbm>> -> memref<1x64xf32, #tpu.memory_space<hbm>>
      %dma_wait3A_1748 = tpu.memref_squeeze %dma_wait3A_1747 : memref<1x64xf32, #tpu.memory_space<hbm>> -> memref<64xf32, #tpu.memory_space<hbm>>
      tpu.wait_dma2 semaphore(%arg7 : memref<!tpu.dma_semaphore, #tpu.memory_space<semaphore_mem>>) src(%dma_wait3A_1748 : memref<64xf32, #tpu.memory_space<hbm>>) dst(%dma_wait3A_1745 : memref<64xf32, #tpu.memory_space<vmem>>)
      %dma_wait3A_1749 = arith.constant 0 : i32
      %dma_wait3A_1750 = tpu.memref_slice %arg6[%add3A_787, %dma_wait3A_1749] : memref<512x64xf32, #tpu.memory_space<vmem>> -> memref<1x64xf32, #tpu.memory_space<vmem>>
      %dma_wait3A_1751 = tpu.memref_squeeze %dma_wait3A_1750 : memref<1x64xf32, #tpu.memory_space<vmem>> -> memref<64xf32, #tpu.memory_space<vmem>>
      %dma_wait3A_1752 = arith.constant 0 : i32
      %dma_wait3A_1753 = tpu.memref_slice %arg2[%squeeze3A_786, %dma_wait3A_1752] : memref<1000000x64xf32, #tpu.memory_space<hbm>> -> memref<1x64xf32, #tpu.memory_space<hbm>>
      %dma_wait3A_1754 = tpu.memref_squeeze %dma_wait3A_1753 : memref<1x64xf32, #tpu.memory_space<hbm>> -> memref<64xf32, #tpu.memory_space<hbm>>
      %dma_wait3A_1755 = arith.constant 0 : i32
      %dma_wait3A_1756 = tpu.memref_slice %arg6[%add3A_787, %dma_wait3A_1755] : memref<512x64xf32, #tpu.memory_space<vmem>> -> memref<1x64xf32, #tpu.memory_space<vmem>>
      %dma_wait3A_1757 = tpu.memref_squeeze %dma_wait3A_1756 : memref<1x64xf32, #tpu.memory_space<vmem>> -> memref<64xf32, #tpu.memory_space<vmem>>
      %dma_wait3A_1758 = arith.constant 0 : i32
      %dma_wait3A_1759 = tpu.memref_slice %arg2[%squeeze3A_786, %dma_wait3A_1758] : memref<1000000x64xf32, #tpu.memory_space<hbm>> -> memref<1x64xf32, #tpu.memory_space<hbm>>
      %dma_wait3A_1760 = tpu.memref_squeeze %dma_wait3A_1759 : memref<1x64xf32, #tpu.memory_space<hbm>> -> memref<64xf32, #tpu.memory_space<hbm>>
      tpu.wait_dma2 semaphore(%arg7 : memref<!tpu.dma_semaphore, #tpu.memory_space<semaphore_mem>>) src(%dma_wait3A_1760 : memref<64xf32, #tpu.memory_space<hbm>>) dst(%dma_wait3A_1757 : memref<64xf32, #tpu.memory_space<vmem>>)
      %dma_wait3A_1761 = arith.constant 0 : i32
      %dma_wait3A_1762 = tpu.memref_slice %arg6[%add3A_806, %dma_wait3A_1761] : memref<512x64xf32, #tpu.memory_space<vmem>> -> memref<1x64xf32, #tpu.memory_space<vmem>>
      %dma_wait3A_1763 = tpu.memref_squeeze %dma_wait3A_1762 : memref<1x64xf32, #tpu.memory_space<vmem>> -> memref<64xf32, #tpu.memory_space<vmem>>
      %dma_wait3A_1764 = arith.constant 0 : i32
      %dma_wait3A_1765 = tpu.memref_slice %arg2[%squeeze3A_805, %dma_wait3A_1764] : memref<1000000x64xf32, #tpu.memory_space<hbm>> -> memref<1x64xf32, #tpu.memory_space<hbm>>
      %dma_wait3A_1766 = tpu.memref_squeeze %dma_wait3A_1765 : memref<1x64xf32, #tpu.memory_space<hbm>> -> memref<64xf32, #tpu.memory_space<hbm>>
      %dma_wait3A_1767 = arith.constant 0 : i32
      %dma_wait3A_1768 = tpu.memref_slice %arg6[%add3A_806, %dma_wait3A_1767] : memref<512x64xf32, #tpu.memory_space<vmem>> -> memref<1x64xf32, #tpu.memory_space<vmem>>
      %dma_wait3A_1769 = tpu.memref_squeeze %dma_wait3A_1768 : memref<1x64xf32, #tpu.memory_space<vmem>> -> memref<64xf32, #tpu.memory_space<vmem>>
      %dma_wait3A_1770 = arith.constant 0 : i32
      %dma_wait3A_1771 = tpu.memref_slice %arg2[%squeeze3A_805, %dma_wait3A_1770] : memref<1000000x64xf32, #tpu.memory_space<hbm>> -> memref<1x64xf32, #tpu.memory_space<hbm>>
      %dma_wait3A_1772 = tpu.memref_squeeze %dma_wait3A_1771 : memref<1x64xf32, #tpu.memory_space<hbm>> -> memref<64xf32, #tpu.memory_space<hbm>>
      tpu.wait_dma2 semaphore(%arg7 : memref<!tpu.dma_semaphore, #tpu.memory_space<semaphore_mem>>) src(%dma_wait3A_1772 : memref<64xf32, #tpu.memory_space<hbm>>) dst(%dma_wait3A_1769 : memref<64xf32, #tpu.memory_space<vmem>>)
      %dma_wait3A_1773 = arith.constant 0 : i32
      %dma_wait3A_1774 = tpu.memref_slice %arg6[%add3A_825, %dma_wait3A_1773] : memref<512x64xf32, #tpu.memory_space<vmem>> -> memref<1x64xf32, #tpu.memory_space<vmem>>
      %dma_wait3A_1775 = tpu.memref_squeeze %dma_wait3A_1774 : memref<1x64xf32, #tpu.memory_space<vmem>> -> memref<64xf32, #tpu.memory_space<vmem>>
      %dma_wait3A_1776 = arith.constant 0 : i32
      %dma_wait3A_1777 = tpu.memref_slice %arg2[%squeeze3A_824, %dma_wait3A_1776] : memref<1000000x64xf32, #tpu.memory_space<hbm>> -> memref<1x64xf32, #tpu.memory_space<hbm>>
      %dma_wait3A_1778 = tpu.memref_squeeze %dma_wait3A_1777 : memref<1x64xf32, #tpu.memory_space<hbm>> -> memref<64xf32, #tpu.memory_space<hbm>>
      %dma_wait3A_1779 = arith.constant 0 : i32
      %dma_wait3A_1780 = tpu.memref_slice %arg6[%add3A_825, %dma_wait3A_1779] : memref<512x64xf32, #tpu.memory_space<vmem>> -> memref<1x64xf32, #tpu.memory_space<vmem>>
      %dma_wait3A_1781 = tpu.memref_squeeze %dma_wait3A_1780 : memref<1x64xf32, #tpu.memory_space<vmem>> -> memref<64xf32, #tpu.memory_space<vmem>>
      %dma_wait3A_1782 = arith.constant 0 : i32
      %dma_wait3A_1783 = tpu.memref_slice %arg2[%squeeze3A_824, %dma_wait3A_1782] : memref<1000000x64xf32, #tpu.memory_space<hbm>> -> memref<1x64xf32, #tpu.memory_space<hbm>>
      %dma_wait3A_1784 = tpu.memref_squeeze %dma_wait3A_1783 : memref<1x64xf32, #tpu.memory_space<hbm>> -> memref<64xf32, #tpu.memory_space<hbm>>
      tpu.wait_dma2 semaphore(%arg7 : memref<!tpu.dma_semaphore, #tpu.memory_space<semaphore_mem>>) src(%dma_wait3A_1784 : memref<64xf32, #tpu.memory_space<hbm>>) dst(%dma_wait3A_1781 : memref<64xf32, #tpu.memory_space<vmem>>)
      %dma_wait3A_1785 = arith.constant 0 : i32
      %dma_wait3A_1786 = tpu.memref_slice %arg6[%add3A_844, %dma_wait3A_1785] : memref<512x64xf32, #tpu.memory_space<vmem>> -> memref<1x64xf32, #tpu.memory_space<vmem>>
      %dma_wait3A_1787 = tpu.memref_squeeze %dma_wait3A_1786 : memref<1x64xf32, #tpu.memory_space<vmem>> -> memref<64xf32, #tpu.memory_space<vmem>>
      %dma_wait3A_1788 = arith.constant 0 : i32
      %dma_wait3A_1789 = tpu.memref_slice %arg2[%squeeze3A_843, %dma_wait3A_1788] : memref<1000000x64xf32, #tpu.memory_space<hbm>> -> memref<1x64xf32, #tpu.memory_space<hbm>>
      %dma_wait3A_1790 = tpu.memref_squeeze %dma_wait3A_1789 : memref<1x64xf32, #tpu.memory_space<hbm>> -> memref<64xf32, #tpu.memory_space<hbm>>
      %dma_wait3A_1791 = arith.constant 0 : i32
      %dma_wait3A_1792 = tpu.memref_slice %arg6[%add3A_844, %dma_wait3A_1791] : memref<512x64xf32, #tpu.memory_space<vmem>> -> memref<1x64xf32, #tpu.memory_space<vmem>>
      %dma_wait3A_1793 = tpu.memref_squeeze %dma_wait3A_1792 : memref<1x64xf32, #tpu.memory_space<vmem>> -> memref<64xf32, #tpu.memory_space<vmem>>
      %dma_wait3A_1794 = arith.constant 0 : i32
      %dma_wait3A_1795 = tpu.memref_slice %arg2[%squeeze3A_843, %dma_wait3A_1794] : memref<1000000x64xf32, #tpu.memory_space<hbm>> -> memref<1x64xf32, #tpu.memory_space<hbm>>
      %dma_wait3A_1796 = tpu.memref_squeeze %dma_wait3A_1795 : memref<1x64xf32, #tpu.memory_space<hbm>> -> memref<64xf32, #tpu.memory_space<hbm>>
      tpu.wait_dma2 semaphore(%arg7 : memref<!tpu.dma_semaphore, #tpu.memory_space<semaphore_mem>>) src(%dma_wait3A_1796 : memref<64xf32, #tpu.memory_space<hbm>>) dst(%dma_wait3A_1793 : memref<64xf32, #tpu.memory_space<vmem>>)
      %dma_wait3A_1797 = arith.constant 0 : i32
      %dma_wait3A_1798 = tpu.memref_slice %arg6[%add3A_863, %dma_wait3A_1797] : memref<512x64xf32, #tpu.memory_space<vmem>> -> memref<1x64xf32, #tpu.memory_space<vmem>>
      %dma_wait3A_1799 = tpu.memref_squeeze %dma_wait3A_1798 : memref<1x64xf32, #tpu.memory_space<vmem>> -> memref<64xf32, #tpu.memory_space<vmem>>
      %dma_wait3A_1800 = arith.constant 0 : i32
      %dma_wait3A_1801 = tpu.memref_slice %arg2[%squeeze3A_862, %dma_wait3A_1800] : memref<1000000x64xf32, #tpu.memory_space<hbm>> -> memref<1x64xf32, #tpu.memory_space<hbm>>
      %dma_wait3A_1802 = tpu.memref_squeeze %dma_wait3A_1801 : memref<1x64xf32, #tpu.memory_space<hbm>> -> memref<64xf32, #tpu.memory_space<hbm>>
      %dma_wait3A_1803 = arith.constant 0 : i32
      %dma_wait3A_1804 = tpu.memref_slice %arg6[%add3A_863, %dma_wait3A_1803] : memref<512x64xf32, #tpu.memory_space<vmem>> -> memref<1x64xf32, #tpu.memory_space<vmem>>
      %dma_wait3A_1805 = tpu.memref_squeeze %dma_wait3A_1804 : memref<1x64xf32, #tpu.memory_space<vmem>> -> memref<64xf32, #tpu.memory_space<vmem>>
      %dma_wait3A_1806 = arith.constant 0 : i32
      %dma_wait3A_1807 = tpu.memref_slice %arg2[%squeeze3A_862, %dma_wait3A_1806] : memref<1000000x64xf32, #tpu.memory_space<hbm>> -> memref<1x64xf32, #tpu.memory_space<hbm>>
      %dma_wait3A_1808 = tpu.memref_squeeze %dma_wait3A_1807 : memref<1x64xf32, #tpu.memory_space<hbm>> -> memref<64xf32, #tpu.memory_space<hbm>>
      tpu.wait_dma2 semaphore(%arg7 : memref<!tpu.dma_semaphore, #tpu.memory_space<semaphore_mem>>) src(%dma_wait3A_1808 : memref<64xf32, #tpu.memory_space<hbm>>) dst(%dma_wait3A_1805 : memref<64xf32, #tpu.memory_space<vmem>>)
      %dma_wait3A_1809 = arith.constant 0 : i32
      %dma_wait3A_1810 = tpu.memref_slice %arg6[%add3A_882, %dma_wait3A_1809] : memref<512x64xf32, #tpu.memory_space<vmem>> -> memref<1x64xf32, #tpu.memory_space<vmem>>
      %dma_wait3A_1811 = tpu.memref_squeeze %dma_wait3A_1810 : memref<1x64xf32, #tpu.memory_space<vmem>> -> memref<64xf32, #tpu.memory_space<vmem>>
      %dma_wait3A_1812 = arith.constant 0 : i32
      %dma_wait3A_1813 = tpu.memref_slice %arg2[%squeeze3A_881, %dma_wait3A_1812] : memref<1000000x64xf32, #tpu.memory_space<hbm>> -> memref<1x64xf32, #tpu.memory_space<hbm>>
      %dma_wait3A_1814 = tpu.memref_squeeze %dma_wait3A_1813 : memref<1x64xf32, #tpu.memory_space<hbm>> -> memref<64xf32, #tpu.memory_space<hbm>>
      %dma_wait3A_1815 = arith.constant 0 : i32
      %dma_wait3A_1816 = tpu.memref_slice %arg6[%add3A_882, %dma_wait3A_1815] : memref<512x64xf32, #tpu.memory_space<vmem>> -> memref<1x64xf32, #tpu.memory_space<vmem>>
      %dma_wait3A_1817 = tpu.memref_squeeze %dma_wait3A_1816 : memref<1x64xf32, #tpu.memory_space<vmem>> -> memref<64xf32, #tpu.memory_space<vmem>>
      %dma_wait3A_1818 = arith.constant 0 : i32
      %dma_wait3A_1819 = tpu.memref_slice %arg2[%squeeze3A_881, %dma_wait3A_1818] : memref<1000000x64xf32, #tpu.memory_space<hbm>> -> memref<1x64xf32, #tpu.memory_space<hbm>>
      %dma_wait3A_1820 = tpu.memref_squeeze %dma_wait3A_1819 : memref<1x64xf32, #tpu.memory_space<hbm>> -> memref<64xf32, #tpu.memory_space<hbm>>
      tpu.wait_dma2 semaphore(%arg7 : memref<!tpu.dma_semaphore, #tpu.memory_space<semaphore_mem>>) src(%dma_wait3A_1820 : memref<64xf32, #tpu.memory_space<hbm>>) dst(%dma_wait3A_1817 : memref<64xf32, #tpu.memory_space<vmem>>)
      %dma_wait3A_1821 = arith.constant 0 : i32
      %dma_wait3A_1822 = tpu.memref_slice %arg6[%add3A_901, %dma_wait3A_1821] : memref<512x64xf32, #tpu.memory_space<vmem>> -> memref<1x64xf32, #tpu.memory_space<vmem>>
      %dma_wait3A_1823 = tpu.memref_squeeze %dma_wait3A_1822 : memref<1x64xf32, #tpu.memory_space<vmem>> -> memref<64xf32, #tpu.memory_space<vmem>>
      %dma_wait3A_1824 = arith.constant 0 : i32
      %dma_wait3A_1825 = tpu.memref_slice %arg2[%squeeze3A_900, %dma_wait3A_1824] : memref<1000000x64xf32, #tpu.memory_space<hbm>> -> memref<1x64xf32, #tpu.memory_space<hbm>>
      %dma_wait3A_1826 = tpu.memref_squeeze %dma_wait3A_1825 : memref<1x64xf32, #tpu.memory_space<hbm>> -> memref<64xf32, #tpu.memory_space<hbm>>
      %dma_wait3A_1827 = arith.constant 0 : i32
      %dma_wait3A_1828 = tpu.memref_slice %arg6[%add3A_901, %dma_wait3A_1827] : memref<512x64xf32, #tpu.memory_space<vmem>> -> memref<1x64xf32, #tpu.memory_space<vmem>>
      %dma_wait3A_1829 = tpu.memref_squeeze %dma_wait3A_1828 : memref<1x64xf32, #tpu.memory_space<vmem>> -> memref<64xf32, #tpu.memory_space<vmem>>
      %dma_wait3A_1830 = arith.constant 0 : i32
      %dma_wait3A_1831 = tpu.memref_slice %arg2[%squeeze3A_900, %dma_wait3A_1830] : memref<1000000x64xf32, #tpu.memory_space<hbm>> -> memref<1x64xf32, #tpu.memory_space<hbm>>
      %dma_wait3A_1832 = tpu.memref_squeeze %dma_wait3A_1831 : memref<1x64xf32, #tpu.memory_space<hbm>> -> memref<64xf32, #tpu.memory_space<hbm>>
      tpu.wait_dma2 semaphore(%arg7 : memref<!tpu.dma_semaphore, #tpu.memory_space<semaphore_mem>>) src(%dma_wait3A_1832 : memref<64xf32, #tpu.memory_space<hbm>>) dst(%dma_wait3A_1829 : memref<64xf32, #tpu.memory_space<vmem>>)
      %dma_wait3A_1833 = arith.constant 0 : i32
      %dma_wait3A_1834 = tpu.memref_slice %arg6[%add3A_920, %dma_wait3A_1833] : memref<512x64xf32, #tpu.memory_space<vmem>> -> memref<1x64xf32, #tpu.memory_space<vmem>>
      %dma_wait3A_1835 = tpu.memref_squeeze %dma_wait3A_1834 : memref<1x64xf32, #tpu.memory_space<vmem>> -> memref<64xf32, #tpu.memory_space<vmem>>
      %dma_wait3A_1836 = arith.constant 0 : i32
      %dma_wait3A_1837 = tpu.memref_slice %arg2[%squeeze3A_919, %dma_wait3A_1836] : memref<1000000x64xf32, #tpu.memory_space<hbm>> -> memref<1x64xf32, #tpu.memory_space<hbm>>
      %dma_wait3A_1838 = tpu.memref_squeeze %dma_wait3A_1837 : memref<1x64xf32, #tpu.memory_space<hbm>> -> memref<64xf32, #tpu.memory_space<hbm>>
      %dma_wait3A_1839 = arith.constant 0 : i32
      %dma_wait3A_1840 = tpu.memref_slice %arg6[%add3A_920, %dma_wait3A_1839] : memref<512x64xf32, #tpu.memory_space<vmem>> -> memref<1x64xf32, #tpu.memory_space<vmem>>
      %dma_wait3A_1841 = tpu.memref_squeeze %dma_wait3A_1840 : memref<1x64xf32, #tpu.memory_space<vmem>> -> memref<64xf32, #tpu.memory_space<vmem>>
      %dma_wait3A_1842 = arith.constant 0 : i32
      %dma_wait3A_1843 = tpu.memref_slice %arg2[%squeeze3A_919, %dma_wait3A_1842] : memref<1000000x64xf32, #tpu.memory_space<hbm>> -> memref<1x64xf32, #tpu.memory_space<hbm>>
      %dma_wait3A_1844 = tpu.memref_squeeze %dma_wait3A_1843 : memref<1x64xf32, #tpu.memory_space<hbm>> -> memref<64xf32, #tpu.memory_space<hbm>>
      tpu.wait_dma2 semaphore(%arg7 : memref<!tpu.dma_semaphore, #tpu.memory_space<semaphore_mem>>) src(%dma_wait3A_1844 : memref<64xf32, #tpu.memory_space<hbm>>) dst(%dma_wait3A_1841 : memref<64xf32, #tpu.memory_space<vmem>>)
      %dma_wait3A_1845 = arith.constant 0 : i32
      %dma_wait3A_1846 = tpu.memref_slice %arg6[%add3A_939, %dma_wait3A_1845] : memref<512x64xf32, #tpu.memory_space<vmem>> -> memref<1x64xf32, #tpu.memory_space<vmem>>
      %dma_wait3A_1847 = tpu.memref_squeeze %dma_wait3A_1846 : memref<1x64xf32, #tpu.memory_space<vmem>> -> memref<64xf32, #tpu.memory_space<vmem>>
      %dma_wait3A_1848 = arith.constant 0 : i32
      %dma_wait3A_1849 = tpu.memref_slice %arg2[%squeeze3A_938, %dma_wait3A_1848] : memref<1000000x64xf32, #tpu.memory_space<hbm>> -> memref<1x64xf32, #tpu.memory_space<hbm>>
      %dma_wait3A_1850 = tpu.memref_squeeze %dma_wait3A_1849 : memref<1x64xf32, #tpu.memory_space<hbm>> -> memref<64xf32, #tpu.memory_space<hbm>>
      %dma_wait3A_1851 = arith.constant 0 : i32
      %dma_wait3A_1852 = tpu.memref_slice %arg6[%add3A_939, %dma_wait3A_1851] : memref<512x64xf32, #tpu.memory_space<vmem>> -> memref<1x64xf32, #tpu.memory_space<vmem>>
      %dma_wait3A_1853 = tpu.memref_squeeze %dma_wait3A_1852 : memref<1x64xf32, #tpu.memory_space<vmem>> -> memref<64xf32, #tpu.memory_space<vmem>>
      %dma_wait3A_1854 = arith.constant 0 : i32
      %dma_wait3A_1855 = tpu.memref_slice %arg2[%squeeze3A_938, %dma_wait3A_1854] : memref<1000000x64xf32, #tpu.memory_space<hbm>> -> memref<1x64xf32, #tpu.memory_space<hbm>>
      %dma_wait3A_1856 = tpu.memref_squeeze %dma_wait3A_1855 : memref<1x64xf32, #tpu.memory_space<hbm>> -> memref<64xf32, #tpu.memory_space<hbm>>
      tpu.wait_dma2 semaphore(%arg7 : memref<!tpu.dma_semaphore, #tpu.memory_space<semaphore_mem>>) src(%dma_wait3A_1856 : memref<64xf32, #tpu.memory_space<hbm>>) dst(%dma_wait3A_1853 : memref<64xf32, #tpu.memory_space<vmem>>)
      %dma_wait3A_1857 = arith.constant 0 : i32
      %dma_wait3A_1858 = tpu.memref_slice %arg6[%add3A_958, %dma_wait3A_1857] : memref<512x64xf32, #tpu.memory_space<vmem>> -> memref<1x64xf32, #tpu.memory_space<vmem>>
      %dma_wait3A_1859 = tpu.memref_squeeze %dma_wait3A_1858 : memref<1x64xf32, #tpu.memory_space<vmem>> -> memref<64xf32, #tpu.memory_space<vmem>>
      %dma_wait3A_1860 = arith.constant 0 : i32
      %dma_wait3A_1861 = tpu.memref_slice %arg2[%squeeze3A_957, %dma_wait3A_1860] : memref<1000000x64xf32, #tpu.memory_space<hbm>> -> memref<1x64xf32, #tpu.memory_space<hbm>>
      %dma_wait3A_1862 = tpu.memref_squeeze %dma_wait3A_1861 : memref<1x64xf32, #tpu.memory_space<hbm>> -> memref<64xf32, #tpu.memory_space<hbm>>
      %dma_wait3A_1863 = arith.constant 0 : i32
      %dma_wait3A_1864 = tpu.memref_slice %arg6[%add3A_958, %dma_wait3A_1863] : memref<512x64xf32, #tpu.memory_space<vmem>> -> memref<1x64xf32, #tpu.memory_space<vmem>>
      %dma_wait3A_1865 = tpu.memref_squeeze %dma_wait3A_1864 : memref<1x64xf32, #tpu.memory_space<vmem>> -> memref<64xf32, #tpu.memory_space<vmem>>
      %dma_wait3A_1866 = arith.constant 0 : i32
      %dma_wait3A_1867 = tpu.memref_slice %arg2[%squeeze3A_957, %dma_wait3A_1866] : memref<1000000x64xf32, #tpu.memory_space<hbm>> -> memref<1x64xf32, #tpu.memory_space<hbm>>
      %dma_wait3A_1868 = tpu.memref_squeeze %dma_wait3A_1867 : memref<1x64xf32, #tpu.memory_space<hbm>> -> memref<64xf32, #tpu.memory_space<hbm>>
      tpu.wait_dma2 semaphore(%arg7 : memref<!tpu.dma_semaphore, #tpu.memory_space<semaphore_mem>>) src(%dma_wait3A_1868 : memref<64xf32, #tpu.memory_space<hbm>>) dst(%dma_wait3A_1865 : memref<64xf32, #tpu.memory_space<vmem>>)
      %dma_wait3A_1869 = arith.constant 0 : i32
      %dma_wait3A_1870 = tpu.memref_slice %arg6[%add3A_977, %dma_wait3A_1869] : memref<512x64xf32, #tpu.memory_space<vmem>> -> memref<1x64xf32, #tpu.memory_space<vmem>>
      %dma_wait3A_1871 = tpu.memref_squeeze %dma_wait3A_1870 : memref<1x64xf32, #tpu.memory_space<vmem>> -> memref<64xf32, #tpu.memory_space<vmem>>
      %dma_wait3A_1872 = arith.constant 0 : i32
      %dma_wait3A_1873 = tpu.memref_slice %arg2[%squeeze3A_976, %dma_wait3A_1872] : memref<1000000x64xf32, #tpu.memory_space<hbm>> -> memref<1x64xf32, #tpu.memory_space<hbm>>
      %dma_wait3A_1874 = tpu.memref_squeeze %dma_wait3A_1873 : memref<1x64xf32, #tpu.memory_space<hbm>> -> memref<64xf32, #tpu.memory_space<hbm>>
      %dma_wait3A_1875 = arith.constant 0 : i32
      %dma_wait3A_1876 = tpu.memref_slice %arg6[%add3A_977, %dma_wait3A_1875] : memref<512x64xf32, #tpu.memory_space<vmem>> -> memref<1x64xf32, #tpu.memory_space<vmem>>
      %dma_wait3A_1877 = tpu.memref_squeeze %dma_wait3A_1876 : memref<1x64xf32, #tpu.memory_space<vmem>> -> memref<64xf32, #tpu.memory_space<vmem>>
      %dma_wait3A_1878 = arith.constant 0 : i32
      %dma_wait3A_1879 = tpu.memref_slice %arg2[%squeeze3A_976, %dma_wait3A_1878] : memref<1000000x64xf32, #tpu.memory_space<hbm>> -> memref<1x64xf32, #tpu.memory_space<hbm>>
      %dma_wait3A_1880 = tpu.memref_squeeze %dma_wait3A_1879 : memref<1x64xf32, #tpu.memory_space<hbm>> -> memref<64xf32, #tpu.memory_space<hbm>>
      tpu.wait_dma2 semaphore(%arg7 : memref<!tpu.dma_semaphore, #tpu.memory_space<semaphore_mem>>) src(%dma_wait3A_1880 : memref<64xf32, #tpu.memory_space<hbm>>) dst(%dma_wait3A_1877 : memref<64xf32, #tpu.memory_space<vmem>>)
      %dma_wait3A_1881 = arith.constant 0 : i32
      %dma_wait3A_1882 = tpu.memref_slice %arg6[%add3A_996, %dma_wait3A_1881] : memref<512x64xf32, #tpu.memory_space<vmem>> -> memref<1x64xf32, #tpu.memory_space<vmem>>
      %dma_wait3A_1883 = tpu.memref_squeeze %dma_wait3A_1882 : memref<1x64xf32, #tpu.memory_space<vmem>> -> memref<64xf32, #tpu.memory_space<vmem>>
      %dma_wait3A_1884 = arith.constant 0 : i32
      %dma_wait3A_1885 = tpu.memref_slice %arg2[%squeeze3A_995, %dma_wait3A_1884] : memref<1000000x64xf32, #tpu.memory_space<hbm>> -> memref<1x64xf32, #tpu.memory_space<hbm>>
      %dma_wait3A_1886 = tpu.memref_squeeze %dma_wait3A_1885 : memref<1x64xf32, #tpu.memory_space<hbm>> -> memref<64xf32, #tpu.memory_space<hbm>>
      %dma_wait3A_1887 = arith.constant 0 : i32
      %dma_wait3A_1888 = tpu.memref_slice %arg6[%add3A_996, %dma_wait3A_1887] : memref<512x64xf32, #tpu.memory_space<vmem>> -> memref<1x64xf32, #tpu.memory_space<vmem>>
      %dma_wait3A_1889 = tpu.memref_squeeze %dma_wait3A_1888 : memref<1x64xf32, #tpu.memory_space<vmem>> -> memref<64xf32, #tpu.memory_space<vmem>>
      %dma_wait3A_1890 = arith.constant 0 : i32
      %dma_wait3A_1891 = tpu.memref_slice %arg2[%squeeze3A_995, %dma_wait3A_1890] : memref<1000000x64xf32, #tpu.memory_space<hbm>> -> memref<1x64xf32, #tpu.memory_space<hbm>>
      %dma_wait3A_1892 = tpu.memref_squeeze %dma_wait3A_1891 : memref<1x64xf32, #tpu.memory_space<hbm>> -> memref<64xf32, #tpu.memory_space<hbm>>
      tpu.wait_dma2 semaphore(%arg7 : memref<!tpu.dma_semaphore, #tpu.memory_space<semaphore_mem>>) src(%dma_wait3A_1892 : memref<64xf32, #tpu.memory_space<hbm>>) dst(%dma_wait3A_1889 : memref<64xf32, #tpu.memory_space<vmem>>)
      %dma_wait3A_1893 = arith.constant 0 : i32
      %dma_wait3A_1894 = tpu.memref_slice %arg6[%add3A_1019, %dma_wait3A_1893] : memref<512x64xf32, #tpu.memory_space<vmem>> -> memref<1x64xf32, #tpu.memory_space<vmem>>
      %dma_wait3A_1895 = tpu.memref_squeeze %dma_wait3A_1894 : memref<1x64xf32, #tpu.memory_space<vmem>> -> memref<64xf32, #tpu.memory_space<vmem>>
      %dma_wait3A_1896 = arith.constant 0 : i32
      %dma_wait3A_1897 = tpu.memref_slice %arg2[%squeeze3A_1018, %dma_wait3A_1896] : memref<1000000x64xf32, #tpu.memory_space<hbm>> -> memref<1x64xf32, #tpu.memory_space<hbm>>
      %dma_wait3A_1898 = tpu.memref_squeeze %dma_wait3A_1897 : memref<1x64xf32, #tpu.memory_space<hbm>> -> memref<64xf32, #tpu.memory_space<hbm>>
      %dma_wait3A_1899 = arith.constant 0 : i32
      %dma_wait3A_1900 = tpu.memref_slice %arg6[%add3A_1019, %dma_wait3A_1899] : memref<512x64xf32, #tpu.memory_space<vmem>> -> memref<1x64xf32, #tpu.memory_space<vmem>>
      %dma_wait3A_1901 = tpu.memref_squeeze %dma_wait3A_1900 : memref<1x64xf32, #tpu.memory_space<vmem>> -> memref<64xf32, #tpu.memory_space<vmem>>
      %dma_wait3A_1902 = arith.constant 0 : i32
      %dma_wait3A_1903 = tpu.memref_slice %arg2[%squeeze3A_1018, %dma_wait3A_1902] : memref<1000000x64xf32, #tpu.memory_space<hbm>> -> memref<1x64xf32, #tpu.memory_space<hbm>>
      %dma_wait3A_1904 = tpu.memref_squeeze %dma_wait3A_1903 : memref<1x64xf32, #tpu.memory_space<hbm>> -> memref<64xf32, #tpu.memory_space<hbm>>
      tpu.wait_dma2 semaphore(%arg7 : memref<!tpu.dma_semaphore, #tpu.memory_space<semaphore_mem>>) src(%dma_wait3A_1904 : memref<64xf32, #tpu.memory_space<hbm>>) dst(%dma_wait3A_1901 : memref<64xf32, #tpu.memory_space<vmem>>)
      %dma_wait3A_1905 = arith.constant 0 : i32
      %dma_wait3A_1906 = tpu.memref_slice %arg6[%add3A_1038, %dma_wait3A_1905] : memref<512x64xf32, #tpu.memory_space<vmem>> -> memref<1x64xf32, #tpu.memory_space<vmem>>
      %dma_wait3A_1907 = tpu.memref_squeeze %dma_wait3A_1906 : memref<1x64xf32, #tpu.memory_space<vmem>> -> memref<64xf32, #tpu.memory_space<vmem>>
      %dma_wait3A_1908 = arith.constant 0 : i32
      %dma_wait3A_1909 = tpu.memref_slice %arg2[%squeeze3A_1037, %dma_wait3A_1908] : memref<1000000x64xf32, #tpu.memory_space<hbm>> -> memref<1x64xf32, #tpu.memory_space<hbm>>
      %dma_wait3A_1910 = tpu.memref_squeeze %dma_wait3A_1909 : memref<1x64xf32, #tpu.memory_space<hbm>> -> memref<64xf32, #tpu.memory_space<hbm>>
      %dma_wait3A_1911 = arith.constant 0 : i32
      %dma_wait3A_1912 = tpu.memref_slice %arg6[%add3A_1038, %dma_wait3A_1911] : memref<512x64xf32, #tpu.memory_space<vmem>> -> memref<1x64xf32, #tpu.memory_space<vmem>>
      %dma_wait3A_1913 = tpu.memref_squeeze %dma_wait3A_1912 : memref<1x64xf32, #tpu.memory_space<vmem>> -> memref<64xf32, #tpu.memory_space<vmem>>
      %dma_wait3A_1914 = arith.constant 0 : i32
      %dma_wait3A_1915 = tpu.memref_slice %arg2[%squeeze3A_1037, %dma_wait3A_1914] : memref<1000000x64xf32, #tpu.memory_space<hbm>> -> memref<1x64xf32, #tpu.memory_space<hbm>>
      %dma_wait3A_1916 = tpu.memref_squeeze %dma_wait3A_1915 : memref<1x64xf32, #tpu.memory_space<hbm>> -> memref<64xf32, #tpu.memory_space<hbm>>
      tpu.wait_dma2 semaphore(%arg7 : memref<!tpu.dma_semaphore, #tpu.memory_space<semaphore_mem>>) src(%dma_wait3A_1916 : memref<64xf32, #tpu.memory_space<hbm>>) dst(%dma_wait3A_1913 : memref<64xf32, #tpu.memory_space<vmem>>)
      %dma_wait3A_1917 = arith.constant 0 : i32
      %dma_wait3A_1918 = tpu.memref_slice %arg6[%add3A_1057, %dma_wait3A_1917] : memref<512x64xf32, #tpu.memory_space<vmem>> -> memref<1x64xf32, #tpu.memory_space<vmem>>
      %dma_wait3A_1919 = tpu.memref_squeeze %dma_wait3A_1918 : memref<1x64xf32, #tpu.memory_space<vmem>> -> memref<64xf32, #tpu.memory_space<vmem>>
      %dma_wait3A_1920 = arith.constant 0 : i32
      %dma_wait3A_1921 = tpu.memref_slice %arg2[%squeeze3A_1056, %dma_wait3A_1920] : memref<1000000x64xf32, #tpu.memory_space<hbm>> -> memref<1x64xf32, #tpu.memory_space<hbm>>
      %dma_wait3A_1922 = tpu.memref_squeeze %dma_wait3A_1921 : memref<1x64xf32, #tpu.memory_space<hbm>> -> memref<64xf32, #tpu.memory_space<hbm>>
      %dma_wait3A_1923 = arith.constant 0 : i32
      %dma_wait3A_1924 = tpu.memref_slice %arg6[%add3A_1057, %dma_wait3A_1923] : memref<512x64xf32, #tpu.memory_space<vmem>> -> memref<1x64xf32, #tpu.memory_space<vmem>>
      %dma_wait3A_1925 = tpu.memref_squeeze %dma_wait3A_1924 : memref<1x64xf32, #tpu.memory_space<vmem>> -> memref<64xf32, #tpu.memory_space<vmem>>
      %dma_wait3A_1926 = arith.constant 0 : i32
      %dma_wait3A_1927 = tpu.memref_slice %arg2[%squeeze3A_1056, %dma_wait3A_1926] : memref<1000000x64xf32, #tpu.memory_space<hbm>> -> memref<1x64xf32, #tpu.memory_space<hbm>>
      %dma_wait3A_1928 = tpu.memref_squeeze %dma_wait3A_1927 : memref<1x64xf32, #tpu.memory_space<hbm>> -> memref<64xf32, #tpu.memory_space<hbm>>
      tpu.wait_dma2 semaphore(%arg7 : memref<!tpu.dma_semaphore, #tpu.memory_space<semaphore_mem>>) src(%dma_wait3A_1928 : memref<64xf32, #tpu.memory_space<hbm>>) dst(%dma_wait3A_1925 : memref<64xf32, #tpu.memory_space<vmem>>)
      %dma_wait3A_1929 = arith.constant 0 : i32
      %dma_wait3A_1930 = tpu.memref_slice %arg6[%add3A_1076, %dma_wait3A_1929] : memref<512x64xf32, #tpu.memory_space<vmem>> -> memref<1x64xf32, #tpu.memory_space<vmem>>
      %dma_wait3A_1931 = tpu.memref_squeeze %dma_wait3A_1930 : memref<1x64xf32, #tpu.memory_space<vmem>> -> memref<64xf32, #tpu.memory_space<vmem>>
      %dma_wait3A_1932 = arith.constant 0 : i32
      %dma_wait3A_1933 = tpu.memref_slice %arg2[%squeeze3A_1075, %dma_wait3A_1932] : memref<1000000x64xf32, #tpu.memory_space<hbm>> -> memref<1x64xf32, #tpu.memory_space<hbm>>
      %dma_wait3A_1934 = tpu.memref_squeeze %dma_wait3A_1933 : memref<1x64xf32, #tpu.memory_space<hbm>> -> memref<64xf32, #tpu.memory_space<hbm>>
      %dma_wait3A_1935 = arith.constant 0 : i32
      %dma_wait3A_1936 = tpu.memref_slice %arg6[%add3A_1076, %dma_wait3A_1935] : memref<512x64xf32, #tpu.memory_space<vmem>> -> memref<1x64xf32, #tpu.memory_space<vmem>>
      %dma_wait3A_1937 = tpu.memref_squeeze %dma_wait3A_1936 : memref<1x64xf32, #tpu.memory_space<vmem>> -> memref<64xf32, #tpu.memory_space<vmem>>
      %dma_wait3A_1938 = arith.constant 0 : i32
      %dma_wait3A_1939 = tpu.memref_slice %arg2[%squeeze3A_1075, %dma_wait3A_1938] : memref<1000000x64xf32, #tpu.memory_space<hbm>> -> memref<1x64xf32, #tpu.memory_space<hbm>>
      %dma_wait3A_1940 = tpu.memref_squeeze %dma_wait3A_1939 : memref<1x64xf32, #tpu.memory_space<hbm>> -> memref<64xf32, #tpu.memory_space<hbm>>
      tpu.wait_dma2 semaphore(%arg7 : memref<!tpu.dma_semaphore, #tpu.memory_space<semaphore_mem>>) src(%dma_wait3A_1940 : memref<64xf32, #tpu.memory_space<hbm>>) dst(%dma_wait3A_1937 : memref<64xf32, #tpu.memory_space<vmem>>)
      %dma_wait3A_1941 = arith.constant 0 : i32
      %dma_wait3A_1942 = tpu.memref_slice %arg6[%add3A_1095, %dma_wait3A_1941] : memref<512x64xf32, #tpu.memory_space<vmem>> -> memref<1x64xf32, #tpu.memory_space<vmem>>
      %dma_wait3A_1943 = tpu.memref_squeeze %dma_wait3A_1942 : memref<1x64xf32, #tpu.memory_space<vmem>> -> memref<64xf32, #tpu.memory_space<vmem>>
      %dma_wait3A_1944 = arith.constant 0 : i32
      %dma_wait3A_1945 = tpu.memref_slice %arg2[%squeeze3A_1094, %dma_wait3A_1944] : memref<1000000x64xf32, #tpu.memory_space<hbm>> -> memref<1x64xf32, #tpu.memory_space<hbm>>
      %dma_wait3A_1946 = tpu.memref_squeeze %dma_wait3A_1945 : memref<1x64xf32, #tpu.memory_space<hbm>> -> memref<64xf32, #tpu.memory_space<hbm>>
      %dma_wait3A_1947 = arith.constant 0 : i32
      %dma_wait3A_1948 = tpu.memref_slice %arg6[%add3A_1095, %dma_wait3A_1947] : memref<512x64xf32, #tpu.memory_space<vmem>> -> memref<1x64xf32, #tpu.memory_space<vmem>>
      %dma_wait3A_1949 = tpu.memref_squeeze %dma_wait3A_1948 : memref<1x64xf32, #tpu.memory_space<vmem>> -> memref<64xf32, #tpu.memory_space<vmem>>
      %dma_wait3A_1950 = arith.constant 0 : i32
      %dma_wait3A_1951 = tpu.memref_slice %arg2[%squeeze3A_1094, %dma_wait3A_1950] : memref<1000000x64xf32, #tpu.memory_space<hbm>> -> memref<1x64xf32, #tpu.memory_space<hbm>>
      %dma_wait3A_1952 = tpu.memref_squeeze %dma_wait3A_1951 : memref<1x64xf32, #tpu.memory_space<hbm>> -> memref<64xf32, #tpu.memory_space<hbm>>
      tpu.wait_dma2 semaphore(%arg7 : memref<!tpu.dma_semaphore, #tpu.memory_space<semaphore_mem>>) src(%dma_wait3A_1952 : memref<64xf32, #tpu.memory_space<hbm>>) dst(%dma_wait3A_1949 : memref<64xf32, #tpu.memory_space<vmem>>)
      %dma_wait3A_1953 = arith.constant 0 : i32
      %dma_wait3A_1954 = tpu.memref_slice %arg6[%add3A_1114, %dma_wait3A_1953] : memref<512x64xf32, #tpu.memory_space<vmem>> -> memref<1x64xf32, #tpu.memory_space<vmem>>
      %dma_wait3A_1955 = tpu.memref_squeeze %dma_wait3A_1954 : memref<1x64xf32, #tpu.memory_space<vmem>> -> memref<64xf32, #tpu.memory_space<vmem>>
      %dma_wait3A_1956 = arith.constant 0 : i32
      %dma_wait3A_1957 = tpu.memref_slice %arg2[%squeeze3A_1113, %dma_wait3A_1956] : memref<1000000x64xf32, #tpu.memory_space<hbm>> -> memref<1x64xf32, #tpu.memory_space<hbm>>
      %dma_wait3A_1958 = tpu.memref_squeeze %dma_wait3A_1957 : memref<1x64xf32, #tpu.memory_space<hbm>> -> memref<64xf32, #tpu.memory_space<hbm>>
      %dma_wait3A_1959 = arith.constant 0 : i32
      %dma_wait3A_1960 = tpu.memref_slice %arg6[%add3A_1114, %dma_wait3A_1959] : memref<512x64xf32, #tpu.memory_space<vmem>> -> memref<1x64xf32, #tpu.memory_space<vmem>>
      %dma_wait3A_1961 = tpu.memref_squeeze %dma_wait3A_1960 : memref<1x64xf32, #tpu.memory_space<vmem>> -> memref<64xf32, #tpu.memory_space<vmem>>
      %dma_wait3A_1962 = arith.constant 0 : i32
      %dma_wait3A_1963 = tpu.memref_slice %arg2[%squeeze3A_1113, %dma_wait3A_1962] : memref<1000000x64xf32, #tpu.memory_space<hbm>> -> memref<1x64xf32, #tpu.memory_space<hbm>>
      %dma_wait3A_1964 = tpu.memref_squeeze %dma_wait3A_1963 : memref<1x64xf32, #tpu.memory_space<hbm>> -> memref<64xf32, #tpu.memory_space<hbm>>
      tpu.wait_dma2 semaphore(%arg7 : memref<!tpu.dma_semaphore, #tpu.memory_space<semaphore_mem>>) src(%dma_wait3A_1964 : memref<64xf32, #tpu.memory_space<hbm>>) dst(%dma_wait3A_1961 : memref<64xf32, #tpu.memory_space<vmem>>)
      %dma_wait3A_1965 = arith.constant 0 : i32
      %dma_wait3A_1966 = tpu.memref_slice %arg6[%add3A_1133, %dma_wait3A_1965] : memref<512x64xf32, #tpu.memory_space<vmem>> -> memref<1x64xf32, #tpu.memory_space<vmem>>
      %dma_wait3A_1967 = tpu.memref_squeeze %dma_wait3A_1966 : memref<1x64xf32, #tpu.memory_space<vmem>> -> memref<64xf32, #tpu.memory_space<vmem>>
      %dma_wait3A_1968 = arith.constant 0 : i32
      %dma_wait3A_1969 = tpu.memref_slice %arg2[%squeeze3A_1132, %dma_wait3A_1968] : memref<1000000x64xf32, #tpu.memory_space<hbm>> -> memref<1x64xf32, #tpu.memory_space<hbm>>
      %dma_wait3A_1970 = tpu.memref_squeeze %dma_wait3A_1969 : memref<1x64xf32, #tpu.memory_space<hbm>> -> memref<64xf32, #tpu.memory_space<hbm>>
      %dma_wait3A_1971 = arith.constant 0 : i32
      %dma_wait3A_1972 = tpu.memref_slice %arg6[%add3A_1133, %dma_wait3A_1971] : memref<512x64xf32, #tpu.memory_space<vmem>> -> memref<1x64xf32, #tpu.memory_space<vmem>>
      %dma_wait3A_1973 = tpu.memref_squeeze %dma_wait3A_1972 : memref<1x64xf32, #tpu.memory_space<vmem>> -> memref<64xf32, #tpu.memory_space<vmem>>
      %dma_wait3A_1974 = arith.constant 0 : i32
      %dma_wait3A_1975 = tpu.memref_slice %arg2[%squeeze3A_1132, %dma_wait3A_1974] : memref<1000000x64xf32, #tpu.memory_space<hbm>> -> memref<1x64xf32, #tpu.memory_space<hbm>>
      %dma_wait3A_1976 = tpu.memref_squeeze %dma_wait3A_1975 : memref<1x64xf32, #tpu.memory_space<hbm>> -> memref<64xf32, #tpu.memory_space<hbm>>
      tpu.wait_dma2 semaphore(%arg7 : memref<!tpu.dma_semaphore, #tpu.memory_space<semaphore_mem>>) src(%dma_wait3A_1976 : memref<64xf32, #tpu.memory_space<hbm>>) dst(%dma_wait3A_1973 : memref<64xf32, #tpu.memory_space<vmem>>)
      %dma_wait3A_1977 = arith.constant 0 : i32
      %dma_wait3A_1978 = tpu.memref_slice %arg6[%add3A_1152, %dma_wait3A_1977] : memref<512x64xf32, #tpu.memory_space<vmem>> -> memref<1x64xf32, #tpu.memory_space<vmem>>
      %dma_wait3A_1979 = tpu.memref_squeeze %dma_wait3A_1978 : memref<1x64xf32, #tpu.memory_space<vmem>> -> memref<64xf32, #tpu.memory_space<vmem>>
      %dma_wait3A_1980 = arith.constant 0 : i32
      %dma_wait3A_1981 = tpu.memref_slice %arg2[%squeeze3A_1151, %dma_wait3A_1980] : memref<1000000x64xf32, #tpu.memory_space<hbm>> -> memref<1x64xf32, #tpu.memory_space<hbm>>
      %dma_wait3A_1982 = tpu.memref_squeeze %dma_wait3A_1981 : memref<1x64xf32, #tpu.memory_space<hbm>> -> memref<64xf32, #tpu.memory_space<hbm>>
      %dma_wait3A_1983 = arith.constant 0 : i32
      %dma_wait3A_1984 = tpu.memref_slice %arg6[%add3A_1152, %dma_wait3A_1983] : memref<512x64xf32, #tpu.memory_space<vmem>> -> memref<1x64xf32, #tpu.memory_space<vmem>>
      %dma_wait3A_1985 = tpu.memref_squeeze %dma_wait3A_1984 : memref<1x64xf32, #tpu.memory_space<vmem>> -> memref<64xf32, #tpu.memory_space<vmem>>
      %dma_wait3A_1986 = arith.constant 0 : i32
      %dma_wait3A_1987 = tpu.memref_slice %arg2[%squeeze3A_1151, %dma_wait3A_1986] : memref<1000000x64xf32, #tpu.memory_space<hbm>> -> memref<1x64xf32, #tpu.memory_space<hbm>>
      %dma_wait3A_1988 = tpu.memref_squeeze %dma_wait3A_1987 : memref<1x64xf32, #tpu.memory_space<hbm>> -> memref<64xf32, #tpu.memory_space<hbm>>
      tpu.wait_dma2 semaphore(%arg7 : memref<!tpu.dma_semaphore, #tpu.memory_space<semaphore_mem>>) src(%dma_wait3A_1988 : memref<64xf32, #tpu.memory_space<hbm>>) dst(%dma_wait3A_1985 : memref<64xf32, #tpu.memory_space<vmem>>)
      %dma_wait3A_1989 = arith.constant 0 : i32
      %dma_wait3A_1990 = tpu.memref_slice %arg6[%add3A_1171, %dma_wait3A_1989] : memref<512x64xf32, #tpu.memory_space<vmem>> -> memref<1x64xf32, #tpu.memory_space<vmem>>
      %dma_wait3A_1991 = tpu.memref_squeeze %dma_wait3A_1990 : memref<1x64xf32, #tpu.memory_space<vmem>> -> memref<64xf32, #tpu.memory_space<vmem>>
      %dma_wait3A_1992 = arith.constant 0 : i32
      %dma_wait3A_1993 = tpu.memref_slice %arg2[%squeeze3A_1170, %dma_wait3A_1992] : memref<1000000x64xf32, #tpu.memory_space<hbm>> -> memref<1x64xf32, #tpu.memory_space<hbm>>
      %dma_wait3A_1994 = tpu.memref_squeeze %dma_wait3A_1993 : memref<1x64xf32, #tpu.memory_space<hbm>> -> memref<64xf32, #tpu.memory_space<hbm>>
      %dma_wait3A_1995 = arith.constant 0 : i32
      %dma_wait3A_1996 = tpu.memref_slice %arg6[%add3A_1171, %dma_wait3A_1995] : memref<512x64xf32, #tpu.memory_space<vmem>> -> memref<1x64xf32, #tpu.memory_space<vmem>>
      %dma_wait3A_1997 = tpu.memref_squeeze %dma_wait3A_1996 : memref<1x64xf32, #tpu.memory_space<vmem>> -> memref<64xf32, #tpu.memory_space<vmem>>
      %dma_wait3A_1998 = arith.constant 0 : i32
      %dma_wait3A_1999 = tpu.memref_slice %arg2[%squeeze3A_1170, %dma_wait3A_1998] : memref<1000000x64xf32, #tpu.memory_space<hbm>> -> memref<1x64xf32, #tpu.memory_space<hbm>>
      %dma_wait3A_2000 = tpu.memref_squeeze %dma_wait3A_1999 : memref<1x64xf32, #tpu.memory_space<hbm>> -> memref<64xf32, #tpu.memory_space<hbm>>
      tpu.wait_dma2 semaphore(%arg7 : memref<!tpu.dma_semaphore, #tpu.memory_space<semaphore_mem>>) src(%dma_wait3A_2000 : memref<64xf32, #tpu.memory_space<hbm>>) dst(%dma_wait3A_1997 : memref<64xf32, #tpu.memory_space<vmem>>)
      %dma_wait3A_2001 = arith.constant 0 : i32
      %dma_wait3A_2002 = tpu.memref_slice %arg6[%add3A_1190, %dma_wait3A_2001] : memref<512x64xf32, #tpu.memory_space<vmem>> -> memref<1x64xf32, #tpu.memory_space<vmem>>
      %dma_wait3A_2003 = tpu.memref_squeeze %dma_wait3A_2002 : memref<1x64xf32, #tpu.memory_space<vmem>> -> memref<64xf32, #tpu.memory_space<vmem>>
      %dma_wait3A_2004 = arith.constant 0 : i32
      %dma_wait3A_2005 = tpu.memref_slice %arg2[%squeeze3A_1189, %dma_wait3A_2004] : memref<1000000x64xf32, #tpu.memory_space<hbm>> -> memref<1x64xf32, #tpu.memory_space<hbm>>
      %dma_wait3A_2006 = tpu.memref_squeeze %dma_wait3A_2005 : memref<1x64xf32, #tpu.memory_space<hbm>> -> memref<64xf32, #tpu.memory_space<hbm>>
      %dma_wait3A_2007 = arith.constant 0 : i32
      %dma_wait3A_2008 = tpu.memref_slice %arg6[%add3A_1190, %dma_wait3A_2007] : memref<512x64xf32, #tpu.memory_space<vmem>> -> memref<1x64xf32, #tpu.memory_space<vmem>>
      %dma_wait3A_2009 = tpu.memref_squeeze %dma_wait3A_2008 : memref<1x64xf32, #tpu.memory_space<vmem>> -> memref<64xf32, #tpu.memory_space<vmem>>
      %dma_wait3A_2010 = arith.constant 0 : i32
      %dma_wait3A_2011 = tpu.memref_slice %arg2[%squeeze3A_1189, %dma_wait3A_2010] : memref<1000000x64xf32, #tpu.memory_space<hbm>> -> memref<1x64xf32, #tpu.memory_space<hbm>>
      %dma_wait3A_2012 = tpu.memref_squeeze %dma_wait3A_2011 : memref<1x64xf32, #tpu.memory_space<hbm>> -> memref<64xf32, #tpu.memory_space<hbm>>
      tpu.wait_dma2 semaphore(%arg7 : memref<!tpu.dma_semaphore, #tpu.memory_space<semaphore_mem>>) src(%dma_wait3A_2012 : memref<64xf32, #tpu.memory_space<hbm>>) dst(%dma_wait3A_2009 : memref<64xf32, #tpu.memory_space<vmem>>)
      %dma_wait3A_2013 = arith.constant 0 : i32
      %dma_wait3A_2014 = tpu.memref_slice %arg6[%add3A_1209, %dma_wait3A_2013] : memref<512x64xf32, #tpu.memory_space<vmem>> -> memref<1x64xf32, #tpu.memory_space<vmem>>
      %dma_wait3A_2015 = tpu.memref_squeeze %dma_wait3A_2014 : memref<1x64xf32, #tpu.memory_space<vmem>> -> memref<64xf32, #tpu.memory_space<vmem>>
      %dma_wait3A_2016 = arith.constant 0 : i32
      %dma_wait3A_2017 = tpu.memref_slice %arg2[%squeeze3A_1208, %dma_wait3A_2016] : memref<1000000x64xf32, #tpu.memory_space<hbm>> -> memref<1x64xf32, #tpu.memory_space<hbm>>
      %dma_wait3A_2018 = tpu.memref_squeeze %dma_wait3A_2017 : memref<1x64xf32, #tpu.memory_space<hbm>> -> memref<64xf32, #tpu.memory_space<hbm>>
      %dma_wait3A_2019 = arith.constant 0 : i32
      %dma_wait3A_2020 = tpu.memref_slice %arg6[%add3A_1209, %dma_wait3A_2019] : memref<512x64xf32, #tpu.memory_space<vmem>> -> memref<1x64xf32, #tpu.memory_space<vmem>>
      %dma_wait3A_2021 = tpu.memref_squeeze %dma_wait3A_2020 : memref<1x64xf32, #tpu.memory_space<vmem>> -> memref<64xf32, #tpu.memory_space<vmem>>
      %dma_wait3A_2022 = arith.constant 0 : i32
      %dma_wait3A_2023 = tpu.memref_slice %arg2[%squeeze3A_1208, %dma_wait3A_2022] : memref<1000000x64xf32, #tpu.memory_space<hbm>> -> memref<1x64xf32, #tpu.memory_space<hbm>>
      %dma_wait3A_2024 = tpu.memref_squeeze %dma_wait3A_2023 : memref<1x64xf32, #tpu.memory_space<hbm>> -> memref<64xf32, #tpu.memory_space<hbm>>
      tpu.wait_dma2 semaphore(%arg7 : memref<!tpu.dma_semaphore, #tpu.memory_space<semaphore_mem>>) src(%dma_wait3A_2024 : memref<64xf32, #tpu.memory_space<hbm>>) dst(%dma_wait3A_2021 : memref<64xf32, #tpu.memory_space<vmem>>)
      %dma_wait3A_2025 = arith.constant 0 : i32
      %dma_wait3A_2026 = tpu.memref_slice %arg6[%add3A_1228, %dma_wait3A_2025] : memref<512x64xf32, #tpu.memory_space<vmem>> -> memref<1x64xf32, #tpu.memory_space<vmem>>
      %dma_wait3A_2027 = tpu.memref_squeeze %dma_wait3A_2026 : memref<1x64xf32, #tpu.memory_space<vmem>> -> memref<64xf32, #tpu.memory_space<vmem>>
      %dma_wait3A_2028 = arith.constant 0 : i32
      %dma_wait3A_2029 = tpu.memref_slice %arg2[%squeeze3A_1227, %dma_wait3A_2028] : memref<1000000x64xf32, #tpu.memory_space<hbm>> -> memref<1x64xf32, #tpu.memory_space<hbm>>
      %dma_wait3A_2030 = tpu.memref_squeeze %dma_wait3A_2029 : memref<1x64xf32, #tpu.memory_space<hbm>> -> memref<64xf32, #tpu.memory_space<hbm>>
      %dma_wait3A_2031 = arith.constant 0 : i32
      %dma_wait3A_2032 = tpu.memref_slice %arg6[%add3A_1228, %dma_wait3A_2031] : memref<512x64xf32, #tpu.memory_space<vmem>> -> memref<1x64xf32, #tpu.memory_space<vmem>>
      %dma_wait3A_2033 = tpu.memref_squeeze %dma_wait3A_2032 : memref<1x64xf32, #tpu.memory_space<vmem>> -> memref<64xf32, #tpu.memory_space<vmem>>
      %dma_wait3A_2034 = arith.constant 0 : i32
      %dma_wait3A_2035 = tpu.memref_slice %arg2[%squeeze3A_1227, %dma_wait3A_2034] : memref<1000000x64xf32, #tpu.memory_space<hbm>> -> memref<1x64xf32, #tpu.memory_space<hbm>>
      %dma_wait3A_2036 = tpu.memref_squeeze %dma_wait3A_2035 : memref<1x64xf32, #tpu.memory_space<hbm>> -> memref<64xf32, #tpu.memory_space<hbm>>
      tpu.wait_dma2 semaphore(%arg7 : memref<!tpu.dma_semaphore, #tpu.memory_space<semaphore_mem>>) src(%dma_wait3A_2036 : memref<64xf32, #tpu.memory_space<hbm>>) dst(%dma_wait3A_2033 : memref<64xf32, #tpu.memory_space<vmem>>)
      %dma_wait3A_2037 = arith.constant 0 : i32
      %dma_wait3A_2038 = tpu.memref_slice %arg6[%add3A_1247, %dma_wait3A_2037] : memref<512x64xf32, #tpu.memory_space<vmem>> -> memref<1x64xf32, #tpu.memory_space<vmem>>
      %dma_wait3A_2039 = tpu.memref_squeeze %dma_wait3A_2038 : memref<1x64xf32, #tpu.memory_space<vmem>> -> memref<64xf32, #tpu.memory_space<vmem>>
      %dma_wait3A_2040 = arith.constant 0 : i32
      %dma_wait3A_2041 = tpu.memref_slice %arg2[%squeeze3A_1246, %dma_wait3A_2040] : memref<1000000x64xf32, #tpu.memory_space<hbm>> -> memref<1x64xf32, #tpu.memory_space<hbm>>
      %dma_wait3A_2042 = tpu.memref_squeeze %dma_wait3A_2041 : memref<1x64xf32, #tpu.memory_space<hbm>> -> memref<64xf32, #tpu.memory_space<hbm>>
      %dma_wait3A_2043 = arith.constant 0 : i32
      %dma_wait3A_2044 = tpu.memref_slice %arg6[%add3A_1247, %dma_wait3A_2043] : memref<512x64xf32, #tpu.memory_space<vmem>> -> memref<1x64xf32, #tpu.memory_space<vmem>>
      %dma_wait3A_2045 = tpu.memref_squeeze %dma_wait3A_2044 : memref<1x64xf32, #tpu.memory_space<vmem>> -> memref<64xf32, #tpu.memory_space<vmem>>
      %dma_wait3A_2046 = arith.constant 0 : i32
      %dma_wait3A_2047 = tpu.memref_slice %arg2[%squeeze3A_1246, %dma_wait3A_2046] : memref<1000000x64xf32, #tpu.memory_space<hbm>> -> memref<1x64xf32, #tpu.memory_space<hbm>>
      %dma_wait3A_2048 = tpu.memref_squeeze %dma_wait3A_2047 : memref<1x64xf32, #tpu.memory_space<hbm>> -> memref<64xf32, #tpu.memory_space<hbm>>
      tpu.wait_dma2 semaphore(%arg7 : memref<!tpu.dma_semaphore, #tpu.memory_space<semaphore_mem>>) src(%dma_wait3A_2048 : memref<64xf32, #tpu.memory_space<hbm>>) dst(%dma_wait3A_2045 : memref<64xf32, #tpu.memory_space<vmem>>)
      %dma_wait3A_2049 = arith.constant 0 : i32
      %dma_wait3A_2050 = tpu.memref_slice %arg6[%add3A_1266, %dma_wait3A_2049] : memref<512x64xf32, #tpu.memory_space<vmem>> -> memref<1x64xf32, #tpu.memory_space<vmem>>
      %dma_wait3A_2051 = tpu.memref_squeeze %dma_wait3A_2050 : memref<1x64xf32, #tpu.memory_space<vmem>> -> memref<64xf32, #tpu.memory_space<vmem>>
      %dma_wait3A_2052 = arith.constant 0 : i32
      %dma_wait3A_2053 = tpu.memref_slice %arg2[%squeeze3A_1265, %dma_wait3A_2052] : memref<1000000x64xf32, #tpu.memory_space<hbm>> -> memref<1x64xf32, #tpu.memory_space<hbm>>
      %dma_wait3A_2054 = tpu.memref_squeeze %dma_wait3A_2053 : memref<1x64xf32, #tpu.memory_space<hbm>> -> memref<64xf32, #tpu.memory_space<hbm>>
      %dma_wait3A_2055 = arith.constant 0 : i32
      %dma_wait3A_2056 = tpu.memref_slice %arg6[%add3A_1266, %dma_wait3A_2055] : memref<512x64xf32, #tpu.memory_space<vmem>> -> memref<1x64xf32, #tpu.memory_space<vmem>>
      %dma_wait3A_2057 = tpu.memref_squeeze %dma_wait3A_2056 : memref<1x64xf32, #tpu.memory_space<vmem>> -> memref<64xf32, #tpu.memory_space<vmem>>
      %dma_wait3A_2058 = arith.constant 0 : i32
      %dma_wait3A_2059 = tpu.memref_slice %arg2[%squeeze3A_1265, %dma_wait3A_2058] : memref<1000000x64xf32, #tpu.memory_space<hbm>> -> memref<1x64xf32, #tpu.memory_space<hbm>>
      %dma_wait3A_2060 = tpu.memref_squeeze %dma_wait3A_2059 : memref<1x64xf32, #tpu.memory_space<hbm>> -> memref<64xf32, #tpu.memory_space<hbm>>
      tpu.wait_dma2 semaphore(%arg7 : memref<!tpu.dma_semaphore, #tpu.memory_space<semaphore_mem>>) src(%dma_wait3A_2060 : memref<64xf32, #tpu.memory_space<hbm>>) dst(%dma_wait3A_2057 : memref<64xf32, #tpu.memory_space<vmem>>)
      %dma_wait3A_2061 = arith.constant 0 : i32
      %dma_wait3A_2062 = tpu.memref_slice %arg6[%add3A_1285, %dma_wait3A_2061] : memref<512x64xf32, #tpu.memory_space<vmem>> -> memref<1x64xf32, #tpu.memory_space<vmem>>
      %dma_wait3A_2063 = tpu.memref_squeeze %dma_wait3A_2062 : memref<1x64xf32, #tpu.memory_space<vmem>> -> memref<64xf32, #tpu.memory_space<vmem>>
      %dma_wait3A_2064 = arith.constant 0 : i32
      %dma_wait3A_2065 = tpu.memref_slice %arg2[%squeeze3A_1284, %dma_wait3A_2064] : memref<1000000x64xf32, #tpu.memory_space<hbm>> -> memref<1x64xf32, #tpu.memory_space<hbm>>
      %dma_wait3A_2066 = tpu.memref_squeeze %dma_wait3A_2065 : memref<1x64xf32, #tpu.memory_space<hbm>> -> memref<64xf32, #tpu.memory_space<hbm>>
      %dma_wait3A_2067 = arith.constant 0 : i32
      %dma_wait3A_2068 = tpu.memref_slice %arg6[%add3A_1285, %dma_wait3A_2067] : memref<512x64xf32, #tpu.memory_space<vmem>> -> memref<1x64xf32, #tpu.memory_space<vmem>>
      %dma_wait3A_2069 = tpu.memref_squeeze %dma_wait3A_2068 : memref<1x64xf32, #tpu.memory_space<vmem>> -> memref<64xf32, #tpu.memory_space<vmem>>
      %dma_wait3A_2070 = arith.constant 0 : i32
      %dma_wait3A_2071 = tpu.memref_slice %arg2[%squeeze3A_1284, %dma_wait3A_2070] : memref<1000000x64xf32, #tpu.memory_space<hbm>> -> memref<1x64xf32, #tpu.memory_space<hbm>>
      %dma_wait3A_2072 = tpu.memref_squeeze %dma_wait3A_2071 : memref<1x64xf32, #tpu.memory_space<hbm>> -> memref<64xf32, #tpu.memory_space<hbm>>
      tpu.wait_dma2 semaphore(%arg7 : memref<!tpu.dma_semaphore, #tpu.memory_space<semaphore_mem>>) src(%dma_wait3A_2072 : memref<64xf32, #tpu.memory_space<hbm>>) dst(%dma_wait3A_2069 : memref<64xf32, #tpu.memory_space<vmem>>)
      %dma_wait3A_2073 = arith.constant 0 : i32
      %dma_wait3A_2074 = tpu.memref_slice %arg6[%add3A_1304, %dma_wait3A_2073] : memref<512x64xf32, #tpu.memory_space<vmem>> -> memref<1x64xf32, #tpu.memory_space<vmem>>
      %dma_wait3A_2075 = tpu.memref_squeeze %dma_wait3A_2074 : memref<1x64xf32, #tpu.memory_space<vmem>> -> memref<64xf32, #tpu.memory_space<vmem>>
      %dma_wait3A_2076 = arith.constant 0 : i32
      %dma_wait3A_2077 = tpu.memref_slice %arg2[%squeeze3A_1303, %dma_wait3A_2076] : memref<1000000x64xf32, #tpu.memory_space<hbm>> -> memref<1x64xf32, #tpu.memory_space<hbm>>
      %dma_wait3A_2078 = tpu.memref_squeeze %dma_wait3A_2077 : memref<1x64xf32, #tpu.memory_space<hbm>> -> memref<64xf32, #tpu.memory_space<hbm>>
      %dma_wait3A_2079 = arith.constant 0 : i32
      %dma_wait3A_2080 = tpu.memref_slice %arg6[%add3A_1304, %dma_wait3A_2079] : memref<512x64xf32, #tpu.memory_space<vmem>> -> memref<1x64xf32, #tpu.memory_space<vmem>>
      %dma_wait3A_2081 = tpu.memref_squeeze %dma_wait3A_2080 : memref<1x64xf32, #tpu.memory_space<vmem>> -> memref<64xf32, #tpu.memory_space<vmem>>
      %dma_wait3A_2082 = arith.constant 0 : i32
      %dma_wait3A_2083 = tpu.memref_slice %arg2[%squeeze3A_1303, %dma_wait3A_2082] : memref<1000000x64xf32, #tpu.memory_space<hbm>> -> memref<1x64xf32, #tpu.memory_space<hbm>>
      %dma_wait3A_2084 = tpu.memref_squeeze %dma_wait3A_2083 : memref<1x64xf32, #tpu.memory_space<hbm>> -> memref<64xf32, #tpu.memory_space<hbm>>
      tpu.wait_dma2 semaphore(%arg7 : memref<!tpu.dma_semaphore, #tpu.memory_space<semaphore_mem>>) src(%dma_wait3A_2084 : memref<64xf32, #tpu.memory_space<hbm>>) dst(%dma_wait3A_2081 : memref<64xf32, #tpu.memory_space<vmem>>)
      %add3A_2085 = arith.addi %mul3A_2, %mul3A_88 : i32
      %dma_start3A_2086 = arith.constant 0 : i32
      %dma_start3A_2087 = tpu.memref_slice %arg6[%mul3A_88, %dma_start3A_2086] : memref<512x64xf32, #tpu.memory_space<vmem>> -> memref<64x64xf32, #tpu.memory_space<vmem>>
      %dma_start3A_2088 = arith.constant 0 : i32
      %dma_start3A_2089 = tpu.memref_slice %arg4[%add3A_2085, %dma_start3A_2088] : memref<16384x64xf32, #tpu.memory_space<hbm>> -> memref<64x64xf32, #tpu.memory_space<hbm>>
      %dma_start3A_2090 = arith.constant 0 : i32
      %dma_start3A_2091 = tpu.memref_slice %arg4[%add3A_2085, %dma_start3A_2090] : memref<16384x64xf32, #tpu.memory_space<hbm>> -> memref<64x64xf32, #tpu.memory_space<hbm>>
      %dma_start3A_2092 = arith.constant 0 : i32
      %dma_start3A_2093 = tpu.memref_slice %arg6[%mul3A_88, %dma_start3A_2092] : memref<512x64xf32, #tpu.memory_space<vmem>> -> memref<64x64xf32, #tpu.memory_space<vmem>>
      tpu.enqueue_dma source(%dma_start3A_2093 : memref<64x64xf32, #tpu.memory_space<vmem>>) target(%dma_start3A_2091 : memref<64x64xf32, #tpu.memory_space<hbm>>) target_semaphore(%arg8 : memref<!tpu.dma_semaphore, #tpu.memory_space<semaphore_mem>>)
    }
    %scan3A_6 = arith.constant 8 : i32
    %dma_wait3A = arith.constant 0 : i32
    %dma_wait3A_7 = arith.constant 0 : i32
    %dma_wait3A_8 = tpu.memref_slice %arg6[%dma_wait3A, %dma_wait3A_7] : memref<512x64xf32, #tpu.memory_space<vmem>> -> memref<64x64xf32, #tpu.memory_space<vmem>>
    %dma_wait3A_9 = arith.constant 0 : i32
    %dma_wait3A_10 = tpu.memref_slice %arg4[%mul3A_2, %dma_wait3A_9] : memref<16384x64xf32, #tpu.memory_space<hbm>> -> memref<64x64xf32, #tpu.memory_space<hbm>>
    %dma_wait3A_11 = arith.constant 0 : i32
    %dma_wait3A_12 = tpu.memref_slice %arg4[%mul3A_2, %dma_wait3A_11] : memref<16384x64xf32, #tpu.memory_space<hbm>> -> memref<64x64xf32, #tpu.memory_space<hbm>>
    %dma_wait3A_13 = arith.constant 0 : i32
    %dma_wait3A_14 = arith.constant 0 : i32
    %dma_wait3A_15 = tpu.memref_slice %arg6[%dma_wait3A_13, %dma_wait3A_14] : memref<512x64xf32, #tpu.memory_space<vmem>> -> memref<64x64xf32, #tpu.memory_space<vmem>>
    tpu.wait_dma2 semaphore(%arg8 : memref<!tpu.dma_semaphore, #tpu.memory_space<semaphore_mem>>) src(%dma_wait3A_15 : memref<64x64xf32, #tpu.memory_space<vmem>>) dst(%dma_wait3A_12 : memref<64x64xf32, #tpu.memory_space<hbm>>)
    %dma_wait3A_16 = arith.constant 0 : i32
    %dma_wait3A_17 = arith.constant 0 : i32
    %dma_wait3A_18 = tpu.memref_slice %arg6[%dma_wait3A_16, %dma_wait3A_17] : memref<512x64xf32, #tpu.memory_space<vmem>> -> memref<64x64xf32, #tpu.memory_space<vmem>>
    %dma_wait3A_19 = arith.constant 0 : i32
    %dma_wait3A_20 = tpu.memref_slice %arg4[%mul3A_2, %dma_wait3A_19] : memref<16384x64xf32, #tpu.memory_space<hbm>> -> memref<64x64xf32, #tpu.memory_space<hbm>>
    %dma_wait3A_21 = arith.constant 0 : i32
    %dma_wait3A_22 = tpu.memref_slice %arg4[%mul3A_2, %dma_wait3A_21] : memref<16384x64xf32, #tpu.memory_space<hbm>> -> memref<64x64xf32, #tpu.memory_space<hbm>>
    %dma_wait3A_23 = arith.constant 0 : i32
    %dma_wait3A_24 = arith.constant 0 : i32
    %dma_wait3A_25 = tpu.memref_slice %arg6[%dma_wait3A_23, %dma_wait3A_24] : memref<512x64xf32, #tpu.memory_space<vmem>> -> memref<64x64xf32, #tpu.memory_space<vmem>>
    tpu.wait_dma2 semaphore(%arg8 : memref<!tpu.dma_semaphore, #tpu.memory_space<semaphore_mem>>) src(%dma_wait3A_25 : memref<64x64xf32, #tpu.memory_space<vmem>>) dst(%dma_wait3A_22 : memref<64x64xf32, #tpu.memory_space<hbm>>)
    %dma_wait3A_26 = arith.constant 0 : i32
    %dma_wait3A_27 = arith.constant 0 : i32
    %dma_wait3A_28 = tpu.memref_slice %arg6[%dma_wait3A_26, %dma_wait3A_27] : memref<512x64xf32, #tpu.memory_space<vmem>> -> memref<64x64xf32, #tpu.memory_space<vmem>>
    %dma_wait3A_29 = arith.constant 0 : i32
    %dma_wait3A_30 = tpu.memref_slice %arg4[%mul3A_2, %dma_wait3A_29] : memref<16384x64xf32, #tpu.memory_space<hbm>> -> memref<64x64xf32, #tpu.memory_space<hbm>>
    %dma_wait3A_31 = arith.constant 0 : i32
    %dma_wait3A_32 = tpu.memref_slice %arg4[%mul3A_2, %dma_wait3A_31] : memref<16384x64xf32, #tpu.memory_space<hbm>> -> memref<64x64xf32, #tpu.memory_space<hbm>>
    %dma_wait3A_33 = arith.constant 0 : i32
    %dma_wait3A_34 = arith.constant 0 : i32
    %dma_wait3A_35 = tpu.memref_slice %arg6[%dma_wait3A_33, %dma_wait3A_34] : memref<512x64xf32, #tpu.memory_space<vmem>> -> memref<64x64xf32, #tpu.memory_space<vmem>>
    tpu.wait_dma2 semaphore(%arg8 : memref<!tpu.dma_semaphore, #tpu.memory_space<semaphore_mem>>) src(%dma_wait3A_35 : memref<64x64xf32, #tpu.memory_space<vmem>>) dst(%dma_wait3A_32 : memref<64x64xf32, #tpu.memory_space<hbm>>)
    %dma_wait3A_36 = arith.constant 0 : i32
    %dma_wait3A_37 = arith.constant 0 : i32
    %dma_wait3A_38 = tpu.memref_slice %arg6[%dma_wait3A_36, %dma_wait3A_37] : memref<512x64xf32, #tpu.memory_space<vmem>> -> memref<64x64xf32, #tpu.memory_space<vmem>>
    %dma_wait3A_39 = arith.constant 0 : i32
    %dma_wait3A_40 = tpu.memref_slice %arg4[%mul3A_2, %dma_wait3A_39] : memref<16384x64xf32, #tpu.memory_space<hbm>> -> memref<64x64xf32, #tpu.memory_space<hbm>>
    %dma_wait3A_41 = arith.constant 0 : i32
    %dma_wait3A_42 = tpu.memref_slice %arg4[%mul3A_2, %dma_wait3A_41] : memref<16384x64xf32, #tpu.memory_space<hbm>> -> memref<64x64xf32, #tpu.memory_space<hbm>>
    %dma_wait3A_43 = arith.constant 0 : i32
    %dma_wait3A_44 = arith.constant 0 : i32
    %dma_wait3A_45 = tpu.memref_slice %arg6[%dma_wait3A_43, %dma_wait3A_44] : memref<512x64xf32, #tpu.memory_space<vmem>> -> memref<64x64xf32, #tpu.memory_space<vmem>>
    tpu.wait_dma2 semaphore(%arg8 : memref<!tpu.dma_semaphore, #tpu.memory_space<semaphore_mem>>) src(%dma_wait3A_45 : memref<64x64xf32, #tpu.memory_space<vmem>>) dst(%dma_wait3A_42 : memref<64x64xf32, #tpu.memory_space<hbm>>)
    %dma_wait3A_46 = arith.constant 0 : i32
    %dma_wait3A_47 = arith.constant 0 : i32
    %dma_wait3A_48 = tpu.memref_slice %arg6[%dma_wait3A_46, %dma_wait3A_47] : memref<512x64xf32, #tpu.memory_space<vmem>> -> memref<64x64xf32, #tpu.memory_space<vmem>>
    %dma_wait3A_49 = arith.constant 0 : i32
    %dma_wait3A_50 = tpu.memref_slice %arg4[%mul3A_2, %dma_wait3A_49] : memref<16384x64xf32, #tpu.memory_space<hbm>> -> memref<64x64xf32, #tpu.memory_space<hbm>>
    %dma_wait3A_51 = arith.constant 0 : i32
    %dma_wait3A_52 = tpu.memref_slice %arg4[%mul3A_2, %dma_wait3A_51] : memref<16384x64xf32, #tpu.memory_space<hbm>> -> memref<64x64xf32, #tpu.memory_space<hbm>>
    %dma_wait3A_53 = arith.constant 0 : i32
    %dma_wait3A_54 = arith.constant 0 : i32
    %dma_wait3A_55 = tpu.memref_slice %arg6[%dma_wait3A_53, %dma_wait3A_54] : memref<512x64xf32, #tpu.memory_space<vmem>> -> memref<64x64xf32, #tpu.memory_space<vmem>>
    tpu.wait_dma2 semaphore(%arg8 : memref<!tpu.dma_semaphore, #tpu.memory_space<semaphore_mem>>) src(%dma_wait3A_55 : memref<64x64xf32, #tpu.memory_space<vmem>>) dst(%dma_wait3A_52 : memref<64x64xf32, #tpu.memory_space<hbm>>)
    %dma_wait3A_56 = arith.constant 0 : i32
    %dma_wait3A_57 = arith.constant 0 : i32
    %dma_wait3A_58 = tpu.memref_slice %arg6[%dma_wait3A_56, %dma_wait3A_57] : memref<512x64xf32, #tpu.memory_space<vmem>> -> memref<64x64xf32, #tpu.memory_space<vmem>>
    %dma_wait3A_59 = arith.constant 0 : i32
    %dma_wait3A_60 = tpu.memref_slice %arg4[%mul3A_2, %dma_wait3A_59] : memref<16384x64xf32, #tpu.memory_space<hbm>> -> memref<64x64xf32, #tpu.memory_space<hbm>>
    %dma_wait3A_61 = arith.constant 0 : i32
    %dma_wait3A_62 = tpu.memref_slice %arg4[%mul3A_2, %dma_wait3A_61] : memref<16384x64xf32, #tpu.memory_space<hbm>> -> memref<64x64xf32, #tpu.memory_space<hbm>>
    %dma_wait3A_63 = arith.constant 0 : i32
    %dma_wait3A_64 = arith.constant 0 : i32
    %dma_wait3A_65 = tpu.memref_slice %arg6[%dma_wait3A_63, %dma_wait3A_64] : memref<512x64xf32, #tpu.memory_space<vmem>> -> memref<64x64xf32, #tpu.memory_space<vmem>>
    tpu.wait_dma2 semaphore(%arg8 : memref<!tpu.dma_semaphore, #tpu.memory_space<semaphore_mem>>) src(%dma_wait3A_65 : memref<64x64xf32, #tpu.memory_space<vmem>>) dst(%dma_wait3A_62 : memref<64x64xf32, #tpu.memory_space<hbm>>)
    %dma_wait3A_66 = arith.constant 0 : i32
    %dma_wait3A_67 = arith.constant 0 : i32
    %dma_wait3A_68 = tpu.memref_slice %arg6[%dma_wait3A_66, %dma_wait3A_67] : memref<512x64xf32, #tpu.memory_space<vmem>> -> memref<64x64xf32, #tpu.memory_space<vmem>>
    %dma_wait3A_69 = arith.constant 0 : i32
    %dma_wait3A_70 = tpu.memref_slice %arg4[%mul3A_2, %dma_wait3A_69] : memref<16384x64xf32, #tpu.memory_space<hbm>> -> memref<64x64xf32, #tpu.memory_space<hbm>>
    %dma_wait3A_71 = arith.constant 0 : i32
    %dma_wait3A_72 = tpu.memref_slice %arg4[%mul3A_2, %dma_wait3A_71] : memref<16384x64xf32, #tpu.memory_space<hbm>> -> memref<64x64xf32, #tpu.memory_space<hbm>>
    %dma_wait3A_73 = arith.constant 0 : i32
    %dma_wait3A_74 = arith.constant 0 : i32
    %dma_wait3A_75 = tpu.memref_slice %arg6[%dma_wait3A_73, %dma_wait3A_74] : memref<512x64xf32, #tpu.memory_space<vmem>> -> memref<64x64xf32, #tpu.memory_space<vmem>>
    tpu.wait_dma2 semaphore(%arg8 : memref<!tpu.dma_semaphore, #tpu.memory_space<semaphore_mem>>) src(%dma_wait3A_75 : memref<64x64xf32, #tpu.memory_space<vmem>>) dst(%dma_wait3A_72 : memref<64x64xf32, #tpu.memory_space<hbm>>)
    %dma_wait3A_76 = arith.constant 0 : i32
    %dma_wait3A_77 = arith.constant 0 : i32
    %dma_wait3A_78 = tpu.memref_slice %arg6[%dma_wait3A_76, %dma_wait3A_77] : memref<512x64xf32, #tpu.memory_space<vmem>> -> memref<64x64xf32, #tpu.memory_space<vmem>>
    %dma_wait3A_79 = arith.constant 0 : i32
    %dma_wait3A_80 = tpu.memref_slice %arg4[%mul3A_2, %dma_wait3A_79] : memref<16384x64xf32, #tpu.memory_space<hbm>> -> memref<64x64xf32, #tpu.memory_space<hbm>>
    %dma_wait3A_81 = arith.constant 0 : i32
    %dma_wait3A_82 = tpu.memref_slice %arg4[%mul3A_2, %dma_wait3A_81] : memref<16384x64xf32, #tpu.memory_space<hbm>> -> memref<64x64xf32, #tpu.memory_space<hbm>>
    %dma_wait3A_83 = arith.constant 0 : i32
    %dma_wait3A_84 = arith.constant 0 : i32
    %dma_wait3A_85 = tpu.memref_slice %arg6[%dma_wait3A_83, %dma_wait3A_84] : memref<512x64xf32, #tpu.memory_space<vmem>> -> memref<64x64xf32, #tpu.memory_space<vmem>>
    tpu.wait_dma2 semaphore(%arg8 : memref<!tpu.dma_semaphore, #tpu.memory_space<semaphore_mem>>) src(%dma_wait3A_85 : memref<64x64xf32, #tpu.memory_space<vmem>>) dst(%dma_wait3A_82 : memref<64x64xf32, #tpu.memory_space<hbm>>)
    return
  }
}

</mosaic_0001>

<sc_bundles>
// kernel: kernel.3.cloned.1.call-start
scs
__scs_entry_jumppad:
0x0: {  	(pc) =	sbr.rel $0x88, $3  }
0x1: {  	(tag) =	ssettag $0x0;
	lr =	simm.s32 $0x1  }
0x2: {  	[smem:$0x3F9F] =	sst lr;
	_ =	strace $0xD0000000  }
0x3: {  	_ = 	snop  }
0x4: {  	_ = 	snop  }
0x5: {  	_ = 	snop  }
0x6: {  	_ = 	snop  }
0x7: {  	_ = 	snop  }
__scs_overlays_trampoline_lowered:
0x8: {  	[smem:$0x3FAE] =	sst s0  }
0x9: {  	[smem:$0x3FAF] =	sst s1  }
0xa: {  	[smem:$0x3FB0] =	sst s2  }
0xb: {  	[smem:$0x3FB1] =	sst s3  }
0xc: {  	[smem:$0x3FB2] =	sst s4  }
0xd: {  	[smem:$0x3FB3] =	sst s5  }
0xe: {  	[smem:$0x3FB4] =	sst s6  }
0xf: {  	[smem:$0x3FB5] =	sst s7  }
0x10: {  	[smem:$0x3FB6] =	sst s8  }
0x11: {  	[smem:$0x3FB7] =	sst s9;
	s0 =	simm.s32 @!p0 $0x0  }
0x12: {  	s1 =	sld [smem:$0x3F9D];
	s0 =	simm.s32 @p0 $0x1  }
0x13: {  	[smem:$0x3FB8] =	sst s0;
	s0 =	simm.s32 @!p1 $0x0  }
0x14: {  	s2 =	sld [smem:$0x3F9C];
	s0 =	simm.s32 @p1 $0x1  }
0x15: {  	[smem:$0x3FB9] =	sst s0;
	s0 =	simm.s32 @!p2 $0x0  }
0x16: {  	s3 =	sld [smem:$0x3FDB];
	s0 =	simm.s32 @p2 $0x1  }
0x17: {  	s4 =	simm.s32 $0x1BF5;
	[smem:$0x3FBB] =	sst s0  }
0x18: {  	s0 =	sld [smem:$0x3F9E];
	_ =	swait.ge [sflag:s4], $0x0  }
0x19: {  	s7 =	sld [smem:$0x3F9F]  }
0x1a: {  	s8 =	sadd.s32 $0xFFFFE003, lr  }
0x1b: {  	s9 =	sadd.s32 $0xFFFFFEF7, lr;
	s5 =	simm.s32 $0xFFFFFFFF;
	p2 =	slt.u32 s8, $0xFFFFF086  }
0x1c: {  	p1 =	slt.u32 s9, $0xF7A;
	s5 =	simm.s32 @!p2 $0x0  }
0x1d: {  	s5 =	simm.s32 @p1 $0x1;
	p0 =	seq.s32 s7, s2  }
0x1e: {  	s7 =	smul.u32 @!p0 $0xF7A, s2;
	p2 =	seq.s32 @!p0 s5, $0x0  }
0x1f: {  	s9 =	smul.u32 $0xF7A, s1;
	s8 =	simm.s32 @!p0 $0x1BF5;
	p2 =	por !p2, p0  }
0x20: {  	[sflag:s8] =	ssyncset.s32 @!p0 $0xFFFFF086;
	s6 =	sadd.s32 @!p0 s3, s7;
	s7 =	simm.s32 @!p0 $0x108  }
0x21: {  	s3 =	sadd.s32 s3, s9;
	s6 =	sadd.s32 @!p0 $0x88, s6;
	s7 =	simm.s32 @p2 $0x1082  }
0x22: {  	[simem:s7], [sflag:s8] =	dma.local @!p0 [hbm:s6], $0xF7A  }
0x23: {  	s9 =	sor.u32 $0xD0000000, s2;
	s6 =	simm.s32 $0x108;
	_ =	swait.ge @!p0 [sflag:s8], $0x0  }
0x24: {  	s3 =	sadd.s32 $0x88, s3;
	s6 =	simm.s32 @!p1 $0x1082;
	[sflag:s4] =	ssyncset.s32 $0xFFFFF086  }
0x25: {  	[simem:s6], [sflag:s4] =	dma.local [hbm:s3], $0xF7A  }
0x26: {  	[smem:$0x3F9F] =	sst s1;
	(tag) =	ssettag s2;
	_ =	strace s9  }
0x27: {  	s1 =	sld [smem:$0x3FAF]  }
0x28: {  	s2 =	sld [smem:$0x3FB0]  }
0x29: {  	s4 =	sld [smem:$0x3FB2]  }
0x2a: {  	p0 =	seq.s32 s5, $0x0;
	s5 =	sld [smem:$0x3FB3]  }
0x2b: {  	s6 =	sld [smem:$0x3FB4]  }
0x2c: {  	s7 =	sld [smem:$0x3FB5]  }
0x2d: {  	s3 =	simm.s32 $0x108;
	s8 =	sld [smem:$0x3FB6]  }
0x2e: {  	s3 =	simm.s32 @!p0 $0x1082;
	s9 =	sld [smem:$0x3FB7]  }
0x2f: {  	lr =	sadd.s32 s0, s3;
	s0 =	sld [smem:$0x3FAE]  }
0x30: {  	s3 =	sld [smem:$0x3FB1]  }
0x31: {  	[smem:$0x3FBA] =	sst s10  }
0x32: {  	s10 =	sld [smem:$0x3FB8];
	_ =	sdelay $0x3  }
0x33: {  	p0 =	seq.s32 s10, $0x1;
	s10 =	sld [smem:$0x3FBA];
	_ =	sdelay $0x3  }
0x34: {  	[smem:$0x3FBA] =	sst s10  }
0x35: {  	s10 =	sld [smem:$0x3FB9];
	_ =	sdelay $0x3  }
0x36: {  	p1 =	seq.s32 s10, $0x1;
	s10 =	sld [smem:$0x3FBA];
	_ =	sdelay $0x3  }
0x37: {  	[smem:$0x3FBA] =	sst s10  }
0x38: {  	s10 =	sld [smem:$0x3FBB]  }
0x39: {  	_ = 	snop;
	(pc) =	sbr.ind lr, $3  }
0x3a: {  	_ = 	snop  }
0x3b: {  	_ = 	snop  }
0x3c: {  	p2 =	seq.s32 s10, $0x1;
	s10 =	sld [smem:$0x3FBA]  }
0x3d: {  	_ =	shalt  }
0x3e: {  	_ =	shalt  }
0x3f: {  	_ =	shalt  }
0x40: {  	_ =	shalt  }
0x41: {  	_ =	shalt  }
0x42: {  	_ =	shalt  }
0x43: {  	_ =	shalt  }
0x44: {  	_ =	shalt  }
0x45: {  	_ =	shalt  }
0x46: {  	_ =	shalt  }
0x47: {  	_ =	shalt  }
0x48: {  	_ =	shalt  }
0x49: {  	_ =	shalt  }
0x4a: {  	_ =	shalt  }
0x4b: {  	_ =	shalt  }
0x4c: {  	_ =	shalt  }
0x4d: {  	_ =	shalt  }
0x4e: {  	_ =	shalt  }
0x4f: {  	_ =	shalt  }
0x50: {  	_ =	shalt  }
0x51: {  	_ =	shalt  }
0x52: {  	_ =	shalt  }
0x53: {  	_ =	shalt  }
0x54: {  	_ =	shalt  }
0x55: {  	_ =	shalt  }
0x56: {  	_ =	shalt  }
0x57: {  	_ =	shalt  }
0x58: {  	_ =	shalt  }
0x59: {  	_ =	shalt  }
0x5a: {  	_ =	shalt  }
0x5b: {  	_ =	shalt  }
0x5c: {  	_ =	shalt  }
0x5d: {  	_ =	shalt  }
0x5e: {  	_ =	shalt  }
0x5f: {  	_ =	shalt  }
0x60: {  	_ =	shalt  }
0x61: {  	_ =	shalt  }
0x62: {  	_ =	shalt  }
0x63: {  	_ =	shalt  }
0x64: {  	_ =	shalt  }
0x65: {  	_ =	shalt  }
0x66: {  	_ =	shalt  }
0x67: {  	_ =	shalt  }
0x68: {  	_ =	shalt  }
0x69: {  	_ =	shalt  }
0x6a: {  	_ =	shalt  }
0x6b: {  	_ =	shalt  }
0x6c: {  	_ =	shalt  }
0x6d: {  	_ =	shalt  }
0x6e: {  	_ =	shalt  }
0x6f: {  	_ =	shalt  }
0x70: {  	_ =	shalt  }
0x71: {  	_ =	shalt  }
0x72: {  	_ =	shalt  }
0x73: {  	_ =	shalt  }
0x74: {  	_ =	shalt  }
0x75: {  	_ =	shalt  }
0x76: {  	_ =	shalt  }
0x77: {  	_ =	shalt  }
0x78: {  	_ =	shalt  }
0x79: {  	_ =	shalt  }
0x7a: {  	_ =	shalt  }
0x7b: {  	_ =	shalt  }
0x7c: {  	_ =	shalt  }
0x7d: {  	_ =	shalt  }
0x7e: {  	_ =	shalt  }
0x7f: {  	_ =	shalt  }
0x80: {  	_ =	shalt  }
0x81: {  	_ =	shalt  }
0x82: {  	_ =	shalt  }
0x83: {  	_ =	shalt  }
0x84: {  	_ =	shalt  }
0x85: {  	_ =	shalt  }
0x86: {  	_ =	shalt  }
0x87: {  	_ =	shalt  }
.Lfunc_end0:
.L_simem_size_0:
called_computation_lowered:
.L_overlay_start_0:
0x88: {  	s2 =	sld [smem:$0x3FD9]  }
0x89: {  	s3 =	sld [smem:$0x3FFE];
	_ =	sdelay $0x1  }
0x8a: {  	s1 =	srdreg.scid  }
0x8b: {  	s0 =	sand.u32 $0x1, s1  }
0x8c: {  	s17 =	sshll.u32 s0, $0xA;
	s2 =	sadd.s32 s3, s2  }
0x8d: {  	s2 =	sadd.s32 s2, s17  }
0x8e: {  	[smem:$0x3FC6] =	sst s2  }
0x8f: {  	_ = 	snop  }
0x90: {  	s2 =	sld [smem:$0x3FC9];
	(tm) =	ssettm $0x1  }
0x91: {  	s18 =	sld [smem:$0x3FFB];
	_ =	sdelay $0x3  }
0x92: {  	_ =	strace s18  }
0x93: {  	s3 =	sld [smem:$0x3FFC];
	_ =	sdelay $0x3  }
0x94: {  	_ =	strace s3  }
0x95: {  	s3 =	sld [smem:$0x3FFD];
	_ =	sdelay $0x3  }
0x96: {  	_ =	strace s3  }
0x97: {  	_ =	strace $0x8FFFFFFF  }
0x98: {  	s19 =	sld [smem:$0x3FDB];
	_ =	sdelay $0x1  }
0x99: {  	s4 =	simm.s32 $_scs_section_size  }
0x9a: {  	s5 =	simm.s32 $_size__tile_overlayer_lowered;
	s6 =	simm.s32 $_tile_overlayer_lowered  }
0x9b: {  	s22 =	simm.s32 $0x1BFF;
	s21 =	sshll.u32 s6, $0x1;
	s3 =	sadd.s32 s4, s19  }
0x9c: {  	s7 =	simm.s32 $0x0;
	s20 =	sshll.u32 s5, $0x1;
	s5 =	sadd.s32 s21, s3  }
0x9d: {  	[timem:s7], [sflag:s22] =	dma.local [hbm:s5], s20  }
0x9e: {  	_ =	swait.ge [sflag:s22], s20  }
0x9f: {  	s4 =	ssub.s32 $0x0, s20;
	[sflag:s22] =	ssyncset.done $0x0  }
0xa0: {  	[sflag:s22] =	ssyncadd.s32 s4;
	_ =	sdelay $0x1  }
0xa1: {  	s23 =	simm.s32 $0x1B8B  }
0xa2: {  	_ =	swait.ge [sflag:s23], $0x1  }
0xa3: {  	[sflag:s23] =	ssyncset.done $0x0  }
0xa4: {  	s25 =	simm.s32 $0x1B8E;
	s24 =	sld [smem:$0x3FFE];
	[sflag:s23] =	ssyncadd.s32 $0xFFFFFFFF  }
0xa5: {  	s26 =	simm.s32 $execute0_lowered;
	[smem:$0x3FD2] =	sst s25  }
0xa6: {  	s5 =	sshll.u32 s26, $0x1;
	_ =	strace $0x80000046;
	[dreg:$0x1] =	wrdreg $0xFFFFFFFF  }
0xa7: {  	s28 =	simm.s32 $_size_execute0_lowered;
	s3 =	sadd.s32 s3, s5;
	[dreg:$0x0] =	wrdreg $0x0  }
0xa8: {  	s5 =	sshll.u32 s28, $0x1;
	[dreg:$0x2] =	wrdreg s3  }
0xa9: {  	[dreg:$0x3] =	wrdreg s5  }
0xaa: {  	[dreg:$0x4] =	wrdreg $0xC0  }
0xab: {  	_ =	task [dreg:s7], $0x5FFFF  }
0xac: {  	[dreg:$0x1] =	wrdreg $0xFFFFFFFF  }
0xad: {  	[dreg:$0x0] =	wrdreg $0x60  }
0xae: {  	[dreg:$0x2] =	wrdreg s24  }
0xaf: {  	[dreg:$0x3] =	wrdreg s2  }
0xb0: {  	[dreg:$0x4] =	wrdreg $0x9  }
0xb1: {  	_ =	task.clear_ibuf [dreg:s7], $0x5FFFF;
	_ =	strace $0x90000046  }
0xb2: {  	s29 =	simm.s32 $0x9;
	_ =	strace $0x80000048  }
0xb3: {  	_ =	swait.ge [sflag:s29], $0x1  }
0xb4: {  	[sflag:s29] =	ssyncadd.s32 $0xFFFFFFFF  }
0xb5: {  	_ =	strace $0x90000048  }
0xb6: {  	_ =	sfence  }
0xb7: {  	s30 =	sld [smem:$0x0];
	_ =	sdelay $0x2  }
0xb8: {  	s31 =	sshll.u32 s1, $0xD;
	s1 =	sshrl.u32 s1, $0x2  }
0xb9: {  	s3 =	sand.u32 $0x4000, s31;
	s1 =	sadd.s32 s1, s30  }
0xba: {  	s0 =	sor.u32 s3, s0;
	s1 =	sshll.u32 s1, $0x11  }
0xbb: {  	s0 =	sor.u32 s1, s0  }
0xbc: {  	s0 =	sadd.s32 $0x8F2B, s0  }
0xbd: {  	[sflag:s0] =	ssyncadd.remote.s32 $0x1  }
0xbe: {  	_ =	sfence.sel $0xFFFF  }
0xbf: {  	[dreg:$0x0] =	wrdreg $0xFFFFFFFF;
	(pc) =	sbr.abs _section_cstart, $3  }
0xc0: {  	[dreg:$0x1] =	wrdreg $0xFFFFFFFF  }
0xc1: {  	_ =	task.clear_ibuf [dreg:s7], $0x2FFFF;
	_ =	strace $0x9FFFFFFF  }
0xc2: {  	(tm) =	ssettm $0x7FFFFFFF  }
0xc3: {  	_ =	shalt  }
tec
execute0_lowered:
.L_overlay_start_1:
0x0: {  	(tag) =	ssettag $0x1  }
0x1: {  	s4 =	rddreg [dreg:$0x0]  }
0x2: {  	s5 =	rddreg [dreg:$0x1];
	s1 =	simm.s32 $0x0;
	s6 =	srdreg.scid  }
0x3: {  	s0 =	stileid.u32;
	s10 =	simm.s32 $0x0;
	[smem:$0x7FF] =	sst s1  }
0x4: {  	s3 =	sadd.s32 $0x400, s4;
	s6 =	sand.u32 $0x1, s6;
	s7 =	sshll.u32 s0, $0xE  }
0x5: {  	s8 =	sshll.u32 s0, $0xA;
	_ =	strace $0x80000047;
	s9 =	sshll.u32 s6, $0x9  }
0x6: {  	s7 =	sadd.s32 s7, s4;
	s28 =	ssub.s32 $0x2, s6;
	s8 =	sor.u32 s9, s8  }
0x7: {  	s6 =	sshll.u32 s6, $0xD;
	s29 =	sshrl.u32 s28, $0x1;
	s8 =	sshrl.u32 s8, $0x3  }
0x8: {  	s6 =	sadd.s32 s6, s7;
	s9 =	ssub.s32 s28, s29;
	s30 =	sadd.s32 s5, s8  }
0x9: {  	s6 =	sadd.s32 $0xF42800, s6;
	s31 =	smax.u32 s9, $0x1;
	[dreg:$0x3] =	wrdreg s30  }
0xa: {  	s8 =	simm.s32 $0x1;
	s9 =	simm.s32 $0x2;
	[dreg:$0x4] =	wrdreg s31  }
.LBB2_1:
0xb: {  	s0 =	rddreg [dreg:$0x3];
	s20 =	simm.s32 $0x3  }
0xc: {  	[tilespmem:s1], [sflag:$0x3] =	stream.linear.gather [hbm4b:s0+s1], $0x200, $0x38;
	[tilespmem:$0x10200] =	vst v63  }
0xd: {  	_ =	swait.ge [sflag:s20], $0x200  }
0xe: {  	[sflag:s20] =	ssyncset.done $0x0  }
0xf: {  	s11 =	simm.s32 $0x20;
	[sflag:s20] =	ssyncadd.s32 $0xFFFFFE00  }
0x10: {  	v0 =	vld [tilespmem:s11+$0xFFFFFFE0];
	_ =	sdelay $0x4  }
0x11: {  	v0 =	vshll.u32 v0, $0x4  }
0x12: {  	(v2sf) =	vpush v0, $0x0  }
0x13: {  	(v2sf) =	vpush v0, $0x1  }
0x14: {  	(v2sf) =	vpush v0, $0x2;
	_ =	sdelay $0x1  }
0x15: {  	(v2sf) =	vpush v0, $0x3;
	_ =	sdelay $0x2  }
0x16: {  	(v2sf) =	vpush v0, $0x4  }
0x17: {  	(v2sf) =	vpush v0, $0x5;
	_ =	sdelay $0x1  }
0x18: {  	(v2sf) =	vpush v0, $0x6;
	_ =	sdelay $0x2  }
0x19: {  	s12 =	simm.s32 $0x280;
	s14 =	simm.s32 $0x200  }
0x1a: {  	s21 =	simm.s32 $0x380;
	s24 =	simm.s32 $0x300;
	s26 =	simm.s32 $0x400;
	(v2sf) =	vpush v0, $0x7  }
0x1b: {  	s30 =	simm.s32 $0x480;
	s4 =	simm.s32 $0x500;
	s13 =	spop (v2sf)  }
0x1c: {  	s17 =	simm.s32 $0x580;
	(v2sf) =	vpush v0, $0x8;
	s13 =	sand.u32 $0x1FFFFFF0, s13;
	s15 =	spop (v2sf)  }
0x1d: {  	s20 =	simm.s32 $0x600;
	s13 =	sadd.s32 s3, s13;
	s16 =	spop (v2sf)  }
0x1e: {  	(v2sf) =	vpush v0, $0x9;
	[tilespmem:s14], [sflag:$0x1] =	stream.linear.gather [hbm4b:s13+s1], $0x80, $0x38;
	[tilespmem:$0x10200] =	vst v63  }
0x1f: {  	s15 =	sand.u32 $0x1FFFFFF0, s15;
	s23 =	sand.u32 $0x1FFFFFF0, s16;
	s25 =	spop (v2sf)  }
0x20: {  	(v2sf) =	vpush v0, $0xA;
	s22 =	sadd.s32 s3, s15;
	s15 =	sadd.s32 s3, s23;
	s14 =	sand.u32 $0x1FFFFFF0, s25  }
0x21: {  	[tilespmem:s12], [sflag:$0x1] =	stream.linear.gather [hbm4b:s22+s1], $0x80, $0x38;
	[tilespmem:$0x10200] =	vst v63  }
0x22: {  	(v2sf) =	vpush v0, $0xB;
	s28 =	spop (v2sf);
	s25 =	simm.s32 $0x700;
	s14 =	sadd.s32 s3, s14  }
0x23: {  	s29 =	spop (v2sf);
	s12 =	simm.s32 $0x800;
	s22 =	simm.s32 $0x680  }
0x24: {  	(v2sf) =	vpush v0, $0xC;
	[tilespmem:s24], [sflag:$0x1] =	stream.linear.gather [hbm4b:s15+s1], $0x80, $0x38;
	[tilespmem:$0x10200] =	vst v63  }
0x25: {  	s0 =	sand.u32 $0x1FFFFFF0, s29;
	s2 =	spop (v2sf);
	s15 =	sand.u32 $0x1FFFFFF0, s28  }
0x26: {  	(v2sf) =	vpush v0, $0xD;
	[tilespmem:s21], [sflag:$0x1] =	stream.linear.gather [hbm4b:s14+s1], $0x80, $0x38;
	[tilespmem:$0x10200] =	vst v63  }
0x27: {  	s29 =	simm.s32 $0x780;
	s31 =	sadd.s32 s3, s15;
	s14 =	sand.u32 $0x1FFFFFF0, s2  }
0x28: {  	(v2sf) =	vpush v0, $0xE;
	[tilespmem:s26], [sflag:$0x1] =	stream.linear.gather [hbm4b:s31+s1], $0x80, $0x38;
	[tilespmem:$0x10200] =	vst v63  }
0x29: {  	s5 =	spop (v2sf);
	s15 =	sadd.s32 s3, s0;
	s14 =	sadd.s32 s3, s14  }
0x2a: {  	(v2sf) =	vpush v0, $0xF;
	[tilespmem:s30], [sflag:$0x1] =	stream.linear.gather [hbm4b:s15+s1], $0x80, $0x38;
	[tilespmem:$0x10200] =	vst v63  }
0x2b: {  	s31 =	simm.s32 $0x880;
	s15 =	sand.u32 $0x1FFFFFF0, s5;
	s7 =	spop (v2sf)  }
0x2c: {  	[tilespmem:s4], [sflag:$0x1] =	stream.linear.gather [hbm4b:s14+s1], $0x80, $0x38;
	[tilespmem:$0x10200] =	vst v63  }
0x2d: {  	s18 =	sadd.s32 s3, s15;
	s19 =	sand.u32 $0x1FFFFFF0, s7;
	s21 =	spop (v2sf)  }
0x2e: {  	[tilespmem:s17], [sflag:$0x1] =	stream.linear.gather [hbm4b:s18+s1], $0x80, $0x38;
	[tilespmem:$0x10200] =	vst v63  }
0x2f: {  	s15 =	sadd.s32 s3, s19;
	s14 =	sand.u32 $0x1FFFFFF0, s21;
	s23 =	spop (v2sf)  }
0x30: {  	[tilespmem:s20], [sflag:$0x1] =	stream.linear.gather [hbm4b:s15+s1], $0x80, $0x38;
	[tilespmem:$0x10200] =	vst v63  }
0x31: {  	s14 =	sadd.s32 s3, s14;
	s24 =	spop (v2sf);
	s15 =	sand.u32 $0x1FFFFFF0, s23  }
0x32: {  	[tilespmem:s22], [sflag:$0x1] =	stream.linear.gather [hbm4b:s14+s1], $0x80, $0x38;
	[tilespmem:$0x10200] =	vst v63  }
0x33: {  	s28 =	sand.u32 $0x1FFFFFF0, s24;
	s30 =	spop (v2sf);
	s26 =	sadd.s32 s3, s15  }
0x34: {  	[tilespmem:s25], [sflag:$0x1] =	stream.linear.gather [hbm4b:s26+s1], $0x80, $0x38;
	[tilespmem:$0x10200] =	vst v63  }
0x35: {  	s15 =	sadd.s32 s3, s28;
	s0 =	spop (v2sf);
	s14 =	sand.u32 $0x1FFFFFF0, s30  }
0x36: {  	[tilespmem:s29], [sflag:$0x1] =	stream.linear.gather [hbm4b:s15+s1], $0x80, $0x38;
	[tilespmem:$0x10200] =	vst v63  }
0x37: {  	s2 =	spop (v2sf);
	s14 =	sadd.s32 s3, s14;
	s15 =	sand.u32 $0x1FFFFFF0, s0  }
0x38: {  	[tilespmem:s12], [sflag:$0x1] =	stream.linear.gather [hbm4b:s14+s1], $0x80, $0x38;
	[tilespmem:$0x10200] =	vst v63  }
0x39: {  	s5 =	sand.u32 $0x1FFFFFF0, s2;
	s7 =	spop (v2sf);
	s4 =	sadd.s32 s3, s15  }
0x3a: {  	[tilespmem:s31], [sflag:$0x1] =	stream.linear.gather [hbm4b:s4+s1], $0x80, $0x38;
	[tilespmem:$0x10200] =	vst v63  }
0x3b: {  	s16 =	simm.s32 $0x900;
	s17 =	sadd.s32 s3, s5;
	s18 =	sand.u32 $0x1FFFFFF0, s7  }
0x3c: {  	[tilespmem:s16], [sflag:$0x1] =	stream.linear.gather [hbm4b:s17+s1], $0x80, $0x38;
	[tilespmem:$0x10200] =	vst v63  }
0x3d: {  	s19 =	simm.s32 $0x980;
	s20 =	sadd.s32 s3, s18  }
0x3e: {  	[tilespmem:s19], [sflag:$0x1] =	stream.linear.gather [hbm4b:s20+s1], $0x80, $0x38;
	[tilespmem:$0x10200] =	vst v63  }
0x3f: {  	v61 =	vld [tilespmem:s11+$0xFFFFFFF0];
	_ =	sdelay $0x4  }
0x40: {  	v0 =	vshll.u32 v61, $0x4  }
0x41: {  	(v2sf) =	vpush v0, $0x0  }
0x42: {  	(v2sf) =	vpush v0, $0x1  }
0x43: {  	(v2sf) =	vpush v0, $0x2;
	_ =	sdelay $0x1  }
0x44: {  	(v2sf) =	vpush v0, $0x3  }
0x45: {  	(v2sf) =	vpush v0, $0x4;
	_ =	sdelay $0x1  }
0x46: {  	(v2sf) =	vpush v0, $0x5;
	_ =	sdelay $0x1  }
0x47: {  	(v2sf) =	vpush v0, $0x6;
	_ =	sdelay $0x1  }
0x48: {  	(v2sf) =	vpush v0, $0x7;
	_ =	sdelay $0x1  }
0x49: {  	s22 =	simm.s32 $0xA00;
	s25 =	simm.s32 $0xA80  }
0x4a: {  	s29 =	simm.s32 $0xB00;
	s12 =	simm.s32 $0x1000;
	s31 =	simm.s32 $0xB80  }
0x4b: {  	s4 =	simm.s32 $0xC00;
	s17 =	simm.s32 $0xD00;
	s21 =	spop (v2sf)  }
0x4c: {  	s20 =	simm.s32 $0xD80;
	(v2sf) =	vpush v0, $0x8;
	s13 =	sand.u32 $0x1FFFFFF0, s21;
	s23 =	spop (v2sf)  }
0x4d: {  	s13 =	sadd.s32 s3, s13;
	s15 =	sand.u32 $0x1FFFFFF0, s23;
	s24 =	spop (v2sf)  }
0x4e: {  	(v2sf) =	vpush v0, $0x9;
	[tilespmem:s22], [sflag:$0x1] =	stream.linear.gather [hbm4b:s13+s1], $0x80, $0x38;
	[tilespmem:$0x10200] =	vst v63  }
0x4f: {  	s23 =	simm.s32 $0xE00;
	s26 =	sadd.s32 s3, s15;
	s30 =	spop (v2sf)  }
0x50: {  	(v2sf) =	vpush v0, $0xA;
	s28 =	sand.u32 $0x1FFFFFF0, s24;
	s14 =	sand.u32 $0x1FFFFFF0, s30;
	s0 =	spop (v2sf)  }
0x51: {  	[tilespmem:s25], [sflag:$0x1] =	stream.linear.gather [hbm4b:s26+s1], $0x80, $0x38;
	[tilespmem:$0x10200] =	vst v63  }
0x52: {  	(v2sf) =	vpush v0, $0xB;
	s15 =	sadd.s32 s3, s28;
	s14 =	sadd.s32 s3, s14;
	s2 =	spop (v2sf)  }
0x53: {  	[tilespmem:s29], [sflag:$0x1] =	stream.linear.gather [hbm4b:s15+s1], $0x80, $0x38;
	[tilespmem:$0x10200] =	vst v63  }
0x54: {  	(v2sf) =	vpush v0, $0xC;
	s25 =	simm.s32 $0xE80;
	s16 =	spop (v2sf);
	s15 =	sand.u32 $0x1FFFFFF0, s0  }
0x55: {  	[tilespmem:s31], [sflag:$0x1] =	stream.linear.gather [hbm4b:s14+s1], $0x80, $0x38;
	[tilespmem:$0x10200] =	vst v63  }
0x56: {  	(v2sf) =	vpush v0, $0xD;
	s7 =	sand.u32 $0x1FFFFFF0, s2;
	s18 =	spop (v2sf);
	s5 =	sadd.s32 s3, s15  }
0x57: {  	[tilespmem:s4], [sflag:$0x1] =	stream.linear.gather [hbm4b:s5+s1], $0x80, $0x38;
	[tilespmem:$0x10200] =	vst v63  }
0x58: {  	(v2sf) =	vpush v0, $0xE;
	s29 =	simm.s32 $0xF00;
	s15 =	sadd.s32 s3, s7;
	s14 =	simm.s32 $0xC80  }
0x59: {  	[tilespmem:s14], [sflag:$0x1] =	stream.linear.gather [hbm4b:s15+s1], $0x80, $0x38;
	[tilespmem:$0x10200] =	vst v63  }
0x5a: {  	(v2sf) =	vpush v0, $0xF;
	s0 =	simm.s32 $0xF80;
	s4 =	simm.s32 $0x1080;
	s14 =	sand.u32 $0x1FFFFFF0, s16  }
0x5b: {  	s15 =	sand.u32 $0x1FFFFFF0, s18;
	s14 =	sadd.s32 s3, s14;
	s19 =	spop (v2sf)  }
0x5c: {  	[tilespmem:s17], [sflag:$0x1] =	stream.linear.gather [hbm4b:s14+s1], $0x80, $0x38;
	[tilespmem:$0x10200] =	vst v63  }
0x5d: {  	s21 =	sadd.s32 s3, s15;
	s22 =	sand.u32 $0x1FFFFFF0, s19;
	s24 =	spop (v2sf)  }
0x5e: {  	[tilespmem:s20], [sflag:$0x1] =	stream.linear.gather [hbm4b:s21+s1], $0x80, $0x38;
	[tilespmem:$0x10200] =	vst v63  }
0x5f: {  	s15 =	sadd.s32 s3, s22;
	s14 =	sand.u32 $0x1FFFFFF0, s24;
	s26 =	spop (v2sf)  }
0x60: {  	[tilespmem:s23], [sflag:$0x1] =	stream.linear.gather [hbm4b:s15+s1], $0x80, $0x38;
	[tilespmem:$0x10200] =	vst v63  }
0x61: {  	s14 =	sadd.s32 s3, s14;
	s28 =	spop (v2sf);
	s15 =	sand.u32 $0x1FFFFFF0, s26  }
0x62: {  	[tilespmem:s25], [sflag:$0x1] =	stream.linear.gather [hbm4b:s14+s1], $0x80, $0x38;
	[tilespmem:$0x10200] =	vst v63  }
0x63: {  	s31 =	sand.u32 $0x1FFFFFF0, s28;
	s2 =	spop (v2sf);
	s30 =	sadd.s32 s3, s15  }
0x64: {  	[tilespmem:s29], [sflag:$0x1] =	stream.linear.gather [hbm4b:s30+s1], $0x80, $0x38;
	[tilespmem:$0x10200] =	vst v63  }
0x65: {  	s15 =	sadd.s32 s3, s31;
	s5 =	spop (v2sf);
	s14 =	sand.u32 $0x1FFFFFF0, s2  }
0x66: {  	[tilespmem:s0], [sflag:$0x1] =	stream.linear.gather [hbm4b:s15+s1], $0x80, $0x38;
	[tilespmem:$0x10200] =	vst v63  }
0x67: {  	s7 =	spop (v2sf);
	s14 =	sadd.s32 s3, s14;
	s15 =	sand.u32 $0x1FFFFFF0, s5  }
0x68: {  	[tilespmem:s12], [sflag:$0x1] =	stream.linear.gather [hbm4b:s14+s1], $0x80, $0x38;
	[tilespmem:$0x10200] =	vst v63  }
0x69: {  	s17 =	sand.u32 $0x1FFFFFF0, s7;
	s18 =	spop (v2sf);
	s15 =	sadd.s32 s3, s15  }
0x6a: {  	[tilespmem:s4], [sflag:$0x1] =	stream.linear.gather [hbm4b:s15+s1], $0x80, $0x38;
	[tilespmem:$0x10200] =	vst v63  }
0x6b: {  	s19 =	simm.s32 $0x1100;
	s20 =	sadd.s32 s3, s17;
	s21 =	sand.u32 $0x1FFFFFF0, s18  }
0x6c: {  	[tilespmem:s19], [sflag:$0x1] =	stream.linear.gather [hbm4b:s20+s1], $0x80, $0x38;
	[tilespmem:$0x10200] =	vst v63  }
0x6d: {  	s22 =	simm.s32 $0x1180;
	s23 =	sadd.s32 s3, s21  }
0x6e: {  	[tilespmem:s22], [sflag:$0x1] =	stream.linear.gather [hbm4b:s23+s1], $0x80, $0x38;
	[tilespmem:$0x10200] =	vst v63  }
0x6f: {  	v62 =	vld [tilespmem:s11+$0x0];
	_ =	sdelay $0x4  }
0x70: {  	v0 =	vshll.u32 v62, $0x4  }
0x71: {  	(v2sf) =	vpush v0, $0x0  }
0x72: {  	(v2sf) =	vpush v0, $0x1  }
0x73: {  	(v2sf) =	vpush v0, $0x2;
	_ =	sdelay $0x1  }
0x74: {  	(v2sf) =	vpush v0, $0x3  }
0x75: {  	(v2sf) =	vpush v0, $0x4;
	_ =	sdelay $0x1  }
0x76: {  	(v2sf) =	vpush v0, $0x5;
	_ =	sdelay $0x2  }
0x77: {  	(v2sf) =	vpush v0, $0x6;
	_ =	sdelay $0x1  }
0x78: {  	(v2sf) =	vpush v0, $0x7  }
0x79: {  	s25 =	simm.s32 $0x1200;
	s29 =	simm.s32 $0x1280  }
0x7a: {  	s17 =	simm.s32 $0x1480;
	s0 =	simm.s32 $0x1300;
	s12 =	simm.s32 $0x1800  }
0x7b: {  	s4 =	simm.s32 $0x1380;
	s19 =	simm.s32 $0x1500;
	s24 =	spop (v2sf)  }
0x7c: {  	s22 =	simm.s32 $0x1580;
	(v2sf) =	vpush v0, $0x8;
	s13 =	sand.u32 $0x1FFFFFF0, s24;
	s26 =	spop (v2sf)  }
0x7d: {  	s13 =	sadd.s32 s3, s13;
	s15 =	sand.u32 $0x1FFFFFF0, s26;
	s28 =	spop (v2sf)  }
0x7e: {  	(v2sf) =	vpush v0, $0x9;
	[tilespmem:s25], [sflag:$0x1] =	stream.linear.gather [hbm4b:s13+s1], $0x80, $0x38;
	[tilespmem:$0x10200] =	vst v63  }
0x7f: {  	s30 =	sadd.s32 s3, s15;
	s31 =	sand.u32 $0x1FFFFFF0, s28;
	s2 =	spop (v2sf)  }
0x80: {  	(v2sf) =	vpush v0, $0xA;
	s25 =	simm.s32 $0x1600;
	s28 =	simm.s32 $0x1680;
	s5 =	spop (v2sf)  }
0x81: {  	[tilespmem:s29], [sflag:$0x1] =	stream.linear.gather [hbm4b:s30+s1], $0x80, $0x38;
	[tilespmem:$0x10200] =	vst v63  }
0x82: {  	(v2sf) =	vpush v0, $0xB;
	s15 =	sadd.s32 s3, s31;
	s14 =	sand.u32 $0x1FFFFFF0, s2;
	s7 =	spop (v2sf)  }
0x83: {  	s31 =	simm.s32 $0x1700;
	s14 =	sadd.s32 s3, s14;
	s16 =	sand.u32 $0x1FFFFFF0, s7  }
0x84: {  	(v2sf) =	vpush v0, $0xC;
	[tilespmem:s0], [sflag:$0x1] =	stream.linear.gather [hbm4b:s15+s1], $0x80, $0x38;
	[tilespmem:$0x10200] =	vst v63  }
0x85: {  	s18 =	spop (v2sf);
	s7 =	simm.s32 $0x1880;
	s15 =	sand.u32 $0x1FFFFFF0, s5  }
0x86: {  	(v2sf) =	vpush v0, $0xD;
	[tilespmem:s4], [sflag:$0x1] =	stream.linear.gather [hbm4b:s14+s1], $0x80, $0x38;
	[tilespmem:$0x10200] =	vst v63  }
0x87: {  	s20 =	spop (v2sf);
	s15 =	sadd.s32 s3, s15;
	s14 =	simm.s32 $0x1400  }
0x88: {  	(v2sf) =	vpush v0, $0xE;
	[tilespmem:s14], [sflag:$0x1] =	stream.linear.gather [hbm4b:s15+s1], $0x80, $0x38;
	[tilespmem:$0x10200] =	vst v63  }
0x89: {  	s4 =	simm.s32 $0x1780;
	s15 =	sadd.s32 s3, s16;
	s14 =	sand.u32 $0x1FFFFFF0, s18  }
0x8a: {  	(v2sf) =	vpush v0, $0xF;
	[tilespmem:s17], [sflag:$0x1] =	stream.linear.gather [hbm4b:s15+s1], $0x80, $0x38;
	[tilespmem:$0x10200] =	vst v63  }
0x8b: {  	s14 =	sadd.s32 s3, s14;
	s15 =	sand.u32 $0x1FFFFFF0, s20;
	s21 =	spop (v2sf)  }
0x8c: {  	[tilespmem:s19], [sflag:$0x1] =	stream.linear.gather [hbm4b:s14+s1], $0x80, $0x38;
	[tilespmem:$0x10200] =	vst v63  }
0x8d: {  	s23 =	sadd.s32 s3, s15;
	s24 =	sand.u32 $0x1FFFFFF0, s21;
	s26 =	spop (v2sf)  }
0x8e: {  	[tilespmem:s22], [sflag:$0x1] =	stream.linear.gather [hbm4b:s23+s1], $0x80, $0x38;
	[tilespmem:$0x10200] =	vst v63  }
0x8f: {  	s15 =	sadd.s32 s3, s24;
	s14 =	sand.u32 $0x1FFFFFF0, s26;
	s29 =	spop (v2sf)  }
0x90: {  	[tilespmem:s25], [sflag:$0x1] =	stream.linear.gather [hbm4b:s15+s1], $0x80, $0x38;
	[tilespmem:$0x10200] =	vst v63  }
0x91: {  	s14 =	sadd.s32 s3, s14;
	s30 =	spop (v2sf);
	s15 =	sand.u32 $0x1FFFFFF0, s29  }
0x92: {  	[tilespmem:s28], [sflag:$0x1] =	stream.linear.gather [hbm4b:s14+s1], $0x80, $0x38;
	[tilespmem:$0x10200] =	vst v63  }
0x93: {  	s2 =	sand.u32 $0x1FFFFFF0, s30;
	s5 =	spop (v2sf);
	s0 =	sadd.s32 s3, s15  }
0x94: {  	[tilespmem:s31], [sflag:$0x1] =	stream.linear.gather [hbm4b:s0+s1], $0x80, $0x38;
	[tilespmem:$0x10200] =	vst v63  }
0x95: {  	s15 =	sadd.s32 s3, s2;
	s17 =	spop (v2sf);
	s14 =	sand.u32 $0x1FFFFFF0, s5  }
0x96: {  	[tilespmem:s4], [sflag:$0x1] =	stream.linear.gather [hbm4b:s15+s1], $0x80, $0x38;
	[tilespmem:$0x10200] =	vst v63  }
0x97: {  	s18 =	spop (v2sf);
	s14 =	sadd.s32 s3, s14;
	s15 =	sand.u32 $0x1FFFFFF0, s17  }
0x98: {  	[tilespmem:s12], [sflag:$0x1] =	stream.linear.gather [hbm4b:s14+s1], $0x80, $0x38;
	[tilespmem:$0x10200] =	vst v63  }
0x99: {  	s20 =	sand.u32 $0x1FFFFFF0, s18;
	s21 =	spop (v2sf);
	s19 =	sadd.s32 s3, s15  }
0x9a: {  	[tilespmem:s7], [sflag:$0x1] =	stream.linear.gather [hbm4b:s19+s1], $0x80, $0x38;
	[tilespmem:$0x10200] =	vst v63  }
0x9b: {  	s22 =	simm.s32 $0x1900;
	s23 =	sadd.s32 s3, s20;
	s24 =	sand.u32 $0x1FFFFFF0, s21  }
0x9c: {  	[tilespmem:s22], [sflag:$0x1] =	stream.linear.gather [hbm4b:s23+s1], $0x80, $0x38;
	[tilespmem:$0x10200] =	vst v63  }
0x9d: {  	s25 =	simm.s32 $0x1980;
	s26 =	sadd.s32 s3, s24  }
0x9e: {  	[tilespmem:s25], [sflag:$0x1] =	stream.linear.gather [hbm4b:s26+s1], $0x80, $0x38;
	[tilespmem:$0x10200] =	vst v63  }
0x9f: {  	v63 =	vld [tilespmem:s11+$0x10];
	_ =	sdelay $0x4  }
0xa0: {  	v0 =	vshll.u32 v63, $0x4  }
0xa1: {  	(v2sf) =	vpush v0, $0x0  }
0xa2: {  	(v2sf) =	vpush v0, $0x1  }
0xa3: {  	(v2sf) =	vpush v0, $0x2;
	_ =	sdelay $0x1  }
0xa4: {  	(v2sf) =	vpush v0, $0x3;
	_ =	sdelay $0x1  }
0xa5: {  	(v2sf) =	vpush v0, $0x4;
	_ =	sdelay $0x1  }
0xa6: {  	(v2sf) =	vpush v0, $0x5;
	_ =	sdelay $0x1  }
0xa7: {  	(v2sf) =	vpush v0, $0x6;
	_ =	sdelay $0x2  }
0xa8: {  	s30 =	simm.s32 $0x1A00;
	s2 =	simm.s32 $0x1B00  }
0xa9: {  	s31 =	simm.s32 $0x1A80;
	s20 =	simm.s32 $0x1C00;
	s17 =	simm.s32 $0x1B80;
	(v2sf) =	vpush v0, $0x7  }
0xaa: {  	s12 =	simm.s32 $0x2000;
	s22 =	simm.s32 $0x1C80;
	s28 =	spop (v2sf)  }
0xab: {  	s25 =	simm.s32 $0x1D00;
	(v2sf) =	vpush v0, $0x8;
	s13 =	sand.u32 $0x1FFFFFF0, s28;
	s29 =	spop (v2sf)  }
0xac: {  	(v2sf) =	vpush v0, $0x9;
	s13 =	sadd.s32 s3, s13;
	s14 =	sand.u32 $0x1FFFFFF0, s29;
	s0 =	spop (v2sf)  }
0xad: {  	[tilespmem:s30], [sflag:$0x1] =	stream.linear.gather [hbm4b:s13+s1], $0x80, $0x38;
	[tilespmem:$0x10200] =	vst v63  }
0xae: {  	(v2sf) =	vpush v0, $0xA;
	s14 =	sadd.s32 s3, s14;
	s4 =	sand.u32 $0x1FFFFFF0, s0;
	s5 =	spop (v2sf)  }
0xaf: {  	[tilespmem:s31], [sflag:$0x1] =	stream.linear.gather [hbm4b:s14+s1], $0x80, $0x38;
	[tilespmem:$0x10200] =	vst v63  }
0xb0: {  	s15 =	sand.u32 $0x1FFFFFF0, s5;
	s7 =	spop (v2sf);
	s14 =	sadd.s32 s3, s4  }
0xb1: {  	[tilespmem:s2], [sflag:$0x1] =	stream.linear.gather [hbm4b:s14+s1], $0x80, $0x38;
	[tilespmem:$0x10200] =	vst v63  }
0xb2: {  	(v2sf) =	vpush v0, $0xB;
	s18 =	sadd.s32 s3, s15;
	s19 =	sand.u32 $0x1FFFFFF0, s7;
	s21 =	spop (v2sf)  }
0xb3: {  	[tilespmem:s17], [sflag:$0x1] =	stream.linear.gather [hbm4b:s18+s1], $0x80, $0x38;
	[tilespmem:$0x10200] =	vst v63  }
0xb4: {  	(v2sf) =	vpush v0, $0xC;
	s15 =	sadd.s32 s3, s19;
	s23 =	spop (v2sf);
	s14 =	sand.u32 $0x1FFFFFF0, s21  }
0xb5: {  	(v2sf) =	vpush v0, $0xD;
	[tilespmem:s20], [sflag:$0x1] =	stream.linear.gather [hbm4b:s15+s1], $0x80, $0x38;
	[tilespmem:$0x10200] =	vst v63  }
0xb6: {  	s11 =	simm.s32 $0x2080;
	s14 =	sadd.s32 s3, s14;
	s15 =	sand.u32 $0x1FFFFFF0, s23  }
0xb7: {  	(v2sf) =	vpush v0, $0xE;
	[tilespmem:s22], [sflag:$0x1] =	stream.linear.gather [hbm4b:s14+s1], $0x80, $0x38;
	[tilespmem:$0x10200] =	vst v63  }
0xb8: {  	s29 =	simm.s32 $0x1D80;
	s24 =	spop (v2sf);
	s26 =	sadd.s32 s3, s15  }
0xb9: {  	(v2sf) =	vpush v0, $0xF;
	[tilespmem:s25], [sflag:$0x1] =	stream.linear.gather [hbm4b:s26+s1], $0x80, $0x38;
	[tilespmem:$0x10200] =	vst v63  }
0xba: {  	s31 =	simm.s32 $0x1E00;
	s28 =	sand.u32 $0x1FFFFFF0, s24;
	s30 =	spop (v2sf)  }
0xbb: {  	s15 =	sadd.s32 s3, s28;
	s14 =	sand.u32 $0x1FFFFFF0, s30;
	s0 =	spop (v2sf)  }
0xbc: {  	[tilespmem:s29], [sflag:$0x1] =	stream.linear.gather [hbm4b:s15+s1], $0x80, $0x38;
	[tilespmem:$0x10200] =	vst v63  }
0xbd: {  	s14 =	sadd.s32 s3, s14;
	s15 =	sand.u32 $0x1FFFFFF0, s0;
	s2 =	spop (v2sf)  }
0xbe: {  	[tilespmem:s31], [sflag:$0x1] =	stream.linear.gather [hbm4b:s14+s1], $0x80, $0x38;
	[tilespmem:$0x10200] =	vst v63  }
0xbf: {  	s4 =	simm.s32 $0x1E80;
	s5 =	sadd.s32 s3, s15;
	s7 =	sand.u32 $0x1FFFFFF0, s2  }
0xc0: {  	[tilespmem:s4], [sflag:$0x1] =	stream.linear.gather [hbm4b:s5+s1], $0x80, $0x38;
	[tilespmem:$0x10200] =	vst v63  }
0xc1: {  	s16 =	spop (v2sf);
	s14 =	simm.s32 $0x1F00;
	s15 =	sadd.s32 s3, s7  }
0xc2: {  	[tilespmem:s14], [sflag:$0x1] =	stream.linear.gather [hbm4b:s15+s1], $0x80, $0x38;
	[tilespmem:$0x10200] =	vst v63  }
0xc3: {  	s17 =	simm.s32 $0x1F80;
	s18 =	spop (v2sf);
	s14 =	sand.u32 $0x1FFFFFF0, s16  }
0xc4: {  	s19 =	spop (v2sf);
	s15 =	sand.u32 $0x1FFFFFF0, s18;
	s14 =	sadd.s32 s3, s14  }
0xc5: {  	[tilespmem:s17], [sflag:$0x1] =	stream.linear.gather [hbm4b:s14+s1], $0x80, $0x38;
	[tilespmem:$0x10200] =	vst v63  }
0xc6: {  	s21 =	sand.u32 $0x1FFFFFF0, s19;
	s22 =	spop (v2sf);
	s20 =	sadd.s32 s3, s15  }
0xc7: {  	[tilespmem:s12], [sflag:$0x1] =	stream.linear.gather [hbm4b:s20+s1], $0x80, $0x38;
	[tilespmem:$0x10200] =	vst v63  }
0xc8: {  	s23 =	sadd.s32 s3, s21;
	s24 =	sand.u32 $0x1FFFFFF0, s22;
	s25 =	spop (v2sf)  }
0xc9: {  	[tilespmem:s11], [sflag:$0x1] =	stream.linear.gather [hbm4b:s23+s1], $0x80, $0x38;
	[tilespmem:$0x10200] =	vst v63  }
0xca: {  	s26 =	simm.s32 $0x2100;
	s28 =	sadd.s32 s3, s24;
	s29 =	sand.u32 $0x1FFFFFF0, s25  }
0xcb: {  	[tilespmem:s26], [sflag:$0x1] =	stream.linear.gather [hbm4b:s28+s1], $0x80, $0x38;
	[tilespmem:$0x10200] =	vst v63  }
0xcc: {  	s30 =	simm.s32 $0x2180;
	s31 =	sadd.s32 s3, s29  }
0xcd: {  	[tilespmem:s30], [sflag:$0x1] =	stream.linear.gather [hbm4b:s31+s1], $0x80, $0x38;
	[tilespmem:$0x10200] =	vst v63  }
0xce: {  	_ =	swait.ge [sflag:s8], $0x80  }
0xcf: {  	[sflag:s8] =	ssyncset.done $0x0  }
0xd0: {  	[sflag:s8] =	ssyncadd.s32 $0xFFFFFF80  }
0xd1: {  	_ =	swait.ge [sflag:s8], $0x80  }
0xd2: {  	[sflag:s8] =	ssyncset.done $0x0  }
0xd3: {  	[sflag:s8] =	ssyncadd.s32 $0xFFFFFF80  }
0xd4: {  	_ =	swait.ge [sflag:s8], $0x80  }
0xd5: {  	[sflag:s8] =	ssyncset.done $0x0  }
0xd6: {  	[sflag:s8] =	ssyncadd.s32 $0xFFFFFF80  }
0xd7: {  	_ =	swait.ge [sflag:s8], $0x80  }
0xd8: {  	[sflag:s8] =	ssyncset.done $0x0  }
0xd9: {  	[sflag:s8] =	ssyncadd.s32 $0xFFFFFF80  }
0xda: {  	_ =	swait.ge [sflag:s8], $0x80  }
0xdb: {  	[sflag:s8] =	ssyncset.done $0x0  }
0xdc: {  	[sflag:s8] =	ssyncadd.s32 $0xFFFFFF80  }
0xdd: {  	_ =	swait.ge [sflag:s8], $0x80  }
0xde: {  	[sflag:s8] =	ssyncset.done $0x0  }
0xdf: {  	[sflag:s8] =	ssyncadd.s32 $0xFFFFFF80  }
0xe0: {  	_ =	swait.ge [sflag:s8], $0x80  }
0xe1: {  	[sflag:s8] =	ssyncset.done $0x0  }
0xe2: {  	[sflag:s8] =	ssyncadd.s32 $0xFFFFFF80  }
0xe3: {  	_ =	swait.ge [sflag:s8], $0x80  }
0xe4: {  	[sflag:s8] =	ssyncset.done $0x0  }
0xe5: {  	[sflag:s8] =	ssyncadd.s32 $0xFFFFFF80  }
0xe6: {  	_ =	swait.ge [sflag:s8], $0x80  }
0xe7: {  	[sflag:s8] =	ssyncset.done $0x0  }
0xe8: {  	[sflag:s8] =	ssyncadd.s32 $0xFFFFFF80  }
0xe9: {  	_ =	swait.ge [sflag:s8], $0x80  }
0xea: {  	[sflag:s8] =	ssyncset.done $0x0  }
0xeb: {  	[sflag:s8] =	ssyncadd.s32 $0xFFFFFF80  }
0xec: {  	_ =	swait.ge [sflag:s8], $0x80  }
0xed: {  	[sflag:s8] =	ssyncset.done $0x0  }
0xee: {  	[sflag:s8] =	ssyncadd.s32 $0xFFFFFF80  }
0xef: {  	_ =	swait.ge [sflag:s8], $0x80  }
0xf0: {  	[sflag:s8] =	ssyncset.done $0x0  }
0xf1: {  	[sflag:s8] =	ssyncadd.s32 $0xFFFFFF80  }
0xf2: {  	_ =	swait.ge [sflag:s8], $0x80  }
0xf3: {  	[sflag:s8] =	ssyncset.done $0x0  }
0xf4: {  	[sflag:s8] =	ssyncadd.s32 $0xFFFFFF80  }
0xf5: {  	_ =	swait.ge [sflag:s8], $0x80  }
0xf6: {  	[sflag:s8] =	ssyncset.done $0x0  }
0xf7: {  	[sflag:s8] =	ssyncadd.s32 $0xFFFFFF80  }
0xf8: {  	_ =	swait.ge [sflag:s8], $0x80  }
0xf9: {  	[sflag:s8] =	ssyncset.done $0x0  }
0xfa: {  	[sflag:s8] =	ssyncadd.s32 $0xFFFFFF80  }
0xfb: {  	_ =	swait.ge [sflag:s8], $0x80  }
0xfc: {  	[sflag:s8] =	ssyncset.done $0x0  }
0xfd: {  	[sflag:s8] =	ssyncadd.s32 $0xFFFFFF80  }
0xfe: {  	_ =	swait.ge [sflag:s8], $0x80  }
0xff: {  	[sflag:s8] =	ssyncset.done $0x0  }
0x100: {  	[sflag:s8] =	ssyncadd.s32 $0xFFFFFF80  }
0x101: {  	_ =	swait.ge [sflag:s8], $0x80  }
0x102: {  	[sflag:s8] =	ssyncset.done $0x0  }
0x103: {  	[sflag:s8] =	ssyncadd.s32 $0xFFFFFF80  }
0x104: {  	_ =	swait.ge [sflag:s8], $0x80  }
0x105: {  	[sflag:s8] =	ssyncset.done $0x0  }
0x106: {  	[sflag:s8] =	ssyncadd.s32 $0xFFFFFF80  }
0x107: {  	_ =	swait.ge [sflag:s8], $0x80  }
0x108: {  	[sflag:s8] =	ssyncset.done $0x0  }
0x109: {  	[sflag:s8] =	ssyncadd.s32 $0xFFFFFF80  }
0x10a: {  	_ =	swait.ge [sflag:s8], $0x80  }
0x10b: {  	[sflag:s8] =	ssyncset.done $0x0  }
0x10c: {  	[sflag:s8] =	ssyncadd.s32 $0xFFFFFF80  }
0x10d: {  	_ =	swait.ge [sflag:s8], $0x80  }
0x10e: {  	[sflag:s8] =	ssyncset.done $0x0  }
0x10f: {  	[sflag:s8] =	ssyncadd.s32 $0xFFFFFF80  }
0x110: {  	_ =	swait.ge [sflag:s8], $0x80  }
0x111: {  	[sflag:s8] =	ssyncset.done $0x0  }
0x112: {  	[sflag:s8] =	ssyncadd.s32 $0xFFFFFF80  }
0x113: {  	_ =	swait.ge [sflag:s8], $0x80  }
0x114: {  	[sflag:s8] =	ssyncset.done $0x0  }
0x115: {  	[sflag:s8] =	ssyncadd.s32 $0xFFFFFF80  }
0x116: {  	_ =	swait.ge [sflag:s8], $0x80  }
0x117: {  	[sflag:s8] =	ssyncset.done $0x0  }
0x118: {  	[sflag:s8] =	ssyncadd.s32 $0xFFFFFF80  }
0x119: {  	_ =	swait.ge [sflag:s8], $0x80  }
0x11a: {  	[sflag:s8] =	ssyncset.done $0x0  }
0x11b: {  	[sflag:s8] =	ssyncadd.s32 $0xFFFFFF80  }
0x11c: {  	_ =	swait.ge [sflag:s8], $0x80  }
0x11d: {  	[sflag:s8] =	ssyncset.done $0x0  }
0x11e: {  	[sflag:s8] =	ssyncadd.s32 $0xFFFFFF80  }
0x11f: {  	_ =	swait.ge [sflag:s8], $0x80  }
0x120: {  	[sflag:s8] =	ssyncset.done $0x0  }
0x121: {  	[sflag:s8] =	ssyncadd.s32 $0xFFFFFF80  }
0x122: {  	_ =	swait.ge [sflag:s8], $0x80  }
0x123: {  	[sflag:s8] =	ssyncset.done $0x0  }
0x124: {  	[sflag:s8] =	ssyncadd.s32 $0xFFFFFF80  }
0x125: {  	_ =	swait.ge [sflag:s8], $0x80  }
0x126: {  	[sflag:s8] =	ssyncset.done $0x0  }
0x127: {  	[sflag:s8] =	ssyncadd.s32 $0xFFFFFF80  }
0x128: {  	_ =	swait.ge [sflag:s8], $0x80  }
0x129: {  	[sflag:s8] =	ssyncset.done $0x0  }
0x12a: {  	[sflag:s8] =	ssyncadd.s32 $0xFFFFFF80  }
0x12b: {  	_ =	swait.ge [sflag:s8], $0x80  }
0x12c: {  	[sflag:s8] =	ssyncset.done $0x0  }
0x12d: {  	[sflag:s8] =	ssyncadd.s32 $0xFFFFFF80  }
0x12e: {  	_ =	swait.ge [sflag:s8], $0x80  }
0x12f: {  	[sflag:s8] =	ssyncset.done $0x0  }
0x130: {  	[sflag:s8] =	ssyncadd.s32 $0xFFFFFF80  }
0x131: {  	_ =	swait.ge [sflag:s8], $0x80  }
0x132: {  	[sflag:s8] =	ssyncset.done $0x0  }
0x133: {  	[sflag:s8] =	ssyncadd.s32 $0xFFFFFF80  }
0x134: {  	_ =	swait.ge [sflag:s8], $0x80  }
0x135: {  	[sflag:s8] =	ssyncset.done $0x0  }
0x136: {  	[sflag:s8] =	ssyncadd.s32 $0xFFFFFF80  }
0x137: {  	_ =	swait.ge [sflag:s8], $0x80  }
0x138: {  	[sflag:s8] =	ssyncset.done $0x0  }
0x139: {  	[sflag:s8] =	ssyncadd.s32 $0xFFFFFF80  }
0x13a: {  	_ =	swait.ge [sflag:s8], $0x80  }
0x13b: {  	[sflag:s8] =	ssyncset.done $0x0  }
0x13c: {  	[sflag:s8] =	ssyncadd.s32 $0xFFFFFF80  }
0x13d: {  	_ =	swait.ge [sflag:s8], $0x80  }
0x13e: {  	[sflag:s8] =	ssyncset.done $0x0  }
0x13f: {  	[sflag:s8] =	ssyncadd.s32 $0xFFFFFF80  }
0x140: {  	_ =	swait.ge [sflag:s8], $0x80  }
0x141: {  	[sflag:s8] =	ssyncset.done $0x0  }
0x142: {  	[sflag:s8] =	ssyncadd.s32 $0xFFFFFF80  }
0x143: {  	_ =	swait.ge [sflag:s8], $0x80  }
0x144: {  	[sflag:s8] =	ssyncset.done $0x0  }
0x145: {  	[sflag:s8] =	ssyncadd.s32 $0xFFFFFF80  }
0x146: {  	_ =	swait.ge [sflag:s8], $0x80  }
0x147: {  	[sflag:s8] =	ssyncset.done $0x0  }
0x148: {  	[sflag:s8] =	ssyncadd.s32 $0xFFFFFF80  }
0x149: {  	_ =	swait.ge [sflag:s8], $0x80  }
0x14a: {  	[sflag:s8] =	ssyncset.done $0x0  }
0x14b: {  	[sflag:s8] =	ssyncadd.s32 $0xFFFFFF80  }
0x14c: {  	_ =	swait.ge [sflag:s8], $0x80  }
0x14d: {  	[sflag:s8] =	ssyncset.done $0x0  }
0x14e: {  	[sflag:s8] =	ssyncadd.s32 $0xFFFFFF80  }
0x14f: {  	_ =	swait.ge [sflag:s8], $0x80  }
0x150: {  	[sflag:s8] =	ssyncset.done $0x0  }
0x151: {  	[sflag:s8] =	ssyncadd.s32 $0xFFFFFF80  }
0x152: {  	_ =	swait.ge [sflag:s8], $0x80  }
0x153: {  	[sflag:s8] =	ssyncset.done $0x0  }
0x154: {  	[sflag:s8] =	ssyncadd.s32 $0xFFFFFF80  }
0x155: {  	_ =	swait.ge [sflag:s8], $0x80  }
0x156: {  	[sflag:s8] =	ssyncset.done $0x0  }
0x157: {  	[sflag:s8] =	ssyncadd.s32 $0xFFFFFF80  }
0x158: {  	_ =	swait.ge [sflag:s8], $0x80  }
0x159: {  	[sflag:s8] =	ssyncset.done $0x0  }
0x15a: {  	[sflag:s8] =	ssyncadd.s32 $0xFFFFFF80  }
0x15b: {  	_ =	swait.ge [sflag:s8], $0x80  }
0x15c: {  	[sflag:s8] =	ssyncset.done $0x0  }
0x15d: {  	[sflag:s8] =	ssyncadd.s32 $0xFFFFFF80  }
0x15e: {  	_ =	swait.ge [sflag:s8], $0x80  }
0x15f: {  	[sflag:s8] =	ssyncset.done $0x0  }
0x160: {  	[sflag:s8] =	ssyncadd.s32 $0xFFFFFF80  }
0x161: {  	_ =	swait.ge [sflag:s8], $0x80  }
0x162: {  	[sflag:s8] =	ssyncset.done $0x0  }
0x163: {  	[sflag:s8] =	ssyncadd.s32 $0xFFFFFF80  }
0x164: {  	_ =	swait.ge [sflag:s8], $0x80  }
0x165: {  	[sflag:s8] =	ssyncset.done $0x0  }
0x166: {  	[sflag:s8] =	ssyncadd.s32 $0xFFFFFF80  }
0x167: {  	_ =	swait.ge [sflag:s8], $0x80  }
0x168: {  	[sflag:s8] =	ssyncset.done $0x0  }
0x169: {  	[sflag:s8] =	ssyncadd.s32 $0xFFFFFF80  }
0x16a: {  	_ =	swait.ge [sflag:s8], $0x80  }
0x16b: {  	[sflag:s8] =	ssyncset.done $0x0  }
0x16c: {  	[sflag:s8] =	ssyncadd.s32 $0xFFFFFF80  }
0x16d: {  	_ =	swait.ge [sflag:s8], $0x80  }
0x16e: {  	[sflag:s8] =	ssyncset.done $0x0  }
0x16f: {  	[sflag:s8] =	ssyncadd.s32 $0xFFFFFF80  }
0x170: {  	_ =	swait.ge [sflag:s8], $0x80  }
0x171: {  	[sflag:s8] =	ssyncset.done $0x0  }
0x172: {  	[sflag:s8] =	ssyncadd.s32 $0xFFFFFF80  }
0x173: {  	_ =	swait.ge [sflag:s8], $0x80  }
0x174: {  	[sflag:s8] =	ssyncset.done $0x0  }
0x175: {  	[sflag:s8] =	ssyncadd.s32 $0xFFFFFF80  }
0x176: {  	_ =	swait.ge [sflag:s8], $0x80  }
0x177: {  	[sflag:s8] =	ssyncset.done $0x0  }
0x178: {  	[sflag:s8] =	ssyncadd.s32 $0xFFFFFF80  }
0x179: {  	_ =	swait.ge [sflag:s8], $0x80  }
0x17a: {  	[sflag:s8] =	ssyncset.done $0x0  }
0x17b: {  	[sflag:s8] =	ssyncadd.s32 $0xFFFFFF80  }
0x17c: {  	_ =	swait.ge [sflag:s8], $0x80  }
0x17d: {  	[sflag:s8] =	ssyncset.done $0x0  }
0x17e: {  	[sflag:s8] =	ssyncadd.s32 $0xFFFFFF80  }
0x17f: {  	_ =	swait.ge [sflag:s8], $0x80  }
0x180: {  	[sflag:s8] =	ssyncset.done $0x0  }
0x181: {  	[sflag:s8] =	ssyncadd.s32 $0xFFFFFF80  }
0x182: {  	_ =	swait.ge [sflag:s8], $0x80  }
0x183: {  	[sflag:s8] =	ssyncset.done $0x0  }
0x184: {  	[sflag:s8] =	ssyncadd.s32 $0xFFFFFF80  }
0x185: {  	s13 =	smov.u32 s6;
	s16 =	smov.u32 s6;
	_ =	swait.ge [sflag:s8], $0x80  }
0x186: {  	s15 =	simm.s32 $0x0;
	s14 =	simm.s32 $0x60;
	[sflag:s8] =	ssyncset.done $0x0  }
0x187: {  	s12 =	simm.s32 $0x10000;
	s11 =	simm.s32 $0x0;
	[sflag:s8] =	ssyncadd.s32 $0xFFFFFF80  }
.LBB2_2:
0x188: {  	_ =	swait.ge [sflag:s8], $0x80  }
0x189: {  	s15 =	sadd.s32 $0x8000, s15;
	s16 =	sadd.s32 $0x400, s16;
	s17 =	smov.u32 s12  }
0x18a: {  	p0 =	sne.s32 s12, $0x70000;
	s12 =	sadd.s32 $0x10000, s12;
	[sflag:s8] =	ssyncset.done $0x0  }
0x18b: {  	s18 =	sadd.s32 $0x200, s11;
	s11 =	sshra.s32 s15, $0x2;
	[sflag:s8] =	ssyncadd.s32 $0xFFFFFF80  }
0x18c: {  	_ =	swait.ge [sflag:s8], $0x80  }
0x18d: {  	[sflag:s8] =	ssyncset.done $0x0  }
0x18e: {  	[sflag:s8] =	ssyncadd.s32 $0xFFFFFF80  }
0x18f: {  	[hbm4b:s13+s1] =	stream.linear.scatter [tilespmem:s18], [sflag:$0x2], $0x2000, $0x38;
	[tilespmem:$0x10200] =	vst v63  }
0x190: {  	s13 =	smov.u32 s16;
	v0 =	vld [tilespmem:s14+$0xFFFFFFE0];
	_ =	sdelay $0x4  }
0x191: {  	v0 =	vshll.u32 v0, $0x4  }
0x192: {  	(v2sf) =	vpush v0, $0x0  }
0x193: {  	(v2sf) =	vpush v0, $0x1  }
0x194: {  	(v2sf) =	vpush v0, $0x2;
	_ =	sdelay $0x1  }
0x195: {  	(v2sf) =	vpush v0, $0x3;
	_ =	sdelay $0x1  }
0x196: {  	(v2sf) =	vpush v0, $0x4;
	_ =	sdelay $0x1  }
0x197: {  	(v2sf) =	vpush v0, $0x5;
	_ =	sdelay $0x1  }
0x198: {  	s17 =	sshra.s32 s17, $0x2;
	(v2sf) =	vpush v0, $0x6  }
0x199: {  	s25 =	sadd.s32 $0x280, s17;
	s26 =	sadd.s32 $0x380, s17;
	s28 =	sadd.s32 $0x400, s17  }
0x19a: {  	s29 =	sadd.s32 $0x200, s17;
	s30 =	sadd.s32 $0x300, s17;
	s18 =	sadd.s32 $0x980, s17;
	(v2sf) =	vpush v0, $0x7  }
0x19b: {  	s31 =	sadd.s32 $0x480, s17;
	s20 =	sadd.s32 $0x800, s17;
	s19 =	sadd.s32 $0x880, s17  }
0x19c: {  	s23 =	sadd.s32 $0x680, s17;
	s22 =	sadd.s32 $0x700, s17;
	s21 =	sadd.s32 $0x780, s17;
	(v2sf) =	vpush v0, $0x8  }
0x19d: {  	s0 =	sadd.s32 $0x500, s17;
	s24 =	sadd.s32 $0x600, s17;
	s2 =	spop (v2sf)  }
0x19e: {  	s4 =	sadd.s32 $0x580, s17;
	s2 =	sand.u32 $0x1FFFFFF0, s2;
	s5 =	spop (v2sf);
	(v2sf) =	vpush v0, $0x9  }
0x19f: {  	s2 =	sadd.s32 s3, s2;
	s5 =	sand.u32 $0x1FFFFFF0, s5;
	s7 =	spop (v2sf)  }
0x1a0: {  	[tilespmem:s29], [sflag:$0x1] =	stream.linear.gather [hbm4b:s2+s1], $0x80, $0x38;
	(v2sf) =	vpush v0, $0xA;
	[tilespmem:$0x10200] =	vst v63  }
0x1a1: {  	s2 =	sadd.s32 s3, s5;
	s5 =	sand.u32 $0x1FFFFFF0, s7;
	s7 =	spop (v2sf)  }
0x1a2: {  	[tilespmem:s25], [sflag:$0x1] =	stream.linear.gather [hbm4b:s2+s1], $0x80, $0x38;
	(v2sf) =	vpush v0, $0xB;
	[tilespmem:$0x10200] =	vst v63  }
0x1a3: {  	s2 =	sadd.s32 s3, s5;
	s5 =	sand.u32 $0x1FFFFFF0, s7;
	s7 =	spop (v2sf)  }
0x1a4: {  	[tilespmem:s30], [sflag:$0x1] =	stream.linear.gather [hbm4b:s2+s1], $0x80, $0x38;
	(v2sf) =	vpush v0, $0xC;
	[tilespmem:$0x10200] =	vst v63  }
0x1a5: {  	s2 =	sadd.s32 s3, s5;
	s5 =	sand.u32 $0x1FFFFFF0, s7;
	s7 =	spop (v2sf)  }
0x1a6: {  	[tilespmem:s26], [sflag:$0x1] =	stream.linear.gather [hbm4b:s2+s1], $0x80, $0x38;
	(v2sf) =	vpush v0, $0xD;
	[tilespmem:$0x10200] =	vst v63  }
0x1a7: {  	s2 =	sadd.s32 s3, s5;
	s5 =	sand.u32 $0x1FFFFFF0, s7;
	s7 =	spop (v2sf)  }
0x1a8: {  	[tilespmem:s28], [sflag:$0x1] =	stream.linear.gather [hbm4b:s2+s1], $0x80, $0x38;
	(v2sf) =	vpush v0, $0xE;
	[tilespmem:$0x10200] =	vst v63  }
0x1a9: {  	s2 =	sadd.s32 s3, s5;
	s5 =	sand.u32 $0x1FFFFFF0, s7;
	s7 =	spop (v2sf)  }
0x1aa: {  	[tilespmem:s31], [sflag:$0x1] =	stream.linear.gather [hbm4b:s2+s1], $0x80, $0x38;
	(v2sf) =	vpush v0, $0xF;
	[tilespmem:$0x10200] =	vst v63  }
0x1ab: {  	s2 =	sadd.s32 s3, s5;
	s5 =	sand.u32 $0x1FFFFFF0, s7;
	s7 =	spop (v2sf)  }
0x1ac: {  	[tilespmem:s0], [sflag:$0x1] =	stream.linear.gather [hbm4b:s2+s1], $0x80, $0x38;
	[tilespmem:$0x10200] =	vst v63  }
0x1ad: {  	s0 =	sadd.s32 s3, s5;
	s2 =	sand.u32 $0x1FFFFFF0, s7;
	s5 =	spop (v2sf)  }
0x1ae: {  	[tilespmem:s4], [sflag:$0x1] =	stream.linear.gather [hbm4b:s0+s1], $0x80, $0x38;
	[tilespmem:$0x10200] =	vst v63  }
0x1af: {  	s0 =	sadd.s32 s3, s2;
	s2 =	sand.u32 $0x1FFFFFF0, s5;
	s4 =	spop (v2sf)  }
0x1b0: {  	[tilespmem:s24], [sflag:$0x1] =	stream.linear.gather [hbm4b:s0+s1], $0x80, $0x38;
	[tilespmem:$0x10200] =	vst v63  }
0x1b1: {  	s0 =	sadd.s32 s3, s2;
	s2 =	sand.u32 $0x1FFFFFF0, s4;
	s4 =	spop (v2sf)  }
0x1b2: {  	[tilespmem:s23], [sflag:$0x1] =	stream.linear.gather [hbm4b:s0+s1], $0x80, $0x38;
	[tilespmem:$0x10200] =	vst v63  }
0x1b3: {  	s0 =	sadd.s32 s3, s2;
	s2 =	sand.u32 $0x1FFFFFF0, s4;
	s4 =	spop (v2sf)  }
0x1b4: {  	[tilespmem:s22], [sflag:$0x1] =	stream.linear.gather [hbm4b:s0+s1], $0x80, $0x38;
	[tilespmem:$0x10200] =	vst v63  }
0x1b5: {  	s0 =	sadd.s32 s3, s2;
	s2 =	sand.u32 $0x1FFFFFF0, s4;
	s4 =	spop (v2sf)  }
0x1b6: {  	[tilespmem:s21], [sflag:$0x1] =	stream.linear.gather [hbm4b:s0+s1], $0x80, $0x38;
	[tilespmem:$0x10200] =	vst v63  }
0x1b7: {  	s0 =	sadd.s32 s3, s2;
	s2 =	sand.u32 $0x1FFFFFF0, s4;
	s4 =	spop (v2sf)  }
0x1b8: {  	[tilespmem:s20], [sflag:$0x1] =	stream.linear.gather [hbm4b:s0+s1], $0x80, $0x38;
	[tilespmem:$0x10200] =	vst v63  }
0x1b9: {  	s0 =	sadd.s32 s3, s2;
	s2 =	sand.u32 $0x1FFFFFF0, s4;
	s4 =	spop (v2sf)  }
0x1ba: {  	[tilespmem:s19], [sflag:$0x1] =	stream.linear.gather [hbm4b:s0+s1], $0x80, $0x38;
	[tilespmem:$0x10200] =	vst v63  }
0x1bb: {  	s2 =	sadd.s32 s3, s2;
	s0 =	sadd.s32 $0x900, s17;
	s4 =	sand.u32 $0x1FFFFFF0, s4  }
0x1bc: {  	[tilespmem:s0], [sflag:$0x1] =	stream.linear.gather [hbm4b:s2+s1], $0x80, $0x38;
	[tilespmem:$0x10200] =	vst v63  }
0x1bd: {  	s0 =	sadd.s32 s3, s4  }
0x1be: {  	[tilespmem:s18], [sflag:$0x1] =	stream.linear.gather [hbm4b:s0+s1], $0x80, $0x38;
	[tilespmem:$0x10200] =	vst v63  }
0x1bf: {  	v0 =	vld [tilespmem:s14+$0xFFFFFFF0];
	_ =	sdelay $0x4  }
0x1c0: {  	v0 =	vshll.u32 v0, $0x4  }
0x1c1: {  	(v2sf) =	vpush v0, $0x0  }
0x1c2: {  	(v2sf) =	vpush v0, $0x1  }
0x1c3: {  	(v2sf) =	vpush v0, $0x2;
	_ =	sdelay $0x1  }
0x1c4: {  	(v2sf) =	vpush v0, $0x3;
	_ =	sdelay $0x1  }
0x1c5: {  	(v2sf) =	vpush v0, $0x4;
	_ =	sdelay $0x1  }
0x1c6: {  	(v2sf) =	vpush v0, $0x5;
	_ =	sdelay $0x1  }
0x1c7: {  	(v2sf) =	vpush v0, $0x6  }
0x1c8: {  	s19 =	sadd.s32 $0x1000, s17;
	s18 =	sadd.s32 $0x1080, s17  }
0x1c9: {  	s22 =	sadd.s32 $0xE80, s17;
	s21 =	sadd.s32 $0xF00, s17;
	s20 =	sadd.s32 $0xF80, s17;
	(v2sf) =	vpush v0, $0x7  }
0x1ca: {  	s25 =	sadd.s32 $0xD00, s17;
	s24 =	sadd.s32 $0xD80, s17;
	s23 =	sadd.s32 $0xE00, s17  }
0x1cb: {  	s2 =	sadd.s32 $0xC00, s17;
	s4 =	sadd.s32 $0xC80, s17;
	s0 =	sadd.s32 $0xB80, s17;
	(v2sf) =	vpush v0, $0x8  }
0x1cc: {  	s7 =	sadd.s32 $0xB00, s17;
	s5 =	sadd.s32 $0xA80, s17;
	s26 =	spop (v2sf)  }
0x1cd: {  	s28 =	sadd.s32 $0xA00, s17;
	s26 =	sand.u32 $0x1FFFFFF0, s26;
	s29 =	spop (v2sf);
	(v2sf) =	vpush v0, $0x9  }
0x1ce: {  	s26 =	sadd.s32 s3, s26;
	s29 =	sand.u32 $0x1FFFFFF0, s29;
	s30 =	spop (v2sf)  }
0x1cf: {  	[tilespmem:s28], [sflag:$0x1] =	stream.linear.gather [hbm4b:s26+s1], $0x80, $0x38;
	(v2sf) =	vpush v0, $0xA;
	[tilespmem:$0x10200] =	vst v63  }
0x1d0: {  	s26 =	sadd.s32 s3, s29;
	s28 =	sand.u32 $0x1FFFFFF0, s30;
	s29 =	spop (v2sf)  }
0x1d1: {  	[tilespmem:s5], [sflag:$0x1] =	stream.linear.gather [hbm4b:s26+s1], $0x80, $0x38;
	(v2sf) =	vpush v0, $0xB;
	[tilespmem:$0x10200] =	vst v63  }
0x1d2: {  	s5 =	sadd.s32 s3, s28;
	s26 =	sand.u32 $0x1FFFFFF0, s29;
	s28 =	spop (v2sf)  }
0x1d3: {  	[tilespmem:s7], [sflag:$0x1] =	stream.linear.gather [hbm4b:s5+s1], $0x80, $0x38;
	(v2sf) =	vpush v0, $0xC;
	[tilespmem:$0x10200] =	vst v63  }
0x1d4: {  	s5 =	sadd.s32 s3, s26;
	s7 =	sand.u32 $0x1FFFFFF0, s28;
	s26 =	spop (v2sf)  }
0x1d5: {  	[tilespmem:s0], [sflag:$0x1] =	stream.linear.gather [hbm4b:s5+s1], $0x80, $0x38;
	(v2sf) =	vpush v0, $0xD;
	[tilespmem:$0x10200] =	vst v63  }
0x1d6: {  	s0 =	sadd.s32 s3, s7;
	s5 =	sand.u32 $0x1FFFFFF0, s26;
	s7 =	spop (v2sf)  }
0x1d7: {  	[tilespmem:s2], [sflag:$0x1] =	stream.linear.gather [hbm4b:s0+s1], $0x80, $0x38;
	(v2sf) =	vpush v0, $0xE;
	[tilespmem:$0x10200] =	vst v63  }
0x1d8: {  	s0 =	sadd.s32 s3, s5;
	s2 =	sand.u32 $0x1FFFFFF0, s7;
	s5 =	spop (v2sf)  }
0x1d9: {  	[tilespmem:s4], [sflag:$0x1] =	stream.linear.gather [hbm4b:s0+s1], $0x80, $0x38;
	(v2sf) =	vpush v0, $0xF;
	[tilespmem:$0x10200] =	vst v63  }
0x1da: {  	s0 =	sadd.s32 s3, s2;
	s2 =	sand.u32 $0x1FFFFFF0, s5;
	s4 =	spop (v2sf)  }
0x1db: {  	[tilespmem:s25], [sflag:$0x1] =	stream.linear.gather [hbm4b:s0+s1], $0x80, $0x38;
	[tilespmem:$0x10200] =	vst v63  }
0x1dc: {  	s0 =	sadd.s32 s3, s2;
	s2 =	sand.u32 $0x1FFFFFF0, s4;
	s4 =	spop (v2sf)  }
0x1dd: {  	[tilespmem:s24], [sflag:$0x1] =	stream.linear.gather [hbm4b:s0+s1], $0x80, $0x38;
	[tilespmem:$0x10200] =	vst v63  }
0x1de: {  	s0 =	sadd.s32 s3, s2;
	s2 =	sand.u32 $0x1FFFFFF0, s4;
	s4 =	spop (v2sf)  }
0x1df: {  	[tilespmem:s23], [sflag:$0x1] =	stream.linear.gather [hbm4b:s0+s1], $0x80, $0x38;
	[tilespmem:$0x10200] =	vst v63  }
0x1e0: {  	s0 =	sadd.s32 s3, s2;
	s2 =	sand.u32 $0x1FFFFFF0, s4;
	s4 =	spop (v2sf)  }
0x1e1: {  	[tilespmem:s22], [sflag:$0x1] =	stream.linear.gather [hbm4b:s0+s1], $0x80, $0x38;
	[tilespmem:$0x10200] =	vst v63  }
0x1e2: {  	s0 =	sadd.s32 s3, s2;
	s2 =	sand.u32 $0x1FFFFFF0, s4;
	s4 =	spop (v2sf)  }
0x1e3: {  	[tilespmem:s21], [sflag:$0x1] =	stream.linear.gather [hbm4b:s0+s1], $0x80, $0x38;
	[tilespmem:$0x10200] =	vst v63  }
0x1e4: {  	s0 =	sadd.s32 s3, s2;
	s2 =	sand.u32 $0x1FFFFFF0, s4;
	s4 =	spop (v2sf)  }
0x1e5: {  	[tilespmem:s20], [sflag:$0x1] =	stream.linear.gather [hbm4b:s0+s1], $0x80, $0x38;
	[tilespmem:$0x10200] =	vst v63  }
0x1e6: {  	s0 =	sadd.s32 s3, s2;
	s2 =	sand.u32 $0x1FFFFFF0, s4;
	s4 =	spop (v2sf)  }
0x1e7: {  	[tilespmem:s19], [sflag:$0x1] =	stream.linear.gather [hbm4b:s0+s1], $0x80, $0x38;
	[tilespmem:$0x10200] =	vst v63  }
0x1e8: {  	s0 =	sadd.s32 s3, s2;
	s2 =	sand.u32 $0x1FFFFFF0, s4;
	s4 =	spop (v2sf)  }
0x1e9: {  	[tilespmem:s18], [sflag:$0x1] =	stream.linear.gather [hbm4b:s0+s1], $0x80, $0x38;
	[tilespmem:$0x10200] =	vst v63  }
0x1ea: {  	s2 =	sadd.s32 s3, s2;
	s0 =	sadd.s32 $0x1100, s17;
	s4 =	sand.u32 $0x1FFFFFF0, s4  }
0x1eb: {  	[tilespmem:s0], [sflag:$0x1] =	stream.linear.gather [hbm4b:s2+s1], $0x80, $0x38;
	[tilespmem:$0x10200] =	vst v63  }
0x1ec: {  	s0 =	sadd.s32 $0x1180, s17;
	s2 =	sadd.s32 s3, s4  }
0x1ed: {  	[tilespmem:s0], [sflag:$0x1] =	stream.linear.gather [hbm4b:s2+s1], $0x80, $0x38;
	[tilespmem:$0x10200] =	vst v63  }
0x1ee: {  	v0 =	vld [tilespmem:s14+$0x0];
	_ =	sdelay $0x4  }
0x1ef: {  	v0 =	vshll.u32 v0, $0x4  }
0x1f0: {  	(v2sf) =	vpush v0, $0x0  }
0x1f1: {  	(v2sf) =	vpush v0, $0x1  }
0x1f2: {  	(v2sf) =	vpush v0, $0x2;
	_ =	sdelay $0x1  }
0x1f3: {  	(v2sf) =	vpush v0, $0x3;
	_ =	sdelay $0x1  }
0x1f4: {  	(v2sf) =	vpush v0, $0x4;
	_ =	sdelay $0x1  }
0x1f5: {  	(v2sf) =	vpush v0, $0x5;
	_ =	sdelay $0x1  }
0x1f6: {  	(v2sf) =	vpush v0, $0x6  }
0x1f7: {  	s19 =	sadd.s32 $0x1800, s17;
	s18 =	sadd.s32 $0x1880, s17  }
0x1f8: {  	s22 =	sadd.s32 $0x1680, s17;
	s21 =	sadd.s32 $0x1700, s17;
	s20 =	sadd.s32 $0x1780, s17;
	(v2sf) =	vpush v0, $0x7  }
0x1f9: {  	s25 =	sadd.s32 $0x1500, s17;
	s24 =	sadd.s32 $0x1580, s17;
	s23 =	sadd.s32 $0x1600, s17  }
0x1fa: {  	s4 =	sadd.s32 $0x1480, s17;
	s0 =	sadd.s32 $0x1380, s17;
	s2 =	sadd.s32 $0x1400, s17;
	(v2sf) =	vpush v0, $0x8  }
0x1fb: {  	s7 =	sadd.s32 $0x1300, s17;
	s5 =	sadd.s32 $0x1280, s17;
	s26 =	spop (v2sf)  }
0x1fc: {  	s28 =	sadd.s32 $0x1200, s17;
	s26 =	sand.u32 $0x1FFFFFF0, s26;
	s29 =	spop (v2sf);
	(v2sf) =	vpush v0, $0x9  }
0x1fd: {  	s26 =	sadd.s32 s3, s26;
	s29 =	sand.u32 $0x1FFFFFF0, s29;
	s30 =	spop (v2sf)  }
0x1fe: {  	[tilespmem:s28], [sflag:$0x1] =	stream.linear.gather [hbm4b:s26+s1], $0x80, $0x38;
	(v2sf) =	vpush v0, $0xA;
	[tilespmem:$0x10200] =	vst v63  }
0x1ff: {  	s26 =	sadd.s32 s3, s29;
	s28 =	sand.u32 $0x1FFFFFF0, s30;
	s29 =	spop (v2sf)  }
0x200: {  	[tilespmem:s5], [sflag:$0x1] =	stream.linear.gather [hbm4b:s26+s1], $0x80, $0x38;
	(v2sf) =	vpush v0, $0xB;
	[tilespmem:$0x10200] =	vst v63  }
0x201: {  	s5 =	sadd.s32 s3, s28;
	s26 =	sand.u32 $0x1FFFFFF0, s29;
	s28 =	spop (v2sf)  }
0x202: {  	[tilespmem:s7], [sflag:$0x1] =	stream.linear.gather [hbm4b:s5+s1], $0x80, $0x38;
	(v2sf) =	vpush v0, $0xC;
	[tilespmem:$0x10200] =	vst v63  }
0x203: {  	s5 =	sadd.s32 s3, s26;
	s7 =	sand.u32 $0x1FFFFFF0, s28;
	s26 =	spop (v2sf)  }
0x204: {  	[tilespmem:s0], [sflag:$0x1] =	stream.linear.gather [hbm4b:s5+s1], $0x80, $0x38;
	(v2sf) =	vpush v0, $0xD;
	[tilespmem:$0x10200] =	vst v63  }
0x205: {  	s0 =	sadd.s32 s3, s7;
	s5 =	sand.u32 $0x1FFFFFF0, s26;
	s7 =	spop (v2sf)  }
0x206: {  	[tilespmem:s2], [sflag:$0x1] =	stream.linear.gather [hbm4b:s0+s1], $0x80, $0x38;
	(v2sf) =	vpush v0, $0xE;
	[tilespmem:$0x10200] =	vst v63  }
0x207: {  	s0 =	sadd.s32 s3, s5;
	s2 =	sand.u32 $0x1FFFFFF0, s7;
	s5 =	spop (v2sf)  }
0x208: {  	[tilespmem:s4], [sflag:$0x1] =	stream.linear.gather [hbm4b:s0+s1], $0x80, $0x38;
	(v2sf) =	vpush v0, $0xF;
	[tilespmem:$0x10200] =	vst v63  }
0x209: {  	s0 =	sadd.s32 s3, s2;
	s2 =	sand.u32 $0x1FFFFFF0, s5;
	s4 =	spop (v2sf)  }
0x20a: {  	[tilespmem:s25], [sflag:$0x1] =	stream.linear.gather [hbm4b:s0+s1], $0x80, $0x38;
	[tilespmem:$0x10200] =	vst v63  }
0x20b: {  	s0 =	sadd.s32 s3, s2;
	s2 =	sand.u32 $0x1FFFFFF0, s4;
	s4 =	spop (v2sf)  }
0x20c: {  	[tilespmem:s24], [sflag:$0x1] =	stream.linear.gather [hbm4b:s0+s1], $0x80, $0x38;
	[tilespmem:$0x10200] =	vst v63  }
0x20d: {  	s0 =	sadd.s32 s3, s2;
	s2 =	sand.u32 $0x1FFFFFF0, s4;
	s4 =	spop (v2sf)  }
0x20e: {  	[tilespmem:s23], [sflag:$0x1] =	stream.linear.gather [hbm4b:s0+s1], $0x80, $0x38;
	[tilespmem:$0x10200] =	vst v63  }
0x20f: {  	s0 =	sadd.s32 s3, s2;
	s2 =	sand.u32 $0x1FFFFFF0, s4;
	s4 =	spop (v2sf)  }
0x210: {  	[tilespmem:s22], [sflag:$0x1] =	stream.linear.gather [hbm4b:s0+s1], $0x80, $0x38;
	[tilespmem:$0x10200] =	vst v63  }
0x211: {  	s0 =	sadd.s32 s3, s2;
	s2 =	sand.u32 $0x1FFFFFF0, s4;
	s4 =	spop (v2sf)  }
0x212: {  	[tilespmem:s21], [sflag:$0x1] =	stream.linear.gather [hbm4b:s0+s1], $0x80, $0x38;
	[tilespmem:$0x10200] =	vst v63  }
0x213: {  	s0 =	sadd.s32 s3, s2;
	s2 =	sand.u32 $0x1FFFFFF0, s4;
	s4 =	spop (v2sf)  }
0x214: {  	[tilespmem:s20], [sflag:$0x1] =	stream.linear.gather [hbm4b:s0+s1], $0x80, $0x38;
	[tilespmem:$0x10200] =	vst v63  }
0x215: {  	s0 =	sadd.s32 s3, s2;
	s2 =	sand.u32 $0x1FFFFFF0, s4;
	s4 =	spop (v2sf)  }
0x216: {  	[tilespmem:s19], [sflag:$0x1] =	stream.linear.gather [hbm4b:s0+s1], $0x80, $0x38;
	[tilespmem:$0x10200] =	vst v63  }
0x217: {  	s0 =	sadd.s32 s3, s2;
	s2 =	sand.u32 $0x1FFFFFF0, s4;
	s4 =	spop (v2sf)  }
0x218: {  	[tilespmem:s18], [sflag:$0x1] =	stream.linear.gather [hbm4b:s0+s1], $0x80, $0x38;
	[tilespmem:$0x10200] =	vst v63  }
0x219: {  	s2 =	sadd.s32 s3, s2;
	s0 =	sadd.s32 $0x1900, s17;
	s4 =	sand.u32 $0x1FFFFFF0, s4  }
0x21a: {  	[tilespmem:s0], [sflag:$0x1] =	stream.linear.gather [hbm4b:s2+s1], $0x80, $0x38;
	[tilespmem:$0x10200] =	vst v63  }
0x21b: {  	s0 =	sadd.s32 $0x1980, s17;
	s2 =	sadd.s32 s3, s4  }
0x21c: {  	[tilespmem:s0], [sflag:$0x1] =	stream.linear.gather [hbm4b:s2+s1], $0x80, $0x38;
	[tilespmem:$0x10200] =	vst v63  }
0x21d: {  	v0 =	vld [tilespmem:s14+$0x10];
	_ =	sdelay $0x4  }
0x21e: {  	v0 =	vshll.u32 v0, $0x4  }
0x21f: {  	(v2sf) =	vpush v0, $0x0  }
0x220: {  	(v2sf) =	vpush v0, $0x1  }
0x221: {  	(v2sf) =	vpush v0, $0x2;
	_ =	sdelay $0x1  }
0x222: {  	(v2sf) =	vpush v0, $0x3;
	_ =	sdelay $0x1  }
0x223: {  	(v2sf) =	vpush v0, $0x4;
	_ =	sdelay $0x1  }
0x224: {  	(v2sf) =	vpush v0, $0x5;
	_ =	sdelay $0x1  }
0x225: {  	(v2sf) =	vpush v0, $0x6  }
0x226: {  	s19 =	sadd.s32 $0x2000, s17;
	s18 =	sadd.s32 $0x2080, s17  }
0x227: {  	s22 =	sadd.s32 $0x1E80, s17;
	s21 =	sadd.s32 $0x1F00, s17;
	s20 =	sadd.s32 $0x1F80, s17;
	(v2sf) =	vpush v0, $0x7  }
0x228: {  	s25 =	sadd.s32 $0x1D00, s17;
	s24 =	sadd.s32 $0x1D80, s17;
	s23 =	sadd.s32 $0x1E00, s17  }
0x229: {  	s4 =	sadd.s32 $0x1C80, s17;
	s0 =	sadd.s32 $0x1B80, s17;
	s2 =	sadd.s32 $0x1C00, s17;
	(v2sf) =	vpush v0, $0x8  }
0x22a: {  	s7 =	sadd.s32 $0x1B00, s17;
	s5 =	sadd.s32 $0x1A80, s17;
	s26 =	spop (v2sf)  }
0x22b: {  	s28 =	sadd.s32 $0x1A00, s17;
	s26 =	sand.u32 $0x1FFFFFF0, s26;
	s29 =	spop (v2sf);
	(v2sf) =	vpush v0, $0x9  }
0x22c: {  	s26 =	sadd.s32 s3, s26;
	s29 =	sand.u32 $0x1FFFFFF0, s29;
	s30 =	spop (v2sf)  }
0x22d: {  	[tilespmem:s28], [sflag:$0x1] =	stream.linear.gather [hbm4b:s26+s1], $0x80, $0x38;
	(v2sf) =	vpush v0, $0xA;
	[tilespmem:$0x10200] =	vst v63  }
0x22e: {  	s26 =	sadd.s32 s3, s29;
	s28 =	sand.u32 $0x1FFFFFF0, s30;
	s29 =	spop (v2sf)  }
0x22f: {  	[tilespmem:s5], [sflag:$0x1] =	stream.linear.gather [hbm4b:s26+s1], $0x80, $0x38;
	(v2sf) =	vpush v0, $0xB;
	[tilespmem:$0x10200] =	vst v63  }
0x230: {  	s5 =	sadd.s32 s3, s28;
	s26 =	sand.u32 $0x1FFFFFF0, s29;
	s28 =	spop (v2sf)  }
0x231: {  	[tilespmem:s7], [sflag:$0x1] =	stream.linear.gather [hbm4b:s5+s1], $0x80, $0x38;
	(v2sf) =	vpush v0, $0xC;
	[tilespmem:$0x10200] =	vst v63  }
0x232: {  	s5 =	sadd.s32 s3, s26;
	s7 =	sand.u32 $0x1FFFFFF0, s28;
	s26 =	spop (v2sf)  }
0x233: {  	[tilespmem:s0], [sflag:$0x1] =	stream.linear.gather [hbm4b:s5+s1], $0x80, $0x38;
	(v2sf) =	vpush v0, $0xD;
	[tilespmem:$0x10200] =	vst v63  }
0x234: {  	s0 =	sadd.s32 s3, s7;
	s5 =	sand.u32 $0x1FFFFFF0, s26;
	s7 =	spop (v2sf)  }
0x235: {  	[tilespmem:s2], [sflag:$0x1] =	stream.linear.gather [hbm4b:s0+s1], $0x80, $0x38;
	(v2sf) =	vpush v0, $0xE;
	[tilespmem:$0x10200] =	vst v63  }
0x236: {  	s0 =	sadd.s32 s3, s5;
	s2 =	sand.u32 $0x1FFFFFF0, s7;
	s5 =	spop (v2sf)  }
0x237: {  	[tilespmem:s4], [sflag:$0x1] =	stream.linear.gather [hbm4b:s0+s1], $0x80, $0x38;
	(v2sf) =	vpush v0, $0xF;
	[tilespmem:$0x10200] =	vst v63  }
0x238: {  	s0 =	sadd.s32 s3, s2;
	s2 =	sand.u32 $0x1FFFFFF0, s5;
	s4 =	spop (v2sf)  }
0x239: {  	[tilespmem:s25], [sflag:$0x1] =	stream.linear.gather [hbm4b:s0+s1], $0x80, $0x38;
	[tilespmem:$0x10200] =	vst v63  }
0x23a: {  	s0 =	sadd.s32 s3, s2;
	s2 =	sand.u32 $0x1FFFFFF0, s4;
	s4 =	spop (v2sf)  }
0x23b: {  	[tilespmem:s24], [sflag:$0x1] =	stream.linear.gather [hbm4b:s0+s1], $0x80, $0x38;
	[tilespmem:$0x10200] =	vst v63  }
0x23c: {  	s0 =	sadd.s32 s3, s2;
	s2 =	sand.u32 $0x1FFFFFF0, s4;
	s4 =	spop (v2sf)  }
0x23d: {  	[tilespmem:s23], [sflag:$0x1] =	stream.linear.gather [hbm4b:s0+s1], $0x80, $0x38;
	[tilespmem:$0x10200] =	vst v63  }
0x23e: {  	s0 =	sadd.s32 s3, s2;
	s2 =	sand.u32 $0x1FFFFFF0, s4;
	s4 =	spop (v2sf)  }
0x23f: {  	[tilespmem:s22], [sflag:$0x1] =	stream.linear.gather [hbm4b:s0+s1], $0x80, $0x38;
	[tilespmem:$0x10200] =	vst v63  }
0x240: {  	s0 =	sadd.s32 s3, s2;
	s2 =	sand.u32 $0x1FFFFFF0, s4;
	s4 =	spop (v2sf)  }
0x241: {  	[tilespmem:s21], [sflag:$0x1] =	stream.linear.gather [hbm4b:s0+s1], $0x80, $0x38;
	[tilespmem:$0x10200] =	vst v63  }
0x242: {  	s0 =	sadd.s32 s3, s2;
	s2 =	sand.u32 $0x1FFFFFF0, s4;
	s4 =	spop (v2sf)  }
0x243: {  	[tilespmem:s20], [sflag:$0x1] =	stream.linear.gather [hbm4b:s0+s1], $0x80, $0x38;
	[tilespmem:$0x10200] =	vst v63  }
0x244: {  	s0 =	sadd.s32 s3, s2;
	s2 =	sand.u32 $0x1FFFFFF0, s4;
	s4 =	spop (v2sf)  }
0x245: {  	[tilespmem:s19], [sflag:$0x1] =	stream.linear.gather [hbm4b:s0+s1], $0x80, $0x38;
	[tilespmem:$0x10200] =	vst v63  }
0x246: {  	s0 =	sadd.s32 s3, s2;
	s2 =	sand.u32 $0x1FFFFFF0, s4;
	s4 =	spop (v2sf)  }
0x247: {  	[tilespmem:s18], [sflag:$0x1] =	stream.linear.gather [hbm4b:s0+s1], $0x80, $0x38;
	[tilespmem:$0x10200] =	vst v63  }
0x248: {  	s2 =	sadd.s32 s3, s2;
	s0 =	sadd.s32 $0x2100, s17;
	s4 =	sand.u32 $0x1FFFFFF0, s4  }
0x249: {  	[tilespmem:s0], [sflag:$0x1] =	stream.linear.gather [hbm4b:s2+s1], $0x80, $0x38;
	[tilespmem:$0x10200] =	vst v63  }
0x24a: {  	s0 =	sadd.s32 $0x2180, s17;
	s2 =	sadd.s32 s3, s4  }
0x24b: {  	[tilespmem:s0], [sflag:$0x1] =	stream.linear.gather [hbm4b:s2+s1], $0x80, $0x38;
	[tilespmem:$0x10200] =	vst v63  }
0x24c: {  	_ =	swait.ge [sflag:s8], $0x80  }
0x24d: {  	[sflag:s8] =	ssyncset.done $0x0  }
0x24e: {  	[sflag:s8] =	ssyncadd.s32 $0xFFFFFF80  }
0x24f: {  	_ =	swait.ge [sflag:s8], $0x80  }
0x250: {  	[sflag:s8] =	ssyncset.done $0x0  }
0x251: {  	[sflag:s8] =	ssyncadd.s32 $0xFFFFFF80  }
0x252: {  	_ =	swait.ge [sflag:s8], $0x80  }
0x253: {  	[sflag:s8] =	ssyncset.done $0x0  }
0x254: {  	[sflag:s8] =	ssyncadd.s32 $0xFFFFFF80  }
0x255: {  	_ =	swait.ge [sflag:s8], $0x80  }
0x256: {  	[sflag:s8] =	ssyncset.done $0x0  }
0x257: {  	[sflag:s8] =	ssyncadd.s32 $0xFFFFFF80  }
0x258: {  	_ =	swait.ge [sflag:s8], $0x80  }
0x259: {  	[sflag:s8] =	ssyncset.done $0x0  }
0x25a: {  	[sflag:s8] =	ssyncadd.s32 $0xFFFFFF80  }
0x25b: {  	_ =	swait.ge [sflag:s8], $0x80  }
0x25c: {  	[sflag:s8] =	ssyncset.done $0x0  }
0x25d: {  	[sflag:s8] =	ssyncadd.s32 $0xFFFFFF80  }
0x25e: {  	_ =	swait.ge [sflag:s8], $0x80  }
0x25f: {  	[sflag:s8] =	ssyncset.done $0x0  }
0x260: {  	[sflag:s8] =	ssyncadd.s32 $0xFFFFFF80  }
0x261: {  	_ =	swait.ge [sflag:s8], $0x80  }
0x262: {  	[sflag:s8] =	ssyncset.done $0x0  }
0x263: {  	[sflag:s8] =	ssyncadd.s32 $0xFFFFFF80  }
0x264: {  	_ =	swait.ge [sflag:s8], $0x80  }
0x265: {  	[sflag:s8] =	ssyncset.done $0x0  }
0x266: {  	[sflag:s8] =	ssyncadd.s32 $0xFFFFFF80  }
0x267: {  	_ =	swait.ge [sflag:s8], $0x80  }
0x268: {  	[sflag:s8] =	ssyncset.done $0x0  }
0x269: {  	[sflag:s8] =	ssyncadd.s32 $0xFFFFFF80  }
0x26a: {  	_ =	swait.ge [sflag:s8], $0x80  }
0x26b: {  	[sflag:s8] =	ssyncset.done $0x0  }
0x26c: {  	[sflag:s8] =	ssyncadd.s32 $0xFFFFFF80  }
0x26d: {  	_ =	swait.ge [sflag:s8], $0x80  }
0x26e: {  	[sflag:s8] =	ssyncset.done $0x0  }
0x26f: {  	[sflag:s8] =	ssyncadd.s32 $0xFFFFFF80  }
0x270: {  	_ =	swait.ge [sflag:s8], $0x80  }
0x271: {  	[sflag:s8] =	ssyncset.done $0x0  }
0x272: {  	[sflag:s8] =	ssyncadd.s32 $0xFFFFFF80  }
0x273: {  	_ =	swait.ge [sflag:s8], $0x80  }
0x274: {  	[sflag:s8] =	ssyncset.done $0x0  }
0x275: {  	[sflag:s8] =	ssyncadd.s32 $0xFFFFFF80  }
0x276: {  	_ =	swait.ge [sflag:s8], $0x80  }
0x277: {  	[sflag:s8] =	ssyncset.done $0x0  }
0x278: {  	[sflag:s8] =	ssyncadd.s32 $0xFFFFFF80  }
0x279: {  	_ =	swait.ge [sflag:s8], $0x80  }
0x27a: {  	[sflag:s8] =	ssyncset.done $0x0  }
0x27b: {  	[sflag:s8] =	ssyncadd.s32 $0xFFFFFF80  }
0x27c: {  	_ =	swait.ge [sflag:s8], $0x80  }
0x27d: {  	[sflag:s8] =	ssyncset.done $0x0  }
0x27e: {  	[sflag:s8] =	ssyncadd.s32 $0xFFFFFF80  }
0x27f: {  	_ =	swait.ge [sflag:s8], $0x80  }
0x280: {  	[sflag:s8] =	ssyncset.done $0x0  }
0x281: {  	[sflag:s8] =	ssyncadd.s32 $0xFFFFFF80  }
0x282: {  	_ =	swait.ge [sflag:s8], $0x80  }
0x283: {  	[sflag:s8] =	ssyncset.done $0x0  }
0x284: {  	[sflag:s8] =	ssyncadd.s32 $0xFFFFFF80  }
0x285: {  	_ =	swait.ge [sflag:s8], $0x80  }
0x286: {  	[sflag:s8] =	ssyncset.done $0x0  }
0x287: {  	[sflag:s8] =	ssyncadd.s32 $0xFFFFFF80  }
0x288: {  	_ =	swait.ge [sflag:s8], $0x80  }
0x289: {  	[sflag:s8] =	ssyncset.done $0x0  }
0x28a: {  	[sflag:s8] =	ssyncadd.s32 $0xFFFFFF80  }
0x28b: {  	_ =	swait.ge [sflag:s8], $0x80  }
0x28c: {  	[sflag:s8] =	ssyncset.done $0x0  }
0x28d: {  	[sflag:s8] =	ssyncadd.s32 $0xFFFFFF80  }
0x28e: {  	_ =	swait.ge [sflag:s8], $0x80  }
0x28f: {  	[sflag:s8] =	ssyncset.done $0x0  }
0x290: {  	[sflag:s8] =	ssyncadd.s32 $0xFFFFFF80  }
0x291: {  	_ =	swait.ge [sflag:s8], $0x80  }
0x292: {  	[sflag:s8] =	ssyncset.done $0x0  }
0x293: {  	[sflag:s8] =	ssyncadd.s32 $0xFFFFFF80  }
0x294: {  	_ =	swait.ge [sflag:s8], $0x80  }
0x295: {  	[sflag:s8] =	ssyncset.done $0x0  }
0x296: {  	[sflag:s8] =	ssyncadd.s32 $0xFFFFFF80  }
0x297: {  	_ =	swait.ge [sflag:s8], $0x80  }
0x298: {  	[sflag:s8] =	ssyncset.done $0x0  }
0x299: {  	[sflag:s8] =	ssyncadd.s32 $0xFFFFFF80  }
0x29a: {  	_ =	swait.ge [sflag:s8], $0x80  }
0x29b: {  	[sflag:s8] =	ssyncset.done $0x0  }
0x29c: {  	[sflag:s8] =	ssyncadd.s32 $0xFFFFFF80  }
0x29d: {  	_ =	swait.ge [sflag:s8], $0x80  }
0x29e: {  	[sflag:s8] =	ssyncset.done $0x0  }
0x29f: {  	[sflag:s8] =	ssyncadd.s32 $0xFFFFFF80  }
0x2a0: {  	_ =	swait.ge [sflag:s8], $0x80  }
0x2a1: {  	[sflag:s8] =	ssyncset.done $0x0  }
0x2a2: {  	[sflag:s8] =	ssyncadd.s32 $0xFFFFFF80  }
0x2a3: {  	_ =	swait.ge [sflag:s8], $0x80  }
0x2a4: {  	[sflag:s8] =	ssyncset.done $0x0  }
0x2a5: {  	[sflag:s8] =	ssyncadd.s32 $0xFFFFFF80  }
0x2a6: {  	_ =	swait.ge [sflag:s8], $0x80  }
0x2a7: {  	[sflag:s8] =	ssyncset.done $0x0  }
0x2a8: {  	[sflag:s8] =	ssyncadd.s32 $0xFFFFFF80  }
0x2a9: {  	_ =	swait.ge [sflag:s8], $0x80  }
0x2aa: {  	[sflag:s8] =	ssyncset.done $0x0  }
0x2ab: {  	[sflag:s8] =	ssyncadd.s32 $0xFFFFFF80  }
0x2ac: {  	_ =	swait.ge [sflag:s8], $0x80  }
0x2ad: {  	[sflag:s8] =	ssyncset.done $0x0  }
0x2ae: {  	[sflag:s8] =	ssyncadd.s32 $0xFFFFFF80  }
0x2af: {  	_ =	swait.ge [sflag:s8], $0x80  }
0x2b0: {  	[sflag:s8] =	ssyncset.done $0x0  }
0x2b1: {  	[sflag:s8] =	ssyncadd.s32 $0xFFFFFF80  }
0x2b2: {  	_ =	swait.ge [sflag:s8], $0x80  }
0x2b3: {  	[sflag:s8] =	ssyncset.done $0x0  }
0x2b4: {  	[sflag:s8] =	ssyncadd.s32 $0xFFFFFF80  }
0x2b5: {  	_ =	swait.ge [sflag:s8], $0x80  }
0x2b6: {  	[sflag:s8] =	ssyncset.done $0x0  }
0x2b7: {  	[sflag:s8] =	ssyncadd.s32 $0xFFFFFF80  }
0x2b8: {  	_ =	swait.ge [sflag:s8], $0x80  }
0x2b9: {  	[sflag:s8] =	ssyncset.done $0x0  }
0x2ba: {  	[sflag:s8] =	ssyncadd.s32 $0xFFFFFF80  }
0x2bb: {  	_ =	swait.ge [sflag:s8], $0x80  }
0x2bc: {  	[sflag:s8] =	ssyncset.done $0x0  }
0x2bd: {  	[sflag:s8] =	ssyncadd.s32 $0xFFFFFF80  }
0x2be: {  	_ =	swait.ge [sflag:s8], $0x80  }
0x2bf: {  	[sflag:s8] =	ssyncset.done $0x0  }
0x2c0: {  	[sflag:s8] =	ssyncadd.s32 $0xFFFFFF80  }
0x2c1: {  	_ =	swait.ge [sflag:s8], $0x80  }
0x2c2: {  	[sflag:s8] =	ssyncset.done $0x0  }
0x2c3: {  	[sflag:s8] =	ssyncadd.s32 $0xFFFFFF80  }
0x2c4: {  	_ =	swait.ge [sflag:s8], $0x80  }
0x2c5: {  	[sflag:s8] =	ssyncset.done $0x0  }
0x2c6: {  	[sflag:s8] =	ssyncadd.s32 $0xFFFFFF80  }
0x2c7: {  	_ =	swait.ge [sflag:s8], $0x80  }
0x2c8: {  	[sflag:s8] =	ssyncset.done $0x0  }
0x2c9: {  	[sflag:s8] =	ssyncadd.s32 $0xFFFFFF80  }
0x2ca: {  	_ =	swait.ge [sflag:s8], $0x80  }
0x2cb: {  	[sflag:s8] =	ssyncset.done $0x0  }
0x2cc: {  	[sflag:s8] =	ssyncadd.s32 $0xFFFFFF80  }
0x2cd: {  	_ =	swait.ge [sflag:s8], $0x80  }
0x2ce: {  	[sflag:s8] =	ssyncset.done $0x0  }
0x2cf: {  	[sflag:s8] =	ssyncadd.s32 $0xFFFFFF80  }
0x2d0: {  	_ =	swait.ge [sflag:s8], $0x80  }
0x2d1: {  	[sflag:s8] =	ssyncset.done $0x0  }
0x2d2: {  	[sflag:s8] =	ssyncadd.s32 $0xFFFFFF80  }
0x2d3: {  	_ =	swait.ge [sflag:s8], $0x80  }
0x2d4: {  	[sflag:s8] =	ssyncset.done $0x0  }
0x2d5: {  	[sflag:s8] =	ssyncadd.s32 $0xFFFFFF80  }
0x2d6: {  	_ =	swait.ge [sflag:s8], $0x80  }
0x2d7: {  	[sflag:s8] =	ssyncset.done $0x0  }
0x2d8: {  	[sflag:s8] =	ssyncadd.s32 $0xFFFFFF80  }
0x2d9: {  	_ =	swait.ge [sflag:s8], $0x80  }
0x2da: {  	[sflag:s8] =	ssyncset.done $0x0  }
0x2db: {  	[sflag:s8] =	ssyncadd.s32 $0xFFFFFF80  }
0x2dc: {  	_ =	swait.ge [sflag:s8], $0x80  }
0x2dd: {  	[sflag:s8] =	ssyncset.done $0x0  }
0x2de: {  	[sflag:s8] =	ssyncadd.s32 $0xFFFFFF80  }
0x2df: {  	_ =	swait.ge [sflag:s8], $0x80  }
0x2e0: {  	[sflag:s8] =	ssyncset.done $0x0  }
0x2e1: {  	[sflag:s8] =	ssyncadd.s32 $0xFFFFFF80  }
0x2e2: {  	_ =	swait.ge [sflag:s8], $0x80  }
0x2e3: {  	[sflag:s8] =	ssyncset.done $0x0  }
0x2e4: {  	[sflag:s8] =	ssyncadd.s32 $0xFFFFFF80  }
0x2e5: {  	_ =	swait.ge [sflag:s8], $0x80  }
0x2e6: {  	[sflag:s8] =	ssyncset.done $0x0  }
0x2e7: {  	[sflag:s8] =	ssyncadd.s32 $0xFFFFFF80  }
0x2e8: {  	_ =	swait.ge [sflag:s8], $0x80  }
0x2e9: {  	[sflag:s8] =	ssyncset.done $0x0  }
0x2ea: {  	[sflag:s8] =	ssyncadd.s32 $0xFFFFFF80  }
0x2eb: {  	_ =	swait.ge [sflag:s8], $0x80  }
0x2ec: {  	[sflag:s8] =	ssyncset.done $0x0  }
0x2ed: {  	[sflag:s8] =	ssyncadd.s32 $0xFFFFFF80  }
0x2ee: {  	_ =	swait.ge [sflag:s8], $0x80  }
0x2ef: {  	[sflag:s8] =	ssyncset.done $0x0  }
0x2f0: {  	[sflag:s8] =	ssyncadd.s32 $0xFFFFFF80  }
0x2f1: {  	_ =	swait.ge [sflag:s8], $0x80  }
0x2f2: {  	[sflag:s8] =	ssyncset.done $0x0  }
0x2f3: {  	[sflag:s8] =	ssyncadd.s32 $0xFFFFFF80  }
0x2f4: {  	_ =	swait.ge [sflag:s8], $0x80  }
0x2f5: {  	[sflag:s8] =	ssyncset.done $0x0  }
0x2f6: {  	[sflag:s8] =	ssyncadd.s32 $0xFFFFFF80  }
0x2f7: {  	_ =	swait.ge [sflag:s8], $0x80  }
0x2f8: {  	[sflag:s8] =	ssyncset.done $0x0  }
0x2f9: {  	[sflag:s8] =	ssyncadd.s32 $0xFFFFFF80  }
0x2fa: {  	_ =	swait.ge [sflag:s8], $0x80  }
0x2fb: {  	[sflag:s8] =	ssyncset.done $0x0  }
0x2fc: {  	[sflag:s8] =	ssyncadd.s32 $0xFFFFFF80  }
0x2fd: {  	_ =	swait.ge [sflag:s8], $0x80  }
0x2fe: {  	[sflag:s8] =	ssyncset.done $0x0  }
0x2ff: {  	[sflag:s8] =	ssyncadd.s32 $0xFFFFFF80  }
0x300: {  	_ =	swait.ge [sflag:s8], $0x80  }
.Ltmp0:
0x301: {  	[sflag:s8] =	ssyncset.done $0x0;
	(pc) =	sbr.rel @p0 .LBB2_2-.Ltmp0, $4  }
0x302: {  	[sflag:s8] =	ssyncadd.s32 $0xFFFFFF80  }
0x303: {  	_ =	swait.ge [sflag:s8], $0x80  }
0x304: {  	[sflag:s8] =	ssyncset.done $0x0  }
0x305: {  	s14 =	sadd.s32 $0x40, s14;
	[sflag:s8] =	ssyncadd.s32 $0xFFFFFF80  }
0x306: {  	_ =	swait.ge [sflag:s8], $0x80  }
0x307: {  	[sflag:s8] =	ssyncset.done $0x0  }
0x308: {  	[sflag:s8] =	ssyncadd.s32 $0xFFFFFF80  }
0x309: {  	_ =	swait.ge [sflag:s8], $0x80  }
0x30a: {  	[sflag:s8] =	ssyncset.done $0x0  }
0x30b: {  	s0 =	sadd.s32 $0x200, s11;
	[sflag:s8] =	ssyncadd.s32 $0xFFFFFF80  }
0x30c: {  	[hbm4b:s13+s1] =	stream.linear.scatter [tilespmem:s0], [sflag:$0x2], $0x2000, $0x38;
	[tilespmem:$0x10200] =	vst v63  }
0x30d: {  	_ =	swait.ge [sflag:s9], $0x2000  }
0x30e: {  	[sflag:s9] =	ssyncset.done $0x0  }
0x30f: {  	[sflag:s9] =	ssyncadd.s32 $0xFFFFE000  }
0x310: {  	_ =	swait.ge [sflag:s9], $0x2000  }
0x311: {  	[sflag:s9] =	ssyncset.done $0x0  }
0x312: {  	[sflag:s9] =	ssyncadd.s32 $0xFFFFE000  }
0x313: {  	_ =	swait.ge [sflag:s9], $0x2000  }
0x314: {  	[sflag:s9] =	ssyncset.done $0x0  }
0x315: {  	[sflag:s9] =	ssyncadd.s32 $0xFFFFE000  }
0x316: {  	_ =	swait.ge [sflag:s9], $0x2000  }
0x317: {  	[sflag:s9] =	ssyncset.done $0x0  }
0x318: {  	[sflag:s9] =	ssyncadd.s32 $0xFFFFE000  }
0x319: {  	_ =	swait.ge [sflag:s9], $0x2000  }
0x31a: {  	[sflag:s9] =	ssyncset.done $0x0  }
0x31b: {  	[sflag:s9] =	ssyncadd.s32 $0xFFFFE000  }
0x31c: {  	_ =	swait.ge [sflag:s9], $0x2000  }
0x31d: {  	[sflag:s9] =	ssyncset.done $0x0  }
0x31e: {  	[sflag:s9] =	ssyncadd.s32 $0xFFFFE000  }
0x31f: {  	_ =	swait.ge [sflag:s9], $0x2000  }
0x320: {  	[sflag:s9] =	ssyncset.done $0x0  }
0x321: {  	[sflag:s9] =	ssyncadd.s32 $0xFFFFE000  }
0x322: {  	_ =	swait.ge [sflag:s9], $0x2000  }
0x323: {  	s10 =	sadd.s32 $0x1, s10;
	s31 =	rddreg [dreg:$0x4]  }
0x324: {  	p0 =	sne.s32 s10, s31  }
.Ltmp1:
0x325: {  	_ = 	snop;
	(pc) =	sbr.rel @p0 .LBB2_1-.Ltmp1, $3  }
0x326: {  	_ =	sdelay $0x1  }
0x327: {  	[sflag:s9] =	ssyncset.done $0x0  }
0x328: {  	[sflag:s9] =	ssyncadd.s32 $0xFFFFE000  }
0x329: {  	_ =	sfence.sel $0x180000  }
0x32a: {  	[bflag:$0x0] =	sbarrier.arrive $0xFFFF  }
0x32b: {  	_ =	strace $0x90000047  }
0x32c: {  	s0 =	stileid.u32;
	[bflag:$0x2] =	sbarrier.arrive $0xFFFF  }
0x32d: {  	p0 =	sne.s32 s0, $0x0;
	s0 =	rddreg [dreg:$0x2]  }
0x32e: {  	s0 =	sadd.s32 @!p0 $0x100000, s0  }
0x32f: {  	[sflag:s0] =	ssyncadd.tile.s32 @!p0 $0x1;
	_ =	shalt  }
.Lfunc_end2:
_tile_overlayer_lowered:
.L_overlay_start_2:
0x330: {  	(tag) =	ssettag $0x2  }
0x331: {  	s0 =	rddreg [dreg:$0x0];
	s2 =	stileid.u32  }
0x332: {  	s1 =	rddreg [dreg:$0x1];
	p0 =	sne.s32 s2, $0x0  }
0x333: {  	s3 =	rddreg [dreg:$0x2];
	[bflag:$0x3] =	sbarrier.arrive $0xFFFF;
	s2 =	simm.s32 @!p0 $0x1C03  }
0x334: {  	[timem:s3], [sflag:s2] =	dma.local @!p0 [hbm:s0], s1  }
0x335: {  	s0 =	simm.s32 @!p0 $0x3  }
0x336: {  	_ =	swait.ge @!p0 [sflag:s0], s1  }
0x337: {  	s1 =	ssub.s32 @!p0 $0x0, s1;
	[sflag:s0] =	ssyncset.done @!p0 $0x0  }
0x338: {  	[sflag:s0] =	ssyncadd.s32 @!p0 s1  }
0x339: {  	[bflag:$0x3] =	sbarrier.arrive $0xFFFF  }
0x33a: {  	_ =	shalt  }

</sc_bundles>
